<compile_context>
chip_gen: v7x
topology: tpu7x:2x2x1
jax: 0.10.2.dev20260603
libtpu: 0.0.44.dev20260713+nightly
codegen_flags: <defaults>
</compile_context>

<pallas_src>
import functools

import jax
import jax.numpy as jnp
from jax import lax
from jax.experimental import pallas as pl
from jax.experimental.pallas import tpu as pltpu
from jax.experimental.pallas import tpu_sc as plsc

_SCALE_H = 2.05
_SCALE_W = 3.15
_H = 512
_W = 512
_OH = int(round(_H * _SCALE_H))
_OW = int(round(_W * _SCALE_W))
_WPAD = 1664
_NC = 2
_NS = 16
_NW = _NC * _NS
_NT = (_OH + 7) // 8
_WIN = 32
_NFULL = _OW // 16
_IYPAD = 1088


def _trace_indices():
    oy = jnp.arange(_OH)
    ox = jnp.arange(_OW)
    iy1 = jnp.floor(oy.astype(jnp.float32) / _SCALE_H).astype(jnp.int32)
    ix1 = jnp.floor(ox.astype(jnp.float32) / _SCALE_W).astype(jnp.int32)
    iy1 = jnp.clip(iy1, 0, _H - 1)
    ix1 = jnp.clip(ix1, 0, _W - 1)
    fy = (oy.astype(jnp.float32) + 0.5) / _SCALE_H - 0.5
    fx = (ox.astype(jnp.float32) + 0.5) / _SCALE_W - 0.5
    iy2 = jnp.clip(jnp.round(fy).astype(jnp.int32), 0, _H - 1)
    ix2 = jnp.clip(jnp.round(fx).astype(jnp.int32), 0, _W - 1)
    ix1p = jnp.pad(ix1, (0, _WPAD - _OW), mode="edge")
    ix2p = jnp.pad(ix2, (0, _WPAD - _OW), mode="edge")
    iy1p = jnp.pad(iy1, (8, _IYPAD - 8 - _OH), mode="edge")
    iy2p = jnp.pad(iy2, (8, _IYPAD - 8 - _OH), mode="edge")
    return ix1p, ix2p, iy1p, iy2p


@functools.lru_cache(maxsize=1)
def _build():
    mesh = plsc.VectorSubcoreMesh(
        core_axis_name="c", subcore_axis_name="s", num_cores=_NC, num_subcores=_NS
    )

    @functools.partial(
        pl.kernel,
        out_type=(
            jax.ShapeDtypeStruct((1, 1, _OH, _OW), jnp.float32),
            jax.ShapeDtypeStruct((1, 1, _OH, _OW), jnp.float32),
        ),
        mesh=mesh,
        compiler_params=pltpu.CompilerParams(
            use_tc_tiling_on_sc=True, needs_layout_passes=False
        ),
        scratch_types=[
            pltpu.VMEM((_WIN, _W), jnp.float32),
            pltpu.VMEM((_WIN * _W,), jnp.float32),
            pltpu.VMEM((_WPAD,), jnp.int32),
            pltpu.VMEM((_WPAD,), jnp.int32),
            pltpu.VMEM((56,), jnp.int32),
            pltpu.VMEM((56,), jnp.int32),
            pltpu.VMEM((8, _OW), jnp.float32),
            pltpu.VMEM((8, _OW), jnp.float32),
        ],
    )
    def resize(
        x_hbm, cx1_hbm, cx2_hbm, iy1_hbm, iy2_hbm, o1_hbm, o2_hbm,
        xw, lin, cx1v, cx2v, iy1v, iy2v, ot1, ot2,
    ):
        wid = lax.axis_index("s") * _NC + lax.axis_index("c")
        tstart = 4 * wid + jnp.minimum(wid, 4)
        rowstart = 8 * tstart
        win0 = pl.multiple_of(
            jnp.clip(((20 * rowstart) // 41 - 1) // 8 * 8, 0, _H - _WIN), 8
        )
        pltpu.sync_copy(x_hbm.at[pl.ds(win0, _WIN), :], xw)
        pltpu.sync_copy(cx1_hbm, cx1v)
        pltpu.sync_copy(cx2_hbm, cx2v)
        pltpu.sync_copy(iy1_hbm.at[pl.ds(rowstart, 56)], iy1v)
        pltpu.sync_copy(iy2_hbm.at[pl.ds(rowstart, 56)], iy2v)

        def rbody(r):
            @plsc.parallel_loop(0, _W // 16, unroll=4)
            def cb(c):
                lin[pl.ds(r * _W + c * 16, 16)] = xw[r, pl.ds(c * 16, 16)]

        lax.fori_loop(0, _WIN, lambda r, carry: (rbody(r), carry)[1], 0)

        win0v = jnp.full((16,), win0 * _W, jnp.int32)
        lanes = lax.iota(jnp.int32, 16)
        tailcol = _NFULL * 16 + lanes
        tailmask = tailcol < _OW

        def do_tile(k):
            t = tstart + k
            for jj0 in (0, 4):
                offs = []
                for jj in range(jj0, jj0 + 4):
                    jv = jnp.full((16,), 8 + 8 * k + jj, jnp.int32)
                    o1 = jnp.clip(
                        plsc.load_gather(iy1v, [jv]) * _W - win0v,
                        0, (_WIN - 1) * _W,
                    )
                    o2 = jnp.clip(
                        plsc.load_gather(iy2v, [jv]) * _W - win0v,
                        0, (_WIN - 1) * _W,
                    )
                    offs.append((o1, o2))

                @plsc.parallel_loop(0, _NFULL, unroll=2)
                def cbody(c, offs=offs, jj0=jj0):
                    colv1 = cx1v[pl.ds(c * 16, 16)]
                    colv2 = cx2v[pl.ds(c * 16, 16)]
                    for i, (o1, o2) in enumerate(offs):
                        jj = jj0 + i
                        ot1[jj, pl.ds(c * 16, 16)] = plsc.load_gather(
                            lin, [o1 + colv1]
                        )
                        ot2[jj, pl.ds(c * 16, 16)] = plsc.load_gather(
                            lin, [o2 + colv2]
                        )
                tcol1 = cx1v[pl.ds(_NFULL * 16, 16)]
                tcol2 = cx2v[pl.ds(_NFULL * 16, 16)]
                for i, (o1, o2) in enumerate(offs):
                    jv = jnp.full((16,), jj0 + i, jnp.int32)
                    v1 = plsc.load_gather(lin, [o1 + tcol1])
                    v2 = plsc.load_gather(lin, [o2 + tcol2])
                    plsc.store_scatter(ot1, [jv, tailcol], v1, mask=tailmask)
                    plsc.store_scatter(ot2, [jv, tailcol], v2, mask=tailmask)

            @pl.when(t < _NT - 1)
            def _():
                pltpu.sync_copy(ot1, o1_hbm.at[0, 0, pl.ds(8 * t, 8), :])
                pltpu.sync_copy(ot2, o2_hbm.at[0, 0, pl.ds(8 * t, 8), :])

            @pl.when(t == _NT - 1)
            def _():
                pltpu.sync_copy(
                    ot1.at[pl.ds(0, _OH - 8 * (_NT - 1)), :],
                    o1_hbm.at[0, 0, pl.ds(8 * (_NT - 1), _OH - 8 * (_NT - 1)), :],
                )
                pltpu.sync_copy(
                    ot2.at[pl.ds(0, _OH - 8 * (_NT - 1)), :],
                    o2_hbm.at[0, 0, pl.ds(8 * (_NT - 1), _OH - 8 * (_NT - 1)), :],
                )

        for k in range(4):
            do_tile(k)

        @pl.when(wid < 4)
        def _():
            do_tile(4)

    return resize


def kernel(x):
    x2d = x[0, 0]
    cx1, cx2, iy1, iy2 = _trace_indices()
    resize = _build()
    o1, o2 = resize(x2d, cx1, cx2, iy1, iy2)
    return (o1, o2)

# --- scband reference (transcript-rebuilt; emitter-appended) ---
"""Pipeline reference for scband-my-model-61933428410589 (READ-ONLY COPY).

The authoritative reference and input builder live on the scoring server;
editing this copy changes nothing except your own understanding.
"""

import jax, jax.numpy as jnp
import numpy as np

SCALE_H = 2.05
SCALE_W = 3.15

def setup_inputs(seed: int = 0) -> dict:
    key = jax.random.key(seed)
    x = jax.random.normal(key, (1, 3, 512, 512), dtype=jnp.float32)
    return {"x": x}

def reference(x):
    input_h, input_w = x.shape[2], x.shape[3]
    out_h = int(round(input_h * SCALE_H))
    out_w = int(round(input_w * SCALE_W))
    oy = jnp.arange(out_h)
    ox = jnp.arange(out_w)
    oy_grid, ox_grid = jnp.meshgrid(oy, ox, indexing='ij')
    i_y1 = jnp.floor(oy_grid.astype(jnp.float32) / SCALE_H).astype(jnp.int32)
    i_x1 = jnp.floor(ox_grid.astype(jnp.float32) / SCALE_W).astype(jnp.int32)
    i_y1 = jnp.clip(i_y1, 0, input_h - 1)
    i_x1 = jnp.clip(i_x1, 0, input_w - 1)
    out1 = x[0, 0][i_y1, i_x1][None, None]
    f_y = (oy_grid.astype(jnp.float32) + 0.5) / SCALE_H - 0.5
    f_x = (ox_grid.astype(jnp.float32) + 0.5) / SCALE_W - 0.5
    i_y2 = jnp.round(f_y).astype(jnp.int32)
    i_x2 = jnp.round(f_x).astype(jnp.int32)
    i_y2 = jnp.clip(i_y2, 0, input_h - 1)
    i_x2 = jnp.clip(i_x2, 0, input_w - 1)
    out2 = x[0, 0][i_y2, i_x2][None, None]
    return (out1, out2)

if __name__ == "__main__":
    import jax
    _d = setup_inputs()
    print(jax.jit(kernel)(*tuple(_d.values())))

</pallas_src>

<mosaic_0001>
#map = affine_map<(d0, d1) -> (0, 0)>
#map1 = affine_map<(d0, d1) -> (0)>
#map2 = affine_map<(d0, d1) -> (0, 0, 0, 0)>
module attributes {stable_mosaic.version = 14 : i64} {
  func.func @resize(%arg0: i32, %arg1: i32, %arg2: memref<512x512xf32, #tpu.memory_space<hbm>>, %arg3: memref<1664xi32, #tpu.memory_space<hbm>>, %arg4: memref<1664xi32, #tpu.memory_space<hbm>>, %arg5: memref<1088xi32, #tpu.memory_space<hbm>>, %arg6: memref<1088xi32, #tpu.memory_space<hbm>>, %arg7: memref<1x1x1050x1613xf32, #tpu.memory_space<hbm>>, %arg8: memref<1x1x1050x1613xf32, #tpu.memory_space<hbm>>, %arg9: memref<32x512xf32, #tpu.memory_space<vmem>>, %arg10: memref<16384xf32, #tpu.memory_space<vmem>>, %arg11: memref<1664xi32, #tpu.memory_space<vmem>>, %arg12: memref<1664xi32, #tpu.memory_space<vmem>>, %arg13: memref<56xi32, #tpu.memory_space<vmem>>, %arg14: memref<56xi32, #tpu.memory_space<vmem>>, %arg15: memref<8x1613xf32, #tpu.memory_space<vmem>>, %arg16: memref<8x1613xf32, #tpu.memory_space<vmem>>) attributes {dimension_semantics = [#tpu.dimension_semantics<core_parallel>, #tpu.dimension_semantics<subcore_parallel>], iteration_bounds = array<i64: 2, 16>, scalar_prefetch = 0 : i64, scratch_operands = 8 : i64, tpu.core_type = #tpu.core_type<sc_vector_subcore>, window_params = [{transform_indices = #map}, {transform_indices = #map1}, {transform_indices = #map1}, {transform_indices = #map1}, {transform_indices = #map1}, {transform_indices = #map2}, {transform_indices = #map2}]} {
    %mul3A = arith.constant 2 : i32
    %mul3A_0 = arith.muli %arg1, %mul3A : i32
    %add3A = arith.addi %mul3A_0, %arg0 : i32
    %mul3A_1 = arith.constant 4 : i32
    %mul3A_2 = arith.muli %mul3A_1, %add3A : i32
    %min3A = arith.constant 4 : i32
    %min3A_3 = arith.minsi %add3A, %min3A : i32
    %add3A_4 = arith.addi %mul3A_2, %min3A_3 : i32
    %mul3A_5 = arith.constant 8 : i32
    %mul3A_6 = arith.muli %mul3A_5, %add3A_4 : i32
    %mul3A_7 = arith.constant 20 : i32
    %mul3A_8 = arith.muli %mul3A_7, %mul3A_6 : i32
    %jit3A = arith.constant 41 : i32
    %div3A = arith.divsi %mul3A_8, %jit3A : i32
    %sign3A = arith.constant 0 : i32
    %sign3A_9 = arith.cmpi sgt, %mul3A_8, %sign3A : i32
    %sign3A_10 = arith.extui %sign3A_9 : i1 to i32
    %sign3A_11 = arith.constant 0 : i32
    %sign3A_12 = arith.cmpi slt, %mul3A_8, %sign3A_11 : i32
    %sign3A_13 = arith.extui %sign3A_12 : i1 to i32
    %sign3A_14 = arith.subi %sign3A_10, %sign3A_13 : i32
    %sign3A_15 = arith.constant 0 : i32
    %sign3A_16 = arith.cmpi sgt, %jit3A, %sign3A_15 : i32
    %sign3A_17 = arith.extui %sign3A_16 : i1 to i32
    %sign3A_18 = arith.constant 0 : i32
    %sign3A_19 = arith.cmpi slt, %jit3A, %sign3A_18 : i32
    %sign3A_20 = arith.extui %sign3A_19 : i1 to i32
    %sign3A_21 = arith.subi %sign3A_17, %sign3A_20 : i32
    %ne3A = arith.cmpi ne, %sign3A_14, %sign3A_21 : i32
    %rem3A = arith.remsi %mul3A_8, %jit3A : i32
    %ne3A_22 = arith.constant 0 : i32
    %ne3A_23 = arith.cmpi ne, %rem3A, %ne3A_22 : i32
    %and3A = arith.andi %ne3A, %ne3A_23 : i1
    %sub3A = arith.constant 1 : i32
    %sub3A_24 = arith.subi %div3A, %sub3A : i32
    %select_n3A = arith.select %and3A, %sub3A_24, %div3A : i32
    %sub3A_25 = arith.constant 1 : i32
    %sub3A_26 = arith.subi %select_n3A, %sub3A_25 : i32
    %jit3A_27 = arith.constant 8 : i32
    %div3A_28 = arith.divsi %sub3A_26, %jit3A_27 : i32
    %sign3A_29 = arith.constant 0 : i32
    %sign3A_30 = arith.cmpi sgt, %sub3A_26, %sign3A_29 : i32
    %sign3A_31 = arith.extui %sign3A_30 : i1 to i32
    %sign3A_32 = arith.constant 0 : i32
    %sign3A_33 = arith.cmpi slt, %sub3A_26, %sign3A_32 : i32
    %sign3A_34 = arith.extui %sign3A_33 : i1 to i32
    %sign3A_35 = arith.subi %sign3A_31, %sign3A_34 : i32
    %sign3A_36 = arith.constant 0 : i32
    %sign3A_37 = arith.cmpi sgt, %jit3A_27, %sign3A_36 : i32
    %sign3A_38 = arith.extui %sign3A_37 : i1 to i32
    %sign3A_39 = arith.constant 0 : i32
    %sign3A_40 = arith.cmpi slt, %jit3A_27, %sign3A_39 : i32
    %sign3A_41 = arith.extui %sign3A_40 : i1 to i32
    %sign3A_42 = arith.subi %sign3A_38, %sign3A_41 : i32
    %ne3A_43 = arith.cmpi ne, %sign3A_35, %sign3A_42 : i32
    %rem3A_44 = arith.remsi %sub3A_26, %jit3A_27 : i32
    %ne3A_45 = arith.constant 0 : i32
    %ne3A_46 = arith.cmpi ne, %rem3A_44, %ne3A_45 : i32
    %and3A_47 = arith.andi %ne3A_43, %ne3A_46 : i1
    %sub3A_48 = arith.constant 1 : i32
    %sub3A_49 = arith.subi %div3A_28, %sub3A_48 : i32
    %select_n3A_50 = arith.select %and3A_47, %sub3A_49, %div3A_28 : i32
    %mul3A_51 = arith.constant 8 : i32
    %mul3A_52 = arith.muli %select_n3A_50, %mul3A_51 : i32
    %jit3A_53 = arith.constant 0 : i32
    %jit3A_54 = arith.constant 480 : i32
    %max3A = arith.maxsi %jit3A_53, %mul3A_52 : i32
    %min3A_55 = arith.minsi %jit3A_54, %max3A : i32
    %multiple_of3A = tpu.assume_multiple %min3A_55, 8 : i32
    "tpu.region"() ({
      %run_scoped3A = tpu.sem_alloc : memref<!tpu.dma_semaphore, #tpu.memory_space<semaphore_mem>>
      %dma_start3A = arith.constant 0 : i32
      %dma_start3A_1131 = tpu.memref_slice %arg2[%multiple_of3A, %dma_start3A] : memref<512x512xf32, #tpu.memory_space<hbm>> -> memref<32x512xf32, #tpu.memory_space<hbm>>
      %dma_start3A_1132 = arith.constant 0 : i32
      %dma_start3A_1133 = tpu.memref_slice %arg2[%multiple_of3A, %dma_start3A_1132] : memref<512x512xf32, #tpu.memory_space<hbm>> -> memref<32x512xf32, #tpu.memory_space<hbm>>
      tpu.enqueue_dma source(%dma_start3A_1133 : memref<32x512xf32, #tpu.memory_space<hbm>>) target(%arg9 : memref<32x512xf32, #tpu.memory_space<vmem>>) target_semaphore(%run_scoped3A : memref<!tpu.dma_semaphore, #tpu.memory_space<semaphore_mem>>)
      %dma_wait3A = arith.constant 0 : i32
      %dma_wait3A_1134 = tpu.memref_slice %arg2[%multiple_of3A, %dma_wait3A] : memref<512x512xf32, #tpu.memory_space<hbm>> -> memref<32x512xf32, #tpu.memory_space<hbm>>
      %dma_wait3A_1135 = arith.constant 0 : i32
      %dma_wait3A_1136 = tpu.memref_slice %arg2[%multiple_of3A, %dma_wait3A_1135] : memref<512x512xf32, #tpu.memory_space<hbm>> -> memref<32x512xf32, #tpu.memory_space<hbm>>
      tpu.wait_dma2 semaphore(%run_scoped3A : memref<!tpu.dma_semaphore, #tpu.memory_space<semaphore_mem>>) src(%dma_wait3A_1136 : memref<32x512xf32, #tpu.memory_space<hbm>>) dst(%arg9 : memref<32x512xf32, #tpu.memory_space<vmem>>)
      tpu.yield
    }) : () -> ()
    "tpu.region"() ({
      %run_scoped3A = tpu.sem_alloc : memref<!tpu.dma_semaphore, #tpu.memory_space<semaphore_mem>>
      tpu.enqueue_dma source(%arg3 : memref<1664xi32, #tpu.memory_space<hbm>>) target(%arg11 : memref<1664xi32, #tpu.memory_space<vmem>>) target_semaphore(%run_scoped3A : memref<!tpu.dma_semaphore, #tpu.memory_space<semaphore_mem>>)
      tpu.wait_dma2 semaphore(%run_scoped3A : memref<!tpu.dma_semaphore, #tpu.memory_space<semaphore_mem>>) src(%arg3 : memref<1664xi32, #tpu.memory_space<hbm>>) dst(%arg11 : memref<1664xi32, #tpu.memory_space<vmem>>)
      tpu.yield
    }) : () -> ()
    "tpu.region"() ({
      %run_scoped3A = tpu.sem_alloc : memref<!tpu.dma_semaphore, #tpu.memory_space<semaphore_mem>>
      tpu.enqueue_dma source(%arg4 : memref<1664xi32, #tpu.memory_space<hbm>>) target(%arg12 : memref<1664xi32, #tpu.memory_space<vmem>>) target_semaphore(%run_scoped3A : memref<!tpu.dma_semaphore, #tpu.memory_space<semaphore_mem>>)
      tpu.wait_dma2 semaphore(%run_scoped3A : memref<!tpu.dma_semaphore, #tpu.memory_space<semaphore_mem>>) src(%arg4 : memref<1664xi32, #tpu.memory_space<hbm>>) dst(%arg12 : memref<1664xi32, #tpu.memory_space<vmem>>)
      tpu.yield
    }) : () -> ()
    "tpu.region"() ({
      %run_scoped3A = tpu.sem_alloc : memref<!tpu.dma_semaphore, #tpu.memory_space<semaphore_mem>>
      %dma_start3A = tpu.memref_slice %arg5[%mul3A_6] : memref<1088xi32, #tpu.memory_space<hbm>> -> memref<56xi32, #tpu.memory_space<hbm>>
      %dma_start3A_1131 = tpu.memref_slice %arg5[%mul3A_6] : memref<1088xi32, #tpu.memory_space<hbm>> -> memref<56xi32, #tpu.memory_space<hbm>>
      tpu.enqueue_dma source(%dma_start3A_1131 : memref<56xi32, #tpu.memory_space<hbm>>) target(%arg13 : memref<56xi32, #tpu.memory_space<vmem>>) target_semaphore(%run_scoped3A : memref<!tpu.dma_semaphore, #tpu.memory_space<semaphore_mem>>)
      %dma_wait3A = tpu.memref_slice %arg5[%mul3A_6] : memref<1088xi32, #tpu.memory_space<hbm>> -> memref<56xi32, #tpu.memory_space<hbm>>
      %dma_wait3A_1132 = tpu.memref_slice %arg5[%mul3A_6] : memref<1088xi32, #tpu.memory_space<hbm>> -> memref<56xi32, #tpu.memory_space<hbm>>
      tpu.wait_dma2 semaphore(%run_scoped3A : memref<!tpu.dma_semaphore, #tpu.memory_space<semaphore_mem>>) src(%dma_wait3A_1132 : memref<56xi32, #tpu.memory_space<hbm>>) dst(%arg13 : memref<56xi32, #tpu.memory_space<vmem>>)
      tpu.yield
    }) : () -> ()
    "tpu.region"() ({
      %run_scoped3A = tpu.sem_alloc : memref<!tpu.dma_semaphore, #tpu.memory_space<semaphore_mem>>
      %dma_start3A = tpu.memref_slice %arg6[%mul3A_6] : memref<1088xi32, #tpu.memory_space<hbm>> -> memref<56xi32, #tpu.memory_space<hbm>>
      %dma_start3A_1131 = tpu.memref_slice %arg6[%mul3A_6] : memref<1088xi32, #tpu.memory_space<hbm>> -> memref<56xi32, #tpu.memory_space<hbm>>
      tpu.enqueue_dma source(%dma_start3A_1131 : memref<56xi32, #tpu.memory_space<hbm>>) target(%arg14 : memref<56xi32, #tpu.memory_space<vmem>>) target_semaphore(%run_scoped3A : memref<!tpu.dma_semaphore, #tpu.memory_space<semaphore_mem>>)
      %dma_wait3A = tpu.memref_slice %arg6[%mul3A_6] : memref<1088xi32, #tpu.memory_space<hbm>> -> memref<56xi32, #tpu.memory_space<hbm>>
      %dma_wait3A_1132 = tpu.memref_slice %arg6[%mul3A_6] : memref<1088xi32, #tpu.memory_space<hbm>> -> memref<56xi32, #tpu.memory_space<hbm>>
      tpu.wait_dma2 semaphore(%run_scoped3A : memref<!tpu.dma_semaphore, #tpu.memory_space<semaphore_mem>>) src(%dma_wait3A_1132 : memref<56xi32, #tpu.memory_space<hbm>>) dst(%arg14 : memref<56xi32, #tpu.memory_space<vmem>>)
      tpu.yield
    }) : () -> ()
    %scan3A = arith.constant 0 : i32
    %scan3A_56 = arith.constant 0 : i32
    %scan3A_57 = arith.constant 32 : i32
    %scan3A_58 = arith.addi %scan3A_56, %scan3A_57 : i32
    %scan3A_59 = arith.constant 1 : i32
    scf.for %scan3A_1131 = %scan3A_56 to %scan3A_58 step %scan3A_59  : i32 {
      %parallel_loop3A_1132 = arith.constant 0 : i32
      %parallel_loop3A_1133 = arith.constant 32 : i32
      %parallel_loop3A_1134 = arith.constant 1 : i32
      scf.for %parallel_loop3A_1135 = %parallel_loop3A_1132 to %parallel_loop3A_1133 step %parallel_loop3A_1134  : i32 {
        %parallel_loop3A_1136 = arith.constant 16 : i32
        %parallel_loop3A_1137 = arith.muli %parallel_loop3A_1135, %parallel_loop3A_1136 : i32
        %parallel_loop3A_1138 = arith.index_cast %scan3A_1131 : i32 to index
        %parallel_loop3A_1139 = arith.index_cast %parallel_loop3A_1137 : i32 to index
        %parallel_loop3A_1140 = tpu.vector_load %arg9[%parallel_loop3A_1138, %parallel_loop3A_1139] {strides = array<i32>} : memref<32x512xf32, #tpu.memory_space<vmem>>, vector<16xf32>,
        %parallel_loop3A_1141 = arith.constant 512 : i32
        %parallel_loop3A_1142 = arith.muli %scan3A_1131, %parallel_loop3A_1141 : i32
        %parallel_loop3A_1143 = arith.constant 16 : i32
        %parallel_loop3A_1144 = arith.muli %parallel_loop3A_1135, %parallel_loop3A_1143 : i32
        %parallel_loop3A_1145 = arith.addi %parallel_loop3A_1142, %parallel_loop3A_1144 : i32
        %parallel_loop3A_1146 = arith.index_cast %parallel_loop3A_1145 : i32 to index
        %parallel_loop3A_1147 = tpu.vector_load %arg10[%parallel_loop3A_1146] {strides = array<i32>} : memref<16384xf32, #tpu.memory_space<vmem>>, vector<16xf32>,
        tpu.vector_store %arg10[%parallel_loop3A_1146], %parallel_loop3A_1140 {strides = array<i32>} : memref<16384xf32, #tpu.memory_space<vmem>>, vector<16xf32>,
      } {sc.loop_unroll_factor = 4 : i64, sc.parallel_access}
    }
    %scan3A_60 = arith.constant 32 : i32
    %mul3A_61 = arith.constant 512 : i32
    %mul3A_62 = arith.muli %multiple_of3A, %mul3A_61 : i32
    %broadcast_in_dim3A = vector.broadcast %mul3A_62 : i32 to vector<16xi32>
    %iota3A = tpu.iota {dimensions = array<i32: 0>} : vector<16xi32>
    %add3A_63 = arith.constant 1600 : i32
    %add3A_64 = vector.broadcast %add3A_63 : i32 to vector<16xi32>
    %add3A_65 = arith.addi %add3A_64, %iota3A : vector<16xi32>
    %lt3A = arith.constant 1613 : i32
    %lt3A_66 = vector.broadcast %lt3A : i32 to vector<16xi32>
    %lt3A_67 = arith.cmpi slt, %add3A_65, %lt3A_66 : vector<16xi32>
    %add3A_68 = arith.constant 0 : i32
    %add3A_69 = arith.addi %add3A_4, %add3A_68 : i32
    %broadcast_in_dim3A_70 = arith.constant 8 : i32
    %broadcast_in_dim3A_71 = vector.broadcast %broadcast_in_dim3A_70 : i32 to vector<16xi32>
    %gather3A = tpu.vector_load_idx %arg13[%broadcast_in_dim3A_71] : memref<56xi32, #tpu.memory_space<vmem>>[vector<16xi32>], vector<16xi32>,
    %mul3A_72 = arith.constant 512 : i32
    %mul3A_73 = vector.broadcast %mul3A_72 : i32 to vector<16xi32>
    %mul3A_74 = arith.muli %gather3A, %mul3A_73 : vector<16xi32>
    %sub3A_75 = arith.subi %mul3A_74, %broadcast_in_dim3A : vector<16xi32>
    %jit3A_76 = arith.constant 0 : i32
    %jit3A_77 = arith.constant 15872 : i32
    %max3A_78 = vector.broadcast %jit3A_76 : i32 to vector<16xi32>
    %max3A_79 = arith.maxsi %max3A_78, %sub3A_75 : vector<16xi32>
    %min3A_80 = vector.broadcast %jit3A_77 : i32 to vector<16xi32>
    %min3A_81 = arith.minsi %min3A_80, %max3A_79 : vector<16xi32>
    %gather3A_82 = tpu.vector_load_idx %arg14[%broadcast_in_dim3A_71] : memref<56xi32, #tpu.memory_space<vmem>>[vector<16xi32>], vector<16xi32>,
    %mul3A_83 = arith.constant 512 : i32
    %mul3A_84 = vector.broadcast %mul3A_83 : i32 to vector<16xi32>
    %mul3A_85 = arith.muli %gather3A_82, %mul3A_84 : vector<16xi32>
    %sub3A_86 = arith.subi %mul3A_85, %broadcast_in_dim3A : vector<16xi32>
    %jit3A_87 = arith.constant 0 : i32
    %jit3A_88 = arith.constant 15872 : i32
    %max3A_89 = vector.broadcast %jit3A_87 : i32 to vector<16xi32>
    %max3A_90 = arith.maxsi %max3A_89, %sub3A_86 : vector<16xi32>
    %min3A_91 = vector.broadcast %jit3A_88 : i32 to vector<16xi32>
    %min3A_92 = arith.minsi %min3A_91, %max3A_90 : vector<16xi32>
    %broadcast_in_dim3A_93 = arith.constant 9 : i32
    %broadcast_in_dim3A_94 = vector.broadcast %broadcast_in_dim3A_93 : i32 to vector<16xi32>
    %gather3A_95 = tpu.vector_load_idx %arg13[%broadcast_in_dim3A_94] : memref<56xi32, #tpu.memory_space<vmem>>[vector<16xi32>], vector<16xi32>,
    %mul3A_96 = arith.constant 512 : i32
    %mul3A_97 = vector.broadcast %mul3A_96 : i32 to vector<16xi32>
    %mul3A_98 = arith.muli %gather3A_95, %mul3A_97 : vector<16xi32>
    %sub3A_99 = arith.subi %mul3A_98, %broadcast_in_dim3A : vector<16xi32>
    %jit3A_100 = arith.constant 0 : i32
    %jit3A_101 = arith.constant 15872 : i32
    %max3A_102 = vector.broadcast %jit3A_100 : i32 to vector<16xi32>
    %max3A_103 = arith.maxsi %max3A_102, %sub3A_99 : vector<16xi32>
    %min3A_104 = vector.broadcast %jit3A_101 : i32 to vector<16xi32>
    %min3A_105 = arith.minsi %min3A_104, %max3A_103 : vector<16xi32>
    %gather3A_106 = tpu.vector_load_idx %arg14[%broadcast_in_dim3A_94] : memref<56xi32, #tpu.memory_space<vmem>>[vector<16xi32>], vector<16xi32>,
    %mul3A_107 = arith.constant 512 : i32
    %mul3A_108 = vector.broadcast %mul3A_107 : i32 to vector<16xi32>
    %mul3A_109 = arith.muli %gather3A_106, %mul3A_108 : vector<16xi32>
    %sub3A_110 = arith.subi %mul3A_109, %broadcast_in_dim3A : vector<16xi32>
    %jit3A_111 = arith.constant 0 : i32
    %jit3A_112 = arith.constant 15872 : i32
    %max3A_113 = vector.broadcast %jit3A_111 : i32 to vector<16xi32>
    %max3A_114 = arith.maxsi %max3A_113, %sub3A_110 : vector<16xi32>
    %min3A_115 = vector.broadcast %jit3A_112 : i32 to vector<16xi32>
    %min3A_116 = arith.minsi %min3A_115, %max3A_114 : vector<16xi32>
    %broadcast_in_dim3A_117 = arith.constant 10 : i32
    %broadcast_in_dim3A_118 = vector.broadcast %broadcast_in_dim3A_117 : i32 to vector<16xi32>
    %gather3A_119 = tpu.vector_load_idx %arg13[%broadcast_in_dim3A_118] : memref<56xi32, #tpu.memory_space<vmem>>[vector<16xi32>], vector<16xi32>,
    %mul3A_120 = arith.constant 512 : i32
    %mul3A_121 = vector.broadcast %mul3A_120 : i32 to vector<16xi32>
    %mul3A_122 = arith.muli %gather3A_119, %mul3A_121 : vector<16xi32>
    %sub3A_123 = arith.subi %mul3A_122, %broadcast_in_dim3A : vector<16xi32>
    %jit3A_124 = arith.constant 0 : i32
    %jit3A_125 = arith.constant 15872 : i32
    %max3A_126 = vector.broadcast %jit3A_124 : i32 to vector<16xi32>
    %max3A_127 = arith.maxsi %max3A_126, %sub3A_123 : vector<16xi32>
    %min3A_128 = vector.broadcast %jit3A_125 : i32 to vector<16xi32>
    %min3A_129 = arith.minsi %min3A_128, %max3A_127 : vector<16xi32>
    %gather3A_130 = tpu.vector_load_idx %arg14[%broadcast_in_dim3A_118] : memref<56xi32, #tpu.memory_space<vmem>>[vector<16xi32>], vector<16xi32>,
    %mul3A_131 = arith.constant 512 : i32
    %mul3A_132 = vector.broadcast %mul3A_131 : i32 to vector<16xi32>
    %mul3A_133 = arith.muli %gather3A_130, %mul3A_132 : vector<16xi32>
    %sub3A_134 = arith.subi %mul3A_133, %broadcast_in_dim3A : vector<16xi32>
    %jit3A_135 = arith.constant 0 : i32
    %jit3A_136 = arith.constant 15872 : i32
    %max3A_137 = vector.broadcast %jit3A_135 : i32 to vector<16xi32>
    %max3A_138 = arith.maxsi %max3A_137, %sub3A_134 : vector<16xi32>
    %min3A_139 = vector.broadcast %jit3A_136 : i32 to vector<16xi32>
    %min3A_140 = arith.minsi %min3A_139, %max3A_138 : vector<16xi32>
    %broadcast_in_dim3A_141 = arith.constant 11 : i32
    %broadcast_in_dim3A_142 = vector.broadcast %broadcast_in_dim3A_141 : i32 to vector<16xi32>
    %gather3A_143 = tpu.vector_load_idx %arg13[%broadcast_in_dim3A_142] : memref<56xi32, #tpu.memory_space<vmem>>[vector<16xi32>], vector<16xi32>,
    %mul3A_144 = arith.constant 512 : i32
    %mul3A_145 = vector.broadcast %mul3A_144 : i32 to vector<16xi32>
    %mul3A_146 = arith.muli %gather3A_143, %mul3A_145 : vector<16xi32>
    %sub3A_147 = arith.subi %mul3A_146, %broadcast_in_dim3A : vector<16xi32>
    %jit3A_148 = arith.constant 0 : i32
    %jit3A_149 = arith.constant 15872 : i32
    %max3A_150 = vector.broadcast %jit3A_148 : i32 to vector<16xi32>
    %max3A_151 = arith.maxsi %max3A_150, %sub3A_147 : vector<16xi32>
    %min3A_152 = vector.broadcast %jit3A_149 : i32 to vector<16xi32>
    %min3A_153 = arith.minsi %min3A_152, %max3A_151 : vector<16xi32>
    %gather3A_154 = tpu.vector_load_idx %arg14[%broadcast_in_dim3A_142] : memref<56xi32, #tpu.memory_space<vmem>>[vector<16xi32>], vector<16xi32>,
    %mul3A_155 = arith.constant 512 : i32
    %mul3A_156 = vector.broadcast %mul3A_155 : i32 to vector<16xi32>
    %mul3A_157 = arith.muli %gather3A_154, %mul3A_156 : vector<16xi32>
    %sub3A_158 = arith.subi %mul3A_157, %broadcast_in_dim3A : vector<16xi32>
    %jit3A_159 = arith.constant 0 : i32
    %jit3A_160 = arith.constant 15872 : i32
    %max3A_161 = vector.broadcast %jit3A_159 : i32 to vector<16xi32>
    %max3A_162 = arith.maxsi %max3A_161, %sub3A_158 : vector<16xi32>
    %min3A_163 = vector.broadcast %jit3A_160 : i32 to vector<16xi32>
    %min3A_164 = arith.minsi %min3A_163, %max3A_162 : vector<16xi32>
    %parallel_loop3A = arith.constant 0 : i32
    %parallel_loop3A_165 = arith.constant 100 : i32
    %parallel_loop3A_166 = arith.constant 1 : i32
    scf.for %parallel_loop3A_1131 = %parallel_loop3A to %parallel_loop3A_165 step %parallel_loop3A_166  : i32 {
      %parallel_loop3A_1132 = arith.constant 16 : i32
      %parallel_loop3A_1133 = arith.muli %parallel_loop3A_1131, %parallel_loop3A_1132 : i32
      %parallel_loop3A_1134 = arith.index_cast %parallel_loop3A_1133 : i32 to index
      %parallel_loop3A_1135 = tpu.vector_load %arg11[%parallel_loop3A_1134] {strides = array<i32>} : memref<1664xi32, #tpu.memory_space<vmem>>, vector<16xi32>,
      %parallel_loop3A_1136 = arith.constant 16 : i32
      %parallel_loop3A_1137 = arith.muli %parallel_loop3A_1131, %parallel_loop3A_1136 : i32
      %parallel_loop3A_1138 = arith.index_cast %parallel_loop3A_1137 : i32 to index
      %parallel_loop3A_1139 = tpu.vector_load %arg12[%parallel_loop3A_1138] {strides = array<i32>} : memref<1664xi32, #tpu.memory_space<vmem>>, vector<16xi32>,
      %parallel_loop3A_1140 = arith.addi %min3A_81, %parallel_loop3A_1135 : vector<16xi32>
      %parallel_loop3A_1141 = tpu.vector_load_idx %arg10[%parallel_loop3A_1140] : memref<16384xf32, #tpu.memory_space<vmem>>[vector<16xi32>], vector<16xf32>,
      %parallel_loop3A_1142 = arith.constant 16 : i32
      %parallel_loop3A_1143 = arith.muli %parallel_loop3A_1131, %parallel_loop3A_1142 : i32
      %parallel_loop3A_1144 = arith.constant 0 : i32
      %parallel_loop3A_1145 = arith.index_cast %parallel_loop3A_1144 : i32 to index
      %parallel_loop3A_1146 = arith.index_cast %parallel_loop3A_1143 : i32 to index
      %parallel_loop3A_1147 = tpu.vector_load %arg15[%parallel_loop3A_1145, %parallel_loop3A_1146] {strides = array<i32>} : memref<8x1613xf32, #tpu.memory_space<vmem>>, vector<16xf32>,
      tpu.vector_store %arg15[%parallel_loop3A_1145, %parallel_loop3A_1146], %parallel_loop3A_1141 {strides = array<i32>} : memref<8x1613xf32, #tpu.memory_space<vmem>>, vector<16xf32>,
      %parallel_loop3A_1148 = arith.addi %min3A_92, %parallel_loop3A_1139 : vector<16xi32>
      %parallel_loop3A_1149 = tpu.vector_load_idx %arg10[%parallel_loop3A_1148] : memref<16384xf32, #tpu.memory_space<vmem>>[vector<16xi32>], vector<16xf32>,
      %parallel_loop3A_1150 = arith.constant 16 : i32
      %parallel_loop3A_1151 = arith.muli %parallel_loop3A_1131, %parallel_loop3A_1150 : i32
      %parallel_loop3A_1152 = arith.constant 0 : i32
      %parallel_loop3A_1153 = arith.index_cast %parallel_loop3A_1152 : i32 to index
      %parallel_loop3A_1154 = arith.index_cast %parallel_loop3A_1151 : i32 to index
      %parallel_loop3A_1155 = tpu.vector_load %arg16[%parallel_loop3A_1153, %parallel_loop3A_1154] {strides = array<i32>} : memref<8x1613xf32, #tpu.memory_space<vmem>>, vector<16xf32>,
      tpu.vector_store %arg16[%parallel_loop3A_1153, %parallel_loop3A_1154], %parallel_loop3A_1149 {strides = array<i32>} : memref<8x1613xf32, #tpu.memory_space<vmem>>, vector<16xf32>,
      %parallel_loop3A_1156 = arith.addi %min3A_105, %parallel_loop3A_1135 : vector<16xi32>
      %parallel_loop3A_1157 = tpu.vector_load_idx %arg10[%parallel_loop3A_1156] : memref<16384xf32, #tpu.memory_space<vmem>>[vector<16xi32>], vector<16xf32>,
      %parallel_loop3A_1158 = arith.constant 16 : i32
      %parallel_loop3A_1159 = arith.muli %parallel_loop3A_1131, %parallel_loop3A_1158 : i32
      %parallel_loop3A_1160 = arith.constant 1 : i32
      %parallel_loop3A_1161 = arith.index_cast %parallel_loop3A_1160 : i32 to index
      %parallel_loop3A_1162 = arith.index_cast %parallel_loop3A_1159 : i32 to index
      %parallel_loop3A_1163 = tpu.vector_load %arg15[%parallel_loop3A_1161, %parallel_loop3A_1162] {strides = array<i32>} : memref<8x1613xf32, #tpu.memory_space<vmem>>, vector<16xf32>,
      tpu.vector_store %arg15[%parallel_loop3A_1161, %parallel_loop3A_1162], %parallel_loop3A_1157 {strides = array<i32>} : memref<8x1613xf32, #tpu.memory_space<vmem>>, vector<16xf32>,
      %parallel_loop3A_1164 = arith.addi %min3A_116, %parallel_loop3A_1139 : vector<16xi32>
      %parallel_loop3A_1165 = tpu.vector_load_idx %arg10[%parallel_loop3A_1164] : memref<16384xf32, #tpu.memory_space<vmem>>[vector<16xi32>], vector<16xf32>,
      %parallel_loop3A_1166 = arith.constant 16 : i32
      %parallel_loop3A_1167 = arith.muli %parallel_loop3A_1131, %parallel_loop3A_1166 : i32
      %parallel_loop3A_1168 = arith.constant 1 : i32
      %parallel_loop3A_1169 = arith.index_cast %parallel_loop3A_1168 : i32 to index
      %parallel_loop3A_1170 = arith.index_cast %parallel_loop3A_1167 : i32 to index
      %parallel_loop3A_1171 = tpu.vector_load %arg16[%parallel_loop3A_1169, %parallel_loop3A_1170] {strides = array<i32>} : memref<8x1613xf32, #tpu.memory_space<vmem>>, vector<16xf32>,
      tpu.vector_store %arg16[%parallel_loop3A_1169, %parallel_loop3A_1170], %parallel_loop3A_1165 {strides = array<i32>} : memref<8x1613xf32, #tpu.memory_space<vmem>>, vector<16xf32>,
      %parallel_loop3A_1172 = arith.addi %min3A_129, %parallel_loop3A_1135 : vector<16xi32>
      %parallel_loop3A_1173 = tpu.vector_load_idx %arg10[%parallel_loop3A_1172] : memref<16384xf32, #tpu.memory_space<vmem>>[vector<16xi32>], vector<16xf32>,
      %parallel_loop3A_1174 = arith.constant 16 : i32
      %parallel_loop3A_1175 = arith.muli %parallel_loop3A_1131, %parallel_loop3A_1174 : i32
      %parallel_loop3A_1176 = arith.constant 2 : i32
      %parallel_loop3A_1177 = arith.index_cast %parallel_loop3A_1176 : i32 to index
      %parallel_loop3A_1178 = arith.index_cast %parallel_loop3A_1175 : i32 to index
      %parallel_loop3A_1179 = tpu.vector_load %arg15[%parallel_loop3A_1177, %parallel_loop3A_1178] {strides = array<i32>} : memref<8x1613xf32, #tpu.memory_space<vmem>>, vector<16xf32>,
      tpu.vector_store %arg15[%parallel_loop3A_1177, %parallel_loop3A_1178], %parallel_loop3A_1173 {strides = array<i32>} : memref<8x1613xf32, #tpu.memory_space<vmem>>, vector<16xf32>,
      %parallel_loop3A_1180 = arith.addi %min3A_140, %parallel_loop3A_1139 : vector<16xi32>
      %parallel_loop3A_1181 = tpu.vector_load_idx %arg10[%parallel_loop3A_1180] : memref<16384xf32, #tpu.memory_space<vmem>>[vector<16xi32>], vector<16xf32>,
      %parallel_loop3A_1182 = arith.constant 16 : i32
      %parallel_loop3A_1183 = arith.muli %parallel_loop3A_1131, %parallel_loop3A_1182 : i32
      %parallel_loop3A_1184 = arith.constant 2 : i32
      %parallel_loop3A_1185 = arith.index_cast %parallel_loop3A_1184 : i32 to index
      %parallel_loop3A_1186 = arith.index_cast %parallel_loop3A_1183 : i32 to index
      %parallel_loop3A_1187 = tpu.vector_load %arg16[%parallel_loop3A_1185, %parallel_loop3A_1186] {strides = array<i32>} : memref<8x1613xf32, #tpu.memory_space<vmem>>, vector<16xf32>,
      tpu.vector_store %arg16[%parallel_loop3A_1185, %parallel_loop3A_1186], %parallel_loop3A_1181 {strides = array<i32>} : memref<8x1613xf32, #tpu.memory_space<vmem>>, vector<16xf32>,
      %parallel_loop3A_1188 = arith.addi %min3A_153, %parallel_loop3A_1135 : vector<16xi32>
      %parallel_loop3A_1189 = tpu.vector_load_idx %arg10[%parallel_loop3A_1188] : memref<16384xf32, #tpu.memory_space<vmem>>[vector<16xi32>], vector<16xf32>,
      %parallel_loop3A_1190 = arith.constant 16 : i32
      %parallel_loop3A_1191 = arith.muli %parallel_loop3A_1131, %parallel_loop3A_1190 : i32
      %parallel_loop3A_1192 = arith.constant 3 : i32
      %parallel_loop3A_1193 = arith.index_cast %parallel_loop3A_1192 : i32 to index
      %parallel_loop3A_1194 = arith.index_cast %parallel_loop3A_1191 : i32 to index
      %parallel_loop3A_1195 = tpu.vector_load %arg15[%parallel_loop3A_1193, %parallel_loop3A_1194] {strides = array<i32>} : memref<8x1613xf32, #tpu.memory_space<vmem>>, vector<16xf32>,
      tpu.vector_store %arg15[%parallel_loop3A_1193, %parallel_loop3A_1194], %parallel_loop3A_1189 {strides = array<i32>} : memref<8x1613xf32, #tpu.memory_space<vmem>>, vector<16xf32>,
      %parallel_loop3A_1196 = arith.addi %min3A_164, %parallel_loop3A_1139 : vector<16xi32>
      %parallel_loop3A_1197 = tpu.vector_load_idx %arg10[%parallel_loop3A_1196] : memref<16384xf32, #tpu.memory_space<vmem>>[vector<16xi32>], vector<16xf32>,
      %parallel_loop3A_1198 = arith.constant 16 : i32
      %parallel_loop3A_1199 = arith.muli %parallel_loop3A_1131, %parallel_loop3A_1198 : i32
      %parallel_loop3A_1200 = arith.constant 3 : i32
      %parallel_loop3A_1201 = arith.index_cast %parallel_loop3A_1200 : i32 to index
      %parallel_loop3A_1202 = arith.index_cast %parallel_loop3A_1199 : i32 to index
      %parallel_loop3A_1203 = tpu.vector_load %arg16[%parallel_loop3A_1201, %parallel_loop3A_1202] {strides = array<i32>} : memref<8x1613xf32, #tpu.memory_space<vmem>>, vector<16xf32>,
      tpu.vector_store %arg16[%parallel_loop3A_1201, %parallel_loop3A_1202], %parallel_loop3A_1197 {strides = array<i32>} : memref<8x1613xf32, #tpu.memory_space<vmem>>, vector<16xf32>,
    } {sc.loop_unroll_factor = 2 : i64, sc.parallel_access}
    %get3A = arith.constant 1600 : index
    %get3A_167 = tpu.vector_load %arg11[%get3A] {strides = array<i32>} : memref<1664xi32, #tpu.memory_space<vmem>>, vector<16xi32>,
    %get3A_168 = arith.constant 1600 : index
    %get3A_169 = tpu.vector_load %arg12[%get3A_168] {strides = array<i32>} : memref<1664xi32, #tpu.memory_space<vmem>>, vector<16xi32>,
    %broadcast_in_dim3A_170 = arith.constant 0 : i32
    %broadcast_in_dim3A_171 = vector.broadcast %broadcast_in_dim3A_170 : i32 to vector<16xi32>
    %add3A_172 = arith.addi %min3A_81, %get3A_167 : vector<16xi32>
    %gather3A_173 = tpu.vector_load_idx %arg10[%add3A_172] : memref<16384xf32, #tpu.memory_space<vmem>>[vector<16xi32>], vector<16xf32>,
    %add3A_174 = arith.addi %min3A_92, %get3A_169 : vector<16xi32>
    %gather3A_175 = tpu.vector_load_idx %arg10[%add3A_174] : memref<16384xf32, #tpu.memory_space<vmem>>[vector<16xi32>], vector<16xf32>,
    tpu.vector_store_idx %arg15[%broadcast_in_dim3A_171, %add3A_65], %gather3A_173 masked %lt3A_67 : memref<8x1613xf32, #tpu.memory_space<vmem>>[vector<16xi32>, vector<16xi32>], vector<16xf32>, vector<16xi1>
    tpu.vector_store_idx %arg16[%broadcast_in_dim3A_171, %add3A_65], %gather3A_175 masked %lt3A_67 : memref<8x1613xf32, #tpu.memory_space<vmem>>[vector<16xi32>, vector<16xi32>], vector<16xf32>, vector<16xi1>
    %broadcast_in_dim3A_176 = arith.constant 1 : i32
    %broadcast_in_dim3A_177 = vector.broadcast %broadcast_in_dim3A_176 : i32 to vector<16xi32>
    %add3A_178 = arith.addi %min3A_105, %get3A_167 : vector<16xi32>
    %gather3A_179 = tpu.vector_load_idx %arg10[%add3A_178] : memref<16384xf32, #tpu.memory_space<vmem>>[vector<16xi32>], vector<16xf32>,
    %add3A_180 = arith.addi %min3A_116, %get3A_169 : vector<16xi32>
    %gather3A_181 = tpu.vector_load_idx %arg10[%add3A_180] : memref<16384xf32, #tpu.memory_space<vmem>>[vector<16xi32>], vector<16xf32>,
    tpu.vector_store_idx %arg15[%broadcast_in_dim3A_177, %add3A_65], %gather3A_179 masked %lt3A_67 : memref<8x1613xf32, #tpu.memory_space<vmem>>[vector<16xi32>, vector<16xi32>], vector<16xf32>, vector<16xi1>
    tpu.vector_store_idx %arg16[%broadcast_in_dim3A_177, %add3A_65], %gather3A_181 masked %lt3A_67 : memref<8x1613xf32, #tpu.memory_space<vmem>>[vector<16xi32>, vector<16xi32>], vector<16xf32>, vector<16xi1>
    %broadcast_in_dim3A_182 = arith.constant 2 : i32
    %broadcast_in_dim3A_183 = vector.broadcast %broadcast_in_dim3A_182 : i32 to vector<16xi32>
    %add3A_184 = arith.addi %min3A_129, %get3A_167 : vector<16xi32>
    %gather3A_185 = tpu.vector_load_idx %arg10[%add3A_184] : memref<16384xf32, #tpu.memory_space<vmem>>[vector<16xi32>], vector<16xf32>,
    %add3A_186 = arith.addi %min3A_140, %get3A_169 : vector<16xi32>
    %gather3A_187 = tpu.vector_load_idx %arg10[%add3A_186] : memref<16384xf32, #tpu.memory_space<vmem>>[vector<16xi32>], vector<16xf32>,
    tpu.vector_store_idx %arg15[%broadcast_in_dim3A_183, %add3A_65], %gather3A_185 masked %lt3A_67 : memref<8x1613xf32, #tpu.memory_space<vmem>>[vector<16xi32>, vector<16xi32>], vector<16xf32>, vector<16xi1>
    tpu.vector_store_idx %arg16[%broadcast_in_dim3A_183, %add3A_65], %gather3A_187 masked %lt3A_67 : memref<8x1613xf32, #tpu.memory_space<vmem>>[vector<16xi32>, vector<16xi32>], vector<16xf32>, vector<16xi1>
    %broadcast_in_dim3A_188 = arith.constant 3 : i32
    %broadcast_in_dim3A_189 = vector.broadcast %broadcast_in_dim3A_188 : i32 to vector<16xi32>
    %add3A_190 = arith.addi %min3A_153, %get3A_167 : vector<16xi32>
    %gather3A_191 = tpu.vector_load_idx %arg10[%add3A_190] : memref<16384xf32, #tpu.memory_space<vmem>>[vector<16xi32>], vector<16xf32>,
    %add3A_192 = arith.addi %min3A_164, %get3A_169 : vector<16xi32>
    %gather3A_193 = tpu.vector_load_idx %arg10[%add3A_192] : memref<16384xf32, #tpu.memory_space<vmem>>[vector<16xi32>], vector<16xf32>,
    tpu.vector_store_idx %arg15[%broadcast_in_dim3A_189, %add3A_65], %gather3A_191 masked %lt3A_67 : memref<8x1613xf32, #tpu.memory_space<vmem>>[vector<16xi32>, vector<16xi32>], vector<16xf32>, vector<16xi1>
    tpu.vector_store_idx %arg16[%broadcast_in_dim3A_189, %add3A_65], %gather3A_193 masked %lt3A_67 : memref<8x1613xf32, #tpu.memory_space<vmem>>[vector<16xi32>, vector<16xi32>], vector<16xf32>, vector<16xi1>
    %broadcast_in_dim3A_194 = arith.constant 12 : i32
    %broadcast_in_dim3A_195 = vector.broadcast %broadcast_in_dim3A_194 : i32 to vector<16xi32>
    %gather3A_196 = tpu.vector_load_idx %arg13[%broadcast_in_dim3A_195] : memref<56xi32, #tpu.memory_space<vmem>>[vector<16xi32>], vector<16xi32>,
    %mul3A_197 = arith.constant 512 : i32
    %mul3A_198 = vector.broadcast %mul3A_197 : i32 to vector<16xi32>
    %mul3A_199 = arith.muli %gather3A_196, %mul3A_198 : vector<16xi32>
    %sub3A_200 = arith.subi %mul3A_199, %broadcast_in_dim3A : vector<16xi32>
    %jit3A_201 = arith.constant 0 : i32
    %jit3A_202 = arith.constant 15872 : i32
    %max3A_203 = vector.broadcast %jit3A_201 : i32 to vector<16xi32>
    %max3A_204 = arith.maxsi %max3A_203, %sub3A_200 : vector<16xi32>
    %min3A_205 = vector.broadcast %jit3A_202 : i32 to vector<16xi32>
    %min3A_206 = arith.minsi %min3A_205, %max3A_204 : vector<16xi32>
    %gather3A_207 = tpu.vector_load_idx %arg14[%broadcast_in_dim3A_195] : memref<56xi32, #tpu.memory_space<vmem>>[vector<16xi32>], vector<16xi32>,
    %mul3A_208 = arith.constant 512 : i32
    %mul3A_209 = vector.broadcast %mul3A_208 : i32 to vector<16xi32>
    %mul3A_210 = arith.muli %gather3A_207, %mul3A_209 : vector<16xi32>
    %sub3A_211 = arith.subi %mul3A_210, %broadcast_in_dim3A : vector<16xi32>
    %jit3A_212 = arith.constant 0 : i32
    %jit3A_213 = arith.constant 15872 : i32
    %max3A_214 = vector.broadcast %jit3A_212 : i32 to vector<16xi32>
    %max3A_215 = arith.maxsi %max3A_214, %sub3A_211 : vector<16xi32>
    %min3A_216 = vector.broadcast %jit3A_213 : i32 to vector<16xi32>
    %min3A_217 = arith.minsi %min3A_216, %max3A_215 : vector<16xi32>
    %broadcast_in_dim3A_218 = arith.constant 13 : i32
    %broadcast_in_dim3A_219 = vector.broadcast %broadcast_in_dim3A_218 : i32 to vector<16xi32>
    %gather3A_220 = tpu.vector_load_idx %arg13[%broadcast_in_dim3A_219] : memref<56xi32, #tpu.memory_space<vmem>>[vector<16xi32>], vector<16xi32>,
    %mul3A_221 = arith.constant 512 : i32
    %mul3A_222 = vector.broadcast %mul3A_221 : i32 to vector<16xi32>
    %mul3A_223 = arith.muli %gather3A_220, %mul3A_222 : vector<16xi32>
    %sub3A_224 = arith.subi %mul3A_223, %broadcast_in_dim3A : vector<16xi32>
    %jit3A_225 = arith.constant 0 : i32
    %jit3A_226 = arith.constant 15872 : i32
    %max3A_227 = vector.broadcast %jit3A_225 : i32 to vector<16xi32>
    %max3A_228 = arith.maxsi %max3A_227, %sub3A_224 : vector<16xi32>
    %min3A_229 = vector.broadcast %jit3A_226 : i32 to vector<16xi32>
    %min3A_230 = arith.minsi %min3A_229, %max3A_228 : vector<16xi32>
    %gather3A_231 = tpu.vector_load_idx %arg14[%broadcast_in_dim3A_219] : memref<56xi32, #tpu.memory_space<vmem>>[vector<16xi32>], vector<16xi32>,
    %mul3A_232 = arith.constant 512 : i32
    %mul3A_233 = vector.broadcast %mul3A_232 : i32 to vector<16xi32>
    %mul3A_234 = arith.muli %gather3A_231, %mul3A_233 : vector<16xi32>
    %sub3A_235 = arith.subi %mul3A_234, %broadcast_in_dim3A : vector<16xi32>
    %jit3A_236 = arith.constant 0 : i32
    %jit3A_237 = arith.constant 15872 : i32
    %max3A_238 = vector.broadcast %jit3A_236 : i32 to vector<16xi32>
    %max3A_239 = arith.maxsi %max3A_238, %sub3A_235 : vector<16xi32>
    %min3A_240 = vector.broadcast %jit3A_237 : i32 to vector<16xi32>
    %min3A_241 = arith.minsi %min3A_240, %max3A_239 : vector<16xi32>
    %broadcast_in_dim3A_242 = arith.constant 14 : i32
    %broadcast_in_dim3A_243 = vector.broadcast %broadcast_in_dim3A_242 : i32 to vector<16xi32>
    %gather3A_244 = tpu.vector_load_idx %arg13[%broadcast_in_dim3A_243] : memref<56xi32, #tpu.memory_space<vmem>>[vector<16xi32>], vector<16xi32>,
    %mul3A_245 = arith.constant 512 : i32
    %mul3A_246 = vector.broadcast %mul3A_245 : i32 to vector<16xi32>
    %mul3A_247 = arith.muli %gather3A_244, %mul3A_246 : vector<16xi32>
    %sub3A_248 = arith.subi %mul3A_247, %broadcast_in_dim3A : vector<16xi32>
    %jit3A_249 = arith.constant 0 : i32
    %jit3A_250 = arith.constant 15872 : i32
    %max3A_251 = vector.broadcast %jit3A_249 : i32 to vector<16xi32>
    %max3A_252 = arith.maxsi %max3A_251, %sub3A_248 : vector<16xi32>
    %min3A_253 = vector.broadcast %jit3A_250 : i32 to vector<16xi32>
    %min3A_254 = arith.minsi %min3A_253, %max3A_252 : vector<16xi32>
    %gather3A_255 = tpu.vector_load_idx %arg14[%broadcast_in_dim3A_243] : memref<56xi32, #tpu.memory_space<vmem>>[vector<16xi32>], vector<16xi32>,
    %mul3A_256 = arith.constant 512 : i32
    %mul3A_257 = vector.broadcast %mul3A_256 : i32 to vector<16xi32>
    %mul3A_258 = arith.muli %gather3A_255, %mul3A_257 : vector<16xi32>
    %sub3A_259 = arith.subi %mul3A_258, %broadcast_in_dim3A : vector<16xi32>
    %jit3A_260 = arith.constant 0 : i32
    %jit3A_261 = arith.constant 15872 : i32
    %max3A_262 = vector.broadcast %jit3A_260 : i32 to vector<16xi32>
    %max3A_263 = arith.maxsi %max3A_262, %sub3A_259 : vector<16xi32>
    %min3A_264 = vector.broadcast %jit3A_261 : i32 to vector<16xi32>
    %min3A_265 = arith.minsi %min3A_264, %max3A_263 : vector<16xi32>
    %broadcast_in_dim3A_266 = arith.constant 15 : i32
    %broadcast_in_dim3A_267 = vector.broadcast %broadcast_in_dim3A_266 : i32 to vector<16xi32>
    %gather3A_268 = tpu.vector_load_idx %arg13[%broadcast_in_dim3A_267] : memref<56xi32, #tpu.memory_space<vmem>>[vector<16xi32>], vector<16xi32>,
    %mul3A_269 = arith.constant 512 : i32
    %mul3A_270 = vector.broadcast %mul3A_269 : i32 to vector<16xi32>
    %mul3A_271 = arith.muli %gather3A_268, %mul3A_270 : vector<16xi32>
    %sub3A_272 = arith.subi %mul3A_271, %broadcast_in_dim3A : vector<16xi32>
    %jit3A_273 = arith.constant 0 : i32
    %jit3A_274 = arith.constant 15872 : i32
    %max3A_275 = vector.broadcast %jit3A_273 : i32 to vector<16xi32>
    %max3A_276 = arith.maxsi %max3A_275, %sub3A_272 : vector<16xi32>
    %min3A_277 = vector.broadcast %jit3A_274 : i32 to vector<16xi32>
    %min3A_278 = arith.minsi %min3A_277, %max3A_276 : vector<16xi32>
    %gather3A_279 = tpu.vector_load_idx %arg14[%broadcast_in_dim3A_267] : memref<56xi32, #tpu.memory_space<vmem>>[vector<16xi32>], vector<16xi32>,
    %mul3A_280 = arith.constant 512 : i32
    %mul3A_281 = vector.broadcast %mul3A_280 : i32 to vector<16xi32>
    %mul3A_282 = arith.muli %gather3A_279, %mul3A_281 : vector<16xi32>
    %sub3A_283 = arith.subi %mul3A_282, %broadcast_in_dim3A : vector<16xi32>
    %jit3A_284 = arith.constant 0 : i32
    %jit3A_285 = arith.constant 15872 : i32
    %max3A_286 = vector.broadcast %jit3A_284 : i32 to vector<16xi32>
    %max3A_287 = arith.maxsi %max3A_286, %sub3A_283 : vector<16xi32>
    %min3A_288 = vector.broadcast %jit3A_285 : i32 to vector<16xi32>
    %min3A_289 = arith.minsi %min3A_288, %max3A_287 : vector<16xi32>
    %parallel_loop3A_290 = arith.constant 0 : i32
    %parallel_loop3A_291 = arith.constant 100 : i32
    %parallel_loop3A_292 = arith.constant 1 : i32
    scf.for %parallel_loop3A_1131 = %parallel_loop3A_290 to %parallel_loop3A_291 step %parallel_loop3A_292  : i32 {
      %parallel_loop3A_1132 = arith.constant 16 : i32
      %parallel_loop3A_1133 = arith.muli %parallel_loop3A_1131, %parallel_loop3A_1132 : i32
      %parallel_loop3A_1134 = arith.index_cast %parallel_loop3A_1133 : i32 to index
      %parallel_loop3A_1135 = tpu.vector_load %arg11[%parallel_loop3A_1134] {strides = array<i32>} : memref<1664xi32, #tpu.memory_space<vmem>>, vector<16xi32>,
      %parallel_loop3A_1136 = arith.constant 16 : i32
      %parallel_loop3A_1137 = arith.muli %parallel_loop3A_1131, %parallel_loop3A_1136 : i32
      %parallel_loop3A_1138 = arith.index_cast %parallel_loop3A_1137 : i32 to index
      %parallel_loop3A_1139 = tpu.vector_load %arg12[%parallel_loop3A_1138] {strides = array<i32>} : memref<1664xi32, #tpu.memory_space<vmem>>, vector<16xi32>,
      %parallel_loop3A_1140 = arith.addi %min3A_206, %parallel_loop3A_1135 : vector<16xi32>
      %parallel_loop3A_1141 = tpu.vector_load_idx %arg10[%parallel_loop3A_1140] : memref<16384xf32, #tpu.memory_space<vmem>>[vector<16xi32>], vector<16xf32>,
      %parallel_loop3A_1142 = arith.constant 16 : i32
      %parallel_loop3A_1143 = arith.muli %parallel_loop3A_1131, %parallel_loop3A_1142 : i32
      %parallel_loop3A_1144 = arith.constant 4 : i32
      %parallel_loop3A_1145 = arith.index_cast %parallel_loop3A_1144 : i32 to index
      %parallel_loop3A_1146 = arith.index_cast %parallel_loop3A_1143 : i32 to index
      %parallel_loop3A_1147 = tpu.vector_load %arg15[%parallel_loop3A_1145, %parallel_loop3A_1146] {strides = array<i32>} : memref<8x1613xf32, #tpu.memory_space<vmem>>, vector<16xf32>,
      tpu.vector_store %arg15[%parallel_loop3A_1145, %parallel_loop3A_1146], %parallel_loop3A_1141 {strides = array<i32>} : memref<8x1613xf32, #tpu.memory_space<vmem>>, vector<16xf32>,
      %parallel_loop3A_1148 = arith.addi %min3A_217, %parallel_loop3A_1139 : vector<16xi32>
      %parallel_loop3A_1149 = tpu.vector_load_idx %arg10[%parallel_loop3A_1148] : memref<16384xf32, #tpu.memory_space<vmem>>[vector<16xi32>], vector<16xf32>,
      %parallel_loop3A_1150 = arith.constant 16 : i32
      %parallel_loop3A_1151 = arith.muli %parallel_loop3A_1131, %parallel_loop3A_1150 : i32
      %parallel_loop3A_1152 = arith.constant 4 : i32
      %parallel_loop3A_1153 = arith.index_cast %parallel_loop3A_1152 : i32 to index
      %parallel_loop3A_1154 = arith.index_cast %parallel_loop3A_1151 : i32 to index
      %parallel_loop3A_1155 = tpu.vector_load %arg16[%parallel_loop3A_1153, %parallel_loop3A_1154] {strides = array<i32>} : memref<8x1613xf32, #tpu.memory_space<vmem>>, vector<16xf32>,
      tpu.vector_store %arg16[%parallel_loop3A_1153, %parallel_loop3A_1154], %parallel_loop3A_1149 {strides = array<i32>} : memref<8x1613xf32, #tpu.memory_space<vmem>>, vector<16xf32>,
      %parallel_loop3A_1156 = arith.addi %min3A_230, %parallel_loop3A_1135 : vector<16xi32>
      %parallel_loop3A_1157 = tpu.vector_load_idx %arg10[%parallel_loop3A_1156] : memref<16384xf32, #tpu.memory_space<vmem>>[vector<16xi32>], vector<16xf32>,
      %parallel_loop3A_1158 = arith.constant 16 : i32
      %parallel_loop3A_1159 = arith.muli %parallel_loop3A_1131, %parallel_loop3A_1158 : i32
      %parallel_loop3A_1160 = arith.constant 5 : i32
      %parallel_loop3A_1161 = arith.index_cast %parallel_loop3A_1160 : i32 to index
      %parallel_loop3A_1162 = arith.index_cast %parallel_loop3A_1159 : i32 to index
      %parallel_loop3A_1163 = tpu.vector_load %arg15[%parallel_loop3A_1161, %parallel_loop3A_1162] {strides = array<i32>} : memref<8x1613xf32, #tpu.memory_space<vmem>>, vector<16xf32>,
      tpu.vector_store %arg15[%parallel_loop3A_1161, %parallel_loop3A_1162], %parallel_loop3A_1157 {strides = array<i32>} : memref<8x1613xf32, #tpu.memory_space<vmem>>, vector<16xf32>,
      %parallel_loop3A_1164 = arith.addi %min3A_241, %parallel_loop3A_1139 : vector<16xi32>
      %parallel_loop3A_1165 = tpu.vector_load_idx %arg10[%parallel_loop3A_1164] : memref<16384xf32, #tpu.memory_space<vmem>>[vector<16xi32>], vector<16xf32>,
      %parallel_loop3A_1166 = arith.constant 16 : i32
      %parallel_loop3A_1167 = arith.muli %parallel_loop3A_1131, %parallel_loop3A_1166 : i32
      %parallel_loop3A_1168 = arith.constant 5 : i32
      %parallel_loop3A_1169 = arith.index_cast %parallel_loop3A_1168 : i32 to index
      %parallel_loop3A_1170 = arith.index_cast %parallel_loop3A_1167 : i32 to index
      %parallel_loop3A_1171 = tpu.vector_load %arg16[%parallel_loop3A_1169, %parallel_loop3A_1170] {strides = array<i32>} : memref<8x1613xf32, #tpu.memory_space<vmem>>, vector<16xf32>,
      tpu.vector_store %arg16[%parallel_loop3A_1169, %parallel_loop3A_1170], %parallel_loop3A_1165 {strides = array<i32>} : memref<8x1613xf32, #tpu.memory_space<vmem>>, vector<16xf32>,
      %parallel_loop3A_1172 = arith.addi %min3A_254, %parallel_loop3A_1135 : vector<16xi32>
      %parallel_loop3A_1173 = tpu.vector_load_idx %arg10[%parallel_loop3A_1172] : memref<16384xf32, #tpu.memory_space<vmem>>[vector<16xi32>], vector<16xf32>,
      %parallel_loop3A_1174 = arith.constant 16 : i32
      %parallel_loop3A_1175 = arith.muli %parallel_loop3A_1131, %parallel_loop3A_1174 : i32
      %parallel_loop3A_1176 = arith.constant 6 : i32
      %parallel_loop3A_1177 = arith.index_cast %parallel_loop3A_1176 : i32 to index
      %parallel_loop3A_1178 = arith.index_cast %parallel_loop3A_1175 : i32 to index
      %parallel_loop3A_1179 = tpu.vector_load %arg15[%parallel_loop3A_1177, %parallel_loop3A_1178] {strides = array<i32>} : memref<8x1613xf32, #tpu.memory_space<vmem>>, vector<16xf32>,
      tpu.vector_store %arg15[%parallel_loop3A_1177, %parallel_loop3A_1178], %parallel_loop3A_1173 {strides = array<i32>} : memref<8x1613xf32, #tpu.memory_space<vmem>>, vector<16xf32>,
      %parallel_loop3A_1180 = arith.addi %min3A_265, %parallel_loop3A_1139 : vector<16xi32>
      %parallel_loop3A_1181 = tpu.vector_load_idx %arg10[%parallel_loop3A_1180] : memref<16384xf32, #tpu.memory_space<vmem>>[vector<16xi32>], vector<16xf32>,
      %parallel_loop3A_1182 = arith.constant 16 : i32
      %parallel_loop3A_1183 = arith.muli %parallel_loop3A_1131, %parallel_loop3A_1182 : i32
      %parallel_loop3A_1184 = arith.constant 6 : i32
      %parallel_loop3A_1185 = arith.index_cast %parallel_loop3A_1184 : i32 to index
      %parallel_loop3A_1186 = arith.index_cast %parallel_loop3A_1183 : i32 to index
      %parallel_loop3A_1187 = tpu.vector_load %arg16[%parallel_loop3A_1185, %parallel_loop3A_1186] {strides = array<i32>} : memref<8x1613xf32, #tpu.memory_space<vmem>>, vector<16xf32>,
      tpu.vector_store %arg16[%parallel_loop3A_1185, %parallel_loop3A_1186], %parallel_loop3A_1181 {strides = array<i32>} : memref<8x1613xf32, #tpu.memory_space<vmem>>, vector<16xf32>,
      %parallel_loop3A_1188 = arith.addi %min3A_278, %parallel_loop3A_1135 : vector<16xi32>
      %parallel_loop3A_1189 = tpu.vector_load_idx %arg10[%parallel_loop3A_1188] : memref<16384xf32, #tpu.memory_space<vmem>>[vector<16xi32>], vector<16xf32>,
      %parallel_loop3A_1190 = arith.constant 16 : i32
      %parallel_loop3A_1191 = arith.muli %parallel_loop3A_1131, %parallel_loop3A_1190 : i32
      %parallel_loop3A_1192 = arith.constant 7 : i32
      %parallel_loop3A_1193 = arith.index_cast %parallel_loop3A_1192 : i32 to index
      %parallel_loop3A_1194 = arith.index_cast %parallel_loop3A_1191 : i32 to index
      %parallel_loop3A_1195 = tpu.vector_load %arg15[%parallel_loop3A_1193, %parallel_loop3A_1194] {strides = array<i32>} : memref<8x1613xf32, #tpu.memory_space<vmem>>, vector<16xf32>,
      tpu.vector_store %arg15[%parallel_loop3A_1193, %parallel_loop3A_1194], %parallel_loop3A_1189 {strides = array<i32>} : memref<8x1613xf32, #tpu.memory_space<vmem>>, vector<16xf32>,
      %parallel_loop3A_1196 = arith.addi %min3A_289, %parallel_loop3A_1139 : vector<16xi32>
      %parallel_loop3A_1197 = tpu.vector_load_idx %arg10[%parallel_loop3A_1196] : memref<16384xf32, #tpu.memory_space<vmem>>[vector<16xi32>], vector<16xf32>,
      %parallel_loop3A_1198 = arith.constant 16 : i32
      %parallel_loop3A_1199 = arith.muli %parallel_loop3A_1131, %parallel_loop3A_1198 : i32
      %parallel_loop3A_1200 = arith.constant 7 : i32
      %parallel_loop3A_1201 = arith.index_cast %parallel_loop3A_1200 : i32 to index
      %parallel_loop3A_1202 = arith.index_cast %parallel_loop3A_1199 : i32 to index
      %parallel_loop3A_1203 = tpu.vector_load %arg16[%parallel_loop3A_1201, %parallel_loop3A_1202] {strides = array<i32>} : memref<8x1613xf32, #tpu.memory_space<vmem>>, vector<16xf32>,
      tpu.vector_store %arg16[%parallel_loop3A_1201, %parallel_loop3A_1202], %parallel_loop3A_1197 {strides = array<i32>} : memref<8x1613xf32, #tpu.memory_space<vmem>>, vector<16xf32>,
    } {sc.loop_unroll_factor = 2 : i64, sc.parallel_access}
    %get3A_293 = arith.constant 1600 : index
    %get3A_294 = tpu.vector_load %arg11[%get3A_293] {strides = array<i32>} : memref<1664xi32, #tpu.memory_space<vmem>>, vector<16xi32>,
    %get3A_295 = arith.constant 1600 : index
    %get3A_296 = tpu.vector_load %arg12[%get3A_295] {strides = array<i32>} : memref<1664xi32, #tpu.memory_space<vmem>>, vector<16xi32>,
    %broadcast_in_dim3A_297 = arith.constant 4 : i32
    %broadcast_in_dim3A_298 = vector.broadcast %broadcast_in_dim3A_297 : i32 to vector<16xi32>
    %add3A_299 = arith.addi %min3A_206, %get3A_294 : vector<16xi32>
    %gather3A_300 = tpu.vector_load_idx %arg10[%add3A_299] : memref<16384xf32, #tpu.memory_space<vmem>>[vector<16xi32>], vector<16xf32>,
    %add3A_301 = arith.addi %min3A_217, %get3A_296 : vector<16xi32>
    %gather3A_302 = tpu.vector_load_idx %arg10[%add3A_301] : memref<16384xf32, #tpu.memory_space<vmem>>[vector<16xi32>], vector<16xf32>,
    tpu.vector_store_idx %arg15[%broadcast_in_dim3A_298, %add3A_65], %gather3A_300 masked %lt3A_67 : memref<8x1613xf32, #tpu.memory_space<vmem>>[vector<16xi32>, vector<16xi32>], vector<16xf32>, vector<16xi1>
    tpu.vector_store_idx %arg16[%broadcast_in_dim3A_298, %add3A_65], %gather3A_302 masked %lt3A_67 : memref<8x1613xf32, #tpu.memory_space<vmem>>[vector<16xi32>, vector<16xi32>], vector<16xf32>, vector<16xi1>
    %broadcast_in_dim3A_303 = arith.constant 5 : i32
    %broadcast_in_dim3A_304 = vector.broadcast %broadcast_in_dim3A_303 : i32 to vector<16xi32>
    %add3A_305 = arith.addi %min3A_230, %get3A_294 : vector<16xi32>
    %gather3A_306 = tpu.vector_load_idx %arg10[%add3A_305] : memref<16384xf32, #tpu.memory_space<vmem>>[vector<16xi32>], vector<16xf32>,
    %add3A_307 = arith.addi %min3A_241, %get3A_296 : vector<16xi32>
    %gather3A_308 = tpu.vector_load_idx %arg10[%add3A_307] : memref<16384xf32, #tpu.memory_space<vmem>>[vector<16xi32>], vector<16xf32>,
    tpu.vector_store_idx %arg15[%broadcast_in_dim3A_304, %add3A_65], %gather3A_306 masked %lt3A_67 : memref<8x1613xf32, #tpu.memory_space<vmem>>[vector<16xi32>, vector<16xi32>], vector<16xf32>, vector<16xi1>
    tpu.vector_store_idx %arg16[%broadcast_in_dim3A_304, %add3A_65], %gather3A_308 masked %lt3A_67 : memref<8x1613xf32, #tpu.memory_space<vmem>>[vector<16xi32>, vector<16xi32>], vector<16xf32>, vector<16xi1>
    %broadcast_in_dim3A_309 = arith.constant 6 : i32
    %broadcast_in_dim3A_310 = vector.broadcast %broadcast_in_dim3A_309 : i32 to vector<16xi32>
    %add3A_311 = arith.addi %min3A_254, %get3A_294 : vector<16xi32>
    %gather3A_312 = tpu.vector_load_idx %arg10[%add3A_311] : memref<16384xf32, #tpu.memory_space<vmem>>[vector<16xi32>], vector<16xf32>,
    %add3A_313 = arith.addi %min3A_265, %get3A_296 : vector<16xi32>
    %gather3A_314 = tpu.vector_load_idx %arg10[%add3A_313] : memref<16384xf32, #tpu.memory_space<vmem>>[vector<16xi32>], vector<16xf32>,
    tpu.vector_store_idx %arg15[%broadcast_in_dim3A_310, %add3A_65], %gather3A_312 masked %lt3A_67 : memref<8x1613xf32, #tpu.memory_space<vmem>>[vector<16xi32>, vector<16xi32>], vector<16xf32>, vector<16xi1>
    tpu.vector_store_idx %arg16[%broadcast_in_dim3A_310, %add3A_65], %gather3A_314 masked %lt3A_67 : memref<8x1613xf32, #tpu.memory_space<vmem>>[vector<16xi32>, vector<16xi32>], vector<16xf32>, vector<16xi1>
    %broadcast_in_dim3A_315 = arith.constant 7 : i32
    %broadcast_in_dim3A_316 = vector.broadcast %broadcast_in_dim3A_315 : i32 to vector<16xi32>
    %add3A_317 = arith.addi %min3A_278, %get3A_294 : vector<16xi32>
    %gather3A_318 = tpu.vector_load_idx %arg10[%add3A_317] : memref<16384xf32, #tpu.memory_space<vmem>>[vector<16xi32>], vector<16xf32>,
    %add3A_319 = arith.addi %min3A_289, %get3A_296 : vector<16xi32>
    %gather3A_320 = tpu.vector_load_idx %arg10[%add3A_319] : memref<16384xf32, #tpu.memory_space<vmem>>[vector<16xi32>], vector<16xf32>,
    tpu.vector_store_idx %arg15[%broadcast_in_dim3A_316, %add3A_65], %gather3A_318 masked %lt3A_67 : memref<8x1613xf32, #tpu.memory_space<vmem>>[vector<16xi32>, vector<16xi32>], vector<16xf32>, vector<16xi1>
    tpu.vector_store_idx %arg16[%broadcast_in_dim3A_316, %add3A_65], %gather3A_320 masked %lt3A_67 : memref<8x1613xf32, #tpu.memory_space<vmem>>[vector<16xi32>, vector<16xi32>], vector<16xf32>, vector<16xi1>
    %lt3A_321 = arith.constant 131 : i32
    %lt3A_322 = arith.cmpi slt, %add3A_69, %lt3A_321 : i32
    %convert_element_type3A = arith.extui %lt3A_322 : i1 to i32
    %cond3A = arith.constant 0 : i32
    %cond3A_323 = arith.cmpi ne, %convert_element_type3A, %cond3A : i32
    scf.if %cond3A_323 {
      %mul3A_1131 = arith.constant 8 : i32
      %mul3A_1132 = arith.muli %mul3A_1131, %add3A_69 : i32
      %run_scoped3A = arith.constant 0 : i32
      %run_scoped3A_1133 = arith.constant 0 : i32
      "tpu.region"() ({
        %run_scoped3A_1138 = tpu.sem_alloc : memref<!tpu.dma_semaphore, #tpu.memory_space<semaphore_mem>>
        %dma_start3A = arith.constant 0 : i32
        %dma_start3A_1139 = tpu.memref_slice %arg7[%run_scoped3A, %run_scoped3A_1133, %mul3A_1132, %dma_start3A] : memref<1x1x1050x1613xf32, #tpu.memory_space<hbm>> -> memref<1x1x8x1613xf32, #tpu.memory_space<hbm>>
        %dma_start3A_1140 = tpu.memref_squeeze %dma_start3A_1139 : memref<1x1x8x1613xf32, #tpu.memory_space<hbm>> -> memref<8x1613xf32, #tpu.memory_space<hbm>>
        %dma_start3A_1141 = arith.constant 0 : i32
        %dma_start3A_1142 = tpu.memref_slice %arg7[%run_scoped3A, %run_scoped3A_1133, %mul3A_1132, %dma_start3A_1141] : memref<1x1x1050x1613xf32, #tpu.memory_space<hbm>> -> memref<1x1x8x1613xf32, #tpu.memory_space<hbm>>
        %dma_start3A_1143 = tpu.memref_squeeze %dma_start3A_1142 : memref<1x1x8x1613xf32, #tpu.memory_space<hbm>> -> memref<8x1613xf32, #tpu.memory_space<hbm>>
        tpu.enqueue_dma source(%arg15 : memref<8x1613xf32, #tpu.memory_space<vmem>>) target(%dma_start3A_1143 : memref<8x1613xf32, #tpu.memory_space<hbm>>) target_semaphore(%run_scoped3A_1138 : memref<!tpu.dma_semaphore, #tpu.memory_space<semaphore_mem>>)
        %dma_wait3A = arith.constant 0 : i32
        %dma_wait3A_1144 = tpu.memref_slice %arg7[%run_scoped3A, %run_scoped3A_1133, %mul3A_1132, %dma_wait3A] : memref<1x1x1050x1613xf32, #tpu.memory_space<hbm>> -> memref<1x1x8x1613xf32, #tpu.memory_space<hbm>>
        %dma_wait3A_1145 = tpu.memref_squeeze %dma_wait3A_1144 : memref<1x1x8x1613xf32, #tpu.memory_space<hbm>> -> memref<8x1613xf32, #tpu.memory_space<hbm>>
        %dma_wait3A_1146 = arith.constant 0 : i32
        %dma_wait3A_1147 = tpu.memref_slice %arg7[%run_scoped3A, %run_scoped3A_1133, %mul3A_1132, %dma_wait3A_1146] : memref<1x1x1050x1613xf32, #tpu.memory_space<hbm>> -> memref<1x1x8x1613xf32, #tpu.memory_space<hbm>>
        %dma_wait3A_1148 = tpu.memref_squeeze %dma_wait3A_1147 : memref<1x1x8x1613xf32, #tpu.memory_space<hbm>> -> memref<8x1613xf32, #tpu.memory_space<hbm>>
        tpu.wait_dma2 semaphore(%run_scoped3A_1138 : memref<!tpu.dma_semaphore, #tpu.memory_space<semaphore_mem>>) src(%arg15 : memref<8x1613xf32, #tpu.memory_space<vmem>>) dst(%dma_wait3A_1148 : memref<8x1613xf32, #tpu.memory_space<hbm>>)
        tpu.yield
      }) : () -> ()
      %mul3A_1134 = arith.constant 8 : i32
      %mul3A_1135 = arith.muli %mul3A_1134, %add3A_69 : i32
      %run_scoped3A_1136 = arith.constant 0 : i32
      %run_scoped3A_1137 = arith.constant 0 : i32
      "tpu.region"() ({
        %run_scoped3A_1138 = tpu.sem_alloc : memref<!tpu.dma_semaphore, #tpu.memory_space<semaphore_mem>>
        %dma_start3A = arith.constant 0 : i32
        %dma_start3A_1139 = tpu.memref_slice %arg8[%run_scoped3A_1136, %run_scoped3A_1137, %mul3A_1135, %dma_start3A] : memref<1x1x1050x1613xf32, #tpu.memory_space<hbm>> -> memref<1x1x8x1613xf32, #tpu.memory_space<hbm>>
        %dma_start3A_1140 = tpu.memref_squeeze %dma_start3A_1139 : memref<1x1x8x1613xf32, #tpu.memory_space<hbm>> -> memref<8x1613xf32, #tpu.memory_space<hbm>>
        %dma_start3A_1141 = arith.constant 0 : i32
        %dma_start3A_1142 = tpu.memref_slice %arg8[%run_scoped3A_1136, %run_scoped3A_1137, %mul3A_1135, %dma_start3A_1141] : memref<1x1x1050x1613xf32, #tpu.memory_space<hbm>> -> memref<1x1x8x1613xf32, #tpu.memory_space<hbm>>
        %dma_start3A_1143 = tpu.memref_squeeze %dma_start3A_1142 : memref<1x1x8x1613xf32, #tpu.memory_space<hbm>> -> memref<8x1613xf32, #tpu.memory_space<hbm>>
        tpu.enqueue_dma source(%arg16 : memref<8x1613xf32, #tpu.memory_space<vmem>>) target(%dma_start3A_1143 : memref<8x1613xf32, #tpu.memory_space<hbm>>) target_semaphore(%run_scoped3A_1138 : memref<!tpu.dma_semaphore, #tpu.memory_space<semaphore_mem>>)
        %dma_wait3A = arith.constant 0 : i32
        %dma_wait3A_1144 = tpu.memref_slice %arg8[%run_scoped3A_1136, %run_scoped3A_1137, %mul3A_1135, %dma_wait3A] : memref<1x1x1050x1613xf32, #tpu.memory_space<hbm>> -> memref<1x1x8x1613xf32, #tpu.memory_space<hbm>>
        %dma_wait3A_1145 = tpu.memref_squeeze %dma_wait3A_1144 : memref<1x1x8x1613xf32, #tpu.memory_space<hbm>> -> memref<8x1613xf32, #tpu.memory_space<hbm>>
        %dma_wait3A_1146 = arith.constant 0 : i32
        %dma_wait3A_1147 = tpu.memref_slice %arg8[%run_scoped3A_1136, %run_scoped3A_1137, %mul3A_1135, %dma_wait3A_1146] : memref<1x1x1050x1613xf32, #tpu.memory_space<hbm>> -> memref<1x1x8x1613xf32, #tpu.memory_space<hbm>>
        %dma_wait3A_1148 = tpu.memref_squeeze %dma_wait3A_1147 : memref<1x1x8x1613xf32, #tpu.memory_space<hbm>> -> memref<8x1613xf32, #tpu.memory_space<hbm>>
        tpu.wait_dma2 semaphore(%run_scoped3A_1138 : memref<!tpu.dma_semaphore, #tpu.memory_space<semaphore_mem>>) src(%arg16 : memref<8x1613xf32, #tpu.memory_space<vmem>>) dst(%dma_wait3A_1148 : memref<8x1613xf32, #tpu.memory_space<hbm>>)
        tpu.yield
      }) : () -> ()
    } else {
    }
    %eq3A = arith.constant 131 : i32
    %eq3A_324 = arith.cmpi eq, %add3A_69, %eq3A : i32
    %convert_element_type3A_325 = arith.extui %eq3A_324 : i1 to i32
    %cond3A_326 = arith.constant 0 : i32
    %cond3A_327 = arith.cmpi ne, %convert_element_type3A_325, %cond3A_326 : i32
    scf.if %cond3A_327 {
      %run_scoped3A = arith.constant 0 : i32
      %run_scoped3A_1131 = arith.constant 0 : i32
      "tpu.region"() ({
        %run_scoped3A_1134 = tpu.sem_alloc : memref<!tpu.dma_semaphore, #tpu.memory_space<semaphore_mem>>
        %dma_start3A = arith.constant 0 : i32
        %dma_start3A_1135 = arith.constant 0 : i32
        %dma_start3A_1136 = tpu.memref_slice %arg15[%dma_start3A, %dma_start3A_1135] : memref<8x1613xf32, #tpu.memory_space<vmem>> -> memref<2x1613xf32, #tpu.memory_space<vmem>>
        %dma_start3A_1137 = arith.constant 1048 : i32
        %dma_start3A_1138 = arith.constant 0 : i32
        %dma_start3A_1139 = tpu.memref_slice %arg7[%run_scoped3A, %run_scoped3A_1131, %dma_start3A_1137, %dma_start3A_1138] : memref<1x1x1050x1613xf32, #tpu.memory_space<hbm>> -> memref<1x1x2x1613xf32, #tpu.memory_space<hbm>>
        %dma_start3A_1140 = tpu.memref_squeeze %dma_start3A_1139 : memref<1x1x2x1613xf32, #tpu.memory_space<hbm>> -> memref<2x1613xf32, #tpu.memory_space<hbm>>
        %dma_start3A_1141 = arith.constant 1048 : i32
        %dma_start3A_1142 = arith.constant 0 : i32
        %dma_start3A_1143 = tpu.memref_slice %arg7[%run_scoped3A, %run_scoped3A_1131, %dma_start3A_1141, %dma_start3A_1142] : memref<1x1x1050x1613xf32, #tpu.memory_space<hbm>> -> memref<1x1x2x1613xf32, #tpu.memory_space<hbm>>
        %dma_start3A_1144 = tpu.memref_squeeze %dma_start3A_1143 : memref<1x1x2x1613xf32, #tpu.memory_space<hbm>> -> memref<2x1613xf32, #tpu.memory_space<hbm>>
        %dma_start3A_1145 = arith.constant 0 : i32
        %dma_start3A_1146 = arith.constant 0 : i32
        %dma_start3A_1147 = tpu.memref_slice %arg15[%dma_start3A_1145, %dma_start3A_1146] : memref<8x1613xf32, #tpu.memory_space<vmem>> -> memref<2x1613xf32, #tpu.memory_space<vmem>>
        tpu.enqueue_dma source(%dma_start3A_1147 : memref<2x1613xf32, #tpu.memory_space<vmem>>) target(%dma_start3A_1144 : memref<2x1613xf32, #tpu.memory_space<hbm>>) target_semaphore(%run_scoped3A_1134 : memref<!tpu.dma_semaphore, #tpu.memory_space<semaphore_mem>>)
        %dma_wait3A = arith.constant 0 : i32
        %dma_wait3A_1148 = arith.constant 0 : i32
        %dma_wait3A_1149 = tpu.memref_slice %arg15[%dma_wait3A, %dma_wait3A_1148] : memref<8x1613xf32, #tpu.memory_space<vmem>> -> memref<2x1613xf32, #tpu.memory_space<vmem>>
        %dma_wait3A_1150 = arith.constant 1048 : i32
        %dma_wait3A_1151 = arith.constant 0 : i32
        %dma_wait3A_1152 = tpu.memref_slice %arg7[%run_scoped3A, %run_scoped3A_1131, %dma_wait3A_1150, %dma_wait3A_1151] : memref<1x1x1050x1613xf32, #tpu.memory_space<hbm>> -> memref<1x1x2x1613xf32, #tpu.memory_space<hbm>>
        %dma_wait3A_1153 = tpu.memref_squeeze %dma_wait3A_1152 : memref<1x1x2x1613xf32, #tpu.memory_space<hbm>> -> memref<2x1613xf32, #tpu.memory_space<hbm>>
        %dma_wait3A_1154 = arith.constant 1048 : i32
        %dma_wait3A_1155 = arith.constant 0 : i32
        %dma_wait3A_1156 = tpu.memref_slice %arg7[%run_scoped3A, %run_scoped3A_1131, %dma_wait3A_1154, %dma_wait3A_1155] : memref<1x1x1050x1613xf32, #tpu.memory_space<hbm>> -> memref<1x1x2x1613xf32, #tpu.memory_space<hbm>>
        %dma_wait3A_1157 = tpu.memref_squeeze %dma_wait3A_1156 : memref<1x1x2x1613xf32, #tpu.memory_space<hbm>> -> memref<2x1613xf32, #tpu.memory_space<hbm>>
        %dma_wait3A_1158 = arith.constant 0 : i32
        %dma_wait3A_1159 = arith.constant 0 : i32
        %dma_wait3A_1160 = tpu.memref_slice %arg15[%dma_wait3A_1158, %dma_wait3A_1159] : memref<8x1613xf32, #tpu.memory_space<vmem>> -> memref<2x1613xf32, #tpu.memory_space<vmem>>
        tpu.wait_dma2 semaphore(%run_scoped3A_1134 : memref<!tpu.dma_semaphore, #tpu.memory_space<semaphore_mem>>) src(%dma_wait3A_1160 : memref<2x1613xf32, #tpu.memory_space<vmem>>) dst(%dma_wait3A_1157 : memref<2x1613xf32, #tpu.memory_space<hbm>>)
        tpu.yield
      }) : () -> ()
      %run_scoped3A_1132 = arith.constant 0 : i32
      %run_scoped3A_1133 = arith.constant 0 : i32
      "tpu.region"() ({
        %run_scoped3A_1134 = tpu.sem_alloc : memref<!tpu.dma_semaphore, #tpu.memory_space<semaphore_mem>>
        %dma_start3A = arith.constant 0 : i32
        %dma_start3A_1135 = arith.constant 0 : i32
        %dma_start3A_1136 = tpu.memref_slice %arg16[%dma_start3A, %dma_start3A_1135] : memref<8x1613xf32, #tpu.memory_space<vmem>> -> memref<2x1613xf32, #tpu.memory_space<vmem>>
        %dma_start3A_1137 = arith.constant 1048 : i32
        %dma_start3A_1138 = arith.constant 0 : i32
        %dma_start3A_1139 = tpu.memref_slice %arg8[%run_scoped3A_1132, %run_scoped3A_1133, %dma_start3A_1137, %dma_start3A_1138] : memref<1x1x1050x1613xf32, #tpu.memory_space<hbm>> -> memref<1x1x2x1613xf32, #tpu.memory_space<hbm>>
        %dma_start3A_1140 = tpu.memref_squeeze %dma_start3A_1139 : memref<1x1x2x1613xf32, #tpu.memory_space<hbm>> -> memref<2x1613xf32, #tpu.memory_space<hbm>>
        %dma_start3A_1141 = arith.constant 1048 : i32
        %dma_start3A_1142 = arith.constant 0 : i32
        %dma_start3A_1143 = tpu.memref_slice %arg8[%run_scoped3A_1132, %run_scoped3A_1133, %dma_start3A_1141, %dma_start3A_1142] : memref<1x1x1050x1613xf32, #tpu.memory_space<hbm>> -> memref<1x1x2x1613xf32, #tpu.memory_space<hbm>>
        %dma_start3A_1144 = tpu.memref_squeeze %dma_start3A_1143 : memref<1x1x2x1613xf32, #tpu.memory_space<hbm>> -> memref<2x1613xf32, #tpu.memory_space<hbm>>
        %dma_start3A_1145 = arith.constant 0 : i32
        %dma_start3A_1146 = arith.constant 0 : i32
        %dma_start3A_1147 = tpu.memref_slice %arg16[%dma_start3A_1145, %dma_start3A_1146] : memref<8x1613xf32, #tpu.memory_space<vmem>> -> memref<2x1613xf32, #tpu.memory_space<vmem>>
        tpu.enqueue_dma source(%dma_start3A_1147 : memref<2x1613xf32, #tpu.memory_space<vmem>>) target(%dma_start3A_1144 : memref<2x1613xf32, #tpu.memory_space<hbm>>) target_semaphore(%run_scoped3A_1134 : memref<!tpu.dma_semaphore, #tpu.memory_space<semaphore_mem>>)
        %dma_wait3A = arith.constant 0 : i32
        %dma_wait3A_1148 = arith.constant 0 : i32
        %dma_wait3A_1149 = tpu.memref_slice %arg16[%dma_wait3A, %dma_wait3A_1148] : memref<8x1613xf32, #tpu.memory_space<vmem>> -> memref<2x1613xf32, #tpu.memory_space<vmem>>
        %dma_wait3A_1150 = arith.constant 1048 : i32
        %dma_wait3A_1151 = arith.constant 0 : i32
        %dma_wait3A_1152 = tpu.memref_slice %arg8[%run_scoped3A_1132, %run_scoped3A_1133, %dma_wait3A_1150, %dma_wait3A_1151] : memref<1x1x1050x1613xf32, #tpu.memory_space<hbm>> -> memref<1x1x2x1613xf32, #tpu.memory_space<hbm>>
        %dma_wait3A_1153 = tpu.memref_squeeze %dma_wait3A_1152 : memref<1x1x2x1613xf32, #tpu.memory_space<hbm>> -> memref<2x1613xf32, #tpu.memory_space<hbm>>
        %dma_wait3A_1154 = arith.constant 1048 : i32
        %dma_wait3A_1155 = arith.constant 0 : i32
        %dma_wait3A_1156 = tpu.memref_slice %arg8[%run_scoped3A_1132, %run_scoped3A_1133, %dma_wait3A_1154, %dma_wait3A_1155] : memref<1x1x1050x1613xf32, #tpu.memory_space<hbm>> -> memref<1x1x2x1613xf32, #tpu.memory_space<hbm>>
        %dma_wait3A_1157 = tpu.memref_squeeze %dma_wait3A_1156 : memref<1x1x2x1613xf32, #tpu.memory_space<hbm>> -> memref<2x1613xf32, #tpu.memory_space<hbm>>
        %dma_wait3A_1158 = arith.constant 0 : i32
        %dma_wait3A_1159 = arith.constant 0 : i32
        %dma_wait3A_1160 = tpu.memref_slice %arg16[%dma_wait3A_1158, %dma_wait3A_1159] : memref<8x1613xf32, #tpu.memory_space<vmem>> -> memref<2x1613xf32, #tpu.memory_space<vmem>>
        tpu.wait_dma2 semaphore(%run_scoped3A_1134 : memref<!tpu.dma_semaphore, #tpu.memory_space<semaphore_mem>>) src(%dma_wait3A_1160 : memref<2x1613xf32, #tpu.memory_space<vmem>>) dst(%dma_wait3A_1157 : memref<2x1613xf32, #tpu.memory_space<hbm>>)
        tpu.yield
      }) : () -> ()
    } else {
    }
    %add3A_328 = arith.constant 1 : i32
    %add3A_329 = arith.addi %add3A_4, %add3A_328 : i32
    %broadcast_in_dim3A_330 = arith.constant 16 : i32
    %broadcast_in_dim3A_331 = vector.broadcast %broadcast_in_dim3A_330 : i32 to vector<16xi32>
    %gather3A_332 = tpu.vector_load_idx %arg13[%broadcast_in_dim3A_331] : memref<56xi32, #tpu.memory_space<vmem>>[vector<16xi32>], vector<16xi32>,
    %mul3A_333 = arith.constant 512 : i32
    %mul3A_334 = vector.broadcast %mul3A_333 : i32 to vector<16xi32>
    %mul3A_335 = arith.muli %gather3A_332, %mul3A_334 : vector<16xi32>
    %sub3A_336 = arith.subi %mul3A_335, %broadcast_in_dim3A : vector<16xi32>
    %jit3A_337 = arith.constant 0 : i32
    %jit3A_338 = arith.constant 15872 : i32
    %max3A_339 = vector.broadcast %jit3A_337 : i32 to vector<16xi32>
    %max3A_340 = arith.maxsi %max3A_339, %sub3A_336 : vector<16xi32>
    %min3A_341 = vector.broadcast %jit3A_338 : i32 to vector<16xi32>
    %min3A_342 = arith.minsi %min3A_341, %max3A_340 : vector<16xi32>
    %gather3A_343 = tpu.vector_load_idx %arg14[%broadcast_in_dim3A_331] : memref<56xi32, #tpu.memory_space<vmem>>[vector<16xi32>], vector<16xi32>,
    %mul3A_344 = arith.constant 512 : i32
    %mul3A_345 = vector.broadcast %mul3A_344 : i32 to vector<16xi32>
    %mul3A_346 = arith.muli %gather3A_343, %mul3A_345 : vector<16xi32>
    %sub3A_347 = arith.subi %mul3A_346, %broadcast_in_dim3A : vector<16xi32>
    %jit3A_348 = arith.constant 0 : i32
    %jit3A_349 = arith.constant 15872 : i32
    %max3A_350 = vector.broadcast %jit3A_348 : i32 to vector<16xi32>
    %max3A_351 = arith.maxsi %max3A_350, %sub3A_347 : vector<16xi32>
    %min3A_352 = vector.broadcast %jit3A_349 : i32 to vector<16xi32>
    %min3A_353 = arith.minsi %min3A_352, %max3A_351 : vector<16xi32>
    %broadcast_in_dim3A_354 = arith.constant 17 : i32
    %broadcast_in_dim3A_355 = vector.broadcast %broadcast_in_dim3A_354 : i32 to vector<16xi32>
    %gather3A_356 = tpu.vector_load_idx %arg13[%broadcast_in_dim3A_355] : memref<56xi32, #tpu.memory_space<vmem>>[vector<16xi32>], vector<16xi32>,
    %mul3A_357 = arith.constant 512 : i32
    %mul3A_358 = vector.broadcast %mul3A_357 : i32 to vector<16xi32>
    %mul3A_359 = arith.muli %gather3A_356, %mul3A_358 : vector<16xi32>
    %sub3A_360 = arith.subi %mul3A_359, %broadcast_in_dim3A : vector<16xi32>
    %jit3A_361 = arith.constant 0 : i32
    %jit3A_362 = arith.constant 15872 : i32
    %max3A_363 = vector.broadcast %jit3A_361 : i32 to vector<16xi32>
    %max3A_364 = arith.maxsi %max3A_363, %sub3A_360 : vector<16xi32>
    %min3A_365 = vector.broadcast %jit3A_362 : i32 to vector<16xi32>
    %min3A_366 = arith.minsi %min3A_365, %max3A_364 : vector<16xi32>
    %gather3A_367 = tpu.vector_load_idx %arg14[%broadcast_in_dim3A_355] : memref<56xi32, #tpu.memory_space<vmem>>[vector<16xi32>], vector<16xi32>,
    %mul3A_368 = arith.constant 512 : i32
    %mul3A_369 = vector.broadcast %mul3A_368 : i32 to vector<16xi32>
    %mul3A_370 = arith.muli %gather3A_367, %mul3A_369 : vector<16xi32>
    %sub3A_371 = arith.subi %mul3A_370, %broadcast_in_dim3A : vector<16xi32>
    %jit3A_372 = arith.constant 0 : i32
    %jit3A_373 = arith.constant 15872 : i32
    %max3A_374 = vector.broadcast %jit3A_372 : i32 to vector<16xi32>
    %max3A_375 = arith.maxsi %max3A_374, %sub3A_371 : vector<16xi32>
    %min3A_376 = vector.broadcast %jit3A_373 : i32 to vector<16xi32>
    %min3A_377 = arith.minsi %min3A_376, %max3A_375 : vector<16xi32>
    %broadcast_in_dim3A_378 = arith.constant 18 : i32
    %broadcast_in_dim3A_379 = vector.broadcast %broadcast_in_dim3A_378 : i32 to vector<16xi32>
    %gather3A_380 = tpu.vector_load_idx %arg13[%broadcast_in_dim3A_379] : memref<56xi32, #tpu.memory_space<vmem>>[vector<16xi32>], vector<16xi32>,
    %mul3A_381 = arith.constant 512 : i32
    %mul3A_382 = vector.broadcast %mul3A_381 : i32 to vector<16xi32>
    %mul3A_383 = arith.muli %gather3A_380, %mul3A_382 : vector<16xi32>
    %sub3A_384 = arith.subi %mul3A_383, %broadcast_in_dim3A : vector<16xi32>
    %jit3A_385 = arith.constant 0 : i32
    %jit3A_386 = arith.constant 15872 : i32
    %max3A_387 = vector.broadcast %jit3A_385 : i32 to vector<16xi32>
    %max3A_388 = arith.maxsi %max3A_387, %sub3A_384 : vector<16xi32>
    %min3A_389 = vector.broadcast %jit3A_386 : i32 to vector<16xi32>
    %min3A_390 = arith.minsi %min3A_389, %max3A_388 : vector<16xi32>
    %gather3A_391 = tpu.vector_load_idx %arg14[%broadcast_in_dim3A_379] : memref<56xi32, #tpu.memory_space<vmem>>[vector<16xi32>], vector<16xi32>,
    %mul3A_392 = arith.constant 512 : i32
    %mul3A_393 = vector.broadcast %mul3A_392 : i32 to vector<16xi32>
    %mul3A_394 = arith.muli %gather3A_391, %mul3A_393 : vector<16xi32>
    %sub3A_395 = arith.subi %mul3A_394, %broadcast_in_dim3A : vector<16xi32>
    %jit3A_396 = arith.constant 0 : i32
    %jit3A_397 = arith.constant 15872 : i32
    %max3A_398 = vector.broadcast %jit3A_396 : i32 to vector<16xi32>
    %max3A_399 = arith.maxsi %max3A_398, %sub3A_395 : vector<16xi32>
    %min3A_400 = vector.broadcast %jit3A_397 : i32 to vector<16xi32>
    %min3A_401 = arith.minsi %min3A_400, %max3A_399 : vector<16xi32>
    %broadcast_in_dim3A_402 = arith.constant 19 : i32
    %broadcast_in_dim3A_403 = vector.broadcast %broadcast_in_dim3A_402 : i32 to vector<16xi32>
    %gather3A_404 = tpu.vector_load_idx %arg13[%broadcast_in_dim3A_403] : memref<56xi32, #tpu.memory_space<vmem>>[vector<16xi32>], vector<16xi32>,
    %mul3A_405 = arith.constant 512 : i32
    %mul3A_406 = vector.broadcast %mul3A_405 : i32 to vector<16xi32>
    %mul3A_407 = arith.muli %gather3A_404, %mul3A_406 : vector<16xi32>
    %sub3A_408 = arith.subi %mul3A_407, %broadcast_in_dim3A : vector<16xi32>
    %jit3A_409 = arith.constant 0 : i32
    %jit3A_410 = arith.constant 15872 : i32
    %max3A_411 = vector.broadcast %jit3A_409 : i32 to vector<16xi32>
    %max3A_412 = arith.maxsi %max3A_411, %sub3A_408 : vector<16xi32>
    %min3A_413 = vector.broadcast %jit3A_410 : i32 to vector<16xi32>
    %min3A_414 = arith.minsi %min3A_413, %max3A_412 : vector<16xi32>
    %gather3A_415 = tpu.vector_load_idx %arg14[%broadcast_in_dim3A_403] : memref<56xi32, #tpu.memory_space<vmem>>[vector<16xi32>], vector<16xi32>,
    %mul3A_416 = arith.constant 512 : i32
    %mul3A_417 = vector.broadcast %mul3A_416 : i32 to vector<16xi32>
    %mul3A_418 = arith.muli %gather3A_415, %mul3A_417 : vector<16xi32>
    %sub3A_419 = arith.subi %mul3A_418, %broadcast_in_dim3A : vector<16xi32>
    %jit3A_420 = arith.constant 0 : i32
    %jit3A_421 = arith.constant 15872 : i32
    %max3A_422 = vector.broadcast %jit3A_420 : i32 to vector<16xi32>
    %max3A_423 = arith.maxsi %max3A_422, %sub3A_419 : vector<16xi32>
    %min3A_424 = vector.broadcast %jit3A_421 : i32 to vector<16xi32>
    %min3A_425 = arith.minsi %min3A_424, %max3A_423 : vector<16xi32>
    %parallel_loop3A_426 = arith.constant 0 : i32
    %parallel_loop3A_427 = arith.constant 100 : i32
    %parallel_loop3A_428 = arith.constant 1 : i32
    scf.for %parallel_loop3A_1131 = %parallel_loop3A_426 to %parallel_loop3A_427 step %parallel_loop3A_428  : i32 {
      %parallel_loop3A_1132 = arith.constant 16 : i32
      %parallel_loop3A_1133 = arith.muli %parallel_loop3A_1131, %parallel_loop3A_1132 : i32
      %parallel_loop3A_1134 = arith.index_cast %parallel_loop3A_1133 : i32 to index
      %parallel_loop3A_1135 = tpu.vector_load %arg11[%parallel_loop3A_1134] {strides = array<i32>} : memref<1664xi32, #tpu.memory_space<vmem>>, vector<16xi32>,
      %parallel_loop3A_1136 = arith.constant 16 : i32
      %parallel_loop3A_1137 = arith.muli %parallel_loop3A_1131, %parallel_loop3A_1136 : i32
      %parallel_loop3A_1138 = arith.index_cast %parallel_loop3A_1137 : i32 to index
      %parallel_loop3A_1139 = tpu.vector_load %arg12[%parallel_loop3A_1138] {strides = array<i32>} : memref<1664xi32, #tpu.memory_space<vmem>>, vector<16xi32>,
      %parallel_loop3A_1140 = arith.addi %min3A_342, %parallel_loop3A_1135 : vector<16xi32>
      %parallel_loop3A_1141 = tpu.vector_load_idx %arg10[%parallel_loop3A_1140] : memref<16384xf32, #tpu.memory_space<vmem>>[vector<16xi32>], vector<16xf32>,
      %parallel_loop3A_1142 = arith.constant 16 : i32
      %parallel_loop3A_1143 = arith.muli %parallel_loop3A_1131, %parallel_loop3A_1142 : i32
      %parallel_loop3A_1144 = arith.constant 0 : i32
      %parallel_loop3A_1145 = arith.index_cast %parallel_loop3A_1144 : i32 to index
      %parallel_loop3A_1146 = arith.index_cast %parallel_loop3A_1143 : i32 to index
      %parallel_loop3A_1147 = tpu.vector_load %arg15[%parallel_loop3A_1145, %parallel_loop3A_1146] {strides = array<i32>} : memref<8x1613xf32, #tpu.memory_space<vmem>>, vector<16xf32>,
      tpu.vector_store %arg15[%parallel_loop3A_1145, %parallel_loop3A_1146], %parallel_loop3A_1141 {strides = array<i32>} : memref<8x1613xf32, #tpu.memory_space<vmem>>, vector<16xf32>,
      %parallel_loop3A_1148 = arith.addi %min3A_353, %parallel_loop3A_1139 : vector<16xi32>
      %parallel_loop3A_1149 = tpu.vector_load_idx %arg10[%parallel_loop3A_1148] : memref<16384xf32, #tpu.memory_space<vmem>>[vector<16xi32>], vector<16xf32>,
      %parallel_loop3A_1150 = arith.constant 16 : i32
      %parallel_loop3A_1151 = arith.muli %parallel_loop3A_1131, %parallel_loop3A_1150 : i32
      %parallel_loop3A_1152 = arith.constant 0 : i32
      %parallel_loop3A_1153 = arith.index_cast %parallel_loop3A_1152 : i32 to index
      %parallel_loop3A_1154 = arith.index_cast %parallel_loop3A_1151 : i32 to index
      %parallel_loop3A_1155 = tpu.vector_load %arg16[%parallel_loop3A_1153, %parallel_loop3A_1154] {strides = array<i32>} : memref<8x1613xf32, #tpu.memory_space<vmem>>, vector<16xf32>,
      tpu.vector_store %arg16[%parallel_loop3A_1153, %parallel_loop3A_1154], %parallel_loop3A_1149 {strides = array<i32>} : memref<8x1613xf32, #tpu.memory_space<vmem>>, vector<16xf32>,
      %parallel_loop3A_1156 = arith.addi %min3A_366, %parallel_loop3A_1135 : vector<16xi32>
      %parallel_loop3A_1157 = tpu.vector_load_idx %arg10[%parallel_loop3A_1156] : memref<16384xf32, #tpu.memory_space<vmem>>[vector<16xi32>], vector<16xf32>,
      %parallel_loop3A_1158 = arith.constant 16 : i32
      %parallel_loop3A_1159 = arith.muli %parallel_loop3A_1131, %parallel_loop3A_1158 : i32
      %parallel_loop3A_1160 = arith.constant 1 : i32
      %parallel_loop3A_1161 = arith.index_cast %parallel_loop3A_1160 : i32 to index
      %parallel_loop3A_1162 = arith.index_cast %parallel_loop3A_1159 : i32 to index
      %parallel_loop3A_1163 = tpu.vector_load %arg15[%parallel_loop3A_1161, %parallel_loop3A_1162] {strides = array<i32>} : memref<8x1613xf32, #tpu.memory_space<vmem>>, vector<16xf32>,
      tpu.vector_store %arg15[%parallel_loop3A_1161, %parallel_loop3A_1162], %parallel_loop3A_1157 {strides = array<i32>} : memref<8x1613xf32, #tpu.memory_space<vmem>>, vector<16xf32>,
      %parallel_loop3A_1164 = arith.addi %min3A_377, %parallel_loop3A_1139 : vector<16xi32>
      %parallel_loop3A_1165 = tpu.vector_load_idx %arg10[%parallel_loop3A_1164] : memref<16384xf32, #tpu.memory_space<vmem>>[vector<16xi32>], vector<16xf32>,
      %parallel_loop3A_1166 = arith.constant 16 : i32
      %parallel_loop3A_1167 = arith.muli %parallel_loop3A_1131, %parallel_loop3A_1166 : i32
      %parallel_loop3A_1168 = arith.constant 1 : i32
      %parallel_loop3A_1169 = arith.index_cast %parallel_loop3A_1168 : i32 to index
      %parallel_loop3A_1170 = arith.index_cast %parallel_loop3A_1167 : i32 to index
      %parallel_loop3A_1171 = tpu.vector_load %arg16[%parallel_loop3A_1169, %parallel_loop3A_1170] {strides = array<i32>} : memref<8x1613xf32, #tpu.memory_space<vmem>>, vector<16xf32>,
      tpu.vector_store %arg16[%parallel_loop3A_1169, %parallel_loop3A_1170], %parallel_loop3A_1165 {strides = array<i32>} : memref<8x1613xf32, #tpu.memory_space<vmem>>, vector<16xf32>,
      %parallel_loop3A_1172 = arith.addi %min3A_390, %parallel_loop3A_1135 : vector<16xi32>
      %parallel_loop3A_1173 = tpu.vector_load_idx %arg10[%parallel_loop3A_1172] : memref<16384xf32, #tpu.memory_space<vmem>>[vector<16xi32>], vector<16xf32>,
      %parallel_loop3A_1174 = arith.constant 16 : i32
      %parallel_loop3A_1175 = arith.muli %parallel_loop3A_1131, %parallel_loop3A_1174 : i32
      %parallel_loop3A_1176 = arith.constant 2 : i32
      %parallel_loop3A_1177 = arith.index_cast %parallel_loop3A_1176 : i32 to index
      %parallel_loop3A_1178 = arith.index_cast %parallel_loop3A_1175 : i32 to index
      %parallel_loop3A_1179 = tpu.vector_load %arg15[%parallel_loop3A_1177, %parallel_loop3A_1178] {strides = array<i32>} : memref<8x1613xf32, #tpu.memory_space<vmem>>, vector<16xf32>,
      tpu.vector_store %arg15[%parallel_loop3A_1177, %parallel_loop3A_1178], %parallel_loop3A_1173 {strides = array<i32>} : memref<8x1613xf32, #tpu.memory_space<vmem>>, vector<16xf32>,
      %parallel_loop3A_1180 = arith.addi %min3A_401, %parallel_loop3A_1139 : vector<16xi32>
      %parallel_loop3A_1181 = tpu.vector_load_idx %arg10[%parallel_loop3A_1180] : memref<16384xf32, #tpu.memory_space<vmem>>[vector<16xi32>], vector<16xf32>,
      %parallel_loop3A_1182 = arith.constant 16 : i32
      %parallel_loop3A_1183 = arith.muli %parallel_loop3A_1131, %parallel_loop3A_1182 : i32
      %parallel_loop3A_1184 = arith.constant 2 : i32
      %parallel_loop3A_1185 = arith.index_cast %parallel_loop3A_1184 : i32 to index
      %parallel_loop3A_1186 = arith.index_cast %parallel_loop3A_1183 : i32 to index
      %parallel_loop3A_1187 = tpu.vector_load %arg16[%parallel_loop3A_1185, %parallel_loop3A_1186] {strides = array<i32>} : memref<8x1613xf32, #tpu.memory_space<vmem>>, vector<16xf32>,
      tpu.vector_store %arg16[%parallel_loop3A_1185, %parallel_loop3A_1186], %parallel_loop3A_1181 {strides = array<i32>} : memref<8x1613xf32, #tpu.memory_space<vmem>>, vector<16xf32>,
      %parallel_loop3A_1188 = arith.addi %min3A_414, %parallel_loop3A_1135 : vector<16xi32>
      %parallel_loop3A_1189 = tpu.vector_load_idx %arg10[%parallel_loop3A_1188] : memref<16384xf32, #tpu.memory_space<vmem>>[vector<16xi32>], vector<16xf32>,
      %parallel_loop3A_1190 = arith.constant 16 : i32
      %parallel_loop3A_1191 = arith.muli %parallel_loop3A_1131, %parallel_loop3A_1190 : i32
      %parallel_loop3A_1192 = arith.constant 3 : i32
      %parallel_loop3A_1193 = arith.index_cast %parallel_loop3A_1192 : i32 to index
      %parallel_loop3A_1194 = arith.index_cast %parallel_loop3A_1191 : i32 to index
      %parallel_loop3A_1195 = tpu.vector_load %arg15[%parallel_loop3A_1193, %parallel_loop3A_1194] {strides = array<i32>} : memref<8x1613xf32, #tpu.memory_space<vmem>>, vector<16xf32>,
      tpu.vector_store %arg15[%parallel_loop3A_1193, %parallel_loop3A_1194], %parallel_loop3A_1189 {strides = array<i32>} : memref<8x1613xf32, #tpu.memory_space<vmem>>, vector<16xf32>,
      %parallel_loop3A_1196 = arith.addi %min3A_425, %parallel_loop3A_1139 : vector<16xi32>
      %parallel_loop3A_1197 = tpu.vector_load_idx %arg10[%parallel_loop3A_1196] : memref<16384xf32, #tpu.memory_space<vmem>>[vector<16xi32>], vector<16xf32>,
      %parallel_loop3A_1198 = arith.constant 16 : i32
      %parallel_loop3A_1199 = arith.muli %parallel_loop3A_1131, %parallel_loop3A_1198 : i32
      %parallel_loop3A_1200 = arith.constant 3 : i32
      %parallel_loop3A_1201 = arith.index_cast %parallel_loop3A_1200 : i32 to index
      %parallel_loop3A_1202 = arith.index_cast %parallel_loop3A_1199 : i32 to index
      %parallel_loop3A_1203 = tpu.vector_load %arg16[%parallel_loop3A_1201, %parallel_loop3A_1202] {strides = array<i32>} : memref<8x1613xf32, #tpu.memory_space<vmem>>, vector<16xf32>,
      tpu.vector_store %arg16[%parallel_loop3A_1201, %parallel_loop3A_1202], %parallel_loop3A_1197 {strides = array<i32>} : memref<8x1613xf32, #tpu.memory_space<vmem>>, vector<16xf32>,
    } {sc.loop_unroll_factor = 2 : i64, sc.parallel_access}
    %get3A_429 = arith.constant 1600 : index
    %get3A_430 = tpu.vector_load %arg11[%get3A_429] {strides = array<i32>} : memref<1664xi32, #tpu.memory_space<vmem>>, vector<16xi32>,
    %get3A_431 = arith.constant 1600 : index
    %get3A_432 = tpu.vector_load %arg12[%get3A_431] {strides = array<i32>} : memref<1664xi32, #tpu.memory_space<vmem>>, vector<16xi32>,
    %broadcast_in_dim3A_433 = arith.constant 0 : i32
    %broadcast_in_dim3A_434 = vector.broadcast %broadcast_in_dim3A_433 : i32 to vector<16xi32>
    %add3A_435 = arith.addi %min3A_342, %get3A_430 : vector<16xi32>
    %gather3A_436 = tpu.vector_load_idx %arg10[%add3A_435] : memref<16384xf32, #tpu.memory_space<vmem>>[vector<16xi32>], vector<16xf32>,
    %add3A_437 = arith.addi %min3A_353, %get3A_432 : vector<16xi32>
    %gather3A_438 = tpu.vector_load_idx %arg10[%add3A_437] : memref<16384xf32, #tpu.memory_space<vmem>>[vector<16xi32>], vector<16xf32>,
    tpu.vector_store_idx %arg15[%broadcast_in_dim3A_434, %add3A_65], %gather3A_436 masked %lt3A_67 : memref<8x1613xf32, #tpu.memory_space<vmem>>[vector<16xi32>, vector<16xi32>], vector<16xf32>, vector<16xi1>
    tpu.vector_store_idx %arg16[%broadcast_in_dim3A_434, %add3A_65], %gather3A_438 masked %lt3A_67 : memref<8x1613xf32, #tpu.memory_space<vmem>>[vector<16xi32>, vector<16xi32>], vector<16xf32>, vector<16xi1>
    %broadcast_in_dim3A_439 = arith.constant 1 : i32
    %broadcast_in_dim3A_440 = vector.broadcast %broadcast_in_dim3A_439 : i32 to vector<16xi32>
    %add3A_441 = arith.addi %min3A_366, %get3A_430 : vector<16xi32>
    %gather3A_442 = tpu.vector_load_idx %arg10[%add3A_441] : memref<16384xf32, #tpu.memory_space<vmem>>[vector<16xi32>], vector<16xf32>,
    %add3A_443 = arith.addi %min3A_377, %get3A_432 : vector<16xi32>
    %gather3A_444 = tpu.vector_load_idx %arg10[%add3A_443] : memref<16384xf32, #tpu.memory_space<vmem>>[vector<16xi32>], vector<16xf32>,
    tpu.vector_store_idx %arg15[%broadcast_in_dim3A_440, %add3A_65], %gather3A_442 masked %lt3A_67 : memref<8x1613xf32, #tpu.memory_space<vmem>>[vector<16xi32>, vector<16xi32>], vector<16xf32>, vector<16xi1>
    tpu.vector_store_idx %arg16[%broadcast_in_dim3A_440, %add3A_65], %gather3A_444 masked %lt3A_67 : memref<8x1613xf32, #tpu.memory_space<vmem>>[vector<16xi32>, vector<16xi32>], vector<16xf32>, vector<16xi1>
    %broadcast_in_dim3A_445 = arith.constant 2 : i32
    %broadcast_in_dim3A_446 = vector.broadcast %broadcast_in_dim3A_445 : i32 to vector<16xi32>
    %add3A_447 = arith.addi %min3A_390, %get3A_430 : vector<16xi32>
    %gather3A_448 = tpu.vector_load_idx %arg10[%add3A_447] : memref<16384xf32, #tpu.memory_space<vmem>>[vector<16xi32>], vector<16xf32>,
    %add3A_449 = arith.addi %min3A_401, %get3A_432 : vector<16xi32>
    %gather3A_450 = tpu.vector_load_idx %arg10[%add3A_449] : memref<16384xf32, #tpu.memory_space<vmem>>[vector<16xi32>], vector<16xf32>,
    tpu.vector_store_idx %arg15[%broadcast_in_dim3A_446, %add3A_65], %gather3A_448 masked %lt3A_67 : memref<8x1613xf32, #tpu.memory_space<vmem>>[vector<16xi32>, vector<16xi32>], vector<16xf32>, vector<16xi1>
    tpu.vector_store_idx %arg16[%broadcast_in_dim3A_446, %add3A_65], %gather3A_450 masked %lt3A_67 : memref<8x1613xf32, #tpu.memory_space<vmem>>[vector<16xi32>, vector<16xi32>], vector<16xf32>, vector<16xi1>
    %broadcast_in_dim3A_451 = arith.constant 3 : i32
    %broadcast_in_dim3A_452 = vector.broadcast %broadcast_in_dim3A_451 : i32 to vector<16xi32>
    %add3A_453 = arith.addi %min3A_414, %get3A_430 : vector<16xi32>
    %gather3A_454 = tpu.vector_load_idx %arg10[%add3A_453] : memref<16384xf32, #tpu.memory_space<vmem>>[vector<16xi32>], vector<16xf32>,
    %add3A_455 = arith.addi %min3A_425, %get3A_432 : vector<16xi32>
    %gather3A_456 = tpu.vector_load_idx %arg10[%add3A_455] : memref<16384xf32, #tpu.memory_space<vmem>>[vector<16xi32>], vector<16xf32>,
    tpu.vector_store_idx %arg15[%broadcast_in_dim3A_452, %add3A_65], %gather3A_454 masked %lt3A_67 : memref<8x1613xf32, #tpu.memory_space<vmem>>[vector<16xi32>, vector<16xi32>], vector<16xf32>, vector<16xi1>
    tpu.vector_store_idx %arg16[%broadcast_in_dim3A_452, %add3A_65], %gather3A_456 masked %lt3A_67 : memref<8x1613xf32, #tpu.memory_space<vmem>>[vector<16xi32>, vector<16xi32>], vector<16xf32>, vector<16xi1>
    %broadcast_in_dim3A_457 = arith.constant 20 : i32
    %broadcast_in_dim3A_458 = vector.broadcast %broadcast_in_dim3A_457 : i32 to vector<16xi32>
    %gather3A_459 = tpu.vector_load_idx %arg13[%broadcast_in_dim3A_458] : memref<56xi32, #tpu.memory_space<vmem>>[vector<16xi32>], vector<16xi32>,
    %mul3A_460 = arith.constant 512 : i32
    %mul3A_461 = vector.broadcast %mul3A_460 : i32 to vector<16xi32>
    %mul3A_462 = arith.muli %gather3A_459, %mul3A_461 : vector<16xi32>
    %sub3A_463 = arith.subi %mul3A_462, %broadcast_in_dim3A : vector<16xi32>
    %jit3A_464 = arith.constant 0 : i32
    %jit3A_465 = arith.constant 15872 : i32
    %max3A_466 = vector.broadcast %jit3A_464 : i32 to vector<16xi32>
    %max3A_467 = arith.maxsi %max3A_466, %sub3A_463 : vector<16xi32>
    %min3A_468 = vector.broadcast %jit3A_465 : i32 to vector<16xi32>
    %min3A_469 = arith.minsi %min3A_468, %max3A_467 : vector<16xi32>
    %gather3A_470 = tpu.vector_load_idx %arg14[%broadcast_in_dim3A_458] : memref<56xi32, #tpu.memory_space<vmem>>[vector<16xi32>], vector<16xi32>,
    %mul3A_471 = arith.constant 512 : i32
    %mul3A_472 = vector.broadcast %mul3A_471 : i32 to vector<16xi32>
    %mul3A_473 = arith.muli %gather3A_470, %mul3A_472 : vector<16xi32>
    %sub3A_474 = arith.subi %mul3A_473, %broadcast_in_dim3A : vector<16xi32>
    %jit3A_475 = arith.constant 0 : i32
    %jit3A_476 = arith.constant 15872 : i32
    %max3A_477 = vector.broadcast %jit3A_475 : i32 to vector<16xi32>
    %max3A_478 = arith.maxsi %max3A_477, %sub3A_474 : vector<16xi32>
    %min3A_479 = vector.broadcast %jit3A_476 : i32 to vector<16xi32>
    %min3A_480 = arith.minsi %min3A_479, %max3A_478 : vector<16xi32>
    %broadcast_in_dim3A_481 = arith.constant 21 : i32
    %broadcast_in_dim3A_482 = vector.broadcast %broadcast_in_dim3A_481 : i32 to vector<16xi32>
    %gather3A_483 = tpu.vector_load_idx %arg13[%broadcast_in_dim3A_482] : memref<56xi32, #tpu.memory_space<vmem>>[vector<16xi32>], vector<16xi32>,
    %mul3A_484 = arith.constant 512 : i32
    %mul3A_485 = vector.broadcast %mul3A_484 : i32 to vector<16xi32>
    %mul3A_486 = arith.muli %gather3A_483, %mul3A_485 : vector<16xi32>
    %sub3A_487 = arith.subi %mul3A_486, %broadcast_in_dim3A : vector<16xi32>
    %jit3A_488 = arith.constant 0 : i32
    %jit3A_489 = arith.constant 15872 : i32
    %max3A_490 = vector.broadcast %jit3A_488 : i32 to vector<16xi32>
    %max3A_491 = arith.maxsi %max3A_490, %sub3A_487 : vector<16xi32>
    %min3A_492 = vector.broadcast %jit3A_489 : i32 to vector<16xi32>
    %min3A_493 = arith.minsi %min3A_492, %max3A_491 : vector<16xi32>
    %gather3A_494 = tpu.vector_load_idx %arg14[%broadcast_in_dim3A_482] : memref<56xi32, #tpu.memory_space<vmem>>[vector<16xi32>], vector<16xi32>,
    %mul3A_495 = arith.constant 512 : i32
    %mul3A_496 = vector.broadcast %mul3A_495 : i32 to vector<16xi32>
    %mul3A_497 = arith.muli %gather3A_494, %mul3A_496 : vector<16xi32>
    %sub3A_498 = arith.subi %mul3A_497, %broadcast_in_dim3A : vector<16xi32>
    %jit3A_499 = arith.constant 0 : i32
    %jit3A_500 = arith.constant 15872 : i32
    %max3A_501 = vector.broadcast %jit3A_499 : i32 to vector<16xi32>
    %max3A_502 = arith.maxsi %max3A_501, %sub3A_498 : vector<16xi32>
    %min3A_503 = vector.broadcast %jit3A_500 : i32 to vector<16xi32>
    %min3A_504 = arith.minsi %min3A_503, %max3A_502 : vector<16xi32>
    %broadcast_in_dim3A_505 = arith.constant 22 : i32
    %broadcast_in_dim3A_506 = vector.broadcast %broadcast_in_dim3A_505 : i32 to vector<16xi32>
    %gather3A_507 = tpu.vector_load_idx %arg13[%broadcast_in_dim3A_506] : memref<56xi32, #tpu.memory_space<vmem>>[vector<16xi32>], vector<16xi32>,
    %mul3A_508 = arith.constant 512 : i32
    %mul3A_509 = vector.broadcast %mul3A_508 : i32 to vector<16xi32>
    %mul3A_510 = arith.muli %gather3A_507, %mul3A_509 : vector<16xi32>
    %sub3A_511 = arith.subi %mul3A_510, %broadcast_in_dim3A : vector<16xi32>
    %jit3A_512 = arith.constant 0 : i32
    %jit3A_513 = arith.constant 15872 : i32
    %max3A_514 = vector.broadcast %jit3A_512 : i32 to vector<16xi32>
    %max3A_515 = arith.maxsi %max3A_514, %sub3A_511 : vector<16xi32>
    %min3A_516 = vector.broadcast %jit3A_513 : i32 to vector<16xi32>
    %min3A_517 = arith.minsi %min3A_516, %max3A_515 : vector<16xi32>
    %gather3A_518 = tpu.vector_load_idx %arg14[%broadcast_in_dim3A_506] : memref<56xi32, #tpu.memory_space<vmem>>[vector<16xi32>], vector<16xi32>,
    %mul3A_519 = arith.constant 512 : i32
    %mul3A_520 = vector.broadcast %mul3A_519 : i32 to vector<16xi32>
    %mul3A_521 = arith.muli %gather3A_518, %mul3A_520 : vector<16xi32>
    %sub3A_522 = arith.subi %mul3A_521, %broadcast_in_dim3A : vector<16xi32>
    %jit3A_523 = arith.constant 0 : i32
    %jit3A_524 = arith.constant 15872 : i32
    %max3A_525 = vector.broadcast %jit3A_523 : i32 to vector<16xi32>
    %max3A_526 = arith.maxsi %max3A_525, %sub3A_522 : vector<16xi32>
    %min3A_527 = vector.broadcast %jit3A_524 : i32 to vector<16xi32>
    %min3A_528 = arith.minsi %min3A_527, %max3A_526 : vector<16xi32>
    %broadcast_in_dim3A_529 = arith.constant 23 : i32
    %broadcast_in_dim3A_530 = vector.broadcast %broadcast_in_dim3A_529 : i32 to vector<16xi32>
    %gather3A_531 = tpu.vector_load_idx %arg13[%broadcast_in_dim3A_530] : memref<56xi32, #tpu.memory_space<vmem>>[vector<16xi32>], vector<16xi32>,
    %mul3A_532 = arith.constant 512 : i32
    %mul3A_533 = vector.broadcast %mul3A_532 : i32 to vector<16xi32>
    %mul3A_534 = arith.muli %gather3A_531, %mul3A_533 : vector<16xi32>
    %sub3A_535 = arith.subi %mul3A_534, %broadcast_in_dim3A : vector<16xi32>
    %jit3A_536 = arith.constant 0 : i32
    %jit3A_537 = arith.constant 15872 : i32
    %max3A_538 = vector.broadcast %jit3A_536 : i32 to vector<16xi32>
    %max3A_539 = arith.maxsi %max3A_538, %sub3A_535 : vector<16xi32>
    %min3A_540 = vector.broadcast %jit3A_537 : i32 to vector<16xi32>
    %min3A_541 = arith.minsi %min3A_540, %max3A_539 : vector<16xi32>
    %gather3A_542 = tpu.vector_load_idx %arg14[%broadcast_in_dim3A_530] : memref<56xi32, #tpu.memory_space<vmem>>[vector<16xi32>], vector<16xi32>,
    %mul3A_543 = arith.constant 512 : i32
    %mul3A_544 = vector.broadcast %mul3A_543 : i32 to vector<16xi32>
    %mul3A_545 = arith.muli %gather3A_542, %mul3A_544 : vector<16xi32>
    %sub3A_546 = arith.subi %mul3A_545, %broadcast_in_dim3A : vector<16xi32>
    %jit3A_547 = arith.constant 0 : i32
    %jit3A_548 = arith.constant 15872 : i32
    %max3A_549 = vector.broadcast %jit3A_547 : i32 to vector<16xi32>
    %max3A_550 = arith.maxsi %max3A_549, %sub3A_546 : vector<16xi32>
    %min3A_551 = vector.broadcast %jit3A_548 : i32 to vector<16xi32>
    %min3A_552 = arith.minsi %min3A_551, %max3A_550 : vector<16xi32>
    %parallel_loop3A_553 = arith.constant 0 : i32
    %parallel_loop3A_554 = arith.constant 100 : i32
    %parallel_loop3A_555 = arith.constant 1 : i32
    scf.for %parallel_loop3A_1131 = %parallel_loop3A_553 to %parallel_loop3A_554 step %parallel_loop3A_555  : i32 {
      %parallel_loop3A_1132 = arith.constant 16 : i32
      %parallel_loop3A_1133 = arith.muli %parallel_loop3A_1131, %parallel_loop3A_1132 : i32
      %parallel_loop3A_1134 = arith.index_cast %parallel_loop3A_1133 : i32 to index
      %parallel_loop3A_1135 = tpu.vector_load %arg11[%parallel_loop3A_1134] {strides = array<i32>} : memref<1664xi32, #tpu.memory_space<vmem>>, vector<16xi32>,
      %parallel_loop3A_1136 = arith.constant 16 : i32
      %parallel_loop3A_1137 = arith.muli %parallel_loop3A_1131, %parallel_loop3A_1136 : i32
      %parallel_loop3A_1138 = arith.index_cast %parallel_loop3A_1137 : i32 to index
      %parallel_loop3A_1139 = tpu.vector_load %arg12[%parallel_loop3A_1138] {strides = array<i32>} : memref<1664xi32, #tpu.memory_space<vmem>>, vector<16xi32>,
      %parallel_loop3A_1140 = arith.addi %min3A_469, %parallel_loop3A_1135 : vector<16xi32>
      %parallel_loop3A_1141 = tpu.vector_load_idx %arg10[%parallel_loop3A_1140] : memref<16384xf32, #tpu.memory_space<vmem>>[vector<16xi32>], vector<16xf32>,
      %parallel_loop3A_1142 = arith.constant 16 : i32
      %parallel_loop3A_1143 = arith.muli %parallel_loop3A_1131, %parallel_loop3A_1142 : i32
      %parallel_loop3A_1144 = arith.constant 4 : i32
      %parallel_loop3A_1145 = arith.index_cast %parallel_loop3A_1144 : i32 to index
      %parallel_loop3A_1146 = arith.index_cast %parallel_loop3A_1143 : i32 to index
      %parallel_loop3A_1147 = tpu.vector_load %arg15[%parallel_loop3A_1145, %parallel_loop3A_1146] {strides = array<i32>} : memref<8x1613xf32, #tpu.memory_space<vmem>>, vector<16xf32>,
      tpu.vector_store %arg15[%parallel_loop3A_1145, %parallel_loop3A_1146], %parallel_loop3A_1141 {strides = array<i32>} : memref<8x1613xf32, #tpu.memory_space<vmem>>, vector<16xf32>,
      %parallel_loop3A_1148 = arith.addi %min3A_480, %parallel_loop3A_1139 : vector<16xi32>
      %parallel_loop3A_1149 = tpu.vector_load_idx %arg10[%parallel_loop3A_1148] : memref<16384xf32, #tpu.memory_space<vmem>>[vector<16xi32>], vector<16xf32>,
      %parallel_loop3A_1150 = arith.constant 16 : i32
      %parallel_loop3A_1151 = arith.muli %parallel_loop3A_1131, %parallel_loop3A_1150 : i32
      %parallel_loop3A_1152 = arith.constant 4 : i32
      %parallel_loop3A_1153 = arith.index_cast %parallel_loop3A_1152 : i32 to index
      %parallel_loop3A_1154 = arith.index_cast %parallel_loop3A_1151 : i32 to index
      %parallel_loop3A_1155 = tpu.vector_load %arg16[%parallel_loop3A_1153, %parallel_loop3A_1154] {strides = array<i32>} : memref<8x1613xf32, #tpu.memory_space<vmem>>, vector<16xf32>,
      tpu.vector_store %arg16[%parallel_loop3A_1153, %parallel_loop3A_1154], %parallel_loop3A_1149 {strides = array<i32>} : memref<8x1613xf32, #tpu.memory_space<vmem>>, vector<16xf32>,
      %parallel_loop3A_1156 = arith.addi %min3A_493, %parallel_loop3A_1135 : vector<16xi32>
      %parallel_loop3A_1157 = tpu.vector_load_idx %arg10[%parallel_loop3A_1156] : memref<16384xf32, #tpu.memory_space<vmem>>[vector<16xi32>], vector<16xf32>,
      %parallel_loop3A_1158 = arith.constant 16 : i32
      %parallel_loop3A_1159 = arith.muli %parallel_loop3A_1131, %parallel_loop3A_1158 : i32
      %parallel_loop3A_1160 = arith.constant 5 : i32
      %parallel_loop3A_1161 = arith.index_cast %parallel_loop3A_1160 : i32 to index
      %parallel_loop3A_1162 = arith.index_cast %parallel_loop3A_1159 : i32 to index
      %parallel_loop3A_1163 = tpu.vector_load %arg15[%parallel_loop3A_1161, %parallel_loop3A_1162] {strides = array<i32>} : memref<8x1613xf32, #tpu.memory_space<vmem>>, vector<16xf32>,
      tpu.vector_store %arg15[%parallel_loop3A_1161, %parallel_loop3A_1162], %parallel_loop3A_1157 {strides = array<i32>} : memref<8x1613xf32, #tpu.memory_space<vmem>>, vector<16xf32>,
      %parallel_loop3A_1164 = arith.addi %min3A_504, %parallel_loop3A_1139 : vector<16xi32>
      %parallel_loop3A_1165 = tpu.vector_load_idx %arg10[%parallel_loop3A_1164] : memref<16384xf32, #tpu.memory_space<vmem>>[vector<16xi32>], vector<16xf32>,
      %parallel_loop3A_1166 = arith.constant 16 : i32
      %parallel_loop3A_1167 = arith.muli %parallel_loop3A_1131, %parallel_loop3A_1166 : i32
      %parallel_loop3A_1168 = arith.constant 5 : i32
      %parallel_loop3A_1169 = arith.index_cast %parallel_loop3A_1168 : i32 to index
      %parallel_loop3A_1170 = arith.index_cast %parallel_loop3A_1167 : i32 to index
      %parallel_loop3A_1171 = tpu.vector_load %arg16[%parallel_loop3A_1169, %parallel_loop3A_1170] {strides = array<i32>} : memref<8x1613xf32, #tpu.memory_space<vmem>>, vector<16xf32>,
      tpu.vector_store %arg16[%parallel_loop3A_1169, %parallel_loop3A_1170], %parallel_loop3A_1165 {strides = array<i32>} : memref<8x1613xf32, #tpu.memory_space<vmem>>, vector<16xf32>,
      %parallel_loop3A_1172 = arith.addi %min3A_517, %parallel_loop3A_1135 : vector<16xi32>
      %parallel_loop3A_1173 = tpu.vector_load_idx %arg10[%parallel_loop3A_1172] : memref<16384xf32, #tpu.memory_space<vmem>>[vector<16xi32>], vector<16xf32>,
      %parallel_loop3A_1174 = arith.constant 16 : i32
      %parallel_loop3A_1175 = arith.muli %parallel_loop3A_1131, %parallel_loop3A_1174 : i32
      %parallel_loop3A_1176 = arith.constant 6 : i32
      %parallel_loop3A_1177 = arith.index_cast %parallel_loop3A_1176 : i32 to index
      %parallel_loop3A_1178 = arith.index_cast %parallel_loop3A_1175 : i32 to index
      %parallel_loop3A_1179 = tpu.vector_load %arg15[%parallel_loop3A_1177, %parallel_loop3A_1178] {strides = array<i32>} : memref<8x1613xf32, #tpu.memory_space<vmem>>, vector<16xf32>,
      tpu.vector_store %arg15[%parallel_loop3A_1177, %parallel_loop3A_1178], %parallel_loop3A_1173 {strides = array<i32>} : memref<8x1613xf32, #tpu.memory_space<vmem>>, vector<16xf32>,
      %parallel_loop3A_1180 = arith.addi %min3A_528, %parallel_loop3A_1139 : vector<16xi32>
      %parallel_loop3A_1181 = tpu.vector_load_idx %arg10[%parallel_loop3A_1180] : memref<16384xf32, #tpu.memory_space<vmem>>[vector<16xi32>], vector<16xf32>,
      %parallel_loop3A_1182 = arith.constant 16 : i32
      %parallel_loop3A_1183 = arith.muli %parallel_loop3A_1131, %parallel_loop3A_1182 : i32
      %parallel_loop3A_1184 = arith.constant 6 : i32
      %parallel_loop3A_1185 = arith.index_cast %parallel_loop3A_1184 : i32 to index
      %parallel_loop3A_1186 = arith.index_cast %parallel_loop3A_1183 : i32 to index
      %parallel_loop3A_1187 = tpu.vector_load %arg16[%parallel_loop3A_1185, %parallel_loop3A_1186] {strides = array<i32>} : memref<8x1613xf32, #tpu.memory_space<vmem>>, vector<16xf32>,
      tpu.vector_store %arg16[%parallel_loop3A_1185, %parallel_loop3A_1186], %parallel_loop3A_1181 {strides = array<i32>} : memref<8x1613xf32, #tpu.memory_space<vmem>>, vector<16xf32>,
      %parallel_loop3A_1188 = arith.addi %min3A_541, %parallel_loop3A_1135 : vector<16xi32>
      %parallel_loop3A_1189 = tpu.vector_load_idx %arg10[%parallel_loop3A_1188] : memref<16384xf32, #tpu.memory_space<vmem>>[vector<16xi32>], vector<16xf32>,
      %parallel_loop3A_1190 = arith.constant 16 : i32
      %parallel_loop3A_1191 = arith.muli %parallel_loop3A_1131, %parallel_loop3A_1190 : i32
      %parallel_loop3A_1192 = arith.constant 7 : i32
      %parallel_loop3A_1193 = arith.index_cast %parallel_loop3A_1192 : i32 to index
      %parallel_loop3A_1194 = arith.index_cast %parallel_loop3A_1191 : i32 to index
      %parallel_loop3A_1195 = tpu.vector_load %arg15[%parallel_loop3A_1193, %parallel_loop3A_1194] {strides = array<i32>} : memref<8x1613xf32, #tpu.memory_space<vmem>>, vector<16xf32>,
      tpu.vector_store %arg15[%parallel_loop3A_1193, %parallel_loop3A_1194], %parallel_loop3A_1189 {strides = array<i32>} : memref<8x1613xf32, #tpu.memory_space<vmem>>, vector<16xf32>,
      %parallel_loop3A_1196 = arith.addi %min3A_552, %parallel_loop3A_1139 : vector<16xi32>
      %parallel_loop3A_1197 = tpu.vector_load_idx %arg10[%parallel_loop3A_1196] : memref<16384xf32, #tpu.memory_space<vmem>>[vector<16xi32>], vector<16xf32>,
      %parallel_loop3A_1198 = arith.constant 16 : i32
      %parallel_loop3A_1199 = arith.muli %parallel_loop3A_1131, %parallel_loop3A_1198 : i32
      %parallel_loop3A_1200 = arith.constant 7 : i32
      %parallel_loop3A_1201 = arith.index_cast %parallel_loop3A_1200 : i32 to index
      %parallel_loop3A_1202 = arith.index_cast %parallel_loop3A_1199 : i32 to index
      %parallel_loop3A_1203 = tpu.vector_load %arg16[%parallel_loop3A_1201, %parallel_loop3A_1202] {strides = array<i32>} : memref<8x1613xf32, #tpu.memory_space<vmem>>, vector<16xf32>,
      tpu.vector_store %arg16[%parallel_loop3A_1201, %parallel_loop3A_1202], %parallel_loop3A_1197 {strides = array<i32>} : memref<8x1613xf32, #tpu.memory_space<vmem>>, vector<16xf32>,
    } {sc.loop_unroll_factor = 2 : i64, sc.parallel_access}
    %get3A_556 = arith.constant 1600 : index
    %get3A_557 = tpu.vector_load %arg11[%get3A_556] {strides = array<i32>} : memref<1664xi32, #tpu.memory_space<vmem>>, vector<16xi32>,
    %get3A_558 = arith.constant 1600 : index
    %get3A_559 = tpu.vector_load %arg12[%get3A_558] {strides = array<i32>} : memref<1664xi32, #tpu.memory_space<vmem>>, vector<16xi32>,
    %broadcast_in_dim3A_560 = arith.constant 4 : i32
    %broadcast_in_dim3A_561 = vector.broadcast %broadcast_in_dim3A_560 : i32 to vector<16xi32>
    %add3A_562 = arith.addi %min3A_469, %get3A_557 : vector<16xi32>
    %gather3A_563 = tpu.vector_load_idx %arg10[%add3A_562] : memref<16384xf32, #tpu.memory_space<vmem>>[vector<16xi32>], vector<16xf32>,
    %add3A_564 = arith.addi %min3A_480, %get3A_559 : vector<16xi32>
    %gather3A_565 = tpu.vector_load_idx %arg10[%add3A_564] : memref<16384xf32, #tpu.memory_space<vmem>>[vector<16xi32>], vector<16xf32>,
    tpu.vector_store_idx %arg15[%broadcast_in_dim3A_561, %add3A_65], %gather3A_563 masked %lt3A_67 : memref<8x1613xf32, #tpu.memory_space<vmem>>[vector<16xi32>, vector<16xi32>], vector<16xf32>, vector<16xi1>
    tpu.vector_store_idx %arg16[%broadcast_in_dim3A_561, %add3A_65], %gather3A_565 masked %lt3A_67 : memref<8x1613xf32, #tpu.memory_space<vmem>>[vector<16xi32>, vector<16xi32>], vector<16xf32>, vector<16xi1>
    %broadcast_in_dim3A_566 = arith.constant 5 : i32
    %broadcast_in_dim3A_567 = vector.broadcast %broadcast_in_dim3A_566 : i32 to vector<16xi32>
    %add3A_568 = arith.addi %min3A_493, %get3A_557 : vector<16xi32>
    %gather3A_569 = tpu.vector_load_idx %arg10[%add3A_568] : memref<16384xf32, #tpu.memory_space<vmem>>[vector<16xi32>], vector<16xf32>,
    %add3A_570 = arith.addi %min3A_504, %get3A_559 : vector<16xi32>
    %gather3A_571 = tpu.vector_load_idx %arg10[%add3A_570] : memref<16384xf32, #tpu.memory_space<vmem>>[vector<16xi32>], vector<16xf32>,
    tpu.vector_store_idx %arg15[%broadcast_in_dim3A_567, %add3A_65], %gather3A_569 masked %lt3A_67 : memref<8x1613xf32, #tpu.memory_space<vmem>>[vector<16xi32>, vector<16xi32>], vector<16xf32>, vector<16xi1>
    tpu.vector_store_idx %arg16[%broadcast_in_dim3A_567, %add3A_65], %gather3A_571 masked %lt3A_67 : memref<8x1613xf32, #tpu.memory_space<vmem>>[vector<16xi32>, vector<16xi32>], vector<16xf32>, vector<16xi1>
    %broadcast_in_dim3A_572 = arith.constant 6 : i32
    %broadcast_in_dim3A_573 = vector.broadcast %broadcast_in_dim3A_572 : i32 to vector<16xi32>
    %add3A_574 = arith.addi %min3A_517, %get3A_557 : vector<16xi32>
    %gather3A_575 = tpu.vector_load_idx %arg10[%add3A_574] : memref<16384xf32, #tpu.memory_space<vmem>>[vector<16xi32>], vector<16xf32>,
    %add3A_576 = arith.addi %min3A_528, %get3A_559 : vector<16xi32>
    %gather3A_577 = tpu.vector_load_idx %arg10[%add3A_576] : memref<16384xf32, #tpu.memory_space<vmem>>[vector<16xi32>], vector<16xf32>,
    tpu.vector_store_idx %arg15[%broadcast_in_dim3A_573, %add3A_65], %gather3A_575 masked %lt3A_67 : memref<8x1613xf32, #tpu.memory_space<vmem>>[vector<16xi32>, vector<16xi32>], vector<16xf32>, vector<16xi1>
    tpu.vector_store_idx %arg16[%broadcast_in_dim3A_573, %add3A_65], %gather3A_577 masked %lt3A_67 : memref<8x1613xf32, #tpu.memory_space<vmem>>[vector<16xi32>, vector<16xi32>], vector<16xf32>, vector<16xi1>
    %broadcast_in_dim3A_578 = arith.constant 7 : i32
    %broadcast_in_dim3A_579 = vector.broadcast %broadcast_in_dim3A_578 : i32 to vector<16xi32>
    %add3A_580 = arith.addi %min3A_541, %get3A_557 : vector<16xi32>
    %gather3A_581 = tpu.vector_load_idx %arg10[%add3A_580] : memref<16384xf32, #tpu.memory_space<vmem>>[vector<16xi32>], vector<16xf32>,
    %add3A_582 = arith.addi %min3A_552, %get3A_559 : vector<16xi32>
    %gather3A_583 = tpu.vector_load_idx %arg10[%add3A_582] : memref<16384xf32, #tpu.memory_space<vmem>>[vector<16xi32>], vector<16xf32>,
    tpu.vector_store_idx %arg15[%broadcast_in_dim3A_579, %add3A_65], %gather3A_581 masked %lt3A_67 : memref<8x1613xf32, #tpu.memory_space<vmem>>[vector<16xi32>, vector<16xi32>], vector<16xf32>, vector<16xi1>
    tpu.vector_store_idx %arg16[%broadcast_in_dim3A_579, %add3A_65], %gather3A_583 masked %lt3A_67 : memref<8x1613xf32, #tpu.memory_space<vmem>>[vector<16xi32>, vector<16xi32>], vector<16xf32>, vector<16xi1>
    %lt3A_584 = arith.constant 131 : i32
    %lt3A_585 = arith.cmpi slt, %add3A_329, %lt3A_584 : i32
    %convert_element_type3A_586 = arith.extui %lt3A_585 : i1 to i32
    %cond3A_587 = arith.constant 0 : i32
    %cond3A_588 = arith.cmpi ne, %convert_element_type3A_586, %cond3A_587 : i32
    scf.if %cond3A_588 {
      %mul3A_1131 = arith.constant 8 : i32
      %mul3A_1132 = arith.muli %mul3A_1131, %add3A_329 : i32
      %run_scoped3A = arith.constant 0 : i32
      %run_scoped3A_1133 = arith.constant 0 : i32
      "tpu.region"() ({
        %run_scoped3A_1138 = tpu.sem_alloc : memref<!tpu.dma_semaphore, #tpu.memory_space<semaphore_mem>>
        %dma_start3A = arith.constant 0 : i32
        %dma_start3A_1139 = tpu.memref_slice %arg7[%run_scoped3A, %run_scoped3A_1133, %mul3A_1132, %dma_start3A] : memref<1x1x1050x1613xf32, #tpu.memory_space<hbm>> -> memref<1x1x8x1613xf32, #tpu.memory_space<hbm>>
        %dma_start3A_1140 = tpu.memref_squeeze %dma_start3A_1139 : memref<1x1x8x1613xf32, #tpu.memory_space<hbm>> -> memref<8x1613xf32, #tpu.memory_space<hbm>>
        %dma_start3A_1141 = arith.constant 0 : i32
        %dma_start3A_1142 = tpu.memref_slice %arg7[%run_scoped3A, %run_scoped3A_1133, %mul3A_1132, %dma_start3A_1141] : memref<1x1x1050x1613xf32, #tpu.memory_space<hbm>> -> memref<1x1x8x1613xf32, #tpu.memory_space<hbm>>
        %dma_start3A_1143 = tpu.memref_squeeze %dma_start3A_1142 : memref<1x1x8x1613xf32, #tpu.memory_space<hbm>> -> memref<8x1613xf32, #tpu.memory_space<hbm>>
        tpu.enqueue_dma source(%arg15 : memref<8x1613xf32, #tpu.memory_space<vmem>>) target(%dma_start3A_1143 : memref<8x1613xf32, #tpu.memory_space<hbm>>) target_semaphore(%run_scoped3A_1138 : memref<!tpu.dma_semaphore, #tpu.memory_space<semaphore_mem>>)
        %dma_wait3A = arith.constant 0 : i32
        %dma_wait3A_1144 = tpu.memref_slice %arg7[%run_scoped3A, %run_scoped3A_1133, %mul3A_1132, %dma_wait3A] : memref<1x1x1050x1613xf32, #tpu.memory_space<hbm>> -> memref<1x1x8x1613xf32, #tpu.memory_space<hbm>>
        %dma_wait3A_1145 = tpu.memref_squeeze %dma_wait3A_1144 : memref<1x1x8x1613xf32, #tpu.memory_space<hbm>> -> memref<8x1613xf32, #tpu.memory_space<hbm>>
        %dma_wait3A_1146 = arith.constant 0 : i32
        %dma_wait3A_1147 = tpu.memref_slice %arg7[%run_scoped3A, %run_scoped3A_1133, %mul3A_1132, %dma_wait3A_1146] : memref<1x1x1050x1613xf32, #tpu.memory_space<hbm>> -> memref<1x1x8x1613xf32, #tpu.memory_space<hbm>>
        %dma_wait3A_1148 = tpu.memref_squeeze %dma_wait3A_1147 : memref<1x1x8x1613xf32, #tpu.memory_space<hbm>> -> memref<8x1613xf32, #tpu.memory_space<hbm>>
        tpu.wait_dma2 semaphore(%run_scoped3A_1138 : memref<!tpu.dma_semaphore, #tpu.memory_space<semaphore_mem>>) src(%arg15 : memref<8x1613xf32, #tpu.memory_space<vmem>>) dst(%dma_wait3A_1148 : memref<8x1613xf32, #tpu.memory_space<hbm>>)
        tpu.yield
      }) : () -> ()
      %mul3A_1134 = arith.constant 8 : i32
      %mul3A_1135 = arith.muli %mul3A_1134, %add3A_329 : i32
      %run_scoped3A_1136 = arith.constant 0 : i32
      %run_scoped3A_1137 = arith.constant 0 : i32
      "tpu.region"() ({
        %run_scoped3A_1138 = tpu.sem_alloc : memref<!tpu.dma_semaphore, #tpu.memory_space<semaphore_mem>>
        %dma_start3A = arith.constant 0 : i32
        %dma_start3A_1139 = tpu.memref_slice %arg8[%run_scoped3A_1136, %run_scoped3A_1137, %mul3A_1135, %dma_start3A] : memref<1x1x1050x1613xf32, #tpu.memory_space<hbm>> -> memref<1x1x8x1613xf32, #tpu.memory_space<hbm>>
        %dma_start3A_1140 = tpu.memref_squeeze %dma_start3A_1139 : memref<1x1x8x1613xf32, #tpu.memory_space<hbm>> -> memref<8x1613xf32, #tpu.memory_space<hbm>>
        %dma_start3A_1141 = arith.constant 0 : i32
        %dma_start3A_1142 = tpu.memref_slice %arg8[%run_scoped3A_1136, %run_scoped3A_1137, %mul3A_1135, %dma_start3A_1141] : memref<1x1x1050x1613xf32, #tpu.memory_space<hbm>> -> memref<1x1x8x1613xf32, #tpu.memory_space<hbm>>
        %dma_start3A_1143 = tpu.memref_squeeze %dma_start3A_1142 : memref<1x1x8x1613xf32, #tpu.memory_space<hbm>> -> memref<8x1613xf32, #tpu.memory_space<hbm>>
        tpu.enqueue_dma source(%arg16 : memref<8x1613xf32, #tpu.memory_space<vmem>>) target(%dma_start3A_1143 : memref<8x1613xf32, #tpu.memory_space<hbm>>) target_semaphore(%run_scoped3A_1138 : memref<!tpu.dma_semaphore, #tpu.memory_space<semaphore_mem>>)
        %dma_wait3A = arith.constant 0 : i32
        %dma_wait3A_1144 = tpu.memref_slice %arg8[%run_scoped3A_1136, %run_scoped3A_1137, %mul3A_1135, %dma_wait3A] : memref<1x1x1050x1613xf32, #tpu.memory_space<hbm>> -> memref<1x1x8x1613xf32, #tpu.memory_space<hbm>>
        %dma_wait3A_1145 = tpu.memref_squeeze %dma_wait3A_1144 : memref<1x1x8x1613xf32, #tpu.memory_space<hbm>> -> memref<8x1613xf32, #tpu.memory_space<hbm>>
        %dma_wait3A_1146 = arith.constant 0 : i32
        %dma_wait3A_1147 = tpu.memref_slice %arg8[%run_scoped3A_1136, %run_scoped3A_1137, %mul3A_1135, %dma_wait3A_1146] : memref<1x1x1050x1613xf32, #tpu.memory_space<hbm>> -> memref<1x1x8x1613xf32, #tpu.memory_space<hbm>>
        %dma_wait3A_1148 = tpu.memref_squeeze %dma_wait3A_1147 : memref<1x1x8x1613xf32, #tpu.memory_space<hbm>> -> memref<8x1613xf32, #tpu.memory_space<hbm>>
        tpu.wait_dma2 semaphore(%run_scoped3A_1138 : memref<!tpu.dma_semaphore, #tpu.memory_space<semaphore_mem>>) src(%arg16 : memref<8x1613xf32, #tpu.memory_space<vmem>>) dst(%dma_wait3A_1148 : memref<8x1613xf32, #tpu.memory_space<hbm>>)
        tpu.yield
      }) : () -> ()
    } else {
    }
    %eq3A_589 = arith.constant 131 : i32
    %eq3A_590 = arith.cmpi eq, %add3A_329, %eq3A_589 : i32
    %convert_element_type3A_591 = arith.extui %eq3A_590 : i1 to i32
    %cond3A_592 = arith.constant 0 : i32
    %cond3A_593 = arith.cmpi ne, %convert_element_type3A_591, %cond3A_592 : i32
    scf.if %cond3A_593 {
      %run_scoped3A = arith.constant 0 : i32
      %run_scoped3A_1131 = arith.constant 0 : i32
      "tpu.region"() ({
        %run_scoped3A_1134 = tpu.sem_alloc : memref<!tpu.dma_semaphore, #tpu.memory_space<semaphore_mem>>
        %dma_start3A = arith.constant 0 : i32
        %dma_start3A_1135 = arith.constant 0 : i32
        %dma_start3A_1136 = tpu.memref_slice %arg15[%dma_start3A, %dma_start3A_1135] : memref<8x1613xf32, #tpu.memory_space<vmem>> -> memref<2x1613xf32, #tpu.memory_space<vmem>>
        %dma_start3A_1137 = arith.constant 1048 : i32
        %dma_start3A_1138 = arith.constant 0 : i32
        %dma_start3A_1139 = tpu.memref_slice %arg7[%run_scoped3A, %run_scoped3A_1131, %dma_start3A_1137, %dma_start3A_1138] : memref<1x1x1050x1613xf32, #tpu.memory_space<hbm>> -> memref<1x1x2x1613xf32, #tpu.memory_space<hbm>>
        %dma_start3A_1140 = tpu.memref_squeeze %dma_start3A_1139 : memref<1x1x2x1613xf32, #tpu.memory_space<hbm>> -> memref<2x1613xf32, #tpu.memory_space<hbm>>
        %dma_start3A_1141 = arith.constant 1048 : i32
        %dma_start3A_1142 = arith.constant 0 : i32
        %dma_start3A_1143 = tpu.memref_slice %arg7[%run_scoped3A, %run_scoped3A_1131, %dma_start3A_1141, %dma_start3A_1142] : memref<1x1x1050x1613xf32, #tpu.memory_space<hbm>> -> memref<1x1x2x1613xf32, #tpu.memory_space<hbm>>
        %dma_start3A_1144 = tpu.memref_squeeze %dma_start3A_1143 : memref<1x1x2x1613xf32, #tpu.memory_space<hbm>> -> memref<2x1613xf32, #tpu.memory_space<hbm>>
        %dma_start3A_1145 = arith.constant 0 : i32
        %dma_start3A_1146 = arith.constant 0 : i32
        %dma_start3A_1147 = tpu.memref_slice %arg15[%dma_start3A_1145, %dma_start3A_1146] : memref<8x1613xf32, #tpu.memory_space<vmem>> -> memref<2x1613xf32, #tpu.memory_space<vmem>>
        tpu.enqueue_dma source(%dma_start3A_1147 : memref<2x1613xf32, #tpu.memory_space<vmem>>) target(%dma_start3A_1144 : memref<2x1613xf32, #tpu.memory_space<hbm>>) target_semaphore(%run_scoped3A_1134 : memref<!tpu.dma_semaphore, #tpu.memory_space<semaphore_mem>>)
        %dma_wait3A = arith.constant 0 : i32
        %dma_wait3A_1148 = arith.constant 0 : i32
        %dma_wait3A_1149 = tpu.memref_slice %arg15[%dma_wait3A, %dma_wait3A_1148] : memref<8x1613xf32, #tpu.memory_space<vmem>> -> memref<2x1613xf32, #tpu.memory_space<vmem>>
        %dma_wait3A_1150 = arith.constant 1048 : i32
        %dma_wait3A_1151 = arith.constant 0 : i32
        %dma_wait3A_1152 = tpu.memref_slice %arg7[%run_scoped3A, %run_scoped3A_1131, %dma_wait3A_1150, %dma_wait3A_1151] : memref<1x1x1050x1613xf32, #tpu.memory_space<hbm>> -> memref<1x1x2x1613xf32, #tpu.memory_space<hbm>>
        %dma_wait3A_1153 = tpu.memref_squeeze %dma_wait3A_1152 : memref<1x1x2x1613xf32, #tpu.memory_space<hbm>> -> memref<2x1613xf32, #tpu.memory_space<hbm>>
        %dma_wait3A_1154 = arith.constant 1048 : i32
        %dma_wait3A_1155 = arith.constant 0 : i32
        %dma_wait3A_1156 = tpu.memref_slice %arg7[%run_scoped3A, %run_scoped3A_1131, %dma_wait3A_1154, %dma_wait3A_1155] : memref<1x1x1050x1613xf32, #tpu.memory_space<hbm>> -> memref<1x1x2x1613xf32, #tpu.memory_space<hbm>>
        %dma_wait3A_1157 = tpu.memref_squeeze %dma_wait3A_1156 : memref<1x1x2x1613xf32, #tpu.memory_space<hbm>> -> memref<2x1613xf32, #tpu.memory_space<hbm>>
        %dma_wait3A_1158 = arith.constant 0 : i32
        %dma_wait3A_1159 = arith.constant 0 : i32
        %dma_wait3A_1160 = tpu.memref_slice %arg15[%dma_wait3A_1158, %dma_wait3A_1159] : memref<8x1613xf32, #tpu.memory_space<vmem>> -> memref<2x1613xf32, #tpu.memory_space<vmem>>
        tpu.wait_dma2 semaphore(%run_scoped3A_1134 : memref<!tpu.dma_semaphore, #tpu.memory_space<semaphore_mem>>) src(%dma_wait3A_1160 : memref<2x1613xf32, #tpu.memory_space<vmem>>) dst(%dma_wait3A_1157 : memref<2x1613xf32, #tpu.memory_space<hbm>>)
        tpu.yield
      }) : () -> ()
      %run_scoped3A_1132 = arith.constant 0 : i32
      %run_scoped3A_1133 = arith.constant 0 : i32
      "tpu.region"() ({
        %run_scoped3A_1134 = tpu.sem_alloc : memref<!tpu.dma_semaphore, #tpu.memory_space<semaphore_mem>>
        %dma_start3A = arith.constant 0 : i32
        %dma_start3A_1135 = arith.constant 0 : i32
        %dma_start3A_1136 = tpu.memref_slice %arg16[%dma_start3A, %dma_start3A_1135] : memref<8x1613xf32, #tpu.memory_space<vmem>> -> memref<2x1613xf32, #tpu.memory_space<vmem>>
        %dma_start3A_1137 = arith.constant 1048 : i32
        %dma_start3A_1138 = arith.constant 0 : i32
        %dma_start3A_1139 = tpu.memref_slice %arg8[%run_scoped3A_1132, %run_scoped3A_1133, %dma_start3A_1137, %dma_start3A_1138] : memref<1x1x1050x1613xf32, #tpu.memory_space<hbm>> -> memref<1x1x2x1613xf32, #tpu.memory_space<hbm>>
        %dma_start3A_1140 = tpu.memref_squeeze %dma_start3A_1139 : memref<1x1x2x1613xf32, #tpu.memory_space<hbm>> -> memref<2x1613xf32, #tpu.memory_space<hbm>>
        %dma_start3A_1141 = arith.constant 1048 : i32
        %dma_start3A_1142 = arith.constant 0 : i32
        %dma_start3A_1143 = tpu.memref_slice %arg8[%run_scoped3A_1132, %run_scoped3A_1133, %dma_start3A_1141, %dma_start3A_1142] : memref<1x1x1050x1613xf32, #tpu.memory_space<hbm>> -> memref<1x1x2x1613xf32, #tpu.memory_space<hbm>>
        %dma_start3A_1144 = tpu.memref_squeeze %dma_start3A_1143 : memref<1x1x2x1613xf32, #tpu.memory_space<hbm>> -> memref<2x1613xf32, #tpu.memory_space<hbm>>
        %dma_start3A_1145 = arith.constant 0 : i32
        %dma_start3A_1146 = arith.constant 0 : i32
        %dma_start3A_1147 = tpu.memref_slice %arg16[%dma_start3A_1145, %dma_start3A_1146] : memref<8x1613xf32, #tpu.memory_space<vmem>> -> memref<2x1613xf32, #tpu.memory_space<vmem>>
        tpu.enqueue_dma source(%dma_start3A_1147 : memref<2x1613xf32, #tpu.memory_space<vmem>>) target(%dma_start3A_1144 : memref<2x1613xf32, #tpu.memory_space<hbm>>) target_semaphore(%run_scoped3A_1134 : memref<!tpu.dma_semaphore, #tpu.memory_space<semaphore_mem>>)
        %dma_wait3A = arith.constant 0 : i32
        %dma_wait3A_1148 = arith.constant 0 : i32
        %dma_wait3A_1149 = tpu.memref_slice %arg16[%dma_wait3A, %dma_wait3A_1148] : memref<8x1613xf32, #tpu.memory_space<vmem>> -> memref<2x1613xf32, #tpu.memory_space<vmem>>
        %dma_wait3A_1150 = arith.constant 1048 : i32
        %dma_wait3A_1151 = arith.constant 0 : i32
        %dma_wait3A_1152 = tpu.memref_slice %arg8[%run_scoped3A_1132, %run_scoped3A_1133, %dma_wait3A_1150, %dma_wait3A_1151] : memref<1x1x1050x1613xf32, #tpu.memory_space<hbm>> -> memref<1x1x2x1613xf32, #tpu.memory_space<hbm>>
        %dma_wait3A_1153 = tpu.memref_squeeze %dma_wait3A_1152 : memref<1x1x2x1613xf32, #tpu.memory_space<hbm>> -> memref<2x1613xf32, #tpu.memory_space<hbm>>
        %dma_wait3A_1154 = arith.constant 1048 : i32
        %dma_wait3A_1155 = arith.constant 0 : i32
        %dma_wait3A_1156 = tpu.memref_slice %arg8[%run_scoped3A_1132, %run_scoped3A_1133, %dma_wait3A_1154, %dma_wait3A_1155] : memref<1x1x1050x1613xf32, #tpu.memory_space<hbm>> -> memref<1x1x2x1613xf32, #tpu.memory_space<hbm>>
        %dma_wait3A_1157 = tpu.memref_squeeze %dma_wait3A_1156 : memref<1x1x2x1613xf32, #tpu.memory_space<hbm>> -> memref<2x1613xf32, #tpu.memory_space<hbm>>
        %dma_wait3A_1158 = arith.constant 0 : i32
        %dma_wait3A_1159 = arith.constant 0 : i32
        %dma_wait3A_1160 = tpu.memref_slice %arg16[%dma_wait3A_1158, %dma_wait3A_1159] : memref<8x1613xf32, #tpu.memory_space<vmem>> -> memref<2x1613xf32, #tpu.memory_space<vmem>>
        tpu.wait_dma2 semaphore(%run_scoped3A_1134 : memref<!tpu.dma_semaphore, #tpu.memory_space<semaphore_mem>>) src(%dma_wait3A_1160 : memref<2x1613xf32, #tpu.memory_space<vmem>>) dst(%dma_wait3A_1157 : memref<2x1613xf32, #tpu.memory_space<hbm>>)
        tpu.yield
      }) : () -> ()
    } else {
    }
    %add3A_594 = arith.constant 2 : i32
    %add3A_595 = arith.addi %add3A_4, %add3A_594 : i32
    %broadcast_in_dim3A_596 = arith.constant 24 : i32
    %broadcast_in_dim3A_597 = vector.broadcast %broadcast_in_dim3A_596 : i32 to vector<16xi32>
    %gather3A_598 = tpu.vector_load_idx %arg13[%broadcast_in_dim3A_597] : memref<56xi32, #tpu.memory_space<vmem>>[vector<16xi32>], vector<16xi32>,
    %mul3A_599 = arith.constant 512 : i32
    %mul3A_600 = vector.broadcast %mul3A_599 : i32 to vector<16xi32>
    %mul3A_601 = arith.muli %gather3A_598, %mul3A_600 : vector<16xi32>
    %sub3A_602 = arith.subi %mul3A_601, %broadcast_in_dim3A : vector<16xi32>
    %jit3A_603 = arith.constant 0 : i32
    %jit3A_604 = arith.constant 15872 : i32
    %max3A_605 = vector.broadcast %jit3A_603 : i32 to vector<16xi32>
    %max3A_606 = arith.maxsi %max3A_605, %sub3A_602 : vector<16xi32>
    %min3A_607 = vector.broadcast %jit3A_604 : i32 to vector<16xi32>
    %min3A_608 = arith.minsi %min3A_607, %max3A_606 : vector<16xi32>
    %gather3A_609 = tpu.vector_load_idx %arg14[%broadcast_in_dim3A_597] : memref<56xi32, #tpu.memory_space<vmem>>[vector<16xi32>], vector<16xi32>,
    %mul3A_610 = arith.constant 512 : i32
    %mul3A_611 = vector.broadcast %mul3A_610 : i32 to vector<16xi32>
    %mul3A_612 = arith.muli %gather3A_609, %mul3A_611 : vector<16xi32>
    %sub3A_613 = arith.subi %mul3A_612, %broadcast_in_dim3A : vector<16xi32>
    %jit3A_614 = arith.constant 0 : i32
    %jit3A_615 = arith.constant 15872 : i32
    %max3A_616 = vector.broadcast %jit3A_614 : i32 to vector<16xi32>
    %max3A_617 = arith.maxsi %max3A_616, %sub3A_613 : vector<16xi32>
    %min3A_618 = vector.broadcast %jit3A_615 : i32 to vector<16xi32>
    %min3A_619 = arith.minsi %min3A_618, %max3A_617 : vector<16xi32>
    %broadcast_in_dim3A_620 = arith.constant 25 : i32
    %broadcast_in_dim3A_621 = vector.broadcast %broadcast_in_dim3A_620 : i32 to vector<16xi32>
    %gather3A_622 = tpu.vector_load_idx %arg13[%broadcast_in_dim3A_621] : memref<56xi32, #tpu.memory_space<vmem>>[vector<16xi32>], vector<16xi32>,
    %mul3A_623 = arith.constant 512 : i32
    %mul3A_624 = vector.broadcast %mul3A_623 : i32 to vector<16xi32>
    %mul3A_625 = arith.muli %gather3A_622, %mul3A_624 : vector<16xi32>
    %sub3A_626 = arith.subi %mul3A_625, %broadcast_in_dim3A : vector<16xi32>
    %jit3A_627 = arith.constant 0 : i32
    %jit3A_628 = arith.constant 15872 : i32
    %max3A_629 = vector.broadcast %jit3A_627 : i32 to vector<16xi32>
    %max3A_630 = arith.maxsi %max3A_629, %sub3A_626 : vector<16xi32>
    %min3A_631 = vector.broadcast %jit3A_628 : i32 to vector<16xi32>
    %min3A_632 = arith.minsi %min3A_631, %max3A_630 : vector<16xi32>
    %gather3A_633 = tpu.vector_load_idx %arg14[%broadcast_in_dim3A_621] : memref<56xi32, #tpu.memory_space<vmem>>[vector<16xi32>], vector<16xi32>,
    %mul3A_634 = arith.constant 512 : i32
    %mul3A_635 = vector.broadcast %mul3A_634 : i32 to vector<16xi32>
    %mul3A_636 = arith.muli %gather3A_633, %mul3A_635 : vector<16xi32>
    %sub3A_637 = arith.subi %mul3A_636, %broadcast_in_dim3A : vector<16xi32>
    %jit3A_638 = arith.constant 0 : i32
    %jit3A_639 = arith.constant 15872 : i32
    %max3A_640 = vector.broadcast %jit3A_638 : i32 to vector<16xi32>
    %max3A_641 = arith.maxsi %max3A_640, %sub3A_637 : vector<16xi32>
    %min3A_642 = vector.broadcast %jit3A_639 : i32 to vector<16xi32>
    %min3A_643 = arith.minsi %min3A_642, %max3A_641 : vector<16xi32>
    %broadcast_in_dim3A_644 = arith.constant 26 : i32
    %broadcast_in_dim3A_645 = vector.broadcast %broadcast_in_dim3A_644 : i32 to vector<16xi32>
    %gather3A_646 = tpu.vector_load_idx %arg13[%broadcast_in_dim3A_645] : memref<56xi32, #tpu.memory_space<vmem>>[vector<16xi32>], vector<16xi32>,
    %mul3A_647 = arith.constant 512 : i32
    %mul3A_648 = vector.broadcast %mul3A_647 : i32 to vector<16xi32>
    %mul3A_649 = arith.muli %gather3A_646, %mul3A_648 : vector<16xi32>
    %sub3A_650 = arith.subi %mul3A_649, %broadcast_in_dim3A : vector<16xi32>
    %jit3A_651 = arith.constant 0 : i32
    %jit3A_652 = arith.constant 15872 : i32
    %max3A_653 = vector.broadcast %jit3A_651 : i32 to vector<16xi32>
    %max3A_654 = arith.maxsi %max3A_653, %sub3A_650 : vector<16xi32>
    %min3A_655 = vector.broadcast %jit3A_652 : i32 to vector<16xi32>
    %min3A_656 = arith.minsi %min3A_655, %max3A_654 : vector<16xi32>
    %gather3A_657 = tpu.vector_load_idx %arg14[%broadcast_in_dim3A_645] : memref<56xi32, #tpu.memory_space<vmem>>[vector<16xi32>], vector<16xi32>,
    %mul3A_658 = arith.constant 512 : i32
    %mul3A_659 = vector.broadcast %mul3A_658 : i32 to vector<16xi32>
    %mul3A_660 = arith.muli %gather3A_657, %mul3A_659 : vector<16xi32>
    %sub3A_661 = arith.subi %mul3A_660, %broadcast_in_dim3A : vector<16xi32>
    %jit3A_662 = arith.constant 0 : i32
    %jit3A_663 = arith.constant 15872 : i32
    %max3A_664 = vector.broadcast %jit3A_662 : i32 to vector<16xi32>
    %max3A_665 = arith.maxsi %max3A_664, %sub3A_661 : vector<16xi32>
    %min3A_666 = vector.broadcast %jit3A_663 : i32 to vector<16xi32>
    %min3A_667 = arith.minsi %min3A_666, %max3A_665 : vector<16xi32>
    %broadcast_in_dim3A_668 = arith.constant 27 : i32
    %broadcast_in_dim3A_669 = vector.broadcast %broadcast_in_dim3A_668 : i32 to vector<16xi32>
    %gather3A_670 = tpu.vector_load_idx %arg13[%broadcast_in_dim3A_669] : memref<56xi32, #tpu.memory_space<vmem>>[vector<16xi32>], vector<16xi32>,
    %mul3A_671 = arith.constant 512 : i32
    %mul3A_672 = vector.broadcast %mul3A_671 : i32 to vector<16xi32>
    %mul3A_673 = arith.muli %gather3A_670, %mul3A_672 : vector<16xi32>
    %sub3A_674 = arith.subi %mul3A_673, %broadcast_in_dim3A : vector<16xi32>
    %jit3A_675 = arith.constant 0 : i32
    %jit3A_676 = arith.constant 15872 : i32
    %max3A_677 = vector.broadcast %jit3A_675 : i32 to vector<16xi32>
    %max3A_678 = arith.maxsi %max3A_677, %sub3A_674 : vector<16xi32>
    %min3A_679 = vector.broadcast %jit3A_676 : i32 to vector<16xi32>
    %min3A_680 = arith.minsi %min3A_679, %max3A_678 : vector<16xi32>
    %gather3A_681 = tpu.vector_load_idx %arg14[%broadcast_in_dim3A_669] : memref<56xi32, #tpu.memory_space<vmem>>[vector<16xi32>], vector<16xi32>,
    %mul3A_682 = arith.constant 512 : i32
    %mul3A_683 = vector.broadcast %mul3A_682 : i32 to vector<16xi32>
    %mul3A_684 = arith.muli %gather3A_681, %mul3A_683 : vector<16xi32>
    %sub3A_685 = arith.subi %mul3A_684, %broadcast_in_dim3A : vector<16xi32>
    %jit3A_686 = arith.constant 0 : i32
    %jit3A_687 = arith.constant 15872 : i32
    %max3A_688 = vector.broadcast %jit3A_686 : i32 to vector<16xi32>
    %max3A_689 = arith.maxsi %max3A_688, %sub3A_685 : vector<16xi32>
    %min3A_690 = vector.broadcast %jit3A_687 : i32 to vector<16xi32>
    %min3A_691 = arith.minsi %min3A_690, %max3A_689 : vector<16xi32>
    %parallel_loop3A_692 = arith.constant 0 : i32
    %parallel_loop3A_693 = arith.constant 100 : i32
    %parallel_loop3A_694 = arith.constant 1 : i32
    scf.for %parallel_loop3A_1131 = %parallel_loop3A_692 to %parallel_loop3A_693 step %parallel_loop3A_694  : i32 {
      %parallel_loop3A_1132 = arith.constant 16 : i32
      %parallel_loop3A_1133 = arith.muli %parallel_loop3A_1131, %parallel_loop3A_1132 : i32
      %parallel_loop3A_1134 = arith.index_cast %parallel_loop3A_1133 : i32 to index
      %parallel_loop3A_1135 = tpu.vector_load %arg11[%parallel_loop3A_1134] {strides = array<i32>} : memref<1664xi32, #tpu.memory_space<vmem>>, vector<16xi32>,
      %parallel_loop3A_1136 = arith.constant 16 : i32
      %parallel_loop3A_1137 = arith.muli %parallel_loop3A_1131, %parallel_loop3A_1136 : i32
      %parallel_loop3A_1138 = arith.index_cast %parallel_loop3A_1137 : i32 to index
      %parallel_loop3A_1139 = tpu.vector_load %arg12[%parallel_loop3A_1138] {strides = array<i32>} : memref<1664xi32, #tpu.memory_space<vmem>>, vector<16xi32>,
      %parallel_loop3A_1140 = arith.addi %min3A_608, %parallel_loop3A_1135 : vector<16xi32>
      %parallel_loop3A_1141 = tpu.vector_load_idx %arg10[%parallel_loop3A_1140] : memref<16384xf32, #tpu.memory_space<vmem>>[vector<16xi32>], vector<16xf32>,
      %parallel_loop3A_1142 = arith.constant 16 : i32
      %parallel_loop3A_1143 = arith.muli %parallel_loop3A_1131, %parallel_loop3A_1142 : i32
      %parallel_loop3A_1144 = arith.constant 0 : i32
      %parallel_loop3A_1145 = arith.index_cast %parallel_loop3A_1144 : i32 to index
      %parallel_loop3A_1146 = arith.index_cast %parallel_loop3A_1143 : i32 to index
      %parallel_loop3A_1147 = tpu.vector_load %arg15[%parallel_loop3A_1145, %parallel_loop3A_1146] {strides = array<i32>} : memref<8x1613xf32, #tpu.memory_space<vmem>>, vector<16xf32>,
      tpu.vector_store %arg15[%parallel_loop3A_1145, %parallel_loop3A_1146], %parallel_loop3A_1141 {strides = array<i32>} : memref<8x1613xf32, #tpu.memory_space<vmem>>, vector<16xf32>,
      %parallel_loop3A_1148 = arith.addi %min3A_619, %parallel_loop3A_1139 : vector<16xi32>
      %parallel_loop3A_1149 = tpu.vector_load_idx %arg10[%parallel_loop3A_1148] : memref<16384xf32, #tpu.memory_space<vmem>>[vector<16xi32>], vector<16xf32>,
      %parallel_loop3A_1150 = arith.constant 16 : i32
      %parallel_loop3A_1151 = arith.muli %parallel_loop3A_1131, %parallel_loop3A_1150 : i32
      %parallel_loop3A_1152 = arith.constant 0 : i32
      %parallel_loop3A_1153 = arith.index_cast %parallel_loop3A_1152 : i32 to index
      %parallel_loop3A_1154 = arith.index_cast %parallel_loop3A_1151 : i32 to index
      %parallel_loop3A_1155 = tpu.vector_load %arg16[%parallel_loop3A_1153, %parallel_loop3A_1154] {strides = array<i32>} : memref<8x1613xf32, #tpu.memory_space<vmem>>, vector<16xf32>,
      tpu.vector_store %arg16[%parallel_loop3A_1153, %parallel_loop3A_1154], %parallel_loop3A_1149 {strides = array<i32>} : memref<8x1613xf32, #tpu.memory_space<vmem>>, vector<16xf32>,
      %parallel_loop3A_1156 = arith.addi %min3A_632, %parallel_loop3A_1135 : vector<16xi32>
      %parallel_loop3A_1157 = tpu.vector_load_idx %arg10[%parallel_loop3A_1156] : memref<16384xf32, #tpu.memory_space<vmem>>[vector<16xi32>], vector<16xf32>,
      %parallel_loop3A_1158 = arith.constant 16 : i32
      %parallel_loop3A_1159 = arith.muli %parallel_loop3A_1131, %parallel_loop3A_1158 : i32
      %parallel_loop3A_1160 = arith.constant 1 : i32
      %parallel_loop3A_1161 = arith.index_cast %parallel_loop3A_1160 : i32 to index
      %parallel_loop3A_1162 = arith.index_cast %parallel_loop3A_1159 : i32 to index
      %parallel_loop3A_1163 = tpu.vector_load %arg15[%parallel_loop3A_1161, %parallel_loop3A_1162] {strides = array<i32>} : memref<8x1613xf32, #tpu.memory_space<vmem>>, vector<16xf32>,
      tpu.vector_store %arg15[%parallel_loop3A_1161, %parallel_loop3A_1162], %parallel_loop3A_1157 {strides = array<i32>} : memref<8x1613xf32, #tpu.memory_space<vmem>>, vector<16xf32>,
      %parallel_loop3A_1164 = arith.addi %min3A_643, %parallel_loop3A_1139 : vector<16xi32>
      %parallel_loop3A_1165 = tpu.vector_load_idx %arg10[%parallel_loop3A_1164] : memref<16384xf32, #tpu.memory_space<vmem>>[vector<16xi32>], vector<16xf32>,
      %parallel_loop3A_1166 = arith.constant 16 : i32
      %parallel_loop3A_1167 = arith.muli %parallel_loop3A_1131, %parallel_loop3A_1166 : i32
      %parallel_loop3A_1168 = arith.constant 1 : i32
      %parallel_loop3A_1169 = arith.index_cast %parallel_loop3A_1168 : i32 to index
      %parallel_loop3A_1170 = arith.index_cast %parallel_loop3A_1167 : i32 to index
      %parallel_loop3A_1171 = tpu.vector_load %arg16[%parallel_loop3A_1169, %parallel_loop3A_1170] {strides = array<i32>} : memref<8x1613xf32, #tpu.memory_space<vmem>>, vector<16xf32>,
      tpu.vector_store %arg16[%parallel_loop3A_1169, %parallel_loop3A_1170], %parallel_loop3A_1165 {strides = array<i32>} : memref<8x1613xf32, #tpu.memory_space<vmem>>, vector<16xf32>,
      %parallel_loop3A_1172 = arith.addi %min3A_656, %parallel_loop3A_1135 : vector<16xi32>
      %parallel_loop3A_1173 = tpu.vector_load_idx %arg10[%parallel_loop3A_1172] : memref<16384xf32, #tpu.memory_space<vmem>>[vector<16xi32>], vector<16xf32>,
      %parallel_loop3A_1174 = arith.constant 16 : i32
      %parallel_loop3A_1175 = arith.muli %parallel_loop3A_1131, %parallel_loop3A_1174 : i32
      %parallel_loop3A_1176 = arith.constant 2 : i32
      %parallel_loop3A_1177 = arith.index_cast %parallel_loop3A_1176 : i32 to index
      %parallel_loop3A_1178 = arith.index_cast %parallel_loop3A_1175 : i32 to index
      %parallel_loop3A_1179 = tpu.vector_load %arg15[%parallel_loop3A_1177, %parallel_loop3A_1178] {strides = array<i32>} : memref<8x1613xf32, #tpu.memory_space<vmem>>, vector<16xf32>,
      tpu.vector_store %arg15[%parallel_loop3A_1177, %parallel_loop3A_1178], %parallel_loop3A_1173 {strides = array<i32>} : memref<8x1613xf32, #tpu.memory_space<vmem>>, vector<16xf32>,
      %parallel_loop3A_1180 = arith.addi %min3A_667, %parallel_loop3A_1139 : vector<16xi32>
      %parallel_loop3A_1181 = tpu.vector_load_idx %arg10[%parallel_loop3A_1180] : memref<16384xf32, #tpu.memory_space<vmem>>[vector<16xi32>], vector<16xf32>,
      %parallel_loop3A_1182 = arith.constant 16 : i32
      %parallel_loop3A_1183 = arith.muli %parallel_loop3A_1131, %parallel_loop3A_1182 : i32
      %parallel_loop3A_1184 = arith.constant 2 : i32
      %parallel_loop3A_1185 = arith.index_cast %parallel_loop3A_1184 : i32 to index
      %parallel_loop3A_1186 = arith.index_cast %parallel_loop3A_1183 : i32 to index
      %parallel_loop3A_1187 = tpu.vector_load %arg16[%parallel_loop3A_1185, %parallel_loop3A_1186] {strides = array<i32>} : memref<8x1613xf32, #tpu.memory_space<vmem>>, vector<16xf32>,
      tpu.vector_store %arg16[%parallel_loop3A_1185, %parallel_loop3A_1186], %parallel_loop3A_1181 {strides = array<i32>} : memref<8x1613xf32, #tpu.memory_space<vmem>>, vector<16xf32>,
      %parallel_loop3A_1188 = arith.addi %min3A_680, %parallel_loop3A_1135 : vector<16xi32>
      %parallel_loop3A_1189 = tpu.vector_load_idx %arg10[%parallel_loop3A_1188] : memref<16384xf32, #tpu.memory_space<vmem>>[vector<16xi32>], vector<16xf32>,
      %parallel_loop3A_1190 = arith.constant 16 : i32
      %parallel_loop3A_1191 = arith.muli %parallel_loop3A_1131, %parallel_loop3A_1190 : i32
      %parallel_loop3A_1192 = arith.constant 3 : i32
      %parallel_loop3A_1193 = arith.index_cast %parallel_loop3A_1192 : i32 to index
      %parallel_loop3A_1194 = arith.index_cast %parallel_loop3A_1191 : i32 to index
      %parallel_loop3A_1195 = tpu.vector_load %arg15[%parallel_loop3A_1193, %parallel_loop3A_1194] {strides = array<i32>} : memref<8x1613xf32, #tpu.memory_space<vmem>>, vector<16xf32>,
      tpu.vector_store %arg15[%parallel_loop3A_1193, %parallel_loop3A_1194], %parallel_loop3A_1189 {strides = array<i32>} : memref<8x1613xf32, #tpu.memory_space<vmem>>, vector<16xf32>,
      %parallel_loop3A_1196 = arith.addi %min3A_691, %parallel_loop3A_1139 : vector<16xi32>
      %parallel_loop3A_1197 = tpu.vector_load_idx %arg10[%parallel_loop3A_1196] : memref<16384xf32, #tpu.memory_space<vmem>>[vector<16xi32>], vector<16xf32>,
      %parallel_loop3A_1198 = arith.constant 16 : i32
      %parallel_loop3A_1199 = arith.muli %parallel_loop3A_1131, %parallel_loop3A_1198 : i32
      %parallel_loop3A_1200 = arith.constant 3 : i32
      %parallel_loop3A_1201 = arith.index_cast %parallel_loop3A_1200 : i32 to index
      %parallel_loop3A_1202 = arith.index_cast %parallel_loop3A_1199 : i32 to index
      %parallel_loop3A_1203 = tpu.vector_load %arg16[%parallel_loop3A_1201, %parallel_loop3A_1202] {strides = array<i32>} : memref<8x1613xf32, #tpu.memory_space<vmem>>, vector<16xf32>,
      tpu.vector_store %arg16[%parallel_loop3A_1201, %parallel_loop3A_1202], %parallel_loop3A_1197 {strides = array<i32>} : memref<8x1613xf32, #tpu.memory_space<vmem>>, vector<16xf32>,
    } {sc.loop_unroll_factor = 2 : i64, sc.parallel_access}
    %get3A_695 = arith.constant 1600 : index
    %get3A_696 = tpu.vector_load %arg11[%get3A_695] {strides = array<i32>} : memref<1664xi32, #tpu.memory_space<vmem>>, vector<16xi32>,
    %get3A_697 = arith.constant 1600 : index
    %get3A_698 = tpu.vector_load %arg12[%get3A_697] {strides = array<i32>} : memref<1664xi32, #tpu.memory_space<vmem>>, vector<16xi32>,
    %broadcast_in_dim3A_699 = arith.constant 0 : i32
    %broadcast_in_dim3A_700 = vector.broadcast %broadcast_in_dim3A_699 : i32 to vector<16xi32>
    %add3A_701 = arith.addi %min3A_608, %get3A_696 : vector<16xi32>
    %gather3A_702 = tpu.vector_load_idx %arg10[%add3A_701] : memref<16384xf32, #tpu.memory_space<vmem>>[vector<16xi32>], vector<16xf32>,
    %add3A_703 = arith.addi %min3A_619, %get3A_698 : vector<16xi32>
    %gather3A_704 = tpu.vector_load_idx %arg10[%add3A_703] : memref<16384xf32, #tpu.memory_space<vmem>>[vector<16xi32>], vector<16xf32>,
    tpu.vector_store_idx %arg15[%broadcast_in_dim3A_700, %add3A_65], %gather3A_702 masked %lt3A_67 : memref<8x1613xf32, #tpu.memory_space<vmem>>[vector<16xi32>, vector<16xi32>], vector<16xf32>, vector<16xi1>
    tpu.vector_store_idx %arg16[%broadcast_in_dim3A_700, %add3A_65], %gather3A_704 masked %lt3A_67 : memref<8x1613xf32, #tpu.memory_space<vmem>>[vector<16xi32>, vector<16xi32>], vector<16xf32>, vector<16xi1>
    %broadcast_in_dim3A_705 = arith.constant 1 : i32
    %broadcast_in_dim3A_706 = vector.broadcast %broadcast_in_dim3A_705 : i32 to vector<16xi32>
    %add3A_707 = arith.addi %min3A_632, %get3A_696 : vector<16xi32>
    %gather3A_708 = tpu.vector_load_idx %arg10[%add3A_707] : memref<16384xf32, #tpu.memory_space<vmem>>[vector<16xi32>], vector<16xf32>,
    %add3A_709 = arith.addi %min3A_643, %get3A_698 : vector<16xi32>
    %gather3A_710 = tpu.vector_load_idx %arg10[%add3A_709] : memref<16384xf32, #tpu.memory_space<vmem>>[vector<16xi32>], vector<16xf32>,
    tpu.vector_store_idx %arg15[%broadcast_in_dim3A_706, %add3A_65], %gather3A_708 masked %lt3A_67 : memref<8x1613xf32, #tpu.memory_space<vmem>>[vector<16xi32>, vector<16xi32>], vector<16xf32>, vector<16xi1>
    tpu.vector_store_idx %arg16[%broadcast_in_dim3A_706, %add3A_65], %gather3A_710 masked %lt3A_67 : memref<8x1613xf32, #tpu.memory_space<vmem>>[vector<16xi32>, vector<16xi32>], vector<16xf32>, vector<16xi1>
    %broadcast_in_dim3A_711 = arith.constant 2 : i32
    %broadcast_in_dim3A_712 = vector.broadcast %broadcast_in_dim3A_711 : i32 to vector<16xi32>
    %add3A_713 = arith.addi %min3A_656, %get3A_696 : vector<16xi32>
    %gather3A_714 = tpu.vector_load_idx %arg10[%add3A_713] : memref<16384xf32, #tpu.memory_space<vmem>>[vector<16xi32>], vector<16xf32>,
    %add3A_715 = arith.addi %min3A_667, %get3A_698 : vector<16xi32>
    %gather3A_716 = tpu.vector_load_idx %arg10[%add3A_715] : memref<16384xf32, #tpu.memory_space<vmem>>[vector<16xi32>], vector<16xf32>,
    tpu.vector_store_idx %arg15[%broadcast_in_dim3A_712, %add3A_65], %gather3A_714 masked %lt3A_67 : memref<8x1613xf32, #tpu.memory_space<vmem>>[vector<16xi32>, vector<16xi32>], vector<16xf32>, vector<16xi1>
    tpu.vector_store_idx %arg16[%broadcast_in_dim3A_712, %add3A_65], %gather3A_716 masked %lt3A_67 : memref<8x1613xf32, #tpu.memory_space<vmem>>[vector<16xi32>, vector<16xi32>], vector<16xf32>, vector<16xi1>
    %broadcast_in_dim3A_717 = arith.constant 3 : i32
    %broadcast_in_dim3A_718 = vector.broadcast %broadcast_in_dim3A_717 : i32 to vector<16xi32>
    %add3A_719 = arith.addi %min3A_680, %get3A_696 : vector<16xi32>
    %gather3A_720 = tpu.vector_load_idx %arg10[%add3A_719] : memref<16384xf32, #tpu.memory_space<vmem>>[vector<16xi32>], vector<16xf32>,
    %add3A_721 = arith.addi %min3A_691, %get3A_698 : vector<16xi32>
    %gather3A_722 = tpu.vector_load_idx %arg10[%add3A_721] : memref<16384xf32, #tpu.memory_space<vmem>>[vector<16xi32>], vector<16xf32>,
    tpu.vector_store_idx %arg15[%broadcast_in_dim3A_718, %add3A_65], %gather3A_720 masked %lt3A_67 : memref<8x1613xf32, #tpu.memory_space<vmem>>[vector<16xi32>, vector<16xi32>], vector<16xf32>, vector<16xi1>
    tpu.vector_store_idx %arg16[%broadcast_in_dim3A_718, %add3A_65], %gather3A_722 masked %lt3A_67 : memref<8x1613xf32, #tpu.memory_space<vmem>>[vector<16xi32>, vector<16xi32>], vector<16xf32>, vector<16xi1>
    %broadcast_in_dim3A_723 = arith.constant 28 : i32
    %broadcast_in_dim3A_724 = vector.broadcast %broadcast_in_dim3A_723 : i32 to vector<16xi32>
    %gather3A_725 = tpu.vector_load_idx %arg13[%broadcast_in_dim3A_724] : memref<56xi32, #tpu.memory_space<vmem>>[vector<16xi32>], vector<16xi32>,
    %mul3A_726 = arith.constant 512 : i32
    %mul3A_727 = vector.broadcast %mul3A_726 : i32 to vector<16xi32>
    %mul3A_728 = arith.muli %gather3A_725, %mul3A_727 : vector<16xi32>
    %sub3A_729 = arith.subi %mul3A_728, %broadcast_in_dim3A : vector<16xi32>
    %jit3A_730 = arith.constant 0 : i32
    %jit3A_731 = arith.constant 15872 : i32
    %max3A_732 = vector.broadcast %jit3A_730 : i32 to vector<16xi32>
    %max3A_733 = arith.maxsi %max3A_732, %sub3A_729 : vector<16xi32>
    %min3A_734 = vector.broadcast %jit3A_731 : i32 to vector<16xi32>
    %min3A_735 = arith.minsi %min3A_734, %max3A_733 : vector<16xi32>
    %gather3A_736 = tpu.vector_load_idx %arg14[%broadcast_in_dim3A_724] : memref<56xi32, #tpu.memory_space<vmem>>[vector<16xi32>], vector<16xi32>,
    %mul3A_737 = arith.constant 512 : i32
    %mul3A_738 = vector.broadcast %mul3A_737 : i32 to vector<16xi32>
    %mul3A_739 = arith.muli %gather3A_736, %mul3A_738 : vector<16xi32>
    %sub3A_740 = arith.subi %mul3A_739, %broadcast_in_dim3A : vector<16xi32>
    %jit3A_741 = arith.constant 0 : i32
    %jit3A_742 = arith.constant 15872 : i32
    %max3A_743 = vector.broadcast %jit3A_741 : i32 to vector<16xi32>
    %max3A_744 = arith.maxsi %max3A_743, %sub3A_740 : vector<16xi32>
    %min3A_745 = vector.broadcast %jit3A_742 : i32 to vector<16xi32>
    %min3A_746 = arith.minsi %min3A_745, %max3A_744 : vector<16xi32>
    %broadcast_in_dim3A_747 = arith.constant 29 : i32
    %broadcast_in_dim3A_748 = vector.broadcast %broadcast_in_dim3A_747 : i32 to vector<16xi32>
    %gather3A_749 = tpu.vector_load_idx %arg13[%broadcast_in_dim3A_748] : memref<56xi32, #tpu.memory_space<vmem>>[vector<16xi32>], vector<16xi32>,
    %mul3A_750 = arith.constant 512 : i32
    %mul3A_751 = vector.broadcast %mul3A_750 : i32 to vector<16xi32>
    %mul3A_752 = arith.muli %gather3A_749, %mul3A_751 : vector<16xi32>
    %sub3A_753 = arith.subi %mul3A_752, %broadcast_in_dim3A : vector<16xi32>
    %jit3A_754 = arith.constant 0 : i32
    %jit3A_755 = arith.constant 15872 : i32
    %max3A_756 = vector.broadcast %jit3A_754 : i32 to vector<16xi32>
    %max3A_757 = arith.maxsi %max3A_756, %sub3A_753 : vector<16xi32>
    %min3A_758 = vector.broadcast %jit3A_755 : i32 to vector<16xi32>
    %min3A_759 = arith.minsi %min3A_758, %max3A_757 : vector<16xi32>
    %gather3A_760 = tpu.vector_load_idx %arg14[%broadcast_in_dim3A_748] : memref<56xi32, #tpu.memory_space<vmem>>[vector<16xi32>], vector<16xi32>,
    %mul3A_761 = arith.constant 512 : i32
    %mul3A_762 = vector.broadcast %mul3A_761 : i32 to vector<16xi32>
    %mul3A_763 = arith.muli %gather3A_760, %mul3A_762 : vector<16xi32>
    %sub3A_764 = arith.subi %mul3A_763, %broadcast_in_dim3A : vector<16xi32>
    %jit3A_765 = arith.constant 0 : i32
    %jit3A_766 = arith.constant 15872 : i32
    %max3A_767 = vector.broadcast %jit3A_765 : i32 to vector<16xi32>
    %max3A_768 = arith.maxsi %max3A_767, %sub3A_764 : vector<16xi32>
    %min3A_769 = vector.broadcast %jit3A_766 : i32 to vector<16xi32>
    %min3A_770 = arith.minsi %min3A_769, %max3A_768 : vector<16xi32>
    %broadcast_in_dim3A_771 = arith.constant 30 : i32
    %broadcast_in_dim3A_772 = vector.broadcast %broadcast_in_dim3A_771 : i32 to vector<16xi32>
    %gather3A_773 = tpu.vector_load_idx %arg13[%broadcast_in_dim3A_772] : memref<56xi32, #tpu.memory_space<vmem>>[vector<16xi32>], vector<16xi32>,
    %mul3A_774 = arith.constant 512 : i32
    %mul3A_775 = vector.broadcast %mul3A_774 : i32 to vector<16xi32>
    %mul3A_776 = arith.muli %gather3A_773, %mul3A_775 : vector<16xi32>
    %sub3A_777 = arith.subi %mul3A_776, %broadcast_in_dim3A : vector<16xi32>
    %jit3A_778 = arith.constant 0 : i32
    %jit3A_779 = arith.constant 15872 : i32
    %max3A_780 = vector.broadcast %jit3A_778 : i32 to vector<16xi32>
    %max3A_781 = arith.maxsi %max3A_780, %sub3A_777 : vector<16xi32>
    %min3A_782 = vector.broadcast %jit3A_779 : i32 to vector<16xi32>
    %min3A_783 = arith.minsi %min3A_782, %max3A_781 : vector<16xi32>
    %gather3A_784 = tpu.vector_load_idx %arg14[%broadcast_in_dim3A_772] : memref<56xi32, #tpu.memory_space<vmem>>[vector<16xi32>], vector<16xi32>,
    %mul3A_785 = arith.constant 512 : i32
    %mul3A_786 = vector.broadcast %mul3A_785 : i32 to vector<16xi32>
    %mul3A_787 = arith.muli %gather3A_784, %mul3A_786 : vector<16xi32>
    %sub3A_788 = arith.subi %mul3A_787, %broadcast_in_dim3A : vector<16xi32>
    %jit3A_789 = arith.constant 0 : i32
    %jit3A_790 = arith.constant 15872 : i32
    %max3A_791 = vector.broadcast %jit3A_789 : i32 to vector<16xi32>
    %max3A_792 = arith.maxsi %max3A_791, %sub3A_788 : vector<16xi32>
    %min3A_793 = vector.broadcast %jit3A_790 : i32 to vector<16xi32>
    %min3A_794 = arith.minsi %min3A_793, %max3A_792 : vector<16xi32>
    %broadcast_in_dim3A_795 = arith.constant 31 : i32
    %broadcast_in_dim3A_796 = vector.broadcast %broadcast_in_dim3A_795 : i32 to vector<16xi32>
    %gather3A_797 = tpu.vector_load_idx %arg13[%broadcast_in_dim3A_796] : memref<56xi32, #tpu.memory_space<vmem>>[vector<16xi32>], vector<16xi32>,
    %mul3A_798 = arith.constant 512 : i32
    %mul3A_799 = vector.broadcast %mul3A_798 : i32 to vector<16xi32>
    %mul3A_800 = arith.muli %gather3A_797, %mul3A_799 : vector<16xi32>
    %sub3A_801 = arith.subi %mul3A_800, %broadcast_in_dim3A : vector<16xi32>
    %jit3A_802 = arith.constant 0 : i32
    %jit3A_803 = arith.constant 15872 : i32
    %max3A_804 = vector.broadcast %jit3A_802 : i32 to vector<16xi32>
    %max3A_805 = arith.maxsi %max3A_804, %sub3A_801 : vector<16xi32>
    %min3A_806 = vector.broadcast %jit3A_803 : i32 to vector<16xi32>
    %min3A_807 = arith.minsi %min3A_806, %max3A_805 : vector<16xi32>
    %gather3A_808 = tpu.vector_load_idx %arg14[%broadcast_in_dim3A_796] : memref<56xi32, #tpu.memory_space<vmem>>[vector<16xi32>], vector<16xi32>,
    %mul3A_809 = arith.constant 512 : i32
    %mul3A_810 = vector.broadcast %mul3A_809 : i32 to vector<16xi32>
    %mul3A_811 = arith.muli %gather3A_808, %mul3A_810 : vector<16xi32>
    %sub3A_812 = arith.subi %mul3A_811, %broadcast_in_dim3A : vector<16xi32>
    %jit3A_813 = arith.constant 0 : i32
    %jit3A_814 = arith.constant 15872 : i32
    %max3A_815 = vector.broadcast %jit3A_813 : i32 to vector<16xi32>
    %max3A_816 = arith.maxsi %max3A_815, %sub3A_812 : vector<16xi32>
    %min3A_817 = vector.broadcast %jit3A_814 : i32 to vector<16xi32>
    %min3A_818 = arith.minsi %min3A_817, %max3A_816 : vector<16xi32>
    %parallel_loop3A_819 = arith.constant 0 : i32
    %parallel_loop3A_820 = arith.constant 100 : i32
    %parallel_loop3A_821 = arith.constant 1 : i32
    scf.for %parallel_loop3A_1131 = %parallel_loop3A_819 to %parallel_loop3A_820 step %parallel_loop3A_821  : i32 {
      %parallel_loop3A_1132 = arith.constant 16 : i32
      %parallel_loop3A_1133 = arith.muli %parallel_loop3A_1131, %parallel_loop3A_1132 : i32
      %parallel_loop3A_1134 = arith.index_cast %parallel_loop3A_1133 : i32 to index
      %parallel_loop3A_1135 = tpu.vector_load %arg11[%parallel_loop3A_1134] {strides = array<i32>} : memref<1664xi32, #tpu.memory_space<vmem>>, vector<16xi32>,
      %parallel_loop3A_1136 = arith.constant 16 : i32
      %parallel_loop3A_1137 = arith.muli %parallel_loop3A_1131, %parallel_loop3A_1136 : i32
      %parallel_loop3A_1138 = arith.index_cast %parallel_loop3A_1137 : i32 to index
      %parallel_loop3A_1139 = tpu.vector_load %arg12[%parallel_loop3A_1138] {strides = array<i32>} : memref<1664xi32, #tpu.memory_space<vmem>>, vector<16xi32>,
      %parallel_loop3A_1140 = arith.addi %min3A_735, %parallel_loop3A_1135 : vector<16xi32>
      %parallel_loop3A_1141 = tpu.vector_load_idx %arg10[%parallel_loop3A_1140] : memref<16384xf32, #tpu.memory_space<vmem>>[vector<16xi32>], vector<16xf32>,
      %parallel_loop3A_1142 = arith.constant 16 : i32
      %parallel_loop3A_1143 = arith.muli %parallel_loop3A_1131, %parallel_loop3A_1142 : i32
      %parallel_loop3A_1144 = arith.constant 4 : i32
      %parallel_loop3A_1145 = arith.index_cast %parallel_loop3A_1144 : i32 to index
      %parallel_loop3A_1146 = arith.index_cast %parallel_loop3A_1143 : i32 to index
      %parallel_loop3A_1147 = tpu.vector_load %arg15[%parallel_loop3A_1145, %parallel_loop3A_1146] {strides = array<i32>} : memref<8x1613xf32, #tpu.memory_space<vmem>>, vector<16xf32>,
      tpu.vector_store %arg15[%parallel_loop3A_1145, %parallel_loop3A_1146], %parallel_loop3A_1141 {strides = array<i32>} : memref<8x1613xf32, #tpu.memory_space<vmem>>, vector<16xf32>,
      %parallel_loop3A_1148 = arith.addi %min3A_746, %parallel_loop3A_1139 : vector<16xi32>
      %parallel_loop3A_1149 = tpu.vector_load_idx %arg10[%parallel_loop3A_1148] : memref<16384xf32, #tpu.memory_space<vmem>>[vector<16xi32>], vector<16xf32>,
      %parallel_loop3A_1150 = arith.constant 16 : i32
      %parallel_loop3A_1151 = arith.muli %parallel_loop3A_1131, %parallel_loop3A_1150 : i32
      %parallel_loop3A_1152 = arith.constant 4 : i32
      %parallel_loop3A_1153 = arith.index_cast %parallel_loop3A_1152 : i32 to index
      %parallel_loop3A_1154 = arith.index_cast %parallel_loop3A_1151 : i32 to index
      %parallel_loop3A_1155 = tpu.vector_load %arg16[%parallel_loop3A_1153, %parallel_loop3A_1154] {strides = array<i32>} : memref<8x1613xf32, #tpu.memory_space<vmem>>, vector<16xf32>,
      tpu.vector_store %arg16[%parallel_loop3A_1153, %parallel_loop3A_1154], %parallel_loop3A_1149 {strides = array<i32>} : memref<8x1613xf32, #tpu.memory_space<vmem>>, vector<16xf32>,
      %parallel_loop3A_1156 = arith.addi %min3A_759, %parallel_loop3A_1135 : vector<16xi32>
      %parallel_loop3A_1157 = tpu.vector_load_idx %arg10[%parallel_loop3A_1156] : memref<16384xf32, #tpu.memory_space<vmem>>[vector<16xi32>], vector<16xf32>,
      %parallel_loop3A_1158 = arith.constant 16 : i32
      %parallel_loop3A_1159 = arith.muli %parallel_loop3A_1131, %parallel_loop3A_1158 : i32
      %parallel_loop3A_1160 = arith.constant 5 : i32
      %parallel_loop3A_1161 = arith.index_cast %parallel_loop3A_1160 : i32 to index
      %parallel_loop3A_1162 = arith.index_cast %parallel_loop3A_1159 : i32 to index
      %parallel_loop3A_1163 = tpu.vector_load %arg15[%parallel_loop3A_1161, %parallel_loop3A_1162] {strides = array<i32>} : memref<8x1613xf32, #tpu.memory_space<vmem>>, vector<16xf32>,
      tpu.vector_store %arg15[%parallel_loop3A_1161, %parallel_loop3A_1162], %parallel_loop3A_1157 {strides = array<i32>} : memref<8x1613xf32, #tpu.memory_space<vmem>>, vector<16xf32>,
      %parallel_loop3A_1164 = arith.addi %min3A_770, %parallel_loop3A_1139 : vector<16xi32>
      %parallel_loop3A_1165 = tpu.vector_load_idx %arg10[%parallel_loop3A_1164] : memref<16384xf32, #tpu.memory_space<vmem>>[vector<16xi32>], vector<16xf32>,
      %parallel_loop3A_1166 = arith.constant 16 : i32
      %parallel_loop3A_1167 = arith.muli %parallel_loop3A_1131, %parallel_loop3A_1166 : i32
      %parallel_loop3A_1168 = arith.constant 5 : i32
      %parallel_loop3A_1169 = arith.index_cast %parallel_loop3A_1168 : i32 to index
      %parallel_loop3A_1170 = arith.index_cast %parallel_loop3A_1167 : i32 to index
      %parallel_loop3A_1171 = tpu.vector_load %arg16[%parallel_loop3A_1169, %parallel_loop3A_1170] {strides = array<i32>} : memref<8x1613xf32, #tpu.memory_space<vmem>>, vector<16xf32>,
      tpu.vector_store %arg16[%parallel_loop3A_1169, %parallel_loop3A_1170], %parallel_loop3A_1165 {strides = array<i32>} : memref<8x1613xf32, #tpu.memory_space<vmem>>, vector<16xf32>,
      %parallel_loop3A_1172 = arith.addi %min3A_783, %parallel_loop3A_1135 : vector<16xi32>
      %parallel_loop3A_1173 = tpu.vector_load_idx %arg10[%parallel_loop3A_1172] : memref<16384xf32, #tpu.memory_space<vmem>>[vector<16xi32>], vector<16xf32>,
      %parallel_loop3A_1174 = arith.constant 16 : i32
      %parallel_loop3A_1175 = arith.muli %parallel_loop3A_1131, %parallel_loop3A_1174 : i32
      %parallel_loop3A_1176 = arith.constant 6 : i32
      %parallel_loop3A_1177 = arith.index_cast %parallel_loop3A_1176 : i32 to index
      %parallel_loop3A_1178 = arith.index_cast %parallel_loop3A_1175 : i32 to index
      %parallel_loop3A_1179 = tpu.vector_load %arg15[%parallel_loop3A_1177, %parallel_loop3A_1178] {strides = array<i32>} : memref<8x1613xf32, #tpu.memory_space<vmem>>, vector<16xf32>,
      tpu.vector_store %arg15[%parallel_loop3A_1177, %parallel_loop3A_1178], %parallel_loop3A_1173 {strides = array<i32>} : memref<8x1613xf32, #tpu.memory_space<vmem>>, vector<16xf32>,
      %parallel_loop3A_1180 = arith.addi %min3A_794, %parallel_loop3A_1139 : vector<16xi32>
      %parallel_loop3A_1181 = tpu.vector_load_idx %arg10[%parallel_loop3A_1180] : memref<16384xf32, #tpu.memory_space<vmem>>[vector<16xi32>], vector<16xf32>,
      %parallel_loop3A_1182 = arith.constant 16 : i32
      %parallel_loop3A_1183 = arith.muli %parallel_loop3A_1131, %parallel_loop3A_1182 : i32
      %parallel_loop3A_1184 = arith.constant 6 : i32
      %parallel_loop3A_1185 = arith.index_cast %parallel_loop3A_1184 : i32 to index
      %parallel_loop3A_1186 = arith.index_cast %parallel_loop3A_1183 : i32 to index
      %parallel_loop3A_1187 = tpu.vector_load %arg16[%parallel_loop3A_1185, %parallel_loop3A_1186] {strides = array<i32>} : memref<8x1613xf32, #tpu.memory_space<vmem>>, vector<16xf32>,
      tpu.vector_store %arg16[%parallel_loop3A_1185, %parallel_loop3A_1186], %parallel_loop3A_1181 {strides = array<i32>} : memref<8x1613xf32, #tpu.memory_space<vmem>>, vector<16xf32>,
      %parallel_loop3A_1188 = arith.addi %min3A_807, %parallel_loop3A_1135 : vector<16xi32>
      %parallel_loop3A_1189 = tpu.vector_load_idx %arg10[%parallel_loop3A_1188] : memref<16384xf32, #tpu.memory_space<vmem>>[vector<16xi32>], vector<16xf32>,
      %parallel_loop3A_1190 = arith.constant 16 : i32
      %parallel_loop3A_1191 = arith.muli %parallel_loop3A_1131, %parallel_loop3A_1190 : i32
      %parallel_loop3A_1192 = arith.constant 7 : i32
      %parallel_loop3A_1193 = arith.index_cast %parallel_loop3A_1192 : i32 to index
      %parallel_loop3A_1194 = arith.index_cast %parallel_loop3A_1191 : i32 to index
      %parallel_loop3A_1195 = tpu.vector_load %arg15[%parallel_loop3A_1193, %parallel_loop3A_1194] {strides = array<i32>} : memref<8x1613xf32, #tpu.memory_space<vmem>>, vector<16xf32>,
      tpu.vector_store %arg15[%parallel_loop3A_1193, %parallel_loop3A_1194], %parallel_loop3A_1189 {strides = array<i32>} : memref<8x1613xf32, #tpu.memory_space<vmem>>, vector<16xf32>,
      %parallel_loop3A_1196 = arith.addi %min3A_818, %parallel_loop3A_1139 : vector<16xi32>
      %parallel_loop3A_1197 = tpu.vector_load_idx %arg10[%parallel_loop3A_1196] : memref<16384xf32, #tpu.memory_space<vmem>>[vector<16xi32>], vector<16xf32>,
      %parallel_loop3A_1198 = arith.constant 16 : i32
      %parallel_loop3A_1199 = arith.muli %parallel_loop3A_1131, %parallel_loop3A_1198 : i32
      %parallel_loop3A_1200 = arith.constant 7 : i32
      %parallel_loop3A_1201 = arith.index_cast %parallel_loop3A_1200 : i32 to index
      %parallel_loop3A_1202 = arith.index_cast %parallel_loop3A_1199 : i32 to index
      %parallel_loop3A_1203 = tpu.vector_load %arg16[%parallel_loop3A_1201, %parallel_loop3A_1202] {strides = array<i32>} : memref<8x1613xf32, #tpu.memory_space<vmem>>, vector<16xf32>,
      tpu.vector_store %arg16[%parallel_loop3A_1201, %parallel_loop3A_1202], %parallel_loop3A_1197 {strides = array<i32>} : memref<8x1613xf32, #tpu.memory_space<vmem>>, vector<16xf32>,
    } {sc.loop_unroll_factor = 2 : i64, sc.parallel_access}
    %get3A_822 = arith.constant 1600 : index
    %get3A_823 = tpu.vector_load %arg11[%get3A_822] {strides = array<i32>} : memref<1664xi32, #tpu.memory_space<vmem>>, vector<16xi32>,
    %get3A_824 = arith.constant 1600 : index
    %get3A_825 = tpu.vector_load %arg12[%get3A_824] {strides = array<i32>} : memref<1664xi32, #tpu.memory_space<vmem>>, vector<16xi32>,
    %broadcast_in_dim3A_826 = arith.constant 4 : i32
    %broadcast_in_dim3A_827 = vector.broadcast %broadcast_in_dim3A_826 : i32 to vector<16xi32>
    %add3A_828 = arith.addi %min3A_735, %get3A_823 : vector<16xi32>
    %gather3A_829 = tpu.vector_load_idx %arg10[%add3A_828] : memref<16384xf32, #tpu.memory_space<vmem>>[vector<16xi32>], vector<16xf32>,
    %add3A_830 = arith.addi %min3A_746, %get3A_825 : vector<16xi32>
    %gather3A_831 = tpu.vector_load_idx %arg10[%add3A_830] : memref<16384xf32, #tpu.memory_space<vmem>>[vector<16xi32>], vector<16xf32>,
    tpu.vector_store_idx %arg15[%broadcast_in_dim3A_827, %add3A_65], %gather3A_829 masked %lt3A_67 : memref<8x1613xf32, #tpu.memory_space<vmem>>[vector<16xi32>, vector<16xi32>], vector<16xf32>, vector<16xi1>
    tpu.vector_store_idx %arg16[%broadcast_in_dim3A_827, %add3A_65], %gather3A_831 masked %lt3A_67 : memref<8x1613xf32, #tpu.memory_space<vmem>>[vector<16xi32>, vector<16xi32>], vector<16xf32>, vector<16xi1>
    %broadcast_in_dim3A_832 = arith.constant 5 : i32
    %broadcast_in_dim3A_833 = vector.broadcast %broadcast_in_dim3A_832 : i32 to vector<16xi32>
    %add3A_834 = arith.addi %min3A_759, %get3A_823 : vector<16xi32>
    %gather3A_835 = tpu.vector_load_idx %arg10[%add3A_834] : memref<16384xf32, #tpu.memory_space<vmem>>[vector<16xi32>], vector<16xf32>,
    %add3A_836 = arith.addi %min3A_770, %get3A_825 : vector<16xi32>
    %gather3A_837 = tpu.vector_load_idx %arg10[%add3A_836] : memref<16384xf32, #tpu.memory_space<vmem>>[vector<16xi32>], vector<16xf32>,
    tpu.vector_store_idx %arg15[%broadcast_in_dim3A_833, %add3A_65], %gather3A_835 masked %lt3A_67 : memref<8x1613xf32, #tpu.memory_space<vmem>>[vector<16xi32>, vector<16xi32>], vector<16xf32>, vector<16xi1>
    tpu.vector_store_idx %arg16[%broadcast_in_dim3A_833, %add3A_65], %gather3A_837 masked %lt3A_67 : memref<8x1613xf32, #tpu.memory_space<vmem>>[vector<16xi32>, vector<16xi32>], vector<16xf32>, vector<16xi1>
    %broadcast_in_dim3A_838 = arith.constant 6 : i32
    %broadcast_in_dim3A_839 = vector.broadcast %broadcast_in_dim3A_838 : i32 to vector<16xi32>
    %add3A_840 = arith.addi %min3A_783, %get3A_823 : vector<16xi32>
    %gather3A_841 = tpu.vector_load_idx %arg10[%add3A_840] : memref<16384xf32, #tpu.memory_space<vmem>>[vector<16xi32>], vector<16xf32>,
    %add3A_842 = arith.addi %min3A_794, %get3A_825 : vector<16xi32>
    %gather3A_843 = tpu.vector_load_idx %arg10[%add3A_842] : memref<16384xf32, #tpu.memory_space<vmem>>[vector<16xi32>], vector<16xf32>,
    tpu.vector_store_idx %arg15[%broadcast_in_dim3A_839, %add3A_65], %gather3A_841 masked %lt3A_67 : memref<8x1613xf32, #tpu.memory_space<vmem>>[vector<16xi32>, vector<16xi32>], vector<16xf32>, vector<16xi1>
    tpu.vector_store_idx %arg16[%broadcast_in_dim3A_839, %add3A_65], %gather3A_843 masked %lt3A_67 : memref<8x1613xf32, #tpu.memory_space<vmem>>[vector<16xi32>, vector<16xi32>], vector<16xf32>, vector<16xi1>
    %broadcast_in_dim3A_844 = arith.constant 7 : i32
    %broadcast_in_dim3A_845 = vector.broadcast %broadcast_in_dim3A_844 : i32 to vector<16xi32>
    %add3A_846 = arith.addi %min3A_807, %get3A_823 : vector<16xi32>
    %gather3A_847 = tpu.vector_load_idx %arg10[%add3A_846] : memref<16384xf32, #tpu.memory_space<vmem>>[vector<16xi32>], vector<16xf32>,
    %add3A_848 = arith.addi %min3A_818, %get3A_825 : vector<16xi32>
    %gather3A_849 = tpu.vector_load_idx %arg10[%add3A_848] : memref<16384xf32, #tpu.memory_space<vmem>>[vector<16xi32>], vector<16xf32>,
    tpu.vector_store_idx %arg15[%broadcast_in_dim3A_845, %add3A_65], %gather3A_847 masked %lt3A_67 : memref<8x1613xf32, #tpu.memory_space<vmem>>[vector<16xi32>, vector<16xi32>], vector<16xf32>, vector<16xi1>
    tpu.vector_store_idx %arg16[%broadcast_in_dim3A_845, %add3A_65], %gather3A_849 masked %lt3A_67 : memref<8x1613xf32, #tpu.memory_space<vmem>>[vector<16xi32>, vector<16xi32>], vector<16xf32>, vector<16xi1>
    %lt3A_850 = arith.constant 131 : i32
    %lt3A_851 = arith.cmpi slt, %add3A_595, %lt3A_850 : i32
    %convert_element_type3A_852 = arith.extui %lt3A_851 : i1 to i32
    %cond3A_853 = arith.constant 0 : i32
    %cond3A_854 = arith.cmpi ne, %convert_element_type3A_852, %cond3A_853 : i32
    scf.if %cond3A_854 {
      %mul3A_1131 = arith.constant 8 : i32
      %mul3A_1132 = arith.muli %mul3A_1131, %add3A_595 : i32
      %run_scoped3A = arith.constant 0 : i32
      %run_scoped3A_1133 = arith.constant 0 : i32
      "tpu.region"() ({
        %run_scoped3A_1138 = tpu.sem_alloc : memref<!tpu.dma_semaphore, #tpu.memory_space<semaphore_mem>>
        %dma_start3A = arith.constant 0 : i32
        %dma_start3A_1139 = tpu.memref_slice %arg7[%run_scoped3A, %run_scoped3A_1133, %mul3A_1132, %dma_start3A] : memref<1x1x1050x1613xf32, #tpu.memory_space<hbm>> -> memref<1x1x8x1613xf32, #tpu.memory_space<hbm>>
        %dma_start3A_1140 = tpu.memref_squeeze %dma_start3A_1139 : memref<1x1x8x1613xf32, #tpu.memory_space<hbm>> -> memref<8x1613xf32, #tpu.memory_space<hbm>>
        %dma_start3A_1141 = arith.constant 0 : i32
        %dma_start3A_1142 = tpu.memref_slice %arg7[%run_scoped3A, %run_scoped3A_1133, %mul3A_1132, %dma_start3A_1141] : memref<1x1x1050x1613xf32, #tpu.memory_space<hbm>> -> memref<1x1x8x1613xf32, #tpu.memory_space<hbm>>
        %dma_start3A_1143 = tpu.memref_squeeze %dma_start3A_1142 : memref<1x1x8x1613xf32, #tpu.memory_space<hbm>> -> memref<8x1613xf32, #tpu.memory_space<hbm>>
        tpu.enqueue_dma source(%arg15 : memref<8x1613xf32, #tpu.memory_space<vmem>>) target(%dma_start3A_1143 : memref<8x1613xf32, #tpu.memory_space<hbm>>) target_semaphore(%run_scoped3A_1138 : memref<!tpu.dma_semaphore, #tpu.memory_space<semaphore_mem>>)
        %dma_wait3A = arith.constant 0 : i32
        %dma_wait3A_1144 = tpu.memref_slice %arg7[%run_scoped3A, %run_scoped3A_1133, %mul3A_1132, %dma_wait3A] : memref<1x1x1050x1613xf32, #tpu.memory_space<hbm>> -> memref<1x1x8x1613xf32, #tpu.memory_space<hbm>>
        %dma_wait3A_1145 = tpu.memref_squeeze %dma_wait3A_1144 : memref<1x1x8x1613xf32, #tpu.memory_space<hbm>> -> memref<8x1613xf32, #tpu.memory_space<hbm>>
        %dma_wait3A_1146 = arith.constant 0 : i32
        %dma_wait3A_1147 = tpu.memref_slice %arg7[%run_scoped3A, %run_scoped3A_1133, %mul3A_1132, %dma_wait3A_1146] : memref<1x1x1050x1613xf32, #tpu.memory_space<hbm>> -> memref<1x1x8x1613xf32, #tpu.memory_space<hbm>>
        %dma_wait3A_1148 = tpu.memref_squeeze %dma_wait3A_1147 : memref<1x1x8x1613xf32, #tpu.memory_space<hbm>> -> memref<8x1613xf32, #tpu.memory_space<hbm>>
        tpu.wait_dma2 semaphore(%run_scoped3A_1138 : memref<!tpu.dma_semaphore, #tpu.memory_space<semaphore_mem>>) src(%arg15 : memref<8x1613xf32, #tpu.memory_space<vmem>>) dst(%dma_wait3A_1148 : memref<8x1613xf32, #tpu.memory_space<hbm>>)
        tpu.yield
      }) : () -> ()
      %mul3A_1134 = arith.constant 8 : i32
      %mul3A_1135 = arith.muli %mul3A_1134, %add3A_595 : i32
      %run_scoped3A_1136 = arith.constant 0 : i32
      %run_scoped3A_1137 = arith.constant 0 : i32
      "tpu.region"() ({
        %run_scoped3A_1138 = tpu.sem_alloc : memref<!tpu.dma_semaphore, #tpu.memory_space<semaphore_mem>>
        %dma_start3A = arith.constant 0 : i32
        %dma_start3A_1139 = tpu.memref_slice %arg8[%run_scoped3A_1136, %run_scoped3A_1137, %mul3A_1135, %dma_start3A] : memref<1x1x1050x1613xf32, #tpu.memory_space<hbm>> -> memref<1x1x8x1613xf32, #tpu.memory_space<hbm>>
        %dma_start3A_1140 = tpu.memref_squeeze %dma_start3A_1139 : memref<1x1x8x1613xf32, #tpu.memory_space<hbm>> -> memref<8x1613xf32, #tpu.memory_space<hbm>>
        %dma_start3A_1141 = arith.constant 0 : i32
        %dma_start3A_1142 = tpu.memref_slice %arg8[%run_scoped3A_1136, %run_scoped3A_1137, %mul3A_1135, %dma_start3A_1141] : memref<1x1x1050x1613xf32, #tpu.memory_space<hbm>> -> memref<1x1x8x1613xf32, #tpu.memory_space<hbm>>
        %dma_start3A_1143 = tpu.memref_squeeze %dma_start3A_1142 : memref<1x1x8x1613xf32, #tpu.memory_space<hbm>> -> memref<8x1613xf32, #tpu.memory_space<hbm>>
        tpu.enqueue_dma source(%arg16 : memref<8x1613xf32, #tpu.memory_space<vmem>>) target(%dma_start3A_1143 : memref<8x1613xf32, #tpu.memory_space<hbm>>) target_semaphore(%run_scoped3A_1138 : memref<!tpu.dma_semaphore, #tpu.memory_space<semaphore_mem>>)
        %dma_wait3A = arith.constant 0 : i32
        %dma_wait3A_1144 = tpu.memref_slice %arg8[%run_scoped3A_1136, %run_scoped3A_1137, %mul3A_1135, %dma_wait3A] : memref<1x1x1050x1613xf32, #tpu.memory_space<hbm>> -> memref<1x1x8x1613xf32, #tpu.memory_space<hbm>>
        %dma_wait3A_1145 = tpu.memref_squeeze %dma_wait3A_1144 : memref<1x1x8x1613xf32, #tpu.memory_space<hbm>> -> memref<8x1613xf32, #tpu.memory_space<hbm>>
        %dma_wait3A_1146 = arith.constant 0 : i32
        %dma_wait3A_1147 = tpu.memref_slice %arg8[%run_scoped3A_1136, %run_scoped3A_1137, %mul3A_1135, %dma_wait3A_1146] : memref<1x1x1050x1613xf32, #tpu.memory_space<hbm>> -> memref<1x1x8x1613xf32, #tpu.memory_space<hbm>>
        %dma_wait3A_1148 = tpu.memref_squeeze %dma_wait3A_1147 : memref<1x1x8x1613xf32, #tpu.memory_space<hbm>> -> memref<8x1613xf32, #tpu.memory_space<hbm>>
        tpu.wait_dma2 semaphore(%run_scoped3A_1138 : memref<!tpu.dma_semaphore, #tpu.memory_space<semaphore_mem>>) src(%arg16 : memref<8x1613xf32, #tpu.memory_space<vmem>>) dst(%dma_wait3A_1148 : memref<8x1613xf32, #tpu.memory_space<hbm>>)
        tpu.yield
      }) : () -> ()
    } else {
    }
    %eq3A_855 = arith.constant 131 : i32
    %eq3A_856 = arith.cmpi eq, %add3A_595, %eq3A_855 : i32
    %convert_element_type3A_857 = arith.extui %eq3A_856 : i1 to i32
    %cond3A_858 = arith.constant 0 : i32
    %cond3A_859 = arith.cmpi ne, %convert_element_type3A_857, %cond3A_858 : i32
    scf.if %cond3A_859 {
      %run_scoped3A = arith.constant 0 : i32
      %run_scoped3A_1131 = arith.constant 0 : i32
      "tpu.region"() ({
        %run_scoped3A_1134 = tpu.sem_alloc : memref<!tpu.dma_semaphore, #tpu.memory_space<semaphore_mem>>
        %dma_start3A = arith.constant 0 : i32
        %dma_start3A_1135 = arith.constant 0 : i32
        %dma_start3A_1136 = tpu.memref_slice %arg15[%dma_start3A, %dma_start3A_1135] : memref<8x1613xf32, #tpu.memory_space<vmem>> -> memref<2x1613xf32, #tpu.memory_space<vmem>>
        %dma_start3A_1137 = arith.constant 1048 : i32
        %dma_start3A_1138 = arith.constant 0 : i32
        %dma_start3A_1139 = tpu.memref_slice %arg7[%run_scoped3A, %run_scoped3A_1131, %dma_start3A_1137, %dma_start3A_1138] : memref<1x1x1050x1613xf32, #tpu.memory_space<hbm>> -> memref<1x1x2x1613xf32, #tpu.memory_space<hbm>>
        %dma_start3A_1140 = tpu.memref_squeeze %dma_start3A_1139 : memref<1x1x2x1613xf32, #tpu.memory_space<hbm>> -> memref<2x1613xf32, #tpu.memory_space<hbm>>
        %dma_start3A_1141 = arith.constant 1048 : i32
        %dma_start3A_1142 = arith.constant 0 : i32
        %dma_start3A_1143 = tpu.memref_slice %arg7[%run_scoped3A, %run_scoped3A_1131, %dma_start3A_1141, %dma_start3A_1142] : memref<1x1x1050x1613xf32, #tpu.memory_space<hbm>> -> memref<1x1x2x1613xf32, #tpu.memory_space<hbm>>
        %dma_start3A_1144 = tpu.memref_squeeze %dma_start3A_1143 : memref<1x1x2x1613xf32, #tpu.memory_space<hbm>> -> memref<2x1613xf32, #tpu.memory_space<hbm>>
        %dma_start3A_1145 = arith.constant 0 : i32
        %dma_start3A_1146 = arith.constant 0 : i32
        %dma_start3A_1147 = tpu.memref_slice %arg15[%dma_start3A_1145, %dma_start3A_1146] : memref<8x1613xf32, #tpu.memory_space<vmem>> -> memref<2x1613xf32, #tpu.memory_space<vmem>>
        tpu.enqueue_dma source(%dma_start3A_1147 : memref<2x1613xf32, #tpu.memory_space<vmem>>) target(%dma_start3A_1144 : memref<2x1613xf32, #tpu.memory_space<hbm>>) target_semaphore(%run_scoped3A_1134 : memref<!tpu.dma_semaphore, #tpu.memory_space<semaphore_mem>>)
        %dma_wait3A = arith.constant 0 : i32
        %dma_wait3A_1148 = arith.constant 0 : i32
        %dma_wait3A_1149 = tpu.memref_slice %arg15[%dma_wait3A, %dma_wait3A_1148] : memref<8x1613xf32, #tpu.memory_space<vmem>> -> memref<2x1613xf32, #tpu.memory_space<vmem>>
        %dma_wait3A_1150 = arith.constant 1048 : i32
        %dma_wait3A_1151 = arith.constant 0 : i32
        %dma_wait3A_1152 = tpu.memref_slice %arg7[%run_scoped3A, %run_scoped3A_1131, %dma_wait3A_1150, %dma_wait3A_1151] : memref<1x1x1050x1613xf32, #tpu.memory_space<hbm>> -> memref<1x1x2x1613xf32, #tpu.memory_space<hbm>>
        %dma_wait3A_1153 = tpu.memref_squeeze %dma_wait3A_1152 : memref<1x1x2x1613xf32, #tpu.memory_space<hbm>> -> memref<2x1613xf32, #tpu.memory_space<hbm>>
        %dma_wait3A_1154 = arith.constant 1048 : i32
        %dma_wait3A_1155 = arith.constant 0 : i32
        %dma_wait3A_1156 = tpu.memref_slice %arg7[%run_scoped3A, %run_scoped3A_1131, %dma_wait3A_1154, %dma_wait3A_1155] : memref<1x1x1050x1613xf32, #tpu.memory_space<hbm>> -> memref<1x1x2x1613xf32, #tpu.memory_space<hbm>>
        %dma_wait3A_1157 = tpu.memref_squeeze %dma_wait3A_1156 : memref<1x1x2x1613xf32, #tpu.memory_space<hbm>> -> memref<2x1613xf32, #tpu.memory_space<hbm>>
        %dma_wait3A_1158 = arith.constant 0 : i32
        %dma_wait3A_1159 = arith.constant 0 : i32
        %dma_wait3A_1160 = tpu.memref_slice %arg15[%dma_wait3A_1158, %dma_wait3A_1159] : memref<8x1613xf32, #tpu.memory_space<vmem>> -> memref<2x1613xf32, #tpu.memory_space<vmem>>
        tpu.wait_dma2 semaphore(%run_scoped3A_1134 : memref<!tpu.dma_semaphore, #tpu.memory_space<semaphore_mem>>) src(%dma_wait3A_1160 : memref<2x1613xf32, #tpu.memory_space<vmem>>) dst(%dma_wait3A_1157 : memref<2x1613xf32, #tpu.memory_space<hbm>>)
        tpu.yield
      }) : () -> ()
      %run_scoped3A_1132 = arith.constant 0 : i32
      %run_scoped3A_1133 = arith.constant 0 : i32
      "tpu.region"() ({
        %run_scoped3A_1134 = tpu.sem_alloc : memref<!tpu.dma_semaphore, #tpu.memory_space<semaphore_mem>>
        %dma_start3A = arith.constant 0 : i32
        %dma_start3A_1135 = arith.constant 0 : i32
        %dma_start3A_1136 = tpu.memref_slice %arg16[%dma_start3A, %dma_start3A_1135] : memref<8x1613xf32, #tpu.memory_space<vmem>> -> memref<2x1613xf32, #tpu.memory_space<vmem>>
        %dma_start3A_1137 = arith.constant 1048 : i32
        %dma_start3A_1138 = arith.constant 0 : i32
        %dma_start3A_1139 = tpu.memref_slice %arg8[%run_scoped3A_1132, %run_scoped3A_1133, %dma_start3A_1137, %dma_start3A_1138] : memref<1x1x1050x1613xf32, #tpu.memory_space<hbm>> -> memref<1x1x2x1613xf32, #tpu.memory_space<hbm>>
        %dma_start3A_1140 = tpu.memref_squeeze %dma_start3A_1139 : memref<1x1x2x1613xf32, #tpu.memory_space<hbm>> -> memref<2x1613xf32, #tpu.memory_space<hbm>>
        %dma_start3A_1141 = arith.constant 1048 : i32
        %dma_start3A_1142 = arith.constant 0 : i32
        %dma_start3A_1143 = tpu.memref_slice %arg8[%run_scoped3A_1132, %run_scoped3A_1133, %dma_start3A_1141, %dma_start3A_1142] : memref<1x1x1050x1613xf32, #tpu.memory_space<hbm>> -> memref<1x1x2x1613xf32, #tpu.memory_space<hbm>>
        %dma_start3A_1144 = tpu.memref_squeeze %dma_start3A_1143 : memref<1x1x2x1613xf32, #tpu.memory_space<hbm>> -> memref<2x1613xf32, #tpu.memory_space<hbm>>
        %dma_start3A_1145 = arith.constant 0 : i32
        %dma_start3A_1146 = arith.constant 0 : i32
        %dma_start3A_1147 = tpu.memref_slice %arg16[%dma_start3A_1145, %dma_start3A_1146] : memref<8x1613xf32, #tpu.memory_space<vmem>> -> memref<2x1613xf32, #tpu.memory_space<vmem>>
        tpu.enqueue_dma source(%dma_start3A_1147 : memref<2x1613xf32, #tpu.memory_space<vmem>>) target(%dma_start3A_1144 : memref<2x1613xf32, #tpu.memory_space<hbm>>) target_semaphore(%run_scoped3A_1134 : memref<!tpu.dma_semaphore, #tpu.memory_space<semaphore_mem>>)
        %dma_wait3A = arith.constant 0 : i32
        %dma_wait3A_1148 = arith.constant 0 : i32
        %dma_wait3A_1149 = tpu.memref_slice %arg16[%dma_wait3A, %dma_wait3A_1148] : memref<8x1613xf32, #tpu.memory_space<vmem>> -> memref<2x1613xf32, #tpu.memory_space<vmem>>
        %dma_wait3A_1150 = arith.constant 1048 : i32
        %dma_wait3A_1151 = arith.constant 0 : i32
        %dma_wait3A_1152 = tpu.memref_slice %arg8[%run_scoped3A_1132, %run_scoped3A_1133, %dma_wait3A_1150, %dma_wait3A_1151] : memref<1x1x1050x1613xf32, #tpu.memory_space<hbm>> -> memref<1x1x2x1613xf32, #tpu.memory_space<hbm>>
        %dma_wait3A_1153 = tpu.memref_squeeze %dma_wait3A_1152 : memref<1x1x2x1613xf32, #tpu.memory_space<hbm>> -> memref<2x1613xf32, #tpu.memory_space<hbm>>
        %dma_wait3A_1154 = arith.constant 1048 : i32
        %dma_wait3A_1155 = arith.constant 0 : i32
        %dma_wait3A_1156 = tpu.memref_slice %arg8[%run_scoped3A_1132, %run_scoped3A_1133, %dma_wait3A_1154, %dma_wait3A_1155] : memref<1x1x1050x1613xf32, #tpu.memory_space<hbm>> -> memref<1x1x2x1613xf32, #tpu.memory_space<hbm>>
        %dma_wait3A_1157 = tpu.memref_squeeze %dma_wait3A_1156 : memref<1x1x2x1613xf32, #tpu.memory_space<hbm>> -> memref<2x1613xf32, #tpu.memory_space<hbm>>
        %dma_wait3A_1158 = arith.constant 0 : i32
        %dma_wait3A_1159 = arith.constant 0 : i32
        %dma_wait3A_1160 = tpu.memref_slice %arg16[%dma_wait3A_1158, %dma_wait3A_1159] : memref<8x1613xf32, #tpu.memory_space<vmem>> -> memref<2x1613xf32, #tpu.memory_space<vmem>>
        tpu.wait_dma2 semaphore(%run_scoped3A_1134 : memref<!tpu.dma_semaphore, #tpu.memory_space<semaphore_mem>>) src(%dma_wait3A_1160 : memref<2x1613xf32, #tpu.memory_space<vmem>>) dst(%dma_wait3A_1157 : memref<2x1613xf32, #tpu.memory_space<hbm>>)
        tpu.yield
      }) : () -> ()
    } else {
    }
    %add3A_860 = arith.constant 3 : i32
    %add3A_861 = arith.addi %add3A_4, %add3A_860 : i32
    %broadcast_in_dim3A_862 = arith.constant 32 : i32
    %broadcast_in_dim3A_863 = vector.broadcast %broadcast_in_dim3A_862 : i32 to vector<16xi32>
    %gather3A_864 = tpu.vector_load_idx %arg13[%broadcast_in_dim3A_863] : memref<56xi32, #tpu.memory_space<vmem>>[vector<16xi32>], vector<16xi32>,
    %mul3A_865 = arith.constant 512 : i32
    %mul3A_866 = vector.broadcast %mul3A_865 : i32 to vector<16xi32>
    %mul3A_867 = arith.muli %gather3A_864, %mul3A_866 : vector<16xi32>
    %sub3A_868 = arith.subi %mul3A_867, %broadcast_in_dim3A : vector<16xi32>
    %jit3A_869 = arith.constant 0 : i32
    %jit3A_870 = arith.constant 15872 : i32
    %max3A_871 = vector.broadcast %jit3A_869 : i32 to vector<16xi32>
    %max3A_872 = arith.maxsi %max3A_871, %sub3A_868 : vector<16xi32>
    %min3A_873 = vector.broadcast %jit3A_870 : i32 to vector<16xi32>
    %min3A_874 = arith.minsi %min3A_873, %max3A_872 : vector<16xi32>
    %gather3A_875 = tpu.vector_load_idx %arg14[%broadcast_in_dim3A_863] : memref<56xi32, #tpu.memory_space<vmem>>[vector<16xi32>], vector<16xi32>,
    %mul3A_876 = arith.constant 512 : i32
    %mul3A_877 = vector.broadcast %mul3A_876 : i32 to vector<16xi32>
    %mul3A_878 = arith.muli %gather3A_875, %mul3A_877 : vector<16xi32>
    %sub3A_879 = arith.subi %mul3A_878, %broadcast_in_dim3A : vector<16xi32>
    %jit3A_880 = arith.constant 0 : i32
    %jit3A_881 = arith.constant 15872 : i32
    %max3A_882 = vector.broadcast %jit3A_880 : i32 to vector<16xi32>
    %max3A_883 = arith.maxsi %max3A_882, %sub3A_879 : vector<16xi32>
    %min3A_884 = vector.broadcast %jit3A_881 : i32 to vector<16xi32>
    %min3A_885 = arith.minsi %min3A_884, %max3A_883 : vector<16xi32>
    %broadcast_in_dim3A_886 = arith.constant 33 : i32
    %broadcast_in_dim3A_887 = vector.broadcast %broadcast_in_dim3A_886 : i32 to vector<16xi32>
    %gather3A_888 = tpu.vector_load_idx %arg13[%broadcast_in_dim3A_887] : memref<56xi32, #tpu.memory_space<vmem>>[vector<16xi32>], vector<16xi32>,
    %mul3A_889 = arith.constant 512 : i32
    %mul3A_890 = vector.broadcast %mul3A_889 : i32 to vector<16xi32>
    %mul3A_891 = arith.muli %gather3A_888, %mul3A_890 : vector<16xi32>
    %sub3A_892 = arith.subi %mul3A_891, %broadcast_in_dim3A : vector<16xi32>
    %jit3A_893 = arith.constant 0 : i32
    %jit3A_894 = arith.constant 15872 : i32
    %max3A_895 = vector.broadcast %jit3A_893 : i32 to vector<16xi32>
    %max3A_896 = arith.maxsi %max3A_895, %sub3A_892 : vector<16xi32>
    %min3A_897 = vector.broadcast %jit3A_894 : i32 to vector<16xi32>
    %min3A_898 = arith.minsi %min3A_897, %max3A_896 : vector<16xi32>
    %gather3A_899 = tpu.vector_load_idx %arg14[%broadcast_in_dim3A_887] : memref<56xi32, #tpu.memory_space<vmem>>[vector<16xi32>], vector<16xi32>,
    %mul3A_900 = arith.constant 512 : i32
    %mul3A_901 = vector.broadcast %mul3A_900 : i32 to vector<16xi32>
    %mul3A_902 = arith.muli %gather3A_899, %mul3A_901 : vector<16xi32>
    %sub3A_903 = arith.subi %mul3A_902, %broadcast_in_dim3A : vector<16xi32>
    %jit3A_904 = arith.constant 0 : i32
    %jit3A_905 = arith.constant 15872 : i32
    %max3A_906 = vector.broadcast %jit3A_904 : i32 to vector<16xi32>
    %max3A_907 = arith.maxsi %max3A_906, %sub3A_903 : vector<16xi32>
    %min3A_908 = vector.broadcast %jit3A_905 : i32 to vector<16xi32>
    %min3A_909 = arith.minsi %min3A_908, %max3A_907 : vector<16xi32>
    %broadcast_in_dim3A_910 = arith.constant 34 : i32
    %broadcast_in_dim3A_911 = vector.broadcast %broadcast_in_dim3A_910 : i32 to vector<16xi32>
    %gather3A_912 = tpu.vector_load_idx %arg13[%broadcast_in_dim3A_911] : memref<56xi32, #tpu.memory_space<vmem>>[vector<16xi32>], vector<16xi32>,
    %mul3A_913 = arith.constant 512 : i32
    %mul3A_914 = vector.broadcast %mul3A_913 : i32 to vector<16xi32>
    %mul3A_915 = arith.muli %gather3A_912, %mul3A_914 : vector<16xi32>
    %sub3A_916 = arith.subi %mul3A_915, %broadcast_in_dim3A : vector<16xi32>
    %jit3A_917 = arith.constant 0 : i32
    %jit3A_918 = arith.constant 15872 : i32
    %max3A_919 = vector.broadcast %jit3A_917 : i32 to vector<16xi32>
    %max3A_920 = arith.maxsi %max3A_919, %sub3A_916 : vector<16xi32>
    %min3A_921 = vector.broadcast %jit3A_918 : i32 to vector<16xi32>
    %min3A_922 = arith.minsi %min3A_921, %max3A_920 : vector<16xi32>
    %gather3A_923 = tpu.vector_load_idx %arg14[%broadcast_in_dim3A_911] : memref<56xi32, #tpu.memory_space<vmem>>[vector<16xi32>], vector<16xi32>,
    %mul3A_924 = arith.constant 512 : i32
    %mul3A_925 = vector.broadcast %mul3A_924 : i32 to vector<16xi32>
    %mul3A_926 = arith.muli %gather3A_923, %mul3A_925 : vector<16xi32>
    %sub3A_927 = arith.subi %mul3A_926, %broadcast_in_dim3A : vector<16xi32>
    %jit3A_928 = arith.constant 0 : i32
    %jit3A_929 = arith.constant 15872 : i32
    %max3A_930 = vector.broadcast %jit3A_928 : i32 to vector<16xi32>
    %max3A_931 = arith.maxsi %max3A_930, %sub3A_927 : vector<16xi32>
    %min3A_932 = vector.broadcast %jit3A_929 : i32 to vector<16xi32>
    %min3A_933 = arith.minsi %min3A_932, %max3A_931 : vector<16xi32>
    %broadcast_in_dim3A_934 = arith.constant 35 : i32
    %broadcast_in_dim3A_935 = vector.broadcast %broadcast_in_dim3A_934 : i32 to vector<16xi32>
    %gather3A_936 = tpu.vector_load_idx %arg13[%broadcast_in_dim3A_935] : memref<56xi32, #tpu.memory_space<vmem>>[vector<16xi32>], vector<16xi32>,
    %mul3A_937 = arith.constant 512 : i32
    %mul3A_938 = vector.broadcast %mul3A_937 : i32 to vector<16xi32>
    %mul3A_939 = arith.muli %gather3A_936, %mul3A_938 : vector<16xi32>
    %sub3A_940 = arith.subi %mul3A_939, %broadcast_in_dim3A : vector<16xi32>
    %jit3A_941 = arith.constant 0 : i32
    %jit3A_942 = arith.constant 15872 : i32
    %max3A_943 = vector.broadcast %jit3A_941 : i32 to vector<16xi32>
    %max3A_944 = arith.maxsi %max3A_943, %sub3A_940 : vector<16xi32>
    %min3A_945 = vector.broadcast %jit3A_942 : i32 to vector<16xi32>
    %min3A_946 = arith.minsi %min3A_945, %max3A_944 : vector<16xi32>
    %gather3A_947 = tpu.vector_load_idx %arg14[%broadcast_in_dim3A_935] : memref<56xi32, #tpu.memory_space<vmem>>[vector<16xi32>], vector<16xi32>,
    %mul3A_948 = arith.constant 512 : i32
    %mul3A_949 = vector.broadcast %mul3A_948 : i32 to vector<16xi32>
    %mul3A_950 = arith.muli %gather3A_947, %mul3A_949 : vector<16xi32>
    %sub3A_951 = arith.subi %mul3A_950, %broadcast_in_dim3A : vector<16xi32>
    %jit3A_952 = arith.constant 0 : i32
    %jit3A_953 = arith.constant 15872 : i32
    %max3A_954 = vector.broadcast %jit3A_952 : i32 to vector<16xi32>
    %max3A_955 = arith.maxsi %max3A_954, %sub3A_951 : vector<16xi32>
    %min3A_956 = vector.broadcast %jit3A_953 : i32 to vector<16xi32>
    %min3A_957 = arith.minsi %min3A_956, %max3A_955 : vector<16xi32>
    %parallel_loop3A_958 = arith.constant 0 : i32
    %parallel_loop3A_959 = arith.constant 100 : i32
    %parallel_loop3A_960 = arith.constant 1 : i32
    scf.for %parallel_loop3A_1131 = %parallel_loop3A_958 to %parallel_loop3A_959 step %parallel_loop3A_960  : i32 {
      %parallel_loop3A_1132 = arith.constant 16 : i32
      %parallel_loop3A_1133 = arith.muli %parallel_loop3A_1131, %parallel_loop3A_1132 : i32
      %parallel_loop3A_1134 = arith.index_cast %parallel_loop3A_1133 : i32 to index
      %parallel_loop3A_1135 = tpu.vector_load %arg11[%parallel_loop3A_1134] {strides = array<i32>} : memref<1664xi32, #tpu.memory_space<vmem>>, vector<16xi32>,
      %parallel_loop3A_1136 = arith.constant 16 : i32
      %parallel_loop3A_1137 = arith.muli %parallel_loop3A_1131, %parallel_loop3A_1136 : i32
      %parallel_loop3A_1138 = arith.index_cast %parallel_loop3A_1137 : i32 to index
      %parallel_loop3A_1139 = tpu.vector_load %arg12[%parallel_loop3A_1138] {strides = array<i32>} : memref<1664xi32, #tpu.memory_space<vmem>>, vector<16xi32>,
      %parallel_loop3A_1140 = arith.addi %min3A_874, %parallel_loop3A_1135 : vector<16xi32>
      %parallel_loop3A_1141 = tpu.vector_load_idx %arg10[%parallel_loop3A_1140] : memref<16384xf32, #tpu.memory_space<vmem>>[vector<16xi32>], vector<16xf32>,
      %parallel_loop3A_1142 = arith.constant 16 : i32
      %parallel_loop3A_1143 = arith.muli %parallel_loop3A_1131, %parallel_loop3A_1142 : i32
      %parallel_loop3A_1144 = arith.constant 0 : i32
      %parallel_loop3A_1145 = arith.index_cast %parallel_loop3A_1144 : i32 to index
      %parallel_loop3A_1146 = arith.index_cast %parallel_loop3A_1143 : i32 to index
      %parallel_loop3A_1147 = tpu.vector_load %arg15[%parallel_loop3A_1145, %parallel_loop3A_1146] {strides = array<i32>} : memref<8x1613xf32, #tpu.memory_space<vmem>>, vector<16xf32>,
      tpu.vector_store %arg15[%parallel_loop3A_1145, %parallel_loop3A_1146], %parallel_loop3A_1141 {strides = array<i32>} : memref<8x1613xf32, #tpu.memory_space<vmem>>, vector<16xf32>,
      %parallel_loop3A_1148 = arith.addi %min3A_885, %parallel_loop3A_1139 : vector<16xi32>
      %parallel_loop3A_1149 = tpu.vector_load_idx %arg10[%parallel_loop3A_1148] : memref<16384xf32, #tpu.memory_space<vmem>>[vector<16xi32>], vector<16xf32>,
      %parallel_loop3A_1150 = arith.constant 16 : i32
      %parallel_loop3A_1151 = arith.muli %parallel_loop3A_1131, %parallel_loop3A_1150 : i32
      %parallel_loop3A_1152 = arith.constant 0 : i32
      %parallel_loop3A_1153 = arith.index_cast %parallel_loop3A_1152 : i32 to index
      %parallel_loop3A_1154 = arith.index_cast %parallel_loop3A_1151 : i32 to index
      %parallel_loop3A_1155 = tpu.vector_load %arg16[%parallel_loop3A_1153, %parallel_loop3A_1154] {strides = array<i32>} : memref<8x1613xf32, #tpu.memory_space<vmem>>, vector<16xf32>,
      tpu.vector_store %arg16[%parallel_loop3A_1153, %parallel_loop3A_1154], %parallel_loop3A_1149 {strides = array<i32>} : memref<8x1613xf32, #tpu.memory_space<vmem>>, vector<16xf32>,
      %parallel_loop3A_1156 = arith.addi %min3A_898, %parallel_loop3A_1135 : vector<16xi32>
      %parallel_loop3A_1157 = tpu.vector_load_idx %arg10[%parallel_loop3A_1156] : memref<16384xf32, #tpu.memory_space<vmem>>[vector<16xi32>], vector<16xf32>,
      %parallel_loop3A_1158 = arith.constant 16 : i32
      %parallel_loop3A_1159 = arith.muli %parallel_loop3A_1131, %parallel_loop3A_1158 : i32
      %parallel_loop3A_1160 = arith.constant 1 : i32
      %parallel_loop3A_1161 = arith.index_cast %parallel_loop3A_1160 : i32 to index
      %parallel_loop3A_1162 = arith.index_cast %parallel_loop3A_1159 : i32 to index
      %parallel_loop3A_1163 = tpu.vector_load %arg15[%parallel_loop3A_1161, %parallel_loop3A_1162] {strides = array<i32>} : memref<8x1613xf32, #tpu.memory_space<vmem>>, vector<16xf32>,
      tpu.vector_store %arg15[%parallel_loop3A_1161, %parallel_loop3A_1162], %parallel_loop3A_1157 {strides = array<i32>} : memref<8x1613xf32, #tpu.memory_space<vmem>>, vector<16xf32>,
      %parallel_loop3A_1164 = arith.addi %min3A_909, %parallel_loop3A_1139 : vector<16xi32>
      %parallel_loop3A_1165 = tpu.vector_load_idx %arg10[%parallel_loop3A_1164] : memref<16384xf32, #tpu.memory_space<vmem>>[vector<16xi32>], vector<16xf32>,
      %parallel_loop3A_1166 = arith.constant 16 : i32
      %parallel_loop3A_1167 = arith.muli %parallel_loop3A_1131, %parallel_loop3A_1166 : i32
      %parallel_loop3A_1168 = arith.constant 1 : i32
      %parallel_loop3A_1169 = arith.index_cast %parallel_loop3A_1168 : i32 to index
      %parallel_loop3A_1170 = arith.index_cast %parallel_loop3A_1167 : i32 to index
      %parallel_loop3A_1171 = tpu.vector_load %arg16[%parallel_loop3A_1169, %parallel_loop3A_1170] {strides = array<i32>} : memref<8x1613xf32, #tpu.memory_space<vmem>>, vector<16xf32>,
      tpu.vector_store %arg16[%parallel_loop3A_1169, %parallel_loop3A_1170], %parallel_loop3A_1165 {strides = array<i32>} : memref<8x1613xf32, #tpu.memory_space<vmem>>, vector<16xf32>,
      %parallel_loop3A_1172 = arith.addi %min3A_922, %parallel_loop3A_1135 : vector<16xi32>
      %parallel_loop3A_1173 = tpu.vector_load_idx %arg10[%parallel_loop3A_1172] : memref<16384xf32, #tpu.memory_space<vmem>>[vector<16xi32>], vector<16xf32>,
      %parallel_loop3A_1174 = arith.constant 16 : i32
      %parallel_loop3A_1175 = arith.muli %parallel_loop3A_1131, %parallel_loop3A_1174 : i32
      %parallel_loop3A_1176 = arith.constant 2 : i32
      %parallel_loop3A_1177 = arith.index_cast %parallel_loop3A_1176 : i32 to index
      %parallel_loop3A_1178 = arith.index_cast %parallel_loop3A_1175 : i32 to index
      %parallel_loop3A_1179 = tpu.vector_load %arg15[%parallel_loop3A_1177, %parallel_loop3A_1178] {strides = array<i32>} : memref<8x1613xf32, #tpu.memory_space<vmem>>, vector<16xf32>,
      tpu.vector_store %arg15[%parallel_loop3A_1177, %parallel_loop3A_1178], %parallel_loop3A_1173 {strides = array<i32>} : memref<8x1613xf32, #tpu.memory_space<vmem>>, vector<16xf32>,
      %parallel_loop3A_1180 = arith.addi %min3A_933, %parallel_loop3A_1139 : vector<16xi32>
      %parallel_loop3A_1181 = tpu.vector_load_idx %arg10[%parallel_loop3A_1180] : memref<16384xf32, #tpu.memory_space<vmem>>[vector<16xi32>], vector<16xf32>,
      %parallel_loop3A_1182 = arith.constant 16 : i32
      %parallel_loop3A_1183 = arith.muli %parallel_loop3A_1131, %parallel_loop3A_1182 : i32
      %parallel_loop3A_1184 = arith.constant 2 : i32
      %parallel_loop3A_1185 = arith.index_cast %parallel_loop3A_1184 : i32 to index
      %parallel_loop3A_1186 = arith.index_cast %parallel_loop3A_1183 : i32 to index
      %parallel_loop3A_1187 = tpu.vector_load %arg16[%parallel_loop3A_1185, %parallel_loop3A_1186] {strides = array<i32>} : memref<8x1613xf32, #tpu.memory_space<vmem>>, vector<16xf32>,
      tpu.vector_store %arg16[%parallel_loop3A_1185, %parallel_loop3A_1186], %parallel_loop3A_1181 {strides = array<i32>} : memref<8x1613xf32, #tpu.memory_space<vmem>>, vector<16xf32>,
      %parallel_loop3A_1188 = arith.addi %min3A_946, %parallel_loop3A_1135 : vector<16xi32>
      %parallel_loop3A_1189 = tpu.vector_load_idx %arg10[%parallel_loop3A_1188] : memref<16384xf32, #tpu.memory_space<vmem>>[vector<16xi32>], vector<16xf32>,
      %parallel_loop3A_1190 = arith.constant 16 : i32
      %parallel_loop3A_1191 = arith.muli %parallel_loop3A_1131, %parallel_loop3A_1190 : i32
      %parallel_loop3A_1192 = arith.constant 3 : i32
      %parallel_loop3A_1193 = arith.index_cast %parallel_loop3A_1192 : i32 to index
      %parallel_loop3A_1194 = arith.index_cast %parallel_loop3A_1191 : i32 to index
      %parallel_loop3A_1195 = tpu.vector_load %arg15[%parallel_loop3A_1193, %parallel_loop3A_1194] {strides = array<i32>} : memref<8x1613xf32, #tpu.memory_space<vmem>>, vector<16xf32>,
      tpu.vector_store %arg15[%parallel_loop3A_1193, %parallel_loop3A_1194], %parallel_loop3A_1189 {strides = array<i32>} : memref<8x1613xf32, #tpu.memory_space<vmem>>, vector<16xf32>,
      %parallel_loop3A_1196 = arith.addi %min3A_957, %parallel_loop3A_1139 : vector<16xi32>
      %parallel_loop3A_1197 = tpu.vector_load_idx %arg10[%parallel_loop3A_1196] : memref<16384xf32, #tpu.memory_space<vmem>>[vector<16xi32>], vector<16xf32>,
      %parallel_loop3A_1198 = arith.constant 16 : i32
      %parallel_loop3A_1199 = arith.muli %parallel_loop3A_1131, %parallel_loop3A_1198 : i32
      %parallel_loop3A_1200 = arith.constant 3 : i32
      %parallel_loop3A_1201 = arith.index_cast %parallel_loop3A_1200 : i32 to index
      %parallel_loop3A_1202 = arith.index_cast %parallel_loop3A_1199 : i32 to index
      %parallel_loop3A_1203 = tpu.vector_load %arg16[%parallel_loop3A_1201, %parallel_loop3A_1202] {strides = array<i32>} : memref<8x1613xf32, #tpu.memory_space<vmem>>, vector<16xf32>,
      tpu.vector_store %arg16[%parallel_loop3A_1201, %parallel_loop3A_1202], %parallel_loop3A_1197 {strides = array<i32>} : memref<8x1613xf32, #tpu.memory_space<vmem>>, vector<16xf32>,
    } {sc.loop_unroll_factor = 2 : i64, sc.parallel_access}
    %get3A_961 = arith.constant 1600 : index
    %get3A_962 = tpu.vector_load %arg11[%get3A_961] {strides = array<i32>} : memref<1664xi32, #tpu.memory_space<vmem>>, vector<16xi32>,
    %get3A_963 = arith.constant 1600 : index
    %get3A_964 = tpu.vector_load %arg12[%get3A_963] {strides = array<i32>} : memref<1664xi32, #tpu.memory_space<vmem>>, vector<16xi32>,
    %broadcast_in_dim3A_965 = arith.constant 0 : i32
    %broadcast_in_dim3A_966 = vector.broadcast %broadcast_in_dim3A_965 : i32 to vector<16xi32>
    %add3A_967 = arith.addi %min3A_874, %get3A_962 : vector<16xi32>
    %gather3A_968 = tpu.vector_load_idx %arg10[%add3A_967] : memref<16384xf32, #tpu.memory_space<vmem>>[vector<16xi32>], vector<16xf32>,
    %add3A_969 = arith.addi %min3A_885, %get3A_964 : vector<16xi32>
    %gather3A_970 = tpu.vector_load_idx %arg10[%add3A_969] : memref<16384xf32, #tpu.memory_space<vmem>>[vector<16xi32>], vector<16xf32>,
    tpu.vector_store_idx %arg15[%broadcast_in_dim3A_966, %add3A_65], %gather3A_968 masked %lt3A_67 : memref<8x1613xf32, #tpu.memory_space<vmem>>[vector<16xi32>, vector<16xi32>], vector<16xf32>, vector<16xi1>
    tpu.vector_store_idx %arg16[%broadcast_in_dim3A_966, %add3A_65], %gather3A_970 masked %lt3A_67 : memref<8x1613xf32, #tpu.memory_space<vmem>>[vector<16xi32>, vector<16xi32>], vector<16xf32>, vector<16xi1>
    %broadcast_in_dim3A_971 = arith.constant 1 : i32
    %broadcast_in_dim3A_972 = vector.broadcast %broadcast_in_dim3A_971 : i32 to vector<16xi32>
    %add3A_973 = arith.addi %min3A_898, %get3A_962 : vector<16xi32>
    %gather3A_974 = tpu.vector_load_idx %arg10[%add3A_973] : memref<16384xf32, #tpu.memory_space<vmem>>[vector<16xi32>], vector<16xf32>,
    %add3A_975 = arith.addi %min3A_909, %get3A_964 : vector<16xi32>
    %gather3A_976 = tpu.vector_load_idx %arg10[%add3A_975] : memref<16384xf32, #tpu.memory_space<vmem>>[vector<16xi32>], vector<16xf32>,
    tpu.vector_store_idx %arg15[%broadcast_in_dim3A_972, %add3A_65], %gather3A_974 masked %lt3A_67 : memref<8x1613xf32, #tpu.memory_space<vmem>>[vector<16xi32>, vector<16xi32>], vector<16xf32>, vector<16xi1>
    tpu.vector_store_idx %arg16[%broadcast_in_dim3A_972, %add3A_65], %gather3A_976 masked %lt3A_67 : memref<8x1613xf32, #tpu.memory_space<vmem>>[vector<16xi32>, vector<16xi32>], vector<16xf32>, vector<16xi1>
    %broadcast_in_dim3A_977 = arith.constant 2 : i32
    %broadcast_in_dim3A_978 = vector.broadcast %broadcast_in_dim3A_977 : i32 to vector<16xi32>
    %add3A_979 = arith.addi %min3A_922, %get3A_962 : vector<16xi32>
    %gather3A_980 = tpu.vector_load_idx %arg10[%add3A_979] : memref<16384xf32, #tpu.memory_space<vmem>>[vector<16xi32>], vector<16xf32>,
    %add3A_981 = arith.addi %min3A_933, %get3A_964 : vector<16xi32>
    %gather3A_982 = tpu.vector_load_idx %arg10[%add3A_981] : memref<16384xf32, #tpu.memory_space<vmem>>[vector<16xi32>], vector<16xf32>,
    tpu.vector_store_idx %arg15[%broadcast_in_dim3A_978, %add3A_65], %gather3A_980 masked %lt3A_67 : memref<8x1613xf32, #tpu.memory_space<vmem>>[vector<16xi32>, vector<16xi32>], vector<16xf32>, vector<16xi1>
    tpu.vector_store_idx %arg16[%broadcast_in_dim3A_978, %add3A_65], %gather3A_982 masked %lt3A_67 : memref<8x1613xf32, #tpu.memory_space<vmem>>[vector<16xi32>, vector<16xi32>], vector<16xf32>, vector<16xi1>
    %broadcast_in_dim3A_983 = arith.constant 3 : i32
    %broadcast_in_dim3A_984 = vector.broadcast %broadcast_in_dim3A_983 : i32 to vector<16xi32>
    %add3A_985 = arith.addi %min3A_946, %get3A_962 : vector<16xi32>
    %gather3A_986 = tpu.vector_load_idx %arg10[%add3A_985] : memref<16384xf32, #tpu.memory_space<vmem>>[vector<16xi32>], vector<16xf32>,
    %add3A_987 = arith.addi %min3A_957, %get3A_964 : vector<16xi32>
    %gather3A_988 = tpu.vector_load_idx %arg10[%add3A_987] : memref<16384xf32, #tpu.memory_space<vmem>>[vector<16xi32>], vector<16xf32>,
    tpu.vector_store_idx %arg15[%broadcast_in_dim3A_984, %add3A_65], %gather3A_986 masked %lt3A_67 : memref<8x1613xf32, #tpu.memory_space<vmem>>[vector<16xi32>, vector<16xi32>], vector<16xf32>, vector<16xi1>
    tpu.vector_store_idx %arg16[%broadcast_in_dim3A_984, %add3A_65], %gather3A_988 masked %lt3A_67 : memref<8x1613xf32, #tpu.memory_space<vmem>>[vector<16xi32>, vector<16xi32>], vector<16xf32>, vector<16xi1>
    %broadcast_in_dim3A_989 = arith.constant 36 : i32
    %broadcast_in_dim3A_990 = vector.broadcast %broadcast_in_dim3A_989 : i32 to vector<16xi32>
    %gather3A_991 = tpu.vector_load_idx %arg13[%broadcast_in_dim3A_990] : memref<56xi32, #tpu.memory_space<vmem>>[vector<16xi32>], vector<16xi32>,
    %mul3A_992 = arith.constant 512 : i32
    %mul3A_993 = vector.broadcast %mul3A_992 : i32 to vector<16xi32>
    %mul3A_994 = arith.muli %gather3A_991, %mul3A_993 : vector<16xi32>
    %sub3A_995 = arith.subi %mul3A_994, %broadcast_in_dim3A : vector<16xi32>
    %jit3A_996 = arith.constant 0 : i32
    %jit3A_997 = arith.constant 15872 : i32
    %max3A_998 = vector.broadcast %jit3A_996 : i32 to vector<16xi32>
    %max3A_999 = arith.maxsi %max3A_998, %sub3A_995 : vector<16xi32>
    %min3A_1000 = vector.broadcast %jit3A_997 : i32 to vector<16xi32>
    %min3A_1001 = arith.minsi %min3A_1000, %max3A_999 : vector<16xi32>
    %gather3A_1002 = tpu.vector_load_idx %arg14[%broadcast_in_dim3A_990] : memref<56xi32, #tpu.memory_space<vmem>>[vector<16xi32>], vector<16xi32>,
    %mul3A_1003 = arith.constant 512 : i32
    %mul3A_1004 = vector.broadcast %mul3A_1003 : i32 to vector<16xi32>
    %mul3A_1005 = arith.muli %gather3A_1002, %mul3A_1004 : vector<16xi32>
    %sub3A_1006 = arith.subi %mul3A_1005, %broadcast_in_dim3A : vector<16xi32>
    %jit3A_1007 = arith.constant 0 : i32
    %jit3A_1008 = arith.constant 15872 : i32
    %max3A_1009 = vector.broadcast %jit3A_1007 : i32 to vector<16xi32>
    %max3A_1010 = arith.maxsi %max3A_1009, %sub3A_1006 : vector<16xi32>
    %min3A_1011 = vector.broadcast %jit3A_1008 : i32 to vector<16xi32>
    %min3A_1012 = arith.minsi %min3A_1011, %max3A_1010 : vector<16xi32>
    %broadcast_in_dim3A_1013 = arith.constant 37 : i32
    %broadcast_in_dim3A_1014 = vector.broadcast %broadcast_in_dim3A_1013 : i32 to vector<16xi32>
    %gather3A_1015 = tpu.vector_load_idx %arg13[%broadcast_in_dim3A_1014] : memref<56xi32, #tpu.memory_space<vmem>>[vector<16xi32>], vector<16xi32>,
    %mul3A_1016 = arith.constant 512 : i32
    %mul3A_1017 = vector.broadcast %mul3A_1016 : i32 to vector<16xi32>
    %mul3A_1018 = arith.muli %gather3A_1015, %mul3A_1017 : vector<16xi32>
    %sub3A_1019 = arith.subi %mul3A_1018, %broadcast_in_dim3A : vector<16xi32>
    %jit3A_1020 = arith.constant 0 : i32
    %jit3A_1021 = arith.constant 15872 : i32
    %max3A_1022 = vector.broadcast %jit3A_1020 : i32 to vector<16xi32>
    %max3A_1023 = arith.maxsi %max3A_1022, %sub3A_1019 : vector<16xi32>
    %min3A_1024 = vector.broadcast %jit3A_1021 : i32 to vector<16xi32>
    %min3A_1025 = arith.minsi %min3A_1024, %max3A_1023 : vector<16xi32>
    %gather3A_1026 = tpu.vector_load_idx %arg14[%broadcast_in_dim3A_1014] : memref<56xi32, #tpu.memory_space<vmem>>[vector<16xi32>], vector<16xi32>,
    %mul3A_1027 = arith.constant 512 : i32
    %mul3A_1028 = vector.broadcast %mul3A_1027 : i32 to vector<16xi32>
    %mul3A_1029 = arith.muli %gather3A_1026, %mul3A_1028 : vector<16xi32>
    %sub3A_1030 = arith.subi %mul3A_1029, %broadcast_in_dim3A : vector<16xi32>
    %jit3A_1031 = arith.constant 0 : i32
    %jit3A_1032 = arith.constant 15872 : i32
    %max3A_1033 = vector.broadcast %jit3A_1031 : i32 to vector<16xi32>
    %max3A_1034 = arith.maxsi %max3A_1033, %sub3A_1030 : vector<16xi32>
    %min3A_1035 = vector.broadcast %jit3A_1032 : i32 to vector<16xi32>
    %min3A_1036 = arith.minsi %min3A_1035, %max3A_1034 : vector<16xi32>
    %broadcast_in_dim3A_1037 = arith.constant 38 : i32
    %broadcast_in_dim3A_1038 = vector.broadcast %broadcast_in_dim3A_1037 : i32 to vector<16xi32>
    %gather3A_1039 = tpu.vector_load_idx %arg13[%broadcast_in_dim3A_1038] : memref<56xi32, #tpu.memory_space<vmem>>[vector<16xi32>], vector<16xi32>,
    %mul3A_1040 = arith.constant 512 : i32
    %mul3A_1041 = vector.broadcast %mul3A_1040 : i32 to vector<16xi32>
    %mul3A_1042 = arith.muli %gather3A_1039, %mul3A_1041 : vector<16xi32>
    %sub3A_1043 = arith.subi %mul3A_1042, %broadcast_in_dim3A : vector<16xi32>
    %jit3A_1044 = arith.constant 0 : i32
    %jit3A_1045 = arith.constant 15872 : i32
    %max3A_1046 = vector.broadcast %jit3A_1044 : i32 to vector<16xi32>
    %max3A_1047 = arith.maxsi %max3A_1046, %sub3A_1043 : vector<16xi32>
    %min3A_1048 = vector.broadcast %jit3A_1045 : i32 to vector<16xi32>
    %min3A_1049 = arith.minsi %min3A_1048, %max3A_1047 : vector<16xi32>
    %gather3A_1050 = tpu.vector_load_idx %arg14[%broadcast_in_dim3A_1038] : memref<56xi32, #tpu.memory_space<vmem>>[vector<16xi32>], vector<16xi32>,
    %mul3A_1051 = arith.constant 512 : i32
    %mul3A_1052 = vector.broadcast %mul3A_1051 : i32 to vector<16xi32>
    %mul3A_1053 = arith.muli %gather3A_1050, %mul3A_1052 : vector<16xi32>
    %sub3A_1054 = arith.subi %mul3A_1053, %broadcast_in_dim3A : vector<16xi32>
    %jit3A_1055 = arith.constant 0 : i32
    %jit3A_1056 = arith.constant 15872 : i32
    %max3A_1057 = vector.broadcast %jit3A_1055 : i32 to vector<16xi32>
    %max3A_1058 = arith.maxsi %max3A_1057, %sub3A_1054 : vector<16xi32>
    %min3A_1059 = vector.broadcast %jit3A_1056 : i32 to vector<16xi32>
    %min3A_1060 = arith.minsi %min3A_1059, %max3A_1058 : vector<16xi32>
    %broadcast_in_dim3A_1061 = arith.constant 39 : i32
    %broadcast_in_dim3A_1062 = vector.broadcast %broadcast_in_dim3A_1061 : i32 to vector<16xi32>
    %gather3A_1063 = tpu.vector_load_idx %arg13[%broadcast_in_dim3A_1062] : memref<56xi32, #tpu.memory_space<vmem>>[vector<16xi32>], vector<16xi32>,
    %mul3A_1064 = arith.constant 512 : i32
    %mul3A_1065 = vector.broadcast %mul3A_1064 : i32 to vector<16xi32>
    %mul3A_1066 = arith.muli %gather3A_1063, %mul3A_1065 : vector<16xi32>
    %sub3A_1067 = arith.subi %mul3A_1066, %broadcast_in_dim3A : vector<16xi32>
    %jit3A_1068 = arith.constant 0 : i32
    %jit3A_1069 = arith.constant 15872 : i32
    %max3A_1070 = vector.broadcast %jit3A_1068 : i32 to vector<16xi32>
    %max3A_1071 = arith.maxsi %max3A_1070, %sub3A_1067 : vector<16xi32>
    %min3A_1072 = vector.broadcast %jit3A_1069 : i32 to vector<16xi32>
    %min3A_1073 = arith.minsi %min3A_1072, %max3A_1071 : vector<16xi32>
    %gather3A_1074 = tpu.vector_load_idx %arg14[%broadcast_in_dim3A_1062] : memref<56xi32, #tpu.memory_space<vmem>>[vector<16xi32>], vector<16xi32>,
    %mul3A_1075 = arith.constant 512 : i32
    %mul3A_1076 = vector.broadcast %mul3A_1075 : i32 to vector<16xi32>
    %mul3A_1077 = arith.muli %gather3A_1074, %mul3A_1076 : vector<16xi32>
    %sub3A_1078 = arith.subi %mul3A_1077, %broadcast_in_dim3A : vector<16xi32>
    %jit3A_1079 = arith.constant 0 : i32
    %jit3A_1080 = arith.constant 15872 : i32
    %max3A_1081 = vector.broadcast %jit3A_1079 : i32 to vector<16xi32>
    %max3A_1082 = arith.maxsi %max3A_1081, %sub3A_1078 : vector<16xi32>
    %min3A_1083 = vector.broadcast %jit3A_1080 : i32 to vector<16xi32>
    %min3A_1084 = arith.minsi %min3A_1083, %max3A_1082 : vector<16xi32>
    %parallel_loop3A_1085 = arith.constant 0 : i32
    %parallel_loop3A_1086 = arith.constant 100 : i32
    %parallel_loop3A_1087 = arith.constant 1 : i32
    scf.for %parallel_loop3A_1131 = %parallel_loop3A_1085 to %parallel_loop3A_1086 step %parallel_loop3A_1087  : i32 {
      %parallel_loop3A_1132 = arith.constant 16 : i32
      %parallel_loop3A_1133 = arith.muli %parallel_loop3A_1131, %parallel_loop3A_1132 : i32
      %parallel_loop3A_1134 = arith.index_cast %parallel_loop3A_1133 : i32 to index
      %parallel_loop3A_1135 = tpu.vector_load %arg11[%parallel_loop3A_1134] {strides = array<i32>} : memref<1664xi32, #tpu.memory_space<vmem>>, vector<16xi32>,
      %parallel_loop3A_1136 = arith.constant 16 : i32
      %parallel_loop3A_1137 = arith.muli %parallel_loop3A_1131, %parallel_loop3A_1136 : i32
      %parallel_loop3A_1138 = arith.index_cast %parallel_loop3A_1137 : i32 to index
      %parallel_loop3A_1139 = tpu.vector_load %arg12[%parallel_loop3A_1138] {strides = array<i32>} : memref<1664xi32, #tpu.memory_space<vmem>>, vector<16xi32>,
      %parallel_loop3A_1140 = arith.addi %min3A_1001, %parallel_loop3A_1135 : vector<16xi32>
      %parallel_loop3A_1141 = tpu.vector_load_idx %arg10[%parallel_loop3A_1140] : memref<16384xf32, #tpu.memory_space<vmem>>[vector<16xi32>], vector<16xf32>,
      %parallel_loop3A_1142 = arith.constant 16 : i32
      %parallel_loop3A_1143 = arith.muli %parallel_loop3A_1131, %parallel_loop3A_1142 : i32
      %parallel_loop3A_1144 = arith.constant 4 : i32
      %parallel_loop3A_1145 = arith.index_cast %parallel_loop3A_1144 : i32 to index
      %parallel_loop3A_1146 = arith.index_cast %parallel_loop3A_1143 : i32 to index
      %parallel_loop3A_1147 = tpu.vector_load %arg15[%parallel_loop3A_1145, %parallel_loop3A_1146] {strides = array<i32>} : memref<8x1613xf32, #tpu.memory_space<vmem>>, vector<16xf32>,
      tpu.vector_store %arg15[%parallel_loop3A_1145, %parallel_loop3A_1146], %parallel_loop3A_1141 {strides = array<i32>} : memref<8x1613xf32, #tpu.memory_space<vmem>>, vector<16xf32>,
      %parallel_loop3A_1148 = arith.addi %min3A_1012, %parallel_loop3A_1139 : vector<16xi32>
      %parallel_loop3A_1149 = tpu.vector_load_idx %arg10[%parallel_loop3A_1148] : memref<16384xf32, #tpu.memory_space<vmem>>[vector<16xi32>], vector<16xf32>,
      %parallel_loop3A_1150 = arith.constant 16 : i32
      %parallel_loop3A_1151 = arith.muli %parallel_loop3A_1131, %parallel_loop3A_1150 : i32
      %parallel_loop3A_1152 = arith.constant 4 : i32
      %parallel_loop3A_1153 = arith.index_cast %parallel_loop3A_1152 : i32 to index
      %parallel_loop3A_1154 = arith.index_cast %parallel_loop3A_1151 : i32 to index
      %parallel_loop3A_1155 = tpu.vector_load %arg16[%parallel_loop3A_1153, %parallel_loop3A_1154] {strides = array<i32>} : memref<8x1613xf32, #tpu.memory_space<vmem>>, vector<16xf32>,
      tpu.vector_store %arg16[%parallel_loop3A_1153, %parallel_loop3A_1154], %parallel_loop3A_1149 {strides = array<i32>} : memref<8x1613xf32, #tpu.memory_space<vmem>>, vector<16xf32>,
      %parallel_loop3A_1156 = arith.addi %min3A_1025, %parallel_loop3A_1135 : vector<16xi32>
      %parallel_loop3A_1157 = tpu.vector_load_idx %arg10[%parallel_loop3A_1156] : memref<16384xf32, #tpu.memory_space<vmem>>[vector<16xi32>], vector<16xf32>,
      %parallel_loop3A_1158 = arith.constant 16 : i32
      %parallel_loop3A_1159 = arith.muli %parallel_loop3A_1131, %parallel_loop3A_1158 : i32
      %parallel_loop3A_1160 = arith.constant 5 : i32
      %parallel_loop3A_1161 = arith.index_cast %parallel_loop3A_1160 : i32 to index
      %parallel_loop3A_1162 = arith.index_cast %parallel_loop3A_1159 : i32 to index
      %parallel_loop3A_1163 = tpu.vector_load %arg15[%parallel_loop3A_1161, %parallel_loop3A_1162] {strides = array<i32>} : memref<8x1613xf32, #tpu.memory_space<vmem>>, vector<16xf32>,
      tpu.vector_store %arg15[%parallel_loop3A_1161, %parallel_loop3A_1162], %parallel_loop3A_1157 {strides = array<i32>} : memref<8x1613xf32, #tpu.memory_space<vmem>>, vector<16xf32>,
      %parallel_loop3A_1164 = arith.addi %min3A_1036, %parallel_loop3A_1139 : vector<16xi32>
      %parallel_loop3A_1165 = tpu.vector_load_idx %arg10[%parallel_loop3A_1164] : memref<16384xf32, #tpu.memory_space<vmem>>[vector<16xi32>], vector<16xf32>,
      %parallel_loop3A_1166 = arith.constant 16 : i32
      %parallel_loop3A_1167 = arith.muli %parallel_loop3A_1131, %parallel_loop3A_1166 : i32
      %parallel_loop3A_1168 = arith.constant 5 : i32
      %parallel_loop3A_1169 = arith.index_cast %parallel_loop3A_1168 : i32 to index
      %parallel_loop3A_1170 = arith.index_cast %parallel_loop3A_1167 : i32 to index
      %parallel_loop3A_1171 = tpu.vector_load %arg16[%parallel_loop3A_1169, %parallel_loop3A_1170] {strides = array<i32>} : memref<8x1613xf32, #tpu.memory_space<vmem>>, vector<16xf32>,
      tpu.vector_store %arg16[%parallel_loop3A_1169, %parallel_loop3A_1170], %parallel_loop3A_1165 {strides = array<i32>} : memref<8x1613xf32, #tpu.memory_space<vmem>>, vector<16xf32>,
      %parallel_loop3A_1172 = arith.addi %min3A_1049, %parallel_loop3A_1135 : vector<16xi32>
      %parallel_loop3A_1173 = tpu.vector_load_idx %arg10[%parallel_loop3A_1172] : memref<16384xf32, #tpu.memory_space<vmem>>[vector<16xi32>], vector<16xf32>,
      %parallel_loop3A_1174 = arith.constant 16 : i32
      %parallel_loop3A_1175 = arith.muli %parallel_loop3A_1131, %parallel_loop3A_1174 : i32
      %parallel_loop3A_1176 = arith.constant 6 : i32
      %parallel_loop3A_1177 = arith.index_cast %parallel_loop3A_1176 : i32 to index
      %parallel_loop3A_1178 = arith.index_cast %parallel_loop3A_1175 : i32 to index
      %parallel_loop3A_1179 = tpu.vector_load %arg15[%parallel_loop3A_1177, %parallel_loop3A_1178] {strides = array<i32>} : memref<8x1613xf32, #tpu.memory_space<vmem>>, vector<16xf32>,
      tpu.vector_store %arg15[%parallel_loop3A_1177, %parallel_loop3A_1178], %parallel_loop3A_1173 {strides = array<i32>} : memref<8x1613xf32, #tpu.memory_space<vmem>>, vector<16xf32>,
      %parallel_loop3A_1180 = arith.addi %min3A_1060, %parallel_loop3A_1139 : vector<16xi32>
      %parallel_loop3A_1181 = tpu.vector_load_idx %arg10[%parallel_loop3A_1180] : memref<16384xf32, #tpu.memory_space<vmem>>[vector<16xi32>], vector<16xf32>,
      %parallel_loop3A_1182 = arith.constant 16 : i32
      %parallel_loop3A_1183 = arith.muli %parallel_loop3A_1131, %parallel_loop3A_1182 : i32
      %parallel_loop3A_1184 = arith.constant 6 : i32
      %parallel_loop3A_1185 = arith.index_cast %parallel_loop3A_1184 : i32 to index
      %parallel_loop3A_1186 = arith.index_cast %parallel_loop3A_1183 : i32 to index
      %parallel_loop3A_1187 = tpu.vector_load %arg16[%parallel_loop3A_1185, %parallel_loop3A_1186] {strides = array<i32>} : memref<8x1613xf32, #tpu.memory_space<vmem>>, vector<16xf32>,
      tpu.vector_store %arg16[%parallel_loop3A_1185, %parallel_loop3A_1186], %parallel_loop3A_1181 {strides = array<i32>} : memref<8x1613xf32, #tpu.memory_space<vmem>>, vector<16xf32>,
      %parallel_loop3A_1188 = arith.addi %min3A_1073, %parallel_loop3A_1135 : vector<16xi32>
      %parallel_loop3A_1189 = tpu.vector_load_idx %arg10[%parallel_loop3A_1188] : memref<16384xf32, #tpu.memory_space<vmem>>[vector<16xi32>], vector<16xf32>,
      %parallel_loop3A_1190 = arith.constant 16 : i32
      %parallel_loop3A_1191 = arith.muli %parallel_loop3A_1131, %parallel_loop3A_1190 : i32
      %parallel_loop3A_1192 = arith.constant 7 : i32
      %parallel_loop3A_1193 = arith.index_cast %parallel_loop3A_1192 : i32 to index
      %parallel_loop3A_1194 = arith.index_cast %parallel_loop3A_1191 : i32 to index
      %parallel_loop3A_1195 = tpu.vector_load %arg15[%parallel_loop3A_1193, %parallel_loop3A_1194] {strides = array<i32>} : memref<8x1613xf32, #tpu.memory_space<vmem>>, vector<16xf32>,
      tpu.vector_store %arg15[%parallel_loop3A_1193, %parallel_loop3A_1194], %parallel_loop3A_1189 {strides = array<i32>} : memref<8x1613xf32, #tpu.memory_space<vmem>>, vector<16xf32>,
      %parallel_loop3A_1196 = arith.addi %min3A_1084, %parallel_loop3A_1139 : vector<16xi32>
      %parallel_loop3A_1197 = tpu.vector_load_idx %arg10[%parallel_loop3A_1196] : memref<16384xf32, #tpu.memory_space<vmem>>[vector<16xi32>], vector<16xf32>,
      %parallel_loop3A_1198 = arith.constant 16 : i32
      %parallel_loop3A_1199 = arith.muli %parallel_loop3A_1131, %parallel_loop3A_1198 : i32
      %parallel_loop3A_1200 = arith.constant 7 : i32
      %parallel_loop3A_1201 = arith.index_cast %parallel_loop3A_1200 : i32 to index
      %parallel_loop3A_1202 = arith.index_cast %parallel_loop3A_1199 : i32 to index
      %parallel_loop3A_1203 = tpu.vector_load %arg16[%parallel_loop3A_1201, %parallel_loop3A_1202] {strides = array<i32>} : memref<8x1613xf32, #tpu.memory_space<vmem>>, vector<16xf32>,
      tpu.vector_store %arg16[%parallel_loop3A_1201, %parallel_loop3A_1202], %parallel_loop3A_1197 {strides = array<i32>} : memref<8x1613xf32, #tpu.memory_space<vmem>>, vector<16xf32>,
    } {sc.loop_unroll_factor = 2 : i64, sc.parallel_access}
    %get3A_1088 = arith.constant 1600 : index
    %get3A_1089 = tpu.vector_load %arg11[%get3A_1088] {strides = array<i32>} : memref<1664xi32, #tpu.memory_space<vmem>>, vector<16xi32>,
    %get3A_1090 = arith.constant 1600 : index
    %get3A_1091 = tpu.vector_load %arg12[%get3A_1090] {strides = array<i32>} : memref<1664xi32, #tpu.memory_space<vmem>>, vector<16xi32>,
    %broadcast_in_dim3A_1092 = arith.constant 4 : i32
    %broadcast_in_dim3A_1093 = vector.broadcast %broadcast_in_dim3A_1092 : i32 to vector<16xi32>
    %add3A_1094 = arith.addi %min3A_1001, %get3A_1089 : vector<16xi32>
    %gather3A_1095 = tpu.vector_load_idx %arg10[%add3A_1094] : memref<16384xf32, #tpu.memory_space<vmem>>[vector<16xi32>], vector<16xf32>,
    %add3A_1096 = arith.addi %min3A_1012, %get3A_1091 : vector<16xi32>
    %gather3A_1097 = tpu.vector_load_idx %arg10[%add3A_1096] : memref<16384xf32, #tpu.memory_space<vmem>>[vector<16xi32>], vector<16xf32>,
    tpu.vector_store_idx %arg15[%broadcast_in_dim3A_1093, %add3A_65], %gather3A_1095 masked %lt3A_67 : memref<8x1613xf32, #tpu.memory_space<vmem>>[vector<16xi32>, vector<16xi32>], vector<16xf32>, vector<16xi1>
    tpu.vector_store_idx %arg16[%broadcast_in_dim3A_1093, %add3A_65], %gather3A_1097 masked %lt3A_67 : memref<8x1613xf32, #tpu.memory_space<vmem>>[vector<16xi32>, vector<16xi32>], vector<16xf32>, vector<16xi1>
    %broadcast_in_dim3A_1098 = arith.constant 5 : i32
    %broadcast_in_dim3A_1099 = vector.broadcast %broadcast_in_dim3A_1098 : i32 to vector<16xi32>
    %add3A_1100 = arith.addi %min3A_1025, %get3A_1089 : vector<16xi32>
    %gather3A_1101 = tpu.vector_load_idx %arg10[%add3A_1100] : memref<16384xf32, #tpu.memory_space<vmem>>[vector<16xi32>], vector<16xf32>,
    %add3A_1102 = arith.addi %min3A_1036, %get3A_1091 : vector<16xi32>
    %gather3A_1103 = tpu.vector_load_idx %arg10[%add3A_1102] : memref<16384xf32, #tpu.memory_space<vmem>>[vector<16xi32>], vector<16xf32>,
    tpu.vector_store_idx %arg15[%broadcast_in_dim3A_1099, %add3A_65], %gather3A_1101 masked %lt3A_67 : memref<8x1613xf32, #tpu.memory_space<vmem>>[vector<16xi32>, vector<16xi32>], vector<16xf32>, vector<16xi1>
    tpu.vector_store_idx %arg16[%broadcast_in_dim3A_1099, %add3A_65], %gather3A_1103 masked %lt3A_67 : memref<8x1613xf32, #tpu.memory_space<vmem>>[vector<16xi32>, vector<16xi32>], vector<16xf32>, vector<16xi1>
    %broadcast_in_dim3A_1104 = arith.constant 6 : i32
    %broadcast_in_dim3A_1105 = vector.broadcast %broadcast_in_dim3A_1104 : i32 to vector<16xi32>
    %add3A_1106 = arith.addi %min3A_1049, %get3A_1089 : vector<16xi32>
    %gather3A_1107 = tpu.vector_load_idx %arg10[%add3A_1106] : memref<16384xf32, #tpu.memory_space<vmem>>[vector<16xi32>], vector<16xf32>,
    %add3A_1108 = arith.addi %min3A_1060, %get3A_1091 : vector<16xi32>
    %gather3A_1109 = tpu.vector_load_idx %arg10[%add3A_1108] : memref<16384xf32, #tpu.memory_space<vmem>>[vector<16xi32>], vector<16xf32>,
    tpu.vector_store_idx %arg15[%broadcast_in_dim3A_1105, %add3A_65], %gather3A_1107 masked %lt3A_67 : memref<8x1613xf32, #tpu.memory_space<vmem>>[vector<16xi32>, vector<16xi32>], vector<16xf32>, vector<16xi1>
    tpu.vector_store_idx %arg16[%broadcast_in_dim3A_1105, %add3A_65], %gather3A_1109 masked %lt3A_67 : memref<8x1613xf32, #tpu.memory_space<vmem>>[vector<16xi32>, vector<16xi32>], vector<16xf32>, vector<16xi1>
    %broadcast_in_dim3A_1110 = arith.constant 7 : i32
    %broadcast_in_dim3A_1111 = vector.broadcast %broadcast_in_dim3A_1110 : i32 to vector<16xi32>
    %add3A_1112 = arith.addi %min3A_1073, %get3A_1089 : vector<16xi32>
    %gather3A_1113 = tpu.vector_load_idx %arg10[%add3A_1112] : memref<16384xf32, #tpu.memory_space<vmem>>[vector<16xi32>], vector<16xf32>,
    %add3A_1114 = arith.addi %min3A_1084, %get3A_1091 : vector<16xi32>
    %gather3A_1115 = tpu.vector_load_idx %arg10[%add3A_1114] : memref<16384xf32, #tpu.memory_space<vmem>>[vector<16xi32>], vector<16xf32>,
    tpu.vector_store_idx %arg15[%broadcast_in_dim3A_1111, %add3A_65], %gather3A_1113 masked %lt3A_67 : memref<8x1613xf32, #tpu.memory_space<vmem>>[vector<16xi32>, vector<16xi32>], vector<16xf32>, vector<16xi1>
    tpu.vector_store_idx %arg16[%broadcast_in_dim3A_1111, %add3A_65], %gather3A_1115 masked %lt3A_67 : memref<8x1613xf32, #tpu.memory_space<vmem>>[vector<16xi32>, vector<16xi32>], vector<16xf32>, vector<16xi1>
    %lt3A_1116 = arith.constant 131 : i32
    %lt3A_1117 = arith.cmpi slt, %add3A_861, %lt3A_1116 : i32
    %convert_element_type3A_1118 = arith.extui %lt3A_1117 : i1 to i32
    %cond3A_1119 = arith.constant 0 : i32
    %cond3A_1120 = arith.cmpi ne, %convert_element_type3A_1118, %cond3A_1119 : i32
    scf.if %cond3A_1120 {
      %mul3A_1131 = arith.constant 8 : i32
      %mul3A_1132 = arith.muli %mul3A_1131, %add3A_861 : i32
      %run_scoped3A = arith.constant 0 : i32
      %run_scoped3A_1133 = arith.constant 0 : i32
      "tpu.region"() ({
        %run_scoped3A_1138 = tpu.sem_alloc : memref<!tpu.dma_semaphore, #tpu.memory_space<semaphore_mem>>
        %dma_start3A = arith.constant 0 : i32
        %dma_start3A_1139 = tpu.memref_slice %arg7[%run_scoped3A, %run_scoped3A_1133, %mul3A_1132, %dma_start3A] : memref<1x1x1050x1613xf32, #tpu.memory_space<hbm>> -> memref<1x1x8x1613xf32, #tpu.memory_space<hbm>>
        %dma_start3A_1140 = tpu.memref_squeeze %dma_start3A_1139 : memref<1x1x8x1613xf32, #tpu.memory_space<hbm>> -> memref<8x1613xf32, #tpu.memory_space<hbm>>
        %dma_start3A_1141 = arith.constant 0 : i32
        %dma_start3A_1142 = tpu.memref_slice %arg7[%run_scoped3A, %run_scoped3A_1133, %mul3A_1132, %dma_start3A_1141] : memref<1x1x1050x1613xf32, #tpu.memory_space<hbm>> -> memref<1x1x8x1613xf32, #tpu.memory_space<hbm>>
        %dma_start3A_1143 = tpu.memref_squeeze %dma_start3A_1142 : memref<1x1x8x1613xf32, #tpu.memory_space<hbm>> -> memref<8x1613xf32, #tpu.memory_space<hbm>>
        tpu.enqueue_dma source(%arg15 : memref<8x1613xf32, #tpu.memory_space<vmem>>) target(%dma_start3A_1143 : memref<8x1613xf32, #tpu.memory_space<hbm>>) target_semaphore(%run_scoped3A_1138 : memref<!tpu.dma_semaphore, #tpu.memory_space<semaphore_mem>>)
        %dma_wait3A = arith.constant 0 : i32
        %dma_wait3A_1144 = tpu.memref_slice %arg7[%run_scoped3A, %run_scoped3A_1133, %mul3A_1132, %dma_wait3A] : memref<1x1x1050x1613xf32, #tpu.memory_space<hbm>> -> memref<1x1x8x1613xf32, #tpu.memory_space<hbm>>
        %dma_wait3A_1145 = tpu.memref_squeeze %dma_wait3A_1144 : memref<1x1x8x1613xf32, #tpu.memory_space<hbm>> -> memref<8x1613xf32, #tpu.memory_space<hbm>>
        %dma_wait3A_1146 = arith.constant 0 : i32
        %dma_wait3A_1147 = tpu.memref_slice %arg7[%run_scoped3A, %run_scoped3A_1133, %mul3A_1132, %dma_wait3A_1146] : memref<1x1x1050x1613xf32, #tpu.memory_space<hbm>> -> memref<1x1x8x1613xf32, #tpu.memory_space<hbm>>
        %dma_wait3A_1148 = tpu.memref_squeeze %dma_wait3A_1147 : memref<1x1x8x1613xf32, #tpu.memory_space<hbm>> -> memref<8x1613xf32, #tpu.memory_space<hbm>>
        tpu.wait_dma2 semaphore(%run_scoped3A_1138 : memref<!tpu.dma_semaphore, #tpu.memory_space<semaphore_mem>>) src(%arg15 : memref<8x1613xf32, #tpu.memory_space<vmem>>) dst(%dma_wait3A_1148 : memref<8x1613xf32, #tpu.memory_space<hbm>>)
        tpu.yield
      }) : () -> ()
      %mul3A_1134 = arith.constant 8 : i32
      %mul3A_1135 = arith.muli %mul3A_1134, %add3A_861 : i32
      %run_scoped3A_1136 = arith.constant 0 : i32
      %run_scoped3A_1137 = arith.constant 0 : i32
      "tpu.region"() ({
        %run_scoped3A_1138 = tpu.sem_alloc : memref<!tpu.dma_semaphore, #tpu.memory_space<semaphore_mem>>
        %dma_start3A = arith.constant 0 : i32
        %dma_start3A_1139 = tpu.memref_slice %arg8[%run_scoped3A_1136, %run_scoped3A_1137, %mul3A_1135, %dma_start3A] : memref<1x1x1050x1613xf32, #tpu.memory_space<hbm>> -> memref<1x1x8x1613xf32, #tpu.memory_space<hbm>>
        %dma_start3A_1140 = tpu.memref_squeeze %dma_start3A_1139 : memref<1x1x8x1613xf32, #tpu.memory_space<hbm>> -> memref<8x1613xf32, #tpu.memory_space<hbm>>
        %dma_start3A_1141 = arith.constant 0 : i32
        %dma_start3A_1142 = tpu.memref_slice %arg8[%run_scoped3A_1136, %run_scoped3A_1137, %mul3A_1135, %dma_start3A_1141] : memref<1x1x1050x1613xf32, #tpu.memory_space<hbm>> -> memref<1x1x8x1613xf32, #tpu.memory_space<hbm>>
        %dma_start3A_1143 = tpu.memref_squeeze %dma_start3A_1142 : memref<1x1x8x1613xf32, #tpu.memory_space<hbm>> -> memref<8x1613xf32, #tpu.memory_space<hbm>>
        tpu.enqueue_dma source(%arg16 : memref<8x1613xf32, #tpu.memory_space<vmem>>) target(%dma_start3A_1143 : memref<8x1613xf32, #tpu.memory_space<hbm>>) target_semaphore(%run_scoped3A_1138 : memref<!tpu.dma_semaphore, #tpu.memory_space<semaphore_mem>>)
        %dma_wait3A = arith.constant 0 : i32
        %dma_wait3A_1144 = tpu.memref_slice %arg8[%run_scoped3A_1136, %run_scoped3A_1137, %mul3A_1135, %dma_wait3A] : memref<1x1x1050x1613xf32, #tpu.memory_space<hbm>> -> memref<1x1x8x1613xf32, #tpu.memory_space<hbm>>
        %dma_wait3A_1145 = tpu.memref_squeeze %dma_wait3A_1144 : memref<1x1x8x1613xf32, #tpu.memory_space<hbm>> -> memref<8x1613xf32, #tpu.memory_space<hbm>>
        %dma_wait3A_1146 = arith.constant 0 : i32
        %dma_wait3A_1147 = tpu.memref_slice %arg8[%run_scoped3A_1136, %run_scoped3A_1137, %mul3A_1135, %dma_wait3A_1146] : memref<1x1x1050x1613xf32, #tpu.memory_space<hbm>> -> memref<1x1x8x1613xf32, #tpu.memory_space<hbm>>
        %dma_wait3A_1148 = tpu.memref_squeeze %dma_wait3A_1147 : memref<1x1x8x1613xf32, #tpu.memory_space<hbm>> -> memref<8x1613xf32, #tpu.memory_space<hbm>>
        tpu.wait_dma2 semaphore(%run_scoped3A_1138 : memref<!tpu.dma_semaphore, #tpu.memory_space<semaphore_mem>>) src(%arg16 : memref<8x1613xf32, #tpu.memory_space<vmem>>) dst(%dma_wait3A_1148 : memref<8x1613xf32, #tpu.memory_space<hbm>>)
        tpu.yield
      }) : () -> ()
    } else {
    }
    %eq3A_1121 = arith.constant 131 : i32
    %eq3A_1122 = arith.cmpi eq, %add3A_861, %eq3A_1121 : i32
    %convert_element_type3A_1123 = arith.extui %eq3A_1122 : i1 to i32
    %cond3A_1124 = arith.constant 0 : i32
    %cond3A_1125 = arith.cmpi ne, %convert_element_type3A_1123, %cond3A_1124 : i32
    scf.if %cond3A_1125 {
      %run_scoped3A = arith.constant 0 : i32
      %run_scoped3A_1131 = arith.constant 0 : i32
      "tpu.region"() ({
        %run_scoped3A_1134 = tpu.sem_alloc : memref<!tpu.dma_semaphore, #tpu.memory_space<semaphore_mem>>
        %dma_start3A = arith.constant 0 : i32
        %dma_start3A_1135 = arith.constant 0 : i32
        %dma_start3A_1136 = tpu.memref_slice %arg15[%dma_start3A, %dma_start3A_1135] : memref<8x1613xf32, #tpu.memory_space<vmem>> -> memref<2x1613xf32, #tpu.memory_space<vmem>>
        %dma_start3A_1137 = arith.constant 1048 : i32
        %dma_start3A_1138 = arith.constant 0 : i32
        %dma_start3A_1139 = tpu.memref_slice %arg7[%run_scoped3A, %run_scoped3A_1131, %dma_start3A_1137, %dma_start3A_1138] : memref<1x1x1050x1613xf32, #tpu.memory_space<hbm>> -> memref<1x1x2x1613xf32, #tpu.memory_space<hbm>>
        %dma_start3A_1140 = tpu.memref_squeeze %dma_start3A_1139 : memref<1x1x2x1613xf32, #tpu.memory_space<hbm>> -> memref<2x1613xf32, #tpu.memory_space<hbm>>
        %dma_start3A_1141 = arith.constant 1048 : i32
        %dma_start3A_1142 = arith.constant 0 : i32
        %dma_start3A_1143 = tpu.memref_slice %arg7[%run_scoped3A, %run_scoped3A_1131, %dma_start3A_1141, %dma_start3A_1142] : memref<1x1x1050x1613xf32, #tpu.memory_space<hbm>> -> memref<1x1x2x1613xf32, #tpu.memory_space<hbm>>
        %dma_start3A_1144 = tpu.memref_squeeze %dma_start3A_1143 : memref<1x1x2x1613xf32, #tpu.memory_space<hbm>> -> memref<2x1613xf32, #tpu.memory_space<hbm>>
        %dma_start3A_1145 = arith.constant 0 : i32
        %dma_start3A_1146 = arith.constant 0 : i32
        %dma_start3A_1147 = tpu.memref_slice %arg15[%dma_start3A_1145, %dma_start3A_1146] : memref<8x1613xf32, #tpu.memory_space<vmem>> -> memref<2x1613xf32, #tpu.memory_space<vmem>>
        tpu.enqueue_dma source(%dma_start3A_1147 : memref<2x1613xf32, #tpu.memory_space<vmem>>) target(%dma_start3A_1144 : memref<2x1613xf32, #tpu.memory_space<hbm>>) target_semaphore(%run_scoped3A_1134 : memref<!tpu.dma_semaphore, #tpu.memory_space<semaphore_mem>>)
        %dma_wait3A = arith.constant 0 : i32
        %dma_wait3A_1148 = arith.constant 0 : i32
        %dma_wait3A_1149 = tpu.memref_slice %arg15[%dma_wait3A, %dma_wait3A_1148] : memref<8x1613xf32, #tpu.memory_space<vmem>> -> memref<2x1613xf32, #tpu.memory_space<vmem>>
        %dma_wait3A_1150 = arith.constant 1048 : i32
        %dma_wait3A_1151 = arith.constant 0 : i32
        %dma_wait3A_1152 = tpu.memref_slice %arg7[%run_scoped3A, %run_scoped3A_1131, %dma_wait3A_1150, %dma_wait3A_1151] : memref<1x1x1050x1613xf32, #tpu.memory_space<hbm>> -> memref<1x1x2x1613xf32, #tpu.memory_space<hbm>>
        %dma_wait3A_1153 = tpu.memref_squeeze %dma_wait3A_1152 : memref<1x1x2x1613xf32, #tpu.memory_space<hbm>> -> memref<2x1613xf32, #tpu.memory_space<hbm>>
        %dma_wait3A_1154 = arith.constant 1048 : i32
        %dma_wait3A_1155 = arith.constant 0 : i32
        %dma_wait3A_1156 = tpu.memref_slice %arg7[%run_scoped3A, %run_scoped3A_1131, %dma_wait3A_1154, %dma_wait3A_1155] : memref<1x1x1050x1613xf32, #tpu.memory_space<hbm>> -> memref<1x1x2x1613xf32, #tpu.memory_space<hbm>>
        %dma_wait3A_1157 = tpu.memref_squeeze %dma_wait3A_1156 : memref<1x1x2x1613xf32, #tpu.memory_space<hbm>> -> memref<2x1613xf32, #tpu.memory_space<hbm>>
        %dma_wait3A_1158 = arith.constant 0 : i32
        %dma_wait3A_1159 = arith.constant 0 : i32
        %dma_wait3A_1160 = tpu.memref_slice %arg15[%dma_wait3A_1158, %dma_wait3A_1159] : memref<8x1613xf32, #tpu.memory_space<vmem>> -> memref<2x1613xf32, #tpu.memory_space<vmem>>
        tpu.wait_dma2 semaphore(%run_scoped3A_1134 : memref<!tpu.dma_semaphore, #tpu.memory_space<semaphore_mem>>) src(%dma_wait3A_1160 : memref<2x1613xf32, #tpu.memory_space<vmem>>) dst(%dma_wait3A_1157 : memref<2x1613xf32, #tpu.memory_space<hbm>>)
        tpu.yield
      }) : () -> ()
      %run_scoped3A_1132 = arith.constant 0 : i32
      %run_scoped3A_1133 = arith.constant 0 : i32
      "tpu.region"() ({
        %run_scoped3A_1134 = tpu.sem_alloc : memref<!tpu.dma_semaphore, #tpu.memory_space<semaphore_mem>>
        %dma_start3A = arith.constant 0 : i32
        %dma_start3A_1135 = arith.constant 0 : i32
        %dma_start3A_1136 = tpu.memref_slice %arg16[%dma_start3A, %dma_start3A_1135] : memref<8x1613xf32, #tpu.memory_space<vmem>> -> memref<2x1613xf32, #tpu.memory_space<vmem>>
        %dma_start3A_1137 = arith.constant 1048 : i32
        %dma_start3A_1138 = arith.constant 0 : i32
        %dma_start3A_1139 = tpu.memref_slice %arg8[%run_scoped3A_1132, %run_scoped3A_1133, %dma_start3A_1137, %dma_start3A_1138] : memref<1x1x1050x1613xf32, #tpu.memory_space<hbm>> -> memref<1x1x2x1613xf32, #tpu.memory_space<hbm>>
        %dma_start3A_1140 = tpu.memref_squeeze %dma_start3A_1139 : memref<1x1x2x1613xf32, #tpu.memory_space<hbm>> -> memref<2x1613xf32, #tpu.memory_space<hbm>>
        %dma_start3A_1141 = arith.constant 1048 : i32
        %dma_start3A_1142 = arith.constant 0 : i32
        %dma_start3A_1143 = tpu.memref_slice %arg8[%run_scoped3A_1132, %run_scoped3A_1133, %dma_start3A_1141, %dma_start3A_1142] : memref<1x1x1050x1613xf32, #tpu.memory_space<hbm>> -> memref<1x1x2x1613xf32, #tpu.memory_space<hbm>>
        %dma_start3A_1144 = tpu.memref_squeeze %dma_start3A_1143 : memref<1x1x2x1613xf32, #tpu.memory_space<hbm>> -> memref<2x1613xf32, #tpu.memory_space<hbm>>
        %dma_start3A_1145 = arith.constant 0 : i32
        %dma_start3A_1146 = arith.constant 0 : i32
        %dma_start3A_1147 = tpu.memref_slice %arg16[%dma_start3A_1145, %dma_start3A_1146] : memref<8x1613xf32, #tpu.memory_space<vmem>> -> memref<2x1613xf32, #tpu.memory_space<vmem>>
        tpu.enqueue_dma source(%dma_start3A_1147 : memref<2x1613xf32, #tpu.memory_space<vmem>>) target(%dma_start3A_1144 : memref<2x1613xf32, #tpu.memory_space<hbm>>) target_semaphore(%run_scoped3A_1134 : memref<!tpu.dma_semaphore, #tpu.memory_space<semaphore_mem>>)
        %dma_wait3A = arith.constant 0 : i32
        %dma_wait3A_1148 = arith.constant 0 : i32
        %dma_wait3A_1149 = tpu.memref_slice %arg16[%dma_wait3A, %dma_wait3A_1148] : memref<8x1613xf32, #tpu.memory_space<vmem>> -> memref<2x1613xf32, #tpu.memory_space<vmem>>
        %dma_wait3A_1150 = arith.constant 1048 : i32
        %dma_wait3A_1151 = arith.constant 0 : i32
        %dma_wait3A_1152 = tpu.memref_slice %arg8[%run_scoped3A_1132, %run_scoped3A_1133, %dma_wait3A_1150, %dma_wait3A_1151] : memref<1x1x1050x1613xf32, #tpu.memory_space<hbm>> -> memref<1x1x2x1613xf32, #tpu.memory_space<hbm>>
        %dma_wait3A_1153 = tpu.memref_squeeze %dma_wait3A_1152 : memref<1x1x2x1613xf32, #tpu.memory_space<hbm>> -> memref<2x1613xf32, #tpu.memory_space<hbm>>
        %dma_wait3A_1154 = arith.constant 1048 : i32
        %dma_wait3A_1155 = arith.constant 0 : i32
        %dma_wait3A_1156 = tpu.memref_slice %arg8[%run_scoped3A_1132, %run_scoped3A_1133, %dma_wait3A_1154, %dma_wait3A_1155] : memref<1x1x1050x1613xf32, #tpu.memory_space<hbm>> -> memref<1x1x2x1613xf32, #tpu.memory_space<hbm>>
        %dma_wait3A_1157 = tpu.memref_squeeze %dma_wait3A_1156 : memref<1x1x2x1613xf32, #tpu.memory_space<hbm>> -> memref<2x1613xf32, #tpu.memory_space<hbm>>
        %dma_wait3A_1158 = arith.constant 0 : i32
        %dma_wait3A_1159 = arith.constant 0 : i32
        %dma_wait3A_1160 = tpu.memref_slice %arg16[%dma_wait3A_1158, %dma_wait3A_1159] : memref<8x1613xf32, #tpu.memory_space<vmem>> -> memref<2x1613xf32, #tpu.memory_space<vmem>>
        tpu.wait_dma2 semaphore(%run_scoped3A_1134 : memref<!tpu.dma_semaphore, #tpu.memory_space<semaphore_mem>>) src(%dma_wait3A_1160 : memref<2x1613xf32, #tpu.memory_space<vmem>>) dst(%dma_wait3A_1157 : memref<2x1613xf32, #tpu.memory_space<hbm>>)
        tpu.yield
      }) : () -> ()
    } else {
    }
    %lt3A_1126 = arith.constant 4 : i32
    %lt3A_1127 = arith.cmpi slt, %add3A, %lt3A_1126 : i32
    %convert_element_type3A_1128 = arith.extui %lt3A_1127 : i1 to i32
    %cond3A_1129 = arith.constant 0 : i32
    %cond3A_1130 = arith.cmpi ne, %convert_element_type3A_1128, %cond3A_1129 : i32
    scf.if %cond3A_1130 {
      %add3A_1131 = arith.constant 4 : i32
      %add3A_1132 = arith.addi %add3A_4, %add3A_1131 : i32
      %broadcast_in_dim3A_1133 = arith.constant 40 : i32
      %broadcast_in_dim3A_1134 = vector.broadcast %broadcast_in_dim3A_1133 : i32 to vector<16xi32>
      %gather3A_1135 = tpu.vector_load_idx %arg13[%broadcast_in_dim3A_1134] : memref<56xi32, #tpu.memory_space<vmem>>[vector<16xi32>], vector<16xi32>,
      %mul3A_1136 = arith.constant 512 : i32
      %mul3A_1137 = vector.broadcast %mul3A_1136 : i32 to vector<16xi32>
      %mul3A_1138 = arith.muli %gather3A_1135, %mul3A_1137 : vector<16xi32>
      %sub3A_1139 = arith.subi %mul3A_1138, %broadcast_in_dim3A : vector<16xi32>
      %jit3A_1140 = arith.constant 0 : i32
      %jit3A_1141 = arith.constant 15872 : i32
      %max3A_1142 = vector.broadcast %jit3A_1140 : i32 to vector<16xi32>
      %max3A_1143 = arith.maxsi %max3A_1142, %sub3A_1139 : vector<16xi32>
      %min3A_1144 = vector.broadcast %jit3A_1141 : i32 to vector<16xi32>
      %min3A_1145 = arith.minsi %min3A_1144, %max3A_1143 : vector<16xi32>
      %gather3A_1146 = tpu.vector_load_idx %arg14[%broadcast_in_dim3A_1134] : memref<56xi32, #tpu.memory_space<vmem>>[vector<16xi32>], vector<16xi32>,
      %mul3A_1147 = arith.constant 512 : i32
      %mul3A_1148 = vector.broadcast %mul3A_1147 : i32 to vector<16xi32>
      %mul3A_1149 = arith.muli %gather3A_1146, %mul3A_1148 : vector<16xi32>
      %sub3A_1150 = arith.subi %mul3A_1149, %broadcast_in_dim3A : vector<16xi32>
      %jit3A_1151 = arith.constant 0 : i32
      %jit3A_1152 = arith.constant 15872 : i32
      %max3A_1153 = vector.broadcast %jit3A_1151 : i32 to vector<16xi32>
      %max3A_1154 = arith.maxsi %max3A_1153, %sub3A_1150 : vector<16xi32>
      %min3A_1155 = vector.broadcast %jit3A_1152 : i32 to vector<16xi32>
      %min3A_1156 = arith.minsi %min3A_1155, %max3A_1154 : vector<16xi32>
      %broadcast_in_dim3A_1157 = arith.constant 41 : i32
      %broadcast_in_dim3A_1158 = vector.broadcast %broadcast_in_dim3A_1157 : i32 to vector<16xi32>
      %gather3A_1159 = tpu.vector_load_idx %arg13[%broadcast_in_dim3A_1158] : memref<56xi32, #tpu.memory_space<vmem>>[vector<16xi32>], vector<16xi32>,
      %mul3A_1160 = arith.constant 512 : i32
      %mul3A_1161 = vector.broadcast %mul3A_1160 : i32 to vector<16xi32>
      %mul3A_1162 = arith.muli %gather3A_1159, %mul3A_1161 : vector<16xi32>
      %sub3A_1163 = arith.subi %mul3A_1162, %broadcast_in_dim3A : vector<16xi32>
      %jit3A_1164 = arith.constant 0 : i32
      %jit3A_1165 = arith.constant 15872 : i32
      %max3A_1166 = vector.broadcast %jit3A_1164 : i32 to vector<16xi32>
      %max3A_1167 = arith.maxsi %max3A_1166, %sub3A_1163 : vector<16xi32>
      %min3A_1168 = vector.broadcast %jit3A_1165 : i32 to vector<16xi32>
      %min3A_1169 = arith.minsi %min3A_1168, %max3A_1167 : vector<16xi32>
      %gather3A_1170 = tpu.vector_load_idx %arg14[%broadcast_in_dim3A_1158] : memref<56xi32, #tpu.memory_space<vmem>>[vector<16xi32>], vector<16xi32>,
      %mul3A_1171 = arith.constant 512 : i32
      %mul3A_1172 = vector.broadcast %mul3A_1171 : i32 to vector<16xi32>
      %mul3A_1173 = arith.muli %gather3A_1170, %mul3A_1172 : vector<16xi32>
      %sub3A_1174 = arith.subi %mul3A_1173, %broadcast_in_dim3A : vector<16xi32>
      %jit3A_1175 = arith.constant 0 : i32
      %jit3A_1176 = arith.constant 15872 : i32
      %max3A_1177 = vector.broadcast %jit3A_1175 : i32 to vector<16xi32>
      %max3A_1178 = arith.maxsi %max3A_1177, %sub3A_1174 : vector<16xi32>
      %min3A_1179 = vector.broadcast %jit3A_1176 : i32 to vector<16xi32>
      %min3A_1180 = arith.minsi %min3A_1179, %max3A_1178 : vector<16xi32>
      %broadcast_in_dim3A_1181 = arith.constant 42 : i32
      %broadcast_in_dim3A_1182 = vector.broadcast %broadcast_in_dim3A_1181 : i32 to vector<16xi32>
      %gather3A_1183 = tpu.vector_load_idx %arg13[%broadcast_in_dim3A_1182] : memref<56xi32, #tpu.memory_space<vmem>>[vector<16xi32>], vector<16xi32>,
      %mul3A_1184 = arith.constant 512 : i32
      %mul3A_1185 = vector.broadcast %mul3A_1184 : i32 to vector<16xi32>
      %mul3A_1186 = arith.muli %gather3A_1183, %mul3A_1185 : vector<16xi32>
      %sub3A_1187 = arith.subi %mul3A_1186, %broadcast_in_dim3A : vector<16xi32>
      %jit3A_1188 = arith.constant 0 : i32
      %jit3A_1189 = arith.constant 15872 : i32
      %max3A_1190 = vector.broadcast %jit3A_1188 : i32 to vector<16xi32>
      %max3A_1191 = arith.maxsi %max3A_1190, %sub3A_1187 : vector<16xi32>
      %min3A_1192 = vector.broadcast %jit3A_1189 : i32 to vector<16xi32>
      %min3A_1193 = arith.minsi %min3A_1192, %max3A_1191 : vector<16xi32>
      %gather3A_1194 = tpu.vector_load_idx %arg14[%broadcast_in_dim3A_1182] : memref<56xi32, #tpu.memory_space<vmem>>[vector<16xi32>], vector<16xi32>,
      %mul3A_1195 = arith.constant 512 : i32
      %mul3A_1196 = vector.broadcast %mul3A_1195 : i32 to vector<16xi32>
      %mul3A_1197 = arith.muli %gather3A_1194, %mul3A_1196 : vector<16xi32>
      %sub3A_1198 = arith.subi %mul3A_1197, %broadcast_in_dim3A : vector<16xi32>
      %jit3A_1199 = arith.constant 0 : i32
      %jit3A_1200 = arith.constant 15872 : i32
      %max3A_1201 = vector.broadcast %jit3A_1199 : i32 to vector<16xi32>
      %max3A_1202 = arith.maxsi %max3A_1201, %sub3A_1198 : vector<16xi32>
      %min3A_1203 = vector.broadcast %jit3A_1200 : i32 to vector<16xi32>
      %min3A_1204 = arith.minsi %min3A_1203, %max3A_1202 : vector<16xi32>
      %broadcast_in_dim3A_1205 = arith.constant 43 : i32
      %broadcast_in_dim3A_1206 = vector.broadcast %broadcast_in_dim3A_1205 : i32 to vector<16xi32>
      %gather3A_1207 = tpu.vector_load_idx %arg13[%broadcast_in_dim3A_1206] : memref<56xi32, #tpu.memory_space<vmem>>[vector<16xi32>], vector<16xi32>,
      %mul3A_1208 = arith.constant 512 : i32
      %mul3A_1209 = vector.broadcast %mul3A_1208 : i32 to vector<16xi32>
      %mul3A_1210 = arith.muli %gather3A_1207, %mul3A_1209 : vector<16xi32>
      %sub3A_1211 = arith.subi %mul3A_1210, %broadcast_in_dim3A : vector<16xi32>
      %jit3A_1212 = arith.constant 0 : i32
      %jit3A_1213 = arith.constant 15872 : i32
      %max3A_1214 = vector.broadcast %jit3A_1212 : i32 to vector<16xi32>
      %max3A_1215 = arith.maxsi %max3A_1214, %sub3A_1211 : vector<16xi32>
      %min3A_1216 = vector.broadcast %jit3A_1213 : i32 to vector<16xi32>
      %min3A_1217 = arith.minsi %min3A_1216, %max3A_1215 : vector<16xi32>
      %gather3A_1218 = tpu.vector_load_idx %arg14[%broadcast_in_dim3A_1206] : memref<56xi32, #tpu.memory_space<vmem>>[vector<16xi32>], vector<16xi32>,
      %mul3A_1219 = arith.constant 512 : i32
      %mul3A_1220 = vector.broadcast %mul3A_1219 : i32 to vector<16xi32>
      %mul3A_1221 = arith.muli %gather3A_1218, %mul3A_1220 : vector<16xi32>
      %sub3A_1222 = arith.subi %mul3A_1221, %broadcast_in_dim3A : vector<16xi32>
      %jit3A_1223 = arith.constant 0 : i32
      %jit3A_1224 = arith.constant 15872 : i32
      %max3A_1225 = vector.broadcast %jit3A_1223 : i32 to vector<16xi32>
      %max3A_1226 = arith.maxsi %max3A_1225, %sub3A_1222 : vector<16xi32>
      %min3A_1227 = vector.broadcast %jit3A_1224 : i32 to vector<16xi32>
      %min3A_1228 = arith.minsi %min3A_1227, %max3A_1226 : vector<16xi32>
      %parallel_loop3A_1229 = arith.constant 0 : i32
      %parallel_loop3A_1230 = arith.constant 100 : i32
      %parallel_loop3A_1231 = arith.constant 1 : i32
      scf.for %parallel_loop3A_1397 = %parallel_loop3A_1229 to %parallel_loop3A_1230 step %parallel_loop3A_1231  : i32 {
        %parallel_loop3A_1398 = arith.constant 16 : i32
        %parallel_loop3A_1399 = arith.muli %parallel_loop3A_1397, %parallel_loop3A_1398 : i32
        %parallel_loop3A_1400 = arith.index_cast %parallel_loop3A_1399 : i32 to index
        %parallel_loop3A_1401 = tpu.vector_load %arg11[%parallel_loop3A_1400] {strides = array<i32>} : memref<1664xi32, #tpu.memory_space<vmem>>, vector<16xi32>,
        %parallel_loop3A_1402 = arith.constant 16 : i32
        %parallel_loop3A_1403 = arith.muli %parallel_loop3A_1397, %parallel_loop3A_1402 : i32
        %parallel_loop3A_1404 = arith.index_cast %parallel_loop3A_1403 : i32 to index
        %parallel_loop3A_1405 = tpu.vector_load %arg12[%parallel_loop3A_1404] {strides = array<i32>} : memref<1664xi32, #tpu.memory_space<vmem>>, vector<16xi32>,
        %parallel_loop3A_1406 = arith.addi %min3A_1145, %parallel_loop3A_1401 : vector<16xi32>
        %parallel_loop3A_1407 = tpu.vector_load_idx %arg10[%parallel_loop3A_1406] : memref<16384xf32, #tpu.memory_space<vmem>>[vector<16xi32>], vector<16xf32>,
        %parallel_loop3A_1408 = arith.constant 16 : i32
        %parallel_loop3A_1409 = arith.muli %parallel_loop3A_1397, %parallel_loop3A_1408 : i32
        %parallel_loop3A_1410 = arith.constant 0 : i32
        %parallel_loop3A_1411 = arith.index_cast %parallel_loop3A_1410 : i32 to index
        %parallel_loop3A_1412 = arith.index_cast %parallel_loop3A_1409 : i32 to index
        %parallel_loop3A_1413 = tpu.vector_load %arg15[%parallel_loop3A_1411, %parallel_loop3A_1412] {strides = array<i32>} : memref<8x1613xf32, #tpu.memory_space<vmem>>, vector<16xf32>,
        tpu.vector_store %arg15[%parallel_loop3A_1411, %parallel_loop3A_1412], %parallel_loop3A_1407 {strides = array<i32>} : memref<8x1613xf32, #tpu.memory_space<vmem>>, vector<16xf32>,
        %parallel_loop3A_1414 = arith.addi %min3A_1156, %parallel_loop3A_1405 : vector<16xi32>
        %parallel_loop3A_1415 = tpu.vector_load_idx %arg10[%parallel_loop3A_1414] : memref<16384xf32, #tpu.memory_space<vmem>>[vector<16xi32>], vector<16xf32>,
        %parallel_loop3A_1416 = arith.constant 16 : i32
        %parallel_loop3A_1417 = arith.muli %parallel_loop3A_1397, %parallel_loop3A_1416 : i32
        %parallel_loop3A_1418 = arith.constant 0 : i32
        %parallel_loop3A_1419 = arith.index_cast %parallel_loop3A_1418 : i32 to index
        %parallel_loop3A_1420 = arith.index_cast %parallel_loop3A_1417 : i32 to index
        %parallel_loop3A_1421 = tpu.vector_load %arg16[%parallel_loop3A_1419, %parallel_loop3A_1420] {strides = array<i32>} : memref<8x1613xf32, #tpu.memory_space<vmem>>, vector<16xf32>,
        tpu.vector_store %arg16[%parallel_loop3A_1419, %parallel_loop3A_1420], %parallel_loop3A_1415 {strides = array<i32>} : memref<8x1613xf32, #tpu.memory_space<vmem>>, vector<16xf32>,
        %parallel_loop3A_1422 = arith.addi %min3A_1169, %parallel_loop3A_1401 : vector<16xi32>
        %parallel_loop3A_1423 = tpu.vector_load_idx %arg10[%parallel_loop3A_1422] : memref<16384xf32, #tpu.memory_space<vmem>>[vector<16xi32>], vector<16xf32>,
        %parallel_loop3A_1424 = arith.constant 16 : i32
        %parallel_loop3A_1425 = arith.muli %parallel_loop3A_1397, %parallel_loop3A_1424 : i32
        %parallel_loop3A_1426 = arith.constant 1 : i32
        %parallel_loop3A_1427 = arith.index_cast %parallel_loop3A_1426 : i32 to index
        %parallel_loop3A_1428 = arith.index_cast %parallel_loop3A_1425 : i32 to index
        %parallel_loop3A_1429 = tpu.vector_load %arg15[%parallel_loop3A_1427, %parallel_loop3A_1428] {strides = array<i32>} : memref<8x1613xf32, #tpu.memory_space<vmem>>, vector<16xf32>,
        tpu.vector_store %arg15[%parallel_loop3A_1427, %parallel_loop3A_1428], %parallel_loop3A_1423 {strides = array<i32>} : memref<8x1613xf32, #tpu.memory_space<vmem>>, vector<16xf32>,
        %parallel_loop3A_1430 = arith.addi %min3A_1180, %parallel_loop3A_1405 : vector<16xi32>
        %parallel_loop3A_1431 = tpu.vector_load_idx %arg10[%parallel_loop3A_1430] : memref<16384xf32, #tpu.memory_space<vmem>>[vector<16xi32>], vector<16xf32>,
        %parallel_loop3A_1432 = arith.constant 16 : i32
        %parallel_loop3A_1433 = arith.muli %parallel_loop3A_1397, %parallel_loop3A_1432 : i32
        %parallel_loop3A_1434 = arith.constant 1 : i32
        %parallel_loop3A_1435 = arith.index_cast %parallel_loop3A_1434 : i32 to index
        %parallel_loop3A_1436 = arith.index_cast %parallel_loop3A_1433 : i32 to index
        %parallel_loop3A_1437 = tpu.vector_load %arg16[%parallel_loop3A_1435, %parallel_loop3A_1436] {strides = array<i32>} : memref<8x1613xf32, #tpu.memory_space<vmem>>, vector<16xf32>,
        tpu.vector_store %arg16[%parallel_loop3A_1435, %parallel_loop3A_1436], %parallel_loop3A_1431 {strides = array<i32>} : memref<8x1613xf32, #tpu.memory_space<vmem>>, vector<16xf32>,
        %parallel_loop3A_1438 = arith.addi %min3A_1193, %parallel_loop3A_1401 : vector<16xi32>
        %parallel_loop3A_1439 = tpu.vector_load_idx %arg10[%parallel_loop3A_1438] : memref<16384xf32, #tpu.memory_space<vmem>>[vector<16xi32>], vector<16xf32>,
        %parallel_loop3A_1440 = arith.constant 16 : i32
        %parallel_loop3A_1441 = arith.muli %parallel_loop3A_1397, %parallel_loop3A_1440 : i32
        %parallel_loop3A_1442 = arith.constant 2 : i32
        %parallel_loop3A_1443 = arith.index_cast %parallel_loop3A_1442 : i32 to index
        %parallel_loop3A_1444 = arith.index_cast %parallel_loop3A_1441 : i32 to index
        %parallel_loop3A_1445 = tpu.vector_load %arg15[%parallel_loop3A_1443, %parallel_loop3A_1444] {strides = array<i32>} : memref<8x1613xf32, #tpu.memory_space<vmem>>, vector<16xf32>,
        tpu.vector_store %arg15[%parallel_loop3A_1443, %parallel_loop3A_1444], %parallel_loop3A_1439 {strides = array<i32>} : memref<8x1613xf32, #tpu.memory_space<vmem>>, vector<16xf32>,
        %parallel_loop3A_1446 = arith.addi %min3A_1204, %parallel_loop3A_1405 : vector<16xi32>
        %parallel_loop3A_1447 = tpu.vector_load_idx %arg10[%parallel_loop3A_1446] : memref<16384xf32, #tpu.memory_space<vmem>>[vector<16xi32>], vector<16xf32>,
        %parallel_loop3A_1448 = arith.constant 16 : i32
        %parallel_loop3A_1449 = arith.muli %parallel_loop3A_1397, %parallel_loop3A_1448 : i32
        %parallel_loop3A_1450 = arith.constant 2 : i32
        %parallel_loop3A_1451 = arith.index_cast %parallel_loop3A_1450 : i32 to index
        %parallel_loop3A_1452 = arith.index_cast %parallel_loop3A_1449 : i32 to index
        %parallel_loop3A_1453 = tpu.vector_load %arg16[%parallel_loop3A_1451, %parallel_loop3A_1452] {strides = array<i32>} : memref<8x1613xf32, #tpu.memory_space<vmem>>, vector<16xf32>,
        tpu.vector_store %arg16[%parallel_loop3A_1451, %parallel_loop3A_1452], %parallel_loop3A_1447 {strides = array<i32>} : memref<8x1613xf32, #tpu.memory_space<vmem>>, vector<16xf32>,
        %parallel_loop3A_1454 = arith.addi %min3A_1217, %parallel_loop3A_1401 : vector<16xi32>
        %parallel_loop3A_1455 = tpu.vector_load_idx %arg10[%parallel_loop3A_1454] : memref<16384xf32, #tpu.memory_space<vmem>>[vector<16xi32>], vector<16xf32>,
        %parallel_loop3A_1456 = arith.constant 16 : i32
        %parallel_loop3A_1457 = arith.muli %parallel_loop3A_1397, %parallel_loop3A_1456 : i32
        %parallel_loop3A_1458 = arith.constant 3 : i32
        %parallel_loop3A_1459 = arith.index_cast %parallel_loop3A_1458 : i32 to index
        %parallel_loop3A_1460 = arith.index_cast %parallel_loop3A_1457 : i32 to index
        %parallel_loop3A_1461 = tpu.vector_load %arg15[%parallel_loop3A_1459, %parallel_loop3A_1460] {strides = array<i32>} : memref<8x1613xf32, #tpu.memory_space<vmem>>, vector<16xf32>,
        tpu.vector_store %arg15[%parallel_loop3A_1459, %parallel_loop3A_1460], %parallel_loop3A_1455 {strides = array<i32>} : memref<8x1613xf32, #tpu.memory_space<vmem>>, vector<16xf32>,
        %parallel_loop3A_1462 = arith.addi %min3A_1228, %parallel_loop3A_1405 : vector<16xi32>
        %parallel_loop3A_1463 = tpu.vector_load_idx %arg10[%parallel_loop3A_1462] : memref<16384xf32, #tpu.memory_space<vmem>>[vector<16xi32>], vector<16xf32>,
        %parallel_loop3A_1464 = arith.constant 16 : i32
        %parallel_loop3A_1465 = arith.muli %parallel_loop3A_1397, %parallel_loop3A_1464 : i32
        %parallel_loop3A_1466 = arith.constant 3 : i32
        %parallel_loop3A_1467 = arith.index_cast %parallel_loop3A_1466 : i32 to index
        %parallel_loop3A_1468 = arith.index_cast %parallel_loop3A_1465 : i32 to index
        %parallel_loop3A_1469 = tpu.vector_load %arg16[%parallel_loop3A_1467, %parallel_loop3A_1468] {strides = array<i32>} : memref<8x1613xf32, #tpu.memory_space<vmem>>, vector<16xf32>,
        tpu.vector_store %arg16[%parallel_loop3A_1467, %parallel_loop3A_1468], %parallel_loop3A_1463 {strides = array<i32>} : memref<8x1613xf32, #tpu.memory_space<vmem>>, vector<16xf32>,
      } {sc.loop_unroll_factor = 2 : i64, sc.parallel_access}
      %get3A_1232 = arith.constant 1600 : index
      %get3A_1233 = tpu.vector_load %arg11[%get3A_1232] {strides = array<i32>} : memref<1664xi32, #tpu.memory_space<vmem>>, vector<16xi32>,
      %get3A_1234 = arith.constant 1600 : index
      %get3A_1235 = tpu.vector_load %arg12[%get3A_1234] {strides = array<i32>} : memref<1664xi32, #tpu.memory_space<vmem>>, vector<16xi32>,
      %broadcast_in_dim3A_1236 = arith.constant 0 : i32
      %broadcast_in_dim3A_1237 = vector.broadcast %broadcast_in_dim3A_1236 : i32 to vector<16xi32>
      %add3A_1238 = arith.addi %min3A_1145, %get3A_1233 : vector<16xi32>
      %gather3A_1239 = tpu.vector_load_idx %arg10[%add3A_1238] : memref<16384xf32, #tpu.memory_space<vmem>>[vector<16xi32>], vector<16xf32>,
      %add3A_1240 = arith.addi %min3A_1156, %get3A_1235 : vector<16xi32>
      %gather3A_1241 = tpu.vector_load_idx %arg10[%add3A_1240] : memref<16384xf32, #tpu.memory_space<vmem>>[vector<16xi32>], vector<16xf32>,
      tpu.vector_store_idx %arg15[%broadcast_in_dim3A_1237, %add3A_65], %gather3A_1239 masked %lt3A_67 : memref<8x1613xf32, #tpu.memory_space<vmem>>[vector<16xi32>, vector<16xi32>], vector<16xf32>, vector<16xi1>
      tpu.vector_store_idx %arg16[%broadcast_in_dim3A_1237, %add3A_65], %gather3A_1241 masked %lt3A_67 : memref<8x1613xf32, #tpu.memory_space<vmem>>[vector<16xi32>, vector<16xi32>], vector<16xf32>, vector<16xi1>
      %broadcast_in_dim3A_1242 = arith.constant 1 : i32
      %broadcast_in_dim3A_1243 = vector.broadcast %broadcast_in_dim3A_1242 : i32 to vector<16xi32>
      %add3A_1244 = arith.addi %min3A_1169, %get3A_1233 : vector<16xi32>
      %gather3A_1245 = tpu.vector_load_idx %arg10[%add3A_1244] : memref<16384xf32, #tpu.memory_space<vmem>>[vector<16xi32>], vector<16xf32>,
      %add3A_1246 = arith.addi %min3A_1180, %get3A_1235 : vector<16xi32>
      %gather3A_1247 = tpu.vector_load_idx %arg10[%add3A_1246] : memref<16384xf32, #tpu.memory_space<vmem>>[vector<16xi32>], vector<16xf32>,
      tpu.vector_store_idx %arg15[%broadcast_in_dim3A_1243, %add3A_65], %gather3A_1245 masked %lt3A_67 : memref<8x1613xf32, #tpu.memory_space<vmem>>[vector<16xi32>, vector<16xi32>], vector<16xf32>, vector<16xi1>
      tpu.vector_store_idx %arg16[%broadcast_in_dim3A_1243, %add3A_65], %gather3A_1247 masked %lt3A_67 : memref<8x1613xf32, #tpu.memory_space<vmem>>[vector<16xi32>, vector<16xi32>], vector<16xf32>, vector<16xi1>
      %broadcast_in_dim3A_1248 = arith.constant 2 : i32
      %broadcast_in_dim3A_1249 = vector.broadcast %broadcast_in_dim3A_1248 : i32 to vector<16xi32>
      %add3A_1250 = arith.addi %min3A_1193, %get3A_1233 : vector<16xi32>
      %gather3A_1251 = tpu.vector_load_idx %arg10[%add3A_1250] : memref<16384xf32, #tpu.memory_space<vmem>>[vector<16xi32>], vector<16xf32>,
      %add3A_1252 = arith.addi %min3A_1204, %get3A_1235 : vector<16xi32>
      %gather3A_1253 = tpu.vector_load_idx %arg10[%add3A_1252] : memref<16384xf32, #tpu.memory_space<vmem>>[vector<16xi32>], vector<16xf32>,
      tpu.vector_store_idx %arg15[%broadcast_in_dim3A_1249, %add3A_65], %gather3A_1251 masked %lt3A_67 : memref<8x1613xf32, #tpu.memory_space<vmem>>[vector<16xi32>, vector<16xi32>], vector<16xf32>, vector<16xi1>
      tpu.vector_store_idx %arg16[%broadcast_in_dim3A_1249, %add3A_65], %gather3A_1253 masked %lt3A_67 : memref<8x1613xf32, #tpu.memory_space<vmem>>[vector<16xi32>, vector<16xi32>], vector<16xf32>, vector<16xi1>
      %broadcast_in_dim3A_1254 = arith.constant 3 : i32
      %broadcast_in_dim3A_1255 = vector.broadcast %broadcast_in_dim3A_1254 : i32 to vector<16xi32>
      %add3A_1256 = arith.addi %min3A_1217, %get3A_1233 : vector<16xi32>
      %gather3A_1257 = tpu.vector_load_idx %arg10[%add3A_1256] : memref<16384xf32, #tpu.memory_space<vmem>>[vector<16xi32>], vector<16xf32>,
      %add3A_1258 = arith.addi %min3A_1228, %get3A_1235 : vector<16xi32>
      %gather3A_1259 = tpu.vector_load_idx %arg10[%add3A_1258] : memref<16384xf32, #tpu.memory_space<vmem>>[vector<16xi32>], vector<16xf32>,
      tpu.vector_store_idx %arg15[%broadcast_in_dim3A_1255, %add3A_65], %gather3A_1257 masked %lt3A_67 : memref<8x1613xf32, #tpu.memory_space<vmem>>[vector<16xi32>, vector<16xi32>], vector<16xf32>, vector<16xi1>
      tpu.vector_store_idx %arg16[%broadcast_in_dim3A_1255, %add3A_65], %gather3A_1259 masked %lt3A_67 : memref<8x1613xf32, #tpu.memory_space<vmem>>[vector<16xi32>, vector<16xi32>], vector<16xf32>, vector<16xi1>
      %broadcast_in_dim3A_1260 = arith.constant 44 : i32
      %broadcast_in_dim3A_1261 = vector.broadcast %broadcast_in_dim3A_1260 : i32 to vector<16xi32>
      %gather3A_1262 = tpu.vector_load_idx %arg13[%broadcast_in_dim3A_1261] : memref<56xi32, #tpu.memory_space<vmem>>[vector<16xi32>], vector<16xi32>,
      %mul3A_1263 = arith.constant 512 : i32
      %mul3A_1264 = vector.broadcast %mul3A_1263 : i32 to vector<16xi32>
      %mul3A_1265 = arith.muli %gather3A_1262, %mul3A_1264 : vector<16xi32>
      %sub3A_1266 = arith.subi %mul3A_1265, %broadcast_in_dim3A : vector<16xi32>
      %jit3A_1267 = arith.constant 0 : i32
      %jit3A_1268 = arith.constant 15872 : i32
      %max3A_1269 = vector.broadcast %jit3A_1267 : i32 to vector<16xi32>
      %max3A_1270 = arith.maxsi %max3A_1269, %sub3A_1266 : vector<16xi32>
      %min3A_1271 = vector.broadcast %jit3A_1268 : i32 to vector<16xi32>
      %min3A_1272 = arith.minsi %min3A_1271, %max3A_1270 : vector<16xi32>
      %gather3A_1273 = tpu.vector_load_idx %arg14[%broadcast_in_dim3A_1261] : memref<56xi32, #tpu.memory_space<vmem>>[vector<16xi32>], vector<16xi32>,
      %mul3A_1274 = arith.constant 512 : i32
      %mul3A_1275 = vector.broadcast %mul3A_1274 : i32 to vector<16xi32>
      %mul3A_1276 = arith.muli %gather3A_1273, %mul3A_1275 : vector<16xi32>
      %sub3A_1277 = arith.subi %mul3A_1276, %broadcast_in_dim3A : vector<16xi32>
      %jit3A_1278 = arith.constant 0 : i32
      %jit3A_1279 = arith.constant 15872 : i32
      %max3A_1280 = vector.broadcast %jit3A_1278 : i32 to vector<16xi32>
      %max3A_1281 = arith.maxsi %max3A_1280, %sub3A_1277 : vector<16xi32>
      %min3A_1282 = vector.broadcast %jit3A_1279 : i32 to vector<16xi32>
      %min3A_1283 = arith.minsi %min3A_1282, %max3A_1281 : vector<16xi32>
      %broadcast_in_dim3A_1284 = arith.constant 45 : i32
      %broadcast_in_dim3A_1285 = vector.broadcast %broadcast_in_dim3A_1284 : i32 to vector<16xi32>
      %gather3A_1286 = tpu.vector_load_idx %arg13[%broadcast_in_dim3A_1285] : memref<56xi32, #tpu.memory_space<vmem>>[vector<16xi32>], vector<16xi32>,
      %mul3A_1287 = arith.constant 512 : i32
      %mul3A_1288 = vector.broadcast %mul3A_1287 : i32 to vector<16xi32>
      %mul3A_1289 = arith.muli %gather3A_1286, %mul3A_1288 : vector<16xi32>
      %sub3A_1290 = arith.subi %mul3A_1289, %broadcast_in_dim3A : vector<16xi32>
      %jit3A_1291 = arith.constant 0 : i32
      %jit3A_1292 = arith.constant 15872 : i32
      %max3A_1293 = vector.broadcast %jit3A_1291 : i32 to vector<16xi32>
      %max3A_1294 = arith.maxsi %max3A_1293, %sub3A_1290 : vector<16xi32>
      %min3A_1295 = vector.broadcast %jit3A_1292 : i32 to vector<16xi32>
      %min3A_1296 = arith.minsi %min3A_1295, %max3A_1294 : vector<16xi32>
      %gather3A_1297 = tpu.vector_load_idx %arg14[%broadcast_in_dim3A_1285] : memref<56xi32, #tpu.memory_space<vmem>>[vector<16xi32>], vector<16xi32>,
      %mul3A_1298 = arith.constant 512 : i32
      %mul3A_1299 = vector.broadcast %mul3A_1298 : i32 to vector<16xi32>
      %mul3A_1300 = arith.muli %gather3A_1297, %mul3A_1299 : vector<16xi32>
      %sub3A_1301 = arith.subi %mul3A_1300, %broadcast_in_dim3A : vector<16xi32>
      %jit3A_1302 = arith.constant 0 : i32
      %jit3A_1303 = arith.constant 15872 : i32
      %max3A_1304 = vector.broadcast %jit3A_1302 : i32 to vector<16xi32>
      %max3A_1305 = arith.maxsi %max3A_1304, %sub3A_1301 : vector<16xi32>
      %min3A_1306 = vector.broadcast %jit3A_1303 : i32 to vector<16xi32>
      %min3A_1307 = arith.minsi %min3A_1306, %max3A_1305 : vector<16xi32>
      %broadcast_in_dim3A_1308 = arith.constant 46 : i32
      %broadcast_in_dim3A_1309 = vector.broadcast %broadcast_in_dim3A_1308 : i32 to vector<16xi32>
      %gather3A_1310 = tpu.vector_load_idx %arg13[%broadcast_in_dim3A_1309] : memref<56xi32, #tpu.memory_space<vmem>>[vector<16xi32>], vector<16xi32>,
      %mul3A_1311 = arith.constant 512 : i32
      %mul3A_1312 = vector.broadcast %mul3A_1311 : i32 to vector<16xi32>
      %mul3A_1313 = arith.muli %gather3A_1310, %mul3A_1312 : vector<16xi32>
      %sub3A_1314 = arith.subi %mul3A_1313, %broadcast_in_dim3A : vector<16xi32>
      %jit3A_1315 = arith.constant 0 : i32
      %jit3A_1316 = arith.constant 15872 : i32
      %max3A_1317 = vector.broadcast %jit3A_1315 : i32 to vector<16xi32>
      %max3A_1318 = arith.maxsi %max3A_1317, %sub3A_1314 : vector<16xi32>
      %min3A_1319 = vector.broadcast %jit3A_1316 : i32 to vector<16xi32>
      %min3A_1320 = arith.minsi %min3A_1319, %max3A_1318 : vector<16xi32>
      %gather3A_1321 = tpu.vector_load_idx %arg14[%broadcast_in_dim3A_1309] : memref<56xi32, #tpu.memory_space<vmem>>[vector<16xi32>], vector<16xi32>,
      %mul3A_1322 = arith.constant 512 : i32
      %mul3A_1323 = vector.broadcast %mul3A_1322 : i32 to vector<16xi32>
      %mul3A_1324 = arith.muli %gather3A_1321, %mul3A_1323 : vector<16xi32>
      %sub3A_1325 = arith.subi %mul3A_1324, %broadcast_in_dim3A : vector<16xi32>
      %jit3A_1326 = arith.constant 0 : i32
      %jit3A_1327 = arith.constant 15872 : i32
      %max3A_1328 = vector.broadcast %jit3A_1326 : i32 to vector<16xi32>
      %max3A_1329 = arith.maxsi %max3A_1328, %sub3A_1325 : vector<16xi32>
      %min3A_1330 = vector.broadcast %jit3A_1327 : i32 to vector<16xi32>
      %min3A_1331 = arith.minsi %min3A_1330, %max3A_1329 : vector<16xi32>
      %broadcast_in_dim3A_1332 = arith.constant 47 : i32
      %broadcast_in_dim3A_1333 = vector.broadcast %broadcast_in_dim3A_1332 : i32 to vector<16xi32>
      %gather3A_1334 = tpu.vector_load_idx %arg13[%broadcast_in_dim3A_1333] : memref<56xi32, #tpu.memory_space<vmem>>[vector<16xi32>], vector<16xi32>,
      %mul3A_1335 = arith.constant 512 : i32
      %mul3A_1336 = vector.broadcast %mul3A_1335 : i32 to vector<16xi32>
      %mul3A_1337 = arith.muli %gather3A_1334, %mul3A_1336 : vector<16xi32>
      %sub3A_1338 = arith.subi %mul3A_1337, %broadcast_in_dim3A : vector<16xi32>
      %jit3A_1339 = arith.constant 0 : i32
      %jit3A_1340 = arith.constant 15872 : i32
      %max3A_1341 = vector.broadcast %jit3A_1339 : i32 to vector<16xi32>
      %max3A_1342 = arith.maxsi %max3A_1341, %sub3A_1338 : vector<16xi32>
      %min3A_1343 = vector.broadcast %jit3A_1340 : i32 to vector<16xi32>
      %min3A_1344 = arith.minsi %min3A_1343, %max3A_1342 : vector<16xi32>
      %gather3A_1345 = tpu.vector_load_idx %arg14[%broadcast_in_dim3A_1333] : memref<56xi32, #tpu.memory_space<vmem>>[vector<16xi32>], vector<16xi32>,
      %mul3A_1346 = arith.constant 512 : i32
      %mul3A_1347 = vector.broadcast %mul3A_1346 : i32 to vector<16xi32>
      %mul3A_1348 = arith.muli %gather3A_1345, %mul3A_1347 : vector<16xi32>
      %sub3A_1349 = arith.subi %mul3A_1348, %broadcast_in_dim3A : vector<16xi32>
      %jit3A_1350 = arith.constant 0 : i32
      %jit3A_1351 = arith.constant 15872 : i32
      %max3A_1352 = vector.broadcast %jit3A_1350 : i32 to vector<16xi32>
      %max3A_1353 = arith.maxsi %max3A_1352, %sub3A_1349 : vector<16xi32>
      %min3A_1354 = vector.broadcast %jit3A_1351 : i32 to vector<16xi32>
      %min3A_1355 = arith.minsi %min3A_1354, %max3A_1353 : vector<16xi32>
      %parallel_loop3A_1356 = arith.constant 0 : i32
      %parallel_loop3A_1357 = arith.constant 100 : i32
      %parallel_loop3A_1358 = arith.constant 1 : i32
      scf.for %parallel_loop3A_1397 = %parallel_loop3A_1356 to %parallel_loop3A_1357 step %parallel_loop3A_1358  : i32 {
        %parallel_loop3A_1398 = arith.constant 16 : i32
        %parallel_loop3A_1399 = arith.muli %parallel_loop3A_1397, %parallel_loop3A_1398 : i32
        %parallel_loop3A_1400 = arith.index_cast %parallel_loop3A_1399 : i32 to index
        %parallel_loop3A_1401 = tpu.vector_load %arg11[%parallel_loop3A_1400] {strides = array<i32>} : memref<1664xi32, #tpu.memory_space<vmem>>, vector<16xi32>,
        %parallel_loop3A_1402 = arith.constant 16 : i32
        %parallel_loop3A_1403 = arith.muli %parallel_loop3A_1397, %parallel_loop3A_1402 : i32
        %parallel_loop3A_1404 = arith.index_cast %parallel_loop3A_1403 : i32 to index
        %parallel_loop3A_1405 = tpu.vector_load %arg12[%parallel_loop3A_1404] {strides = array<i32>} : memref<1664xi32, #tpu.memory_space<vmem>>, vector<16xi32>,
        %parallel_loop3A_1406 = arith.addi %min3A_1272, %parallel_loop3A_1401 : vector<16xi32>
        %parallel_loop3A_1407 = tpu.vector_load_idx %arg10[%parallel_loop3A_1406] : memref<16384xf32, #tpu.memory_space<vmem>>[vector<16xi32>], vector<16xf32>,
        %parallel_loop3A_1408 = arith.constant 16 : i32
        %parallel_loop3A_1409 = arith.muli %parallel_loop3A_1397, %parallel_loop3A_1408 : i32
        %parallel_loop3A_1410 = arith.constant 4 : i32
        %parallel_loop3A_1411 = arith.index_cast %parallel_loop3A_1410 : i32 to index
        %parallel_loop3A_1412 = arith.index_cast %parallel_loop3A_1409 : i32 to index
        %parallel_loop3A_1413 = tpu.vector_load %arg15[%parallel_loop3A_1411, %parallel_loop3A_1412] {strides = array<i32>} : memref<8x1613xf32, #tpu.memory_space<vmem>>, vector<16xf32>,
        tpu.vector_store %arg15[%parallel_loop3A_1411, %parallel_loop3A_1412], %parallel_loop3A_1407 {strides = array<i32>} : memref<8x1613xf32, #tpu.memory_space<vmem>>, vector<16xf32>,
        %parallel_loop3A_1414 = arith.addi %min3A_1283, %parallel_loop3A_1405 : vector<16xi32>
        %parallel_loop3A_1415 = tpu.vector_load_idx %arg10[%parallel_loop3A_1414] : memref<16384xf32, #tpu.memory_space<vmem>>[vector<16xi32>], vector<16xf32>,
        %parallel_loop3A_1416 = arith.constant 16 : i32
        %parallel_loop3A_1417 = arith.muli %parallel_loop3A_1397, %parallel_loop3A_1416 : i32
        %parallel_loop3A_1418 = arith.constant 4 : i32
        %parallel_loop3A_1419 = arith.index_cast %parallel_loop3A_1418 : i32 to index
        %parallel_loop3A_1420 = arith.index_cast %parallel_loop3A_1417 : i32 to index
        %parallel_loop3A_1421 = tpu.vector_load %arg16[%parallel_loop3A_1419, %parallel_loop3A_1420] {strides = array<i32>} : memref<8x1613xf32, #tpu.memory_space<vmem>>, vector<16xf32>,
        tpu.vector_store %arg16[%parallel_loop3A_1419, %parallel_loop3A_1420], %parallel_loop3A_1415 {strides = array<i32>} : memref<8x1613xf32, #tpu.memory_space<vmem>>, vector<16xf32>,
        %parallel_loop3A_1422 = arith.addi %min3A_1296, %parallel_loop3A_1401 : vector<16xi32>
        %parallel_loop3A_1423 = tpu.vector_load_idx %arg10[%parallel_loop3A_1422] : memref<16384xf32, #tpu.memory_space<vmem>>[vector<16xi32>], vector<16xf32>,
        %parallel_loop3A_1424 = arith.constant 16 : i32
        %parallel_loop3A_1425 = arith.muli %parallel_loop3A_1397, %parallel_loop3A_1424 : i32
        %parallel_loop3A_1426 = arith.constant 5 : i32
        %parallel_loop3A_1427 = arith.index_cast %parallel_loop3A_1426 : i32 to index
        %parallel_loop3A_1428 = arith.index_cast %parallel_loop3A_1425 : i32 to index
        %parallel_loop3A_1429 = tpu.vector_load %arg15[%parallel_loop3A_1427, %parallel_loop3A_1428] {strides = array<i32>} : memref<8x1613xf32, #tpu.memory_space<vmem>>, vector<16xf32>,
        tpu.vector_store %arg15[%parallel_loop3A_1427, %parallel_loop3A_1428], %parallel_loop3A_1423 {strides = array<i32>} : memref<8x1613xf32, #tpu.memory_space<vmem>>, vector<16xf32>,
        %parallel_loop3A_1430 = arith.addi %min3A_1307, %parallel_loop3A_1405 : vector<16xi32>
        %parallel_loop3A_1431 = tpu.vector_load_idx %arg10[%parallel_loop3A_1430] : memref<16384xf32, #tpu.memory_space<vmem>>[vector<16xi32>], vector<16xf32>,
        %parallel_loop3A_1432 = arith.constant 16 : i32
        %parallel_loop3A_1433 = arith.muli %parallel_loop3A_1397, %parallel_loop3A_1432 : i32
        %parallel_loop3A_1434 = arith.constant 5 : i32
        %parallel_loop3A_1435 = arith.index_cast %parallel_loop3A_1434 : i32 to index
        %parallel_loop3A_1436 = arith.index_cast %parallel_loop3A_1433 : i32 to index
        %parallel_loop3A_1437 = tpu.vector_load %arg16[%parallel_loop3A_1435, %parallel_loop3A_1436] {strides = array<i32>} : memref<8x1613xf32, #tpu.memory_space<vmem>>, vector<16xf32>,
        tpu.vector_store %arg16[%parallel_loop3A_1435, %parallel_loop3A_1436], %parallel_loop3A_1431 {strides = array<i32>} : memref<8x1613xf32, #tpu.memory_space<vmem>>, vector<16xf32>,
        %parallel_loop3A_1438 = arith.addi %min3A_1320, %parallel_loop3A_1401 : vector<16xi32>
        %parallel_loop3A_1439 = tpu.vector_load_idx %arg10[%parallel_loop3A_1438] : memref<16384xf32, #tpu.memory_space<vmem>>[vector<16xi32>], vector<16xf32>,
        %parallel_loop3A_1440 = arith.constant 16 : i32
        %parallel_loop3A_1441 = arith.muli %parallel_loop3A_1397, %parallel_loop3A_1440 : i32
        %parallel_loop3A_1442 = arith.constant 6 : i32
        %parallel_loop3A_1443 = arith.index_cast %parallel_loop3A_1442 : i32 to index
        %parallel_loop3A_1444 = arith.index_cast %parallel_loop3A_1441 : i32 to index
        %parallel_loop3A_1445 = tpu.vector_load %arg15[%parallel_loop3A_1443, %parallel_loop3A_1444] {strides = array<i32>} : memref<8x1613xf32, #tpu.memory_space<vmem>>, vector<16xf32>,
        tpu.vector_store %arg15[%parallel_loop3A_1443, %parallel_loop3A_1444], %parallel_loop3A_1439 {strides = array<i32>} : memref<8x1613xf32, #tpu.memory_space<vmem>>, vector<16xf32>,
        %parallel_loop3A_1446 = arith.addi %min3A_1331, %parallel_loop3A_1405 : vector<16xi32>
        %parallel_loop3A_1447 = tpu.vector_load_idx %arg10[%parallel_loop3A_1446] : memref<16384xf32, #tpu.memory_space<vmem>>[vector<16xi32>], vector<16xf32>,
        %parallel_loop3A_1448 = arith.constant 16 : i32
        %parallel_loop3A_1449 = arith.muli %parallel_loop3A_1397, %parallel_loop3A_1448 : i32
        %parallel_loop3A_1450 = arith.constant 6 : i32
        %parallel_loop3A_1451 = arith.index_cast %parallel_loop3A_1450 : i32 to index
        %parallel_loop3A_1452 = arith.index_cast %parallel_loop3A_1449 : i32 to index
        %parallel_loop3A_1453 = tpu.vector_load %arg16[%parallel_loop3A_1451, %parallel_loop3A_1452] {strides = array<i32>} : memref<8x1613xf32, #tpu.memory_space<vmem>>, vector<16xf32>,
        tpu.vector_store %arg16[%parallel_loop3A_1451, %parallel_loop3A_1452], %parallel_loop3A_1447 {strides = array<i32>} : memref<8x1613xf32, #tpu.memory_space<vmem>>, vector<16xf32>,
        %parallel_loop3A_1454 = arith.addi %min3A_1344, %parallel_loop3A_1401 : vector<16xi32>
        %parallel_loop3A_1455 = tpu.vector_load_idx %arg10[%parallel_loop3A_1454] : memref<16384xf32, #tpu.memory_space<vmem>>[vector<16xi32>], vector<16xf32>,
        %parallel_loop3A_1456 = arith.constant 16 : i32
        %parallel_loop3A_1457 = arith.muli %parallel_loop3A_1397, %parallel_loop3A_1456 : i32
        %parallel_loop3A_1458 = arith.constant 7 : i32
        %parallel_loop3A_1459 = arith.index_cast %parallel_loop3A_1458 : i32 to index
        %parallel_loop3A_1460 = arith.index_cast %parallel_loop3A_1457 : i32 to index
        %parallel_loop3A_1461 = tpu.vector_load %arg15[%parallel_loop3A_1459, %parallel_loop3A_1460] {strides = array<i32>} : memref<8x1613xf32, #tpu.memory_space<vmem>>, vector<16xf32>,
        tpu.vector_store %arg15[%parallel_loop3A_1459, %parallel_loop3A_1460], %parallel_loop3A_1455 {strides = array<i32>} : memref<8x1613xf32, #tpu.memory_space<vmem>>, vector<16xf32>,
        %parallel_loop3A_1462 = arith.addi %min3A_1355, %parallel_loop3A_1405 : vector<16xi32>
        %parallel_loop3A_1463 = tpu.vector_load_idx %arg10[%parallel_loop3A_1462] : memref<16384xf32, #tpu.memory_space<vmem>>[vector<16xi32>], vector<16xf32>,
        %parallel_loop3A_1464 = arith.constant 16 : i32
        %parallel_loop3A_1465 = arith.muli %parallel_loop3A_1397, %parallel_loop3A_1464 : i32
        %parallel_loop3A_1466 = arith.constant 7 : i32
        %parallel_loop3A_1467 = arith.index_cast %parallel_loop3A_1466 : i32 to index
        %parallel_loop3A_1468 = arith.index_cast %parallel_loop3A_1465 : i32 to index
        %parallel_loop3A_1469 = tpu.vector_load %arg16[%parallel_loop3A_1467, %parallel_loop3A_1468] {strides = array<i32>} : memref<8x1613xf32, #tpu.memory_space<vmem>>, vector<16xf32>,
        tpu.vector_store %arg16[%parallel_loop3A_1467, %parallel_loop3A_1468], %parallel_loop3A_1463 {strides = array<i32>} : memref<8x1613xf32, #tpu.memory_space<vmem>>, vector<16xf32>,
      } {sc.loop_unroll_factor = 2 : i64, sc.parallel_access}
      %get3A_1359 = arith.constant 1600 : index
      %get3A_1360 = tpu.vector_load %arg11[%get3A_1359] {strides = array<i32>} : memref<1664xi32, #tpu.memory_space<vmem>>, vector<16xi32>,
      %get3A_1361 = arith.constant 1600 : index
      %get3A_1362 = tpu.vector_load %arg12[%get3A_1361] {strides = array<i32>} : memref<1664xi32, #tpu.memory_space<vmem>>, vector<16xi32>,
      %broadcast_in_dim3A_1363 = arith.constant 4 : i32
      %broadcast_in_dim3A_1364 = vector.broadcast %broadcast_in_dim3A_1363 : i32 to vector<16xi32>
      %add3A_1365 = arith.addi %min3A_1272, %get3A_1360 : vector<16xi32>
      %gather3A_1366 = tpu.vector_load_idx %arg10[%add3A_1365] : memref<16384xf32, #tpu.memory_space<vmem>>[vector<16xi32>], vector<16xf32>,
      %add3A_1367 = arith.addi %min3A_1283, %get3A_1362 : vector<16xi32>
      %gather3A_1368 = tpu.vector_load_idx %arg10[%add3A_1367] : memref<16384xf32, #tpu.memory_space<vmem>>[vector<16xi32>], vector<16xf32>,
      tpu.vector_store_idx %arg15[%broadcast_in_dim3A_1364, %add3A_65], %gather3A_1366 masked %lt3A_67 : memref<8x1613xf32, #tpu.memory_space<vmem>>[vector<16xi32>, vector<16xi32>], vector<16xf32>, vector<16xi1>
      tpu.vector_store_idx %arg16[%broadcast_in_dim3A_1364, %add3A_65], %gather3A_1368 masked %lt3A_67 : memref<8x1613xf32, #tpu.memory_space<vmem>>[vector<16xi32>, vector<16xi32>], vector<16xf32>, vector<16xi1>
      %broadcast_in_dim3A_1369 = arith.constant 5 : i32
      %broadcast_in_dim3A_1370 = vector.broadcast %broadcast_in_dim3A_1369 : i32 to vector<16xi32>
      %add3A_1371 = arith.addi %min3A_1296, %get3A_1360 : vector<16xi32>
      %gather3A_1372 = tpu.vector_load_idx %arg10[%add3A_1371] : memref<16384xf32, #tpu.memory_space<vmem>>[vector<16xi32>], vector<16xf32>,
      %add3A_1373 = arith.addi %min3A_1307, %get3A_1362 : vector<16xi32>
      %gather3A_1374 = tpu.vector_load_idx %arg10[%add3A_1373] : memref<16384xf32, #tpu.memory_space<vmem>>[vector<16xi32>], vector<16xf32>,
      tpu.vector_store_idx %arg15[%broadcast_in_dim3A_1370, %add3A_65], %gather3A_1372 masked %lt3A_67 : memref<8x1613xf32, #tpu.memory_space<vmem>>[vector<16xi32>, vector<16xi32>], vector<16xf32>, vector<16xi1>
      tpu.vector_store_idx %arg16[%broadcast_in_dim3A_1370, %add3A_65], %gather3A_1374 masked %lt3A_67 : memref<8x1613xf32, #tpu.memory_space<vmem>>[vector<16xi32>, vector<16xi32>], vector<16xf32>, vector<16xi1>
      %broadcast_in_dim3A_1375 = arith.constant 6 : i32
      %broadcast_in_dim3A_1376 = vector.broadcast %broadcast_in_dim3A_1375 : i32 to vector<16xi32>
      %add3A_1377 = arith.addi %min3A_1320, %get3A_1360 : vector<16xi32>
      %gather3A_1378 = tpu.vector_load_idx %arg10[%add3A_1377] : memref<16384xf32, #tpu.memory_space<vmem>>[vector<16xi32>], vector<16xf32>,
      %add3A_1379 = arith.addi %min3A_1331, %get3A_1362 : vector<16xi32>
      %gather3A_1380 = tpu.vector_load_idx %arg10[%add3A_1379] : memref<16384xf32, #tpu.memory_space<vmem>>[vector<16xi32>], vector<16xf32>,
      tpu.vector_store_idx %arg15[%broadcast_in_dim3A_1376, %add3A_65], %gather3A_1378 masked %lt3A_67 : memref<8x1613xf32, #tpu.memory_space<vmem>>[vector<16xi32>, vector<16xi32>], vector<16xf32>, vector<16xi1>
      tpu.vector_store_idx %arg16[%broadcast_in_dim3A_1376, %add3A_65], %gather3A_1380 masked %lt3A_67 : memref<8x1613xf32, #tpu.memory_space<vmem>>[vector<16xi32>, vector<16xi32>], vector<16xf32>, vector<16xi1>
      %broadcast_in_dim3A_1381 = arith.constant 7 : i32
      %broadcast_in_dim3A_1382 = vector.broadcast %broadcast_in_dim3A_1381 : i32 to vector<16xi32>
      %add3A_1383 = arith.addi %min3A_1344, %get3A_1360 : vector<16xi32>
      %gather3A_1384 = tpu.vector_load_idx %arg10[%add3A_1383] : memref<16384xf32, #tpu.memory_space<vmem>>[vector<16xi32>], vector<16xf32>,
      %add3A_1385 = arith.addi %min3A_1355, %get3A_1362 : vector<16xi32>
      %gather3A_1386 = tpu.vector_load_idx %arg10[%add3A_1385] : memref<16384xf32, #tpu.memory_space<vmem>>[vector<16xi32>], vector<16xf32>,
      tpu.vector_store_idx %arg15[%broadcast_in_dim3A_1382, %add3A_65], %gather3A_1384 masked %lt3A_67 : memref<8x1613xf32, #tpu.memory_space<vmem>>[vector<16xi32>, vector<16xi32>], vector<16xf32>, vector<16xi1>
      tpu.vector_store_idx %arg16[%broadcast_in_dim3A_1382, %add3A_65], %gather3A_1386 masked %lt3A_67 : memref<8x1613xf32, #tpu.memory_space<vmem>>[vector<16xi32>, vector<16xi32>], vector<16xf32>, vector<16xi1>
      %lt3A_1387 = arith.constant 131 : i32
      %lt3A_1388 = arith.cmpi slt, %add3A_1132, %lt3A_1387 : i32
      %convert_element_type3A_1389 = arith.extui %lt3A_1388 : i1 to i32
      %cond3A_1390 = arith.constant 0 : i32
      %cond3A_1391 = arith.cmpi ne, %convert_element_type3A_1389, %cond3A_1390 : i32
      scf.if %cond3A_1391 {
        %mul3A_1397 = arith.constant 8 : i32
        %mul3A_1398 = arith.muli %mul3A_1397, %add3A_1132 : i32
        %run_scoped3A = arith.constant 0 : i32
        %run_scoped3A_1399 = arith.constant 0 : i32
        "tpu.region"() ({
          %run_scoped3A_1404 = tpu.sem_alloc : memref<!tpu.dma_semaphore, #tpu.memory_space<semaphore_mem>>
          %dma_start3A = arith.constant 0 : i32
          %dma_start3A_1405 = tpu.memref_slice %arg7[%run_scoped3A, %run_scoped3A_1399, %mul3A_1398, %dma_start3A] : memref<1x1x1050x1613xf32, #tpu.memory_space<hbm>> -> memref<1x1x8x1613xf32, #tpu.memory_space<hbm>>
          %dma_start3A_1406 = tpu.memref_squeeze %dma_start3A_1405 : memref<1x1x8x1613xf32, #tpu.memory_space<hbm>> -> memref<8x1613xf32, #tpu.memory_space<hbm>>
          %dma_start3A_1407 = arith.constant 0 : i32
          %dma_start3A_1408 = tpu.memref_slice %arg7[%run_scoped3A, %run_scoped3A_1399, %mul3A_1398, %dma_start3A_1407] : memref<1x1x1050x1613xf32, #tpu.memory_space<hbm>> -> memref<1x1x8x1613xf32, #tpu.memory_space<hbm>>
          %dma_start3A_1409 = tpu.memref_squeeze %dma_start3A_1408 : memref<1x1x8x1613xf32, #tpu.memory_space<hbm>> -> memref<8x1613xf32, #tpu.memory_space<hbm>>
          tpu.enqueue_dma source(%arg15 : memref<8x1613xf32, #tpu.memory_space<vmem>>) target(%dma_start3A_1409 : memref<8x1613xf32, #tpu.memory_space<hbm>>) target_semaphore(%run_scoped3A_1404 : memref<!tpu.dma_semaphore, #tpu.memory_space<semaphore_mem>>)
          %dma_wait3A = arith.constant 0 : i32
          %dma_wait3A_1410 = tpu.memref_slice %arg7[%run_scoped3A, %run_scoped3A_1399, %mul3A_1398, %dma_wait3A] : memref<1x1x1050x1613xf32, #tpu.memory_space<hbm>> -> memref<1x1x8x1613xf32, #tpu.memory_space<hbm>>
          %dma_wait3A_1411 = tpu.memref_squeeze %dma_wait3A_1410 : memref<1x1x8x1613xf32, #tpu.memory_space<hbm>> -> memref<8x1613xf32, #tpu.memory_space<hbm>>
          %dma_wait3A_1412 = arith.constant 0 : i32
          %dma_wait3A_1413 = tpu.memref_slice %arg7[%run_scoped3A, %run_scoped3A_1399, %mul3A_1398, %dma_wait3A_1412] : memref<1x1x1050x1613xf32, #tpu.memory_space<hbm>> -> memref<1x1x8x1613xf32, #tpu.memory_space<hbm>>
          %dma_wait3A_1414 = tpu.memref_squeeze %dma_wait3A_1413 : memref<1x1x8x1613xf32, #tpu.memory_space<hbm>> -> memref<8x1613xf32, #tpu.memory_space<hbm>>
          tpu.wait_dma2 semaphore(%run_scoped3A_1404 : memref<!tpu.dma_semaphore, #tpu.memory_space<semaphore_mem>>) src(%arg15 : memref<8x1613xf32, #tpu.memory_space<vmem>>) dst(%dma_wait3A_1414 : memref<8x1613xf32, #tpu.memory_space<hbm>>)
          tpu.yield
        }) : () -> ()
        %mul3A_1400 = arith.constant 8 : i32
        %mul3A_1401 = arith.muli %mul3A_1400, %add3A_1132 : i32
        %run_scoped3A_1402 = arith.constant 0 : i32
        %run_scoped3A_1403 = arith.constant 0 : i32
        "tpu.region"() ({
          %run_scoped3A_1404 = tpu.sem_alloc : memref<!tpu.dma_semaphore, #tpu.memory_space<semaphore_mem>>
          %dma_start3A = arith.constant 0 : i32
          %dma_start3A_1405 = tpu.memref_slice %arg8[%run_scoped3A_1402, %run_scoped3A_1403, %mul3A_1401, %dma_start3A] : memref<1x1x1050x1613xf32, #tpu.memory_space<hbm>> -> memref<1x1x8x1613xf32, #tpu.memory_space<hbm>>
          %dma_start3A_1406 = tpu.memref_squeeze %dma_start3A_1405 : memref<1x1x8x1613xf32, #tpu.memory_space<hbm>> -> memref<8x1613xf32, #tpu.memory_space<hbm>>
          %dma_start3A_1407 = arith.constant 0 : i32
          %dma_start3A_1408 = tpu.memref_slice %arg8[%run_scoped3A_1402, %run_scoped3A_1403, %mul3A_1401, %dma_start3A_1407] : memref<1x1x1050x1613xf32, #tpu.memory_space<hbm>> -> memref<1x1x8x1613xf32, #tpu.memory_space<hbm>>
          %dma_start3A_1409 = tpu.memref_squeeze %dma_start3A_1408 : memref<1x1x8x1613xf32, #tpu.memory_space<hbm>> -> memref<8x1613xf32, #tpu.memory_space<hbm>>
          tpu.enqueue_dma source(%arg16 : memref<8x1613xf32, #tpu.memory_space<vmem>>) target(%dma_start3A_1409 : memref<8x1613xf32, #tpu.memory_space<hbm>>) target_semaphore(%run_scoped3A_1404 : memref<!tpu.dma_semaphore, #tpu.memory_space<semaphore_mem>>)
          %dma_wait3A = arith.constant 0 : i32
          %dma_wait3A_1410 = tpu.memref_slice %arg8[%run_scoped3A_1402, %run_scoped3A_1403, %mul3A_1401, %dma_wait3A] : memref<1x1x1050x1613xf32, #tpu.memory_space<hbm>> -> memref<1x1x8x1613xf32, #tpu.memory_space<hbm>>
          %dma_wait3A_1411 = tpu.memref_squeeze %dma_wait3A_1410 : memref<1x1x8x1613xf32, #tpu.memory_space<hbm>> -> memref<8x1613xf32, #tpu.memory_space<hbm>>
          %dma_wait3A_1412 = arith.constant 0 : i32
          %dma_wait3A_1413 = tpu.memref_slice %arg8[%run_scoped3A_1402, %run_scoped3A_1403, %mul3A_1401, %dma_wait3A_1412] : memref<1x1x1050x1613xf32, #tpu.memory_space<hbm>> -> memref<1x1x8x1613xf32, #tpu.memory_space<hbm>>
          %dma_wait3A_1414 = tpu.memref_squeeze %dma_wait3A_1413 : memref<1x1x8x1613xf32, #tpu.memory_space<hbm>> -> memref<8x1613xf32, #tpu.memory_space<hbm>>
          tpu.wait_dma2 semaphore(%run_scoped3A_1404 : memref<!tpu.dma_semaphore, #tpu.memory_space<semaphore_mem>>) src(%arg16 : memref<8x1613xf32, #tpu.memory_space<vmem>>) dst(%dma_wait3A_1414 : memref<8x1613xf32, #tpu.memory_space<hbm>>)
          tpu.yield
        }) : () -> ()
      } else {
      }
      %eq3A_1392 = arith.constant 131 : i32
      %eq3A_1393 = arith.cmpi eq, %add3A_1132, %eq3A_1392 : i32
      %convert_element_type3A_1394 = arith.extui %eq3A_1393 : i1 to i32
      %cond3A_1395 = arith.constant 0 : i32
      %cond3A_1396 = arith.cmpi ne, %convert_element_type3A_1394, %cond3A_1395 : i32
      scf.if %cond3A_1396 {
        %run_scoped3A = arith.constant 0 : i32
        %run_scoped3A_1397 = arith.constant 0 : i32
        "tpu.region"() ({
          %run_scoped3A_1400 = tpu.sem_alloc : memref<!tpu.dma_semaphore, #tpu.memory_space<semaphore_mem>>
          %dma_start3A = arith.constant 0 : i32
          %dma_start3A_1401 = arith.constant 0 : i32
          %dma_start3A_1402 = tpu.memref_slice %arg15[%dma_start3A, %dma_start3A_1401] : memref<8x1613xf32, #tpu.memory_space<vmem>> -> memref<2x1613xf32, #tpu.memory_space<vmem>>
          %dma_start3A_1403 = arith.constant 1048 : i32
          %dma_start3A_1404 = arith.constant 0 : i32
          %dma_start3A_1405 = tpu.memref_slice %arg7[%run_scoped3A, %run_scoped3A_1397, %dma_start3A_1403, %dma_start3A_1404] : memref<1x1x1050x1613xf32, #tpu.memory_space<hbm>> -> memref<1x1x2x1613xf32, #tpu.memory_space<hbm>>
          %dma_start3A_1406 = tpu.memref_squeeze %dma_start3A_1405 : memref<1x1x2x1613xf32, #tpu.memory_space<hbm>> -> memref<2x1613xf32, #tpu.memory_space<hbm>>
          %dma_start3A_1407 = arith.constant 1048 : i32
          %dma_start3A_1408 = arith.constant 0 : i32
          %dma_start3A_1409 = tpu.memref_slice %arg7[%run_scoped3A, %run_scoped3A_1397, %dma_start3A_1407, %dma_start3A_1408] : memref<1x1x1050x1613xf32, #tpu.memory_space<hbm>> -> memref<1x1x2x1613xf32, #tpu.memory_space<hbm>>
          %dma_start3A_1410 = tpu.memref_squeeze %dma_start3A_1409 : memref<1x1x2x1613xf32, #tpu.memory_space<hbm>> -> memref<2x1613xf32, #tpu.memory_space<hbm>>
          %dma_start3A_1411 = arith.constant 0 : i32
          %dma_start3A_1412 = arith.constant 0 : i32
          %dma_start3A_1413 = tpu.memref_slice %arg15[%dma_start3A_1411, %dma_start3A_1412] : memref<8x1613xf32, #tpu.memory_space<vmem>> -> memref<2x1613xf32, #tpu.memory_space<vmem>>
          tpu.enqueue_dma source(%dma_start3A_1413 : memref<2x1613xf32, #tpu.memory_space<vmem>>) target(%dma_start3A_1410 : memref<2x1613xf32, #tpu.memory_space<hbm>>) target_semaphore(%run_scoped3A_1400 : memref<!tpu.dma_semaphore, #tpu.memory_space<semaphore_mem>>)
          %dma_wait3A = arith.constant 0 : i32
          %dma_wait3A_1414 = arith.constant 0 : i32
          %dma_wait3A_1415 = tpu.memref_slice %arg15[%dma_wait3A, %dma_wait3A_1414] : memref<8x1613xf32, #tpu.memory_space<vmem>> -> memref<2x1613xf32, #tpu.memory_space<vmem>>
          %dma_wait3A_1416 = arith.constant 1048 : i32
          %dma_wait3A_1417 = arith.constant 0 : i32
          %dma_wait3A_1418 = tpu.memref_slice %arg7[%run_scoped3A, %run_scoped3A_1397, %dma_wait3A_1416, %dma_wait3A_1417] : memref<1x1x1050x1613xf32, #tpu.memory_space<hbm>> -> memref<1x1x2x1613xf32, #tpu.memory_space<hbm>>
          %dma_wait3A_1419 = tpu.memref_squeeze %dma_wait3A_1418 : memref<1x1x2x1613xf32, #tpu.memory_space<hbm>> -> memref<2x1613xf32, #tpu.memory_space<hbm>>
          %dma_wait3A_1420 = arith.constant 1048 : i32
          %dma_wait3A_1421 = arith.constant 0 : i32
          %dma_wait3A_1422 = tpu.memref_slice %arg7[%run_scoped3A, %run_scoped3A_1397, %dma_wait3A_1420, %dma_wait3A_1421] : memref<1x1x1050x1613xf32, #tpu.memory_space<hbm>> -> memref<1x1x2x1613xf32, #tpu.memory_space<hbm>>
          %dma_wait3A_1423 = tpu.memref_squeeze %dma_wait3A_1422 : memref<1x1x2x1613xf32, #tpu.memory_space<hbm>> -> memref<2x1613xf32, #tpu.memory_space<hbm>>
          %dma_wait3A_1424 = arith.constant 0 : i32
          %dma_wait3A_1425 = arith.constant 0 : i32
          %dma_wait3A_1426 = tpu.memref_slice %arg15[%dma_wait3A_1424, %dma_wait3A_1425] : memref<8x1613xf32, #tpu.memory_space<vmem>> -> memref<2x1613xf32, #tpu.memory_space<vmem>>
          tpu.wait_dma2 semaphore(%run_scoped3A_1400 : memref<!tpu.dma_semaphore, #tpu.memory_space<semaphore_mem>>) src(%dma_wait3A_1426 : memref<2x1613xf32, #tpu.memory_space<vmem>>) dst(%dma_wait3A_1423 : memref<2x1613xf32, #tpu.memory_space<hbm>>)
          tpu.yield
        }) : () -> ()
        %run_scoped3A_1398 = arith.constant 0 : i32
        %run_scoped3A_1399 = arith.constant 0 : i32
        "tpu.region"() ({
          %run_scoped3A_1400 = tpu.sem_alloc : memref<!tpu.dma_semaphore, #tpu.memory_space<semaphore_mem>>
          %dma_start3A = arith.constant 0 : i32
          %dma_start3A_1401 = arith.constant 0 : i32
          %dma_start3A_1402 = tpu.memref_slice %arg16[%dma_start3A, %dma_start3A_1401] : memref<8x1613xf32, #tpu.memory_space<vmem>> -> memref<2x1613xf32, #tpu.memory_space<vmem>>
          %dma_start3A_1403 = arith.constant 1048 : i32
          %dma_start3A_1404 = arith.constant 0 : i32
          %dma_start3A_1405 = tpu.memref_slice %arg8[%run_scoped3A_1398, %run_scoped3A_1399, %dma_start3A_1403, %dma_start3A_1404] : memref<1x1x1050x1613xf32, #tpu.memory_space<hbm>> -> memref<1x1x2x1613xf32, #tpu.memory_space<hbm>>
          %dma_start3A_1406 = tpu.memref_squeeze %dma_start3A_1405 : memref<1x1x2x1613xf32, #tpu.memory_space<hbm>> -> memref<2x1613xf32, #tpu.memory_space<hbm>>
          %dma_start3A_1407 = arith.constant 1048 : i32
          %dma_start3A_1408 = arith.constant 0 : i32
          %dma_start3A_1409 = tpu.memref_slice %arg8[%run_scoped3A_1398, %run_scoped3A_1399, %dma_start3A_1407, %dma_start3A_1408] : memref<1x1x1050x1613xf32, #tpu.memory_space<hbm>> -> memref<1x1x2x1613xf32, #tpu.memory_space<hbm>>
          %dma_start3A_1410 = tpu.memref_squeeze %dma_start3A_1409 : memref<1x1x2x1613xf32, #tpu.memory_space<hbm>> -> memref<2x1613xf32, #tpu.memory_space<hbm>>
          %dma_start3A_1411 = arith.constant 0 : i32
          %dma_start3A_1412 = arith.constant 0 : i32
          %dma_start3A_1413 = tpu.memref_slice %arg16[%dma_start3A_1411, %dma_start3A_1412] : memref<8x1613xf32, #tpu.memory_space<vmem>> -> memref<2x1613xf32, #tpu.memory_space<vmem>>
          tpu.enqueue_dma source(%dma_start3A_1413 : memref<2x1613xf32, #tpu.memory_space<vmem>>) target(%dma_start3A_1410 : memref<2x1613xf32, #tpu.memory_space<hbm>>) target_semaphore(%run_scoped3A_1400 : memref<!tpu.dma_semaphore, #tpu.memory_space<semaphore_mem>>)
          %dma_wait3A = arith.constant 0 : i32
          %dma_wait3A_1414 = arith.constant 0 : i32
          %dma_wait3A_1415 = tpu.memref_slice %arg16[%dma_wait3A, %dma_wait3A_1414] : memref<8x1613xf32, #tpu.memory_space<vmem>> -> memref<2x1613xf32, #tpu.memory_space<vmem>>
          %dma_wait3A_1416 = arith.constant 1048 : i32
          %dma_wait3A_1417 = arith.constant 0 : i32
          %dma_wait3A_1418 = tpu.memref_slice %arg8[%run_scoped3A_1398, %run_scoped3A_1399, %dma_wait3A_1416, %dma_wait3A_1417] : memref<1x1x1050x1613xf32, #tpu.memory_space<hbm>> -> memref<1x1x2x1613xf32, #tpu.memory_space<hbm>>
          %dma_wait3A_1419 = tpu.memref_squeeze %dma_wait3A_1418 : memref<1x1x2x1613xf32, #tpu.memory_space<hbm>> -> memref<2x1613xf32, #tpu.memory_space<hbm>>
          %dma_wait3A_1420 = arith.constant 1048 : i32
          %dma_wait3A_1421 = arith.constant 0 : i32
          %dma_wait3A_1422 = tpu.memref_slice %arg8[%run_scoped3A_1398, %run_scoped3A_1399, %dma_wait3A_1420, %dma_wait3A_1421] : memref<1x1x1050x1613xf32, #tpu.memory_space<hbm>> -> memref<1x1x2x1613xf32, #tpu.memory_space<hbm>>
          %dma_wait3A_1423 = tpu.memref_squeeze %dma_wait3A_1422 : memref<1x1x2x1613xf32, #tpu.memory_space<hbm>> -> memref<2x1613xf32, #tpu.memory_space<hbm>>
          %dma_wait3A_1424 = arith.constant 0 : i32
          %dma_wait3A_1425 = arith.constant 0 : i32
          %dma_wait3A_1426 = tpu.memref_slice %arg16[%dma_wait3A_1424, %dma_wait3A_1425] : memref<8x1613xf32, #tpu.memory_space<vmem>> -> memref<2x1613xf32, #tpu.memory_space<vmem>>
          tpu.wait_dma2 semaphore(%run_scoped3A_1400 : memref<!tpu.dma_semaphore, #tpu.memory_space<semaphore_mem>>) src(%dma_wait3A_1426 : memref<2x1613xf32, #tpu.memory_space<vmem>>) dst(%dma_wait3A_1423 : memref<2x1613xf32, #tpu.memory_space<hbm>>)
          tpu.yield
        }) : () -> ()
      } else {
      }
    } else {
    }
    return
  }
}

</mosaic_0001>

<sc_bundles>
// kernel: kernel.3.cloned.1.call-start
scs
__scs_entry_jumppad:
0x0: {  	(pc) =	sbr.rel $0x88, $3  }
0x1: {  	(tag) =	ssettag $0x0;
	lr =	simm.s32 $0x1  }
0x2: {  	[smem:$0x3FA0] =	sst lr;
	_ =	strace $0xD0000000  }
0x3: {  	_ = 	snop  }
0x4: {  	_ = 	snop  }
0x5: {  	_ = 	snop  }
0x6: {  	_ = 	snop  }
0x7: {  	_ = 	snop  }
__scs_overlays_trampoline_lowered:
0x8: {  	[smem:$0x3FAF] =	sst s0  }
0x9: {  	[smem:$0x3FB0] =	sst s1  }
0xa: {  	[smem:$0x3FB1] =	sst s2  }
0xb: {  	[smem:$0x3FB2] =	sst s3  }
0xc: {  	[smem:$0x3FB3] =	sst s4  }
0xd: {  	[smem:$0x3FB4] =	sst s5  }
0xe: {  	[smem:$0x3FB5] =	sst s6  }
0xf: {  	[smem:$0x3FB6] =	sst s7  }
0x10: {  	[smem:$0x3FB7] =	sst s8  }
0x11: {  	[smem:$0x3FB8] =	sst s9;
	s0 =	simm.s32 @!p0 $0x0  }
0x12: {  	s1 =	sld [smem:$0x3F9E];
	s0 =	simm.s32 @p0 $0x1  }
0x13: {  	[smem:$0x3FB9] =	sst s0;
	s0 =	simm.s32 @!p1 $0x0  }
0x14: {  	s2 =	sld [smem:$0x3F9D];
	s0 =	simm.s32 @p1 $0x1  }
0x15: {  	[smem:$0x3FBA] =	sst s0;
	s0 =	simm.s32 @!p2 $0x0  }
0x16: {  	s3 =	sld [smem:$0x3FDB];
	s0 =	simm.s32 @p2 $0x1  }
0x17: {  	s4 =	simm.s32 $0x1BF5;
	[smem:$0x3FBC] =	sst s0  }
0x18: {  	s0 =	sld [smem:$0x3F9F];
	_ =	swait.ge [sflag:s4], $0x0  }
0x19: {  	s7 =	sld [smem:$0x3FA0]  }
0x1a: {  	s8 =	sadd.s32 $0xFFFFE003, lr  }
0x1b: {  	s9 =	sadd.s32 $0xFFFFFEF7, lr;
	s5 =	simm.s32 $0xFFFFFFFF;
	p2 =	slt.u32 s8, $0xFFFFF086  }
0x1c: {  	p1 =	slt.u32 s9, $0xF7A;
	s5 =	simm.s32 @!p2 $0x0  }
0x1d: {  	s5 =	simm.s32 @p1 $0x1;
	p0 =	seq.s32 s7, s2  }
0x1e: {  	s7 =	smul.u32 @!p0 $0xF7A, s2;
	p2 =	seq.s32 @!p0 s5, $0x0  }
0x1f: {  	s9 =	smul.u32 $0xF7A, s1;
	s8 =	simm.s32 @!p0 $0x1BF5;
	p2 =	por !p2, p0  }
0x20: {  	[sflag:s8] =	ssyncset.s32 @!p0 $0xFFFFF086;
	s6 =	sadd.s32 @!p0 s3, s7;
	s7 =	simm.s32 @!p0 $0x108  }
0x21: {  	s3 =	sadd.s32 s3, s9;
	s6 =	sadd.s32 @!p0 $0x88, s6;
	s7 =	simm.s32 @p2 $0x1082  }
0x22: {  	[simem:s7], [sflag:s8] =	dma.local @!p0 [hbm:s6], $0xF7A  }
0x23: {  	s9 =	sor.u32 $0xD0000000, s2;
	s6 =	simm.s32 $0x108;
	_ =	swait.ge @!p0 [sflag:s8], $0x0  }
0x24: {  	s3 =	sadd.s32 $0x88, s3;
	s6 =	simm.s32 @!p1 $0x1082;
	[sflag:s4] =	ssyncset.s32 $0xFFFFF086  }
0x25: {  	[simem:s6], [sflag:s4] =	dma.local [hbm:s3], $0xF7A  }
0x26: {  	[smem:$0x3FA0] =	sst s1;
	(tag) =	ssettag s2;
	_ =	strace s9  }
0x27: {  	s1 =	sld [smem:$0x3FB0]  }
0x28: {  	s2 =	sld [smem:$0x3FB1]  }
0x29: {  	s4 =	sld [smem:$0x3FB3]  }
0x2a: {  	p0 =	seq.s32 s5, $0x0;
	s5 =	sld [smem:$0x3FB4]  }
0x2b: {  	s6 =	sld [smem:$0x3FB5]  }
0x2c: {  	s7 =	sld [smem:$0x3FB6]  }
0x2d: {  	s3 =	simm.s32 $0x108;
	s8 =	sld [smem:$0x3FB7]  }
0x2e: {  	s3 =	simm.s32 @!p0 $0x1082;
	s9 =	sld [smem:$0x3FB8]  }
0x2f: {  	lr =	sadd.s32 s0, s3;
	s0 =	sld [smem:$0x3FAF]  }
0x30: {  	s3 =	sld [smem:$0x3FB2]  }
0x31: {  	[smem:$0x3FBB] =	sst s10  }
0x32: {  	s10 =	sld [smem:$0x3FB9];
	_ =	sdelay $0x3  }
0x33: {  	p0 =	seq.s32 s10, $0x1;
	s10 =	sld [smem:$0x3FBB];
	_ =	sdelay $0x3  }
0x34: {  	[smem:$0x3FBB] =	sst s10  }
0x35: {  	s10 =	sld [smem:$0x3FBA];
	_ =	sdelay $0x3  }
0x36: {  	p1 =	seq.s32 s10, $0x1;
	s10 =	sld [smem:$0x3FBB];
	_ =	sdelay $0x3  }
0x37: {  	[smem:$0x3FBB] =	sst s10  }
0x38: {  	s10 =	sld [smem:$0x3FBC]  }
0x39: {  	_ = 	snop;
	(pc) =	sbr.ind lr, $3  }
0x3a: {  	_ = 	snop  }
0x3b: {  	_ = 	snop  }
0x3c: {  	p2 =	seq.s32 s10, $0x1;
	s10 =	sld [smem:$0x3FBB]  }
0x3d: {  	_ =	shalt  }
0x3e: {  	_ =	shalt  }
0x3f: {  	_ =	shalt  }
0x40: {  	_ =	shalt  }
0x41: {  	_ =	shalt  }
0x42: {  	_ =	shalt  }
0x43: {  	_ =	shalt  }
0x44: {  	_ =	shalt  }
0x45: {  	_ =	shalt  }
0x46: {  	_ =	shalt  }
0x47: {  	_ =	shalt  }
0x48: {  	_ =	shalt  }
0x49: {  	_ =	shalt  }
0x4a: {  	_ =	shalt  }
0x4b: {  	_ =	shalt  }
0x4c: {  	_ =	shalt  }
0x4d: {  	_ =	shalt  }
0x4e: {  	_ =	shalt  }
0x4f: {  	_ =	shalt  }
0x50: {  	_ =	shalt  }
0x51: {  	_ =	shalt  }
0x52: {  	_ =	shalt  }
0x53: {  	_ =	shalt  }
0x54: {  	_ =	shalt  }
0x55: {  	_ =	shalt  }
0x56: {  	_ =	shalt  }
0x57: {  	_ =	shalt  }
0x58: {  	_ =	shalt  }
0x59: {  	_ =	shalt  }
0x5a: {  	_ =	shalt  }
0x5b: {  	_ =	shalt  }
0x5c: {  	_ =	shalt  }
0x5d: {  	_ =	shalt  }
0x5e: {  	_ =	shalt  }
0x5f: {  	_ =	shalt  }
0x60: {  	_ =	shalt  }
0x61: {  	_ =	shalt  }
0x62: {  	_ =	shalt  }
0x63: {  	_ =	shalt  }
0x64: {  	_ =	shalt  }
0x65: {  	_ =	shalt  }
0x66: {  	_ =	shalt  }
0x67: {  	_ =	shalt  }
0x68: {  	_ =	shalt  }
0x69: {  	_ =	shalt  }
0x6a: {  	_ =	shalt  }
0x6b: {  	_ =	shalt  }
0x6c: {  	_ =	shalt  }
0x6d: {  	_ =	shalt  }
0x6e: {  	_ =	shalt  }
0x6f: {  	_ =	shalt  }
0x70: {  	_ =	shalt  }
0x71: {  	_ =	shalt  }
0x72: {  	_ =	shalt  }
0x73: {  	_ =	shalt  }
0x74: {  	_ =	shalt  }
0x75: {  	_ =	shalt  }
0x76: {  	_ =	shalt  }
0x77: {  	_ =	shalt  }
0x78: {  	_ =	shalt  }
0x79: {  	_ =	shalt  }
0x7a: {  	_ =	shalt  }
0x7b: {  	_ =	shalt  }
0x7c: {  	_ =	shalt  }
0x7d: {  	_ =	shalt  }
0x7e: {  	_ =	shalt  }
0x7f: {  	_ =	shalt  }
0x80: {  	_ =	shalt  }
0x81: {  	_ =	shalt  }
0x82: {  	_ =	shalt  }
0x83: {  	_ =	shalt  }
0x84: {  	_ =	shalt  }
0x85: {  	_ =	shalt  }
0x86: {  	_ =	shalt  }
0x87: {  	_ =	shalt  }
.Lfunc_end0:
.L_simem_size_0:
called_computation_lowered:
.L_overlay_start_0:
0x88: {  	s2 =	sld [smem:$0x3FD9]  }
0x89: {  	s3 =	sld [smem:$0x3FFE];
	_ =	sdelay $0x1  }
0x8a: {  	s1 =	srdreg.scid  }
0x8b: {  	s0 =	sand.u32 $0x1, s1  }
0x8c: {  	s14 =	sshll.u32 s0, $0xA;
	s2 =	sadd.s32 s3, s2  }
0x8d: {  	s2 =	sadd.s32 s2, s14  }
0x8e: {  	[smem:$0x3FC7] =	sst s2  }
0x8f: {  	_ = 	snop  }
0x90: {  	s2 =	sld [smem:$0x3FD0];
	_ =	sdelay $0x2  }
0x91: {  	s15 =	simm.s32 $0xA;
	s4 =	simm.s32 $0x10  }
0x92: {  	[smem:s4], [sflag:s15] =	dma.local [hbm:s2], $0x1  }
0x93: {  	_ =	swait.eq [sflag:s15], $0x1  }
0x94: {  	[sflag:s15] =	ssyncset.done $0x0  }
0x95: {  	s16 =	sld [smem:$0x10];
	[sflag:s15] =	ssyncadd.s32 $0xFFFFFFFF  }
0x96: {  	s17 =	sld [smem:$0x11];
	(tm) =	ssettm $0x1  }
0x97: {  	s18 =	sld [smem:$0x3FFB];
	_ =	sdelay $0x3  }
0x98: {  	_ =	strace s18  }
0x99: {  	s4 =	sld [smem:$0x3FFC];
	_ =	sdelay $0x3  }
0x9a: {  	_ =	strace s4  }
0x9b: {  	s4 =	sld [smem:$0x3FFD];
	_ =	sdelay $0x3  }
0x9c: {  	_ =	strace s4  }
0x9d: {  	_ =	strace $0x8FFFFFFF  }
0x9e: {  	s19 =	sld [smem:$0x3FDB];
	_ =	sdelay $0x1  }
0x9f: {  	s5 =	simm.s32 $_scs_section_size  }
0xa0: {  	s6 =	simm.s32 $_size__tile_overlayer_lowered;
	s7 =	simm.s32 $_tile_overlayer_lowered  }
0xa1: {  	s22 =	simm.s32 $0x1BFF;
	s21 =	sshll.u32 s7, $0x1;
	s4 =	sadd.s32 s5, s19  }
0xa2: {  	s8 =	simm.s32 $0x0;
	s20 =	sshll.u32 s6, $0x1;
	s6 =	sadd.s32 s21, s4  }
0xa3: {  	[timem:s8], [sflag:s22] =	dma.local [hbm:s6], s20  }
0xa4: {  	_ =	swait.ge [sflag:s22], s20  }
0xa5: {  	s5 =	ssub.s32 $0x0, s20;
	[sflag:s22] =	ssyncset.done $0x0  }
0xa6: {  	[sflag:s22] =	ssyncadd.s32 s5;
	_ =	sdelay $0x1  }
0xa7: {  	s23 =	simm.s32 $0x1B8B  }
0xa8: {  	_ =	swait.ge [sflag:s23], $0x1  }
0xa9: {  	[sflag:s23] =	ssyncset.done $0x0  }
0xaa: {  	s25 =	simm.s32 $0x1B8E;
	s24 =	sld [smem:$0x3FFE];
	[sflag:s23] =	ssyncadd.s32 $0xFFFFFFFF  }
0xab: {  	s26 =	simm.s32 $execute0_lowered;
	[smem:$0x3FD2] =	sst s25  }
0xac: {  	s6 =	sshll.u32 s26, $0x1;
	_ =	strace $0x80000046;
	[dreg:$0x1] =	wrdreg $0xFFFFFFFF  }
0xad: {  	s28 =	simm.s32 $_size_execute0_lowered;
	s4 =	sadd.s32 s4, s6;
	[dreg:$0x0] =	wrdreg $0x0  }
0xae: {  	s6 =	sshll.u32 s28, $0x1;
	[dreg:$0x2] =	wrdreg s4  }
0xaf: {  	[dreg:$0x3] =	wrdreg s6  }
0xb0: {  	[dreg:$0x4] =	wrdreg $0xC0  }
0xb1: {  	_ =	task [dreg:s8], $0x5FFFF  }
0xb2: {  	[dreg:$0x1] =	wrdreg $0xFFFFFFFF  }
0xb3: {  	[dreg:$0x0] =	wrdreg $0x60  }
0xb4: {  	[dreg:$0x2] =	wrdreg s17  }
0xb5: {  	[dreg:$0x3] =	wrdreg s16  }
0xb6: {  	[dreg:$0x4] =	wrdreg s24  }
0xb7: {  	[dreg:$0x5] =	wrdreg $0x9  }
0xb8: {  	_ =	task.clear_ibuf [dreg:s8], $0x6FFFF;
	_ =	strace $0x90000046  }
0xb9: {  	s29 =	simm.s32 $0x9;
	_ =	strace $0x80000048  }
0xba: {  	_ =	swait.ge [sflag:s29], $0x1  }
0xbb: {  	[sflag:s29] =	ssyncadd.s32 $0xFFFFFFFF  }
0xbc: {  	_ =	strace $0x90000048  }
0xbd: {  	_ =	sfence  }
0xbe: {  	s30 =	sld [smem:$0x0];
	_ =	sdelay $0x2  }
0xbf: {  	s31 =	sshll.u32 s1, $0xD;
	s1 =	sshrl.u32 s1, $0x2  }
0xc0: {  	s3 =	sand.u32 $0x4000, s31;
	s1 =	sadd.s32 s1, s30  }
0xc1: {  	s0 =	sor.u32 s3, s0;
	s1 =	sshll.u32 s1, $0x11  }
0xc2: {  	s0 =	sor.u32 s1, s0  }
0xc3: {  	s0 =	sadd.s32 $0x8F2B, s0  }
0xc4: {  	[sflag:s0] =	ssyncadd.remote.s32 $0x1  }
0xc5: {  	_ =	sfence.sel $0xFFFF  }
0xc6: {  	[dreg:$0x0] =	wrdreg $0xFFFFFFFF;
	(pc) =	sbr.abs _section_cstart, $3  }
0xc7: {  	[dreg:$0x1] =	wrdreg $0xFFFFFFFF  }
0xc8: {  	_ =	task.clear_ibuf [dreg:s8], $0x2FFFF;
	_ =	strace $0x9FFFFFFF  }
0xc9: {  	(tm) =	ssettm $0x7FFFFFFF  }
tec
execute0_lowered:
.L_overlay_start_1:
0x0: {  	(tag) =	ssettag $0x1  }
0x1: {  	s0 =	srdreg.scid;
	s10 =	stileid.u32  }
0x2: {  	s1 =	sand.u32 $0x1, s0;
	s7 =	sshll.u32 s10, $0x1  }
0x3: {  	s4 =	rddreg [dreg:$0x0];
	s0 =	sor.u32 s1, s7  }
0x4: {  	s6 =	rddreg [dreg:$0x2];
	s2 =	sshll.u32 s0, $0x2;
	s0 =	smin.u32 s0, $0x4  }
0x5: {  	s24 =	simm.s32 $0x8D00;
	s28 =	simm.s32 $0x8E00;
	s0 =	sadd.s32 s0, s2  }
0x6: {  	s29 =	simm.s32 $0xC200;
	s30 =	simm.s32 $0x0;
	s2 =	smul.u32 $0x59C220, s0  }
0x7: {  	s11 =	sadd.s32 $0xE00, s6;
	s1 =	ssub.s32 $0x2, s1;
	s3 =	smul.u32 $0xA0, s0  }
0x8: {  	s17 =	sadd.s32 $0x36E00, s6;
	s12 =	sshrl.u32 s1, $0x1;
	s2 =	sshrl.u32 s2, $0x10  }
0x9: {  	p3 =	sgt.u32 s10, $0x1;
	s1 =	ssub.s32 s1, s12;
	s3 =	ssub.s32 s3, s2  }
0xa: {  	p0 =	seq.s32 s0, $0x0;
	s7 =	sadd.s32 s0, s6;
	s3 =	sand.u32 $0xFFFE, s3  }
0xb: {  	s13 =	smul.u32 $0x680, s0;
	s23 =	sadd.s32 $0x3, s0;
	s3 =	sshrl.u32 s3, $0x1  }
0xc: {  	s14 =	sadd.s32 $0x1000, s7;
	s2 =	sadd.s32 s2, s3;
	s3 =	simm.s32 $0x0  }
0xd: {  	s7 =	sadd.s32 $0x1200, s7;
	p2 =	sne.s32 s23, $0x83;
	[smem:$0x7FF] =	sst s3  }
0xe: {  	s16 =	sadd.s32 s17, s13;
	_ =	strace $0x80000047;
	[dreg:$0x4] =	wrdreg s11  }
0xf: {  	s18 =	sadd.s32 $0x680, s13;
	s2 =	sand.u32 $0xFFE0, s2;
	[dreg:$0x6] =	wrdreg s14  }
0x10: {  	s21 =	sadd.s32 $0xD00, s13;
	s2 =	sshrl.u32 s2, $0x5;
	[dreg:$0x7] =	wrdreg s7  }
0x11: {  	s20 =	sadd.s32 s17, s18;
	[dreg:$0x9] =	wrdreg s16;
	s2 =	sadd.s32 $0xFFFFFFFF, s2  }
0x12: {  	s25 =	sadd.s32 $0x1380, s13;
	[dreg:$0xb] =	wrdreg s20;
	s8 =	sand.u32 $0x7, s2  }
0x13: {  	s16 =	sadd.s32 $0x6C180, s6;
	s5 =	sand.u32 $0xE000, s2;
	p1 =	sne.s32 s8, $0x0  }
0x14: {  	s9 =	sshrl.u32 s5, $0xD;
	s5 =	simm.s32 $0x1;
	p0 =	por !p0, !p1  }
0x15: {  	s8 =	sadd.s32 $0x1400, s6;
	s2 =	sadd.s32 s9, s2;
	p0 =	por !p0, !p0  }
0x16: {  	s15 =	sadd.s32 s8, s13;
	s2 =	sshrl.u32 s2, $0x3;
	s5 =	simm.s32 @!p0 $0x0  }
0x17: {  	v1 =	vlaneseq.u32;
	s19 =	sadd.s32 s8, s18;
	s22 =	sadd.s32 s8, s21;
	s2 =	ssub.s32 s2, s5  }
0x18: {  	v20 =	vimm.s32 $0x13;
	v21 =	vimm.s32 $0x14;
	v22 =	vimm.s32 $0x15;
	s26 =	sadd.s32 s8, s25;
	[dreg:$0x8] =	wrdreg s15;
	s2 =	sshll.u32 s2, $0x3  }
0x19: {  	v23 =	vimm.s32 $0x16;
	v24 =	vimm.s32 $0x17;
	v25 =	vimm.s32 $0x18;
	p1 =	sgt.u32 s0, $0x7E;
	[dreg:$0xa] =	wrdreg s19;
	p0 =	sgt.s32 s2, $0x0  }
0x1a: {  	v26 =	vimm.s32 $0x19;
	v27 =	vimm.s32 $0x1A;
	v28 =	vimm.s32 $0x1B;
	[dreg:$0xc] =	wrdreg s22;
	s15 =	sadd.s32 $0x36780, s6;
	s2 =	simm.s32 @!p0 $0x0  }
0x1b: {  	v29 =	vimm.s32 $0x1C;
	v30 =	vimm.s32 $0x1D;
	v31 =	vimm.s32 $0x1E;
	[dreg:$0xe] =	wrdreg s26;
	s6 =	sadd.s32 s17, s25;
	s2 =	smin.u32 s2, $0x1E0  }
0x1c: {  	v32 =	vimm.s32 $0x1F;
	v33 =	vimm.s32 $0x20;
	v34 =	vimm.s32 $0x21;
	s25 =	simm.s32 $0x8D80;
	[dreg:$0xf] =	wrdreg s6;
	s9 =	sshll.u32 s2, $0x6  }
.Ltmp0:
0x1d: {  	v35 =	vimm.s32 $0x22;
	v36 =	vimm.s32 $0x23;
	v37 =	vimm.s32 $0x24;
	s2 =	sshll.u32 s2, $0x9;
	s4 =	sadd.s32 s4, s9;
	(pc) =	sbr.rel .LBB2_1-.Ltmp0, $4  }
0x1e: {  	v38 =	vimm.s32 $0x25;
	v39 =	vimm.s32 $0x26;
	v0 =	vmov s2;
	s2 =	sadd.s32 s17, s21;
	[dreg:$0x5] =	wrdreg s4;
	s4 =	sadd.s32 $0x1A00, s13  }
0x1f: {  	v40 =	vimm.s32 $0x27;
	v5 =	vor.u32 $0x3040, v1;
	v6 =	vor.u32 $0x30C0, v1;
	s26 =	simm.s32 $0x4000;
	[dreg:$0xd] =	wrdreg s2;
	s31 =	sadd.s32 s8, s4  }
0x20: {  	v7 =	vor.u32 $0x3140, v1;
	v8 =	vor.u32 $0x31C0, v1;
	v13 =	vor.u32 $0x3240, v1;
	s5 =	simm.s32 $0x1;
	s4 =	sadd.s32 s17, s4;
	[dreg:$0x10] =	wrdreg s31  }
0x21: {  	v14 =	vor.u32 $0x32C0, v1;
	v15 =	vor.u32 $0x3340, v1;
	v16 =	vor.u32 $0x33C0, v1;
	p0 =	sgt.u32 s0, $0x7F;
	s21 =	smax.u32 s1, $0x1;
	[dreg:$0x11] =	wrdreg s4  }
.LBB2_31:
0x22: {  	s30 =	sadd.s32 $0x1, s30  }
0x23: {  	p4 =	sne.s32 s30, s21  }
.Ltmp1:
0x24: {  	_ = 	snop;
	(pc) =	sbr.rel @!p4 .LBB2_32-.Ltmp1, $1  }
0x25: {  	_ =	sdelay $0x3  }
.LBB2_1:
0x26: {  	s0 =	rddreg [dreg:$0x5]  }
0x27: {  	[tilespmem:s3], [sflag:$0x1] =	stream.linear.gather [hbm4b:s0+s3], $0x4000, $0x38;
	[tilespmem:$0xF600] =	vst v63  }
0x28: {  	_ =	swait.ge [sflag:s5], $0x4000  }
0x29: {  	[sflag:s5] =	ssyncset.done $0x0  }
0x2a: {  	[sflag:s5] =	ssyncadd.s32 $0xFFFFC000  }
0x2b: {  	s1 =	simm.s32 $0x8000;
	s19 =	rddreg [dreg:$0x1]  }
0x2c: {  	[tilespmem:s1], [sflag:$0x1] =	stream.linear.gather [hbm4b:s19+s3], $0x680, $0x38;
	[tilespmem:$0xF600] =	vst v63  }
0x2d: {  	_ =	swait.ge [sflag:s5], $0x680  }
0x2e: {  	[sflag:s5] =	ssyncset.done $0x0  }
0x2f: {  	s22 =	simm.s32 $0x8680;
	s20 =	rddreg [dreg:$0x4];
	[sflag:s5] =	ssyncadd.s32 $0xFFFFF980  }
0x30: {  	[tilespmem:s22], [sflag:$0x1] =	stream.linear.gather [hbm4b:s20+s3], $0x680, $0x38;
	[tilespmem:$0xF600] =	vst v63  }
0x31: {  	_ =	swait.ge [sflag:s5], $0x680  }
0x32: {  	[sflag:s5] =	ssyncset.done $0x0  }
0x33: {  	s23 =	rddreg [dreg:$0x6];
	[sflag:s5] =	ssyncadd.s32 $0xFFFFF980  }
0x34: {  	[tilespmem:s24], [sflag:$0x1] =	stream.linear.gather [hbm4b:s23+s3], $0x38, $0x38;
	[tilespmem:$0xF600] =	vst v63  }
0x35: {  	_ =	swait.ge [sflag:s5], $0x38  }
0x36: {  	[sflag:s5] =	ssyncset.done $0x0  }
0x37: {  	s31 =	rddreg [dreg:$0x7];
	[sflag:s5] =	ssyncadd.s32 $0xFFFFFFC8  }
0x38: {  	[tilespmem:s25], [sflag:$0x1] =	stream.linear.gather [hbm4b:s31+s3], $0x38, $0x38;
	[tilespmem:$0xF600] =	vst v63  }
0x39: {  	_ =	swait.ge [sflag:s5], $0x38  }
0x3a: {  	[sflag:s5] =	ssyncset.done $0x0  }
0x3b: {  	s0 =	simm.s32 $0x0;
	[sflag:s5] =	ssyncadd.s32 $0xFFFFFFC8  }
.LBB2_2:
0x3c: {  	s1 =	sshll.u32 s0, $0x7  }
0x3d: {  	s1 =	sand.u32 $0x380, s1  }
0x3e: {  	s4 =	sshll.u32 s0, $0x9;
	s6 =	simm.s32 $0x0;
	v41 =	vmov s1  }
0x3f: {  	s23 =	simm.s32 $0x200;
	s2 =	sand.u32 $0x3000, s4;
	s19 =	sand.u32 $0x40, s6  }
0x40: {  	s7 =	sand.u32 $0xC00, s6;
	s23 =	sand.u32 $0xC00, s23;
	s6 =	sand.u32 $0x180, s6  }
0x41: {  	s1 =	sadd.s32 $0x4000, s4;
	s12 =	sadd.s32 s7, s2;
	s17 =	sor.u32 $0x30, s19  }
0x42: {  	s20 =	sor.u32 $0x10, s19;
	s22 =	sor.u32 $0x20, s19;
	s7 =	sadd.s32 s17, s12  }
0x43: {  	s4 =	simm.s32 $0x40;
	s23 =	sadd.s32 s23, s2;
	s8 =	sadd.s32 s19, s12;
	v1 =	vld.idx.msk [tilespmem:v41+s7+$0x0 ss:$0x1], $0xffff  }
0x44: {  	s18 =	sadd.s32 s20, s12;
	s9 =	sadd.s32 s6, s1;
	v4 =	vld.idx.msk [tilespmem:v41+s8+$0x0 ss:$0x1], $0xffff;
	s7 =	sand.u32 $0x40, s4  }
0x45: {  	s31 =	sadd.s32 s22, s12;
	s14 =	sadd.s32 s19, s9;
	v2 =	vld.idx.msk [tilespmem:v41+s18+$0x0 ss:$0x1], $0xffff;
	s6 =	sor.u32 $0x30, s7  }
0x46: {  	s22 =	sadd.s32 s22, s9;
	v3 =	vld.idx.msk [tilespmem:v41+s31+$0x0 ss:$0x1], $0xffff;
	s18 =	sor.u32 $0x10, s7;
	s10 =	sadd.s32 s6, s23  }
0x47: {  	s19 =	simm.s32 $0x400;
	s31 =	sadd.s32 s17, s9;
	s13 =	sadd.s32 s18, s23;
	v43 =	vld.idx.msk [tilespmem:v41+s10+$0x0 ss:$0x1], $0xffff  }
0x48: {  	s8 =	simm.s32 $0x4;
	s17 =	sor.u32 $0x20, s7;
	s11 =	sadd.s32 s7, s23;
	v42 =	vld.idx.msk [tilespmem:v41+s13+$0x0 ss:$0x1], $0xffff;
	[tilespmem:s31+$0x0] =	vst v1  }
0x49: {  	s23 =	sadd.s32 s17, s23;
	v1 =	vld.idx.msk [tilespmem:v41+s11+$0x0 ss:$0x1], $0xffff;
	s31 =	sadd.s32 s20, s9;
	s20 =	simm.s32 $0x80;
	[tilespmem:s14+$0x0] =	vst v4  }
.LBB2_3:
0x4a: {  	s9 =	sand.u32 $0x40, s20  }
0x4b: {  	s10 =	sand.u32 $0xC00, s19;
	s11 =	sand.u32 $0x180, s4;
	[tilespmem:s31+$0x0] =	vst v2;
	s31 =	smov.u32 s18  }
0x4c: {  	v4 =	vld.idx.msk [tilespmem:v41+s23+$0x0 ss:$0x1], $0xffff;
	s12 =	smov.u32 s17;
	s4 =	smov.u32 s20;
	s8 =	sadd.s32 $0x4, s8  }
0x4d: {  	s10 =	sadd.s32 s10, s2;
	s11 =	sadd.s32 s11, s1;
	[tilespmem:s22+$0x0] =	vst v3;
	p4 =	slt.u32 s8, $0x1C  }
.Ltmp2:
0x4e: {  	s22 =	sadd.s32 s6, s11;
	s6 =	sor.u32 $0x30, s9;
	(pc) =	sbr.rel @p4 .LBB2_3-.Ltmp2, $4  }
0x4f: {  	s18 =	sor.u32 $0x10, s9;
	s17 =	sor.u32 $0x20, s9;
	s13 =	sadd.s32 s6, s10;
	[tilespmem:s22+$0x0] =	vst v43  }
0x50: {  	s14 =	sadd.s32 s18, s10;
	s23 =	sadd.s32 s17, s10;
	s22 =	sadd.s32 s9, s10;
	v9 =	vmov v1;
	v43 =	vld.idx.msk [tilespmem:v41+s13+$0x0 ss:$0x1], $0xffff  }
0x51: {  	s7 =	sadd.s32 s7, s11;
	s31 =	sadd.s32 s31, s11;
	v2 =	vmov v42;
	v1 =	vld.idx.msk [tilespmem:v41+s22+$0x0 ss:$0x1], $0xffff;
	s22 =	sadd.s32 s12, s11  }
0x52: {  	s19 =	sadd.s32 $0x200, s19;
	s20 =	sadd.s32 $0x40, s20;
	v3 =	vmov v4;
	v42 =	vld.idx.msk [tilespmem:v41+s14+$0x0 ss:$0x1], $0xffff;
	[tilespmem:s7+$0x0] =	vst v9;
	s7 =	smov.u32 s9  }
0x53: {  	_ =	sdelay $0x2  }
0x54: {  	s2 =	sand.u32 $0x180, s4;
	s0 =	sadd.s32 $0x1, s0  }
0x55: {  	v4 =	vld.idx.msk [tilespmem:v41+s23+$0x0 ss:$0x1], $0xffff;
	[tilespmem:s31+$0x0] =	vst v2;
	s1 =	sadd.s32 s2, s1;
	p4 =	sne.s32 s0, $0x20  }
.Ltmp3:
0x56: {  	[tilespmem:s22+$0x0] =	vst v3;
	s2 =	sadd.s32 s6, s1;
	(pc) =	sbr.rel @p4 .LBB2_2-.Ltmp3, $4  }
0x57: {  	s23 =	sadd.s32 s7, s1;
	[tilespmem:s2+$0x0] =	vst v43  }
0x58: {  	s31 =	sadd.s32 s18, s1;
	[tilespmem:s23+$0x0] =	vst v1  }
0x59: {  	s1 =	sadd.s32 s17, s1;
	[tilespmem:s31+$0x0] =	vst v42  }
0x5a: {  	[tilespmem:s1+$0x0] =	vst v4  }
0x5b: {  	v3 =	vimm.s32 $0x8;
	_ =	sdelay $0x4  }
0x5c: {  	v1 =	vld.idx.msk [tilespmem:v3+s24+$0x0], $0xffff  }
0x5d: {  	s0 =	simm.s32 $0x0  }
0x5e: {  	s2 =	sand.u32 $0x60, s0  }
0x5f: {  	s4 =	sand.u32 $0x780, s0;
	s1 =	sor.u32 $0x10, s2  }
0x60: {  	s4 =	sor.u32 s4, s1  }
0x61: {  	v2 =	vld [tilespmem:s4+$0x8000];
	v1 =	vshll.u32 v1, $0x9  }
0x62: {  	v3 =	vld.idx.msk [tilespmem:v3+s25+$0x0], $0xffff;
	v1 =	vsub.s32 v1, v0  }
0x63: {  	vm0 =	vgt.s32 v1, $0x0  }
0x64: {  	v10 =	vimm.s32 $0xA;
	v1 =	vnsel vm0, $0x0, v1  }
0x65: {  	s6 =	simm.s32 $0x8000;
	v9 =	vimm.s32 $0x9;
	v49 =	vmin.u32 v1, $0x3E00  }
0x66: {  	v43 =	vld [tilespmem:s6+$0x0];
	v4 =	vadd.s32 v49, v2  }
0x67: {  	v3 =	vshll.u32 v3, $0x9  }
0x68: {  	v52 =	vld [tilespmem:s4+$0x8680];
	v3 =	vsub.s32 v3, v0  }
0x69: {  	v41 =	vld.idx.msk [tilespmem:v10+s24+$0x0], $0xffff;
	vm9 =	vgt.s32 v3, $0x0  }
0x6a: {  	v3 =	vnsel vm9, $0x0, v3;
	v1 =	vld.idx.msk [tilespmem:v9+s24+$0x0], $0xffff  }
0x6b: {  	v50 =	vmin.u32 v3, $0x3E00;
	v42 =	vadd.s32 v49, v43;
	v3 =	vld.idx.msk [tilespmem:v4+s26+$0x0], $0xffff  }
0x6c: {  	s12 =	simm.s32 $0x8680;
	v4 =	vld.idx.msk [tilespmem:v10+s25+$0x0], $0xffff;
	v10 =	vimm.s32 $0xB  }
0x6d: {  	v54 =	vld [tilespmem:s12+$0x0]  }
0x6e: {  	v44 =	vadd.s32 v50, v52  }
0x6f: {  	v9 =	vld.idx.msk [tilespmem:v9+s25+$0x0], $0xffff;
	v1 =	vshll.u32 v1, $0x9  }
0x70: {  	s13 =	simm.s32 $0x20;
	s0 =	sand.u32 $0x3C00, s0;
	v1 =	vsub.s32 v1, v0;
	v42 =	vld.idx.msk [tilespmem:v42+s26+$0x0], $0xffff  }
0x71: {  	s14 =	sand.u32 $0x60, s13;
	s31 =	sor.u32 s0, s1;
	vm10 =	vgt.s32 v1, $0x0;
	v45 =	vld.idx.msk [tilespmem:v10+s24+$0x0], $0xffff  }
0x72: {  	s17 =	sor.u32 $0x10, s14;
	s4 =	sand.u32 $0x780, s13;
	v47 =	vadd.s32 v50, v54;
	v1 =	vnsel vm10, $0x0, v1;
	v46 =	vld.idx.msk [tilespmem:v10+s25+$0x0], $0xffff;
	[tilespmem:s31+$0x8E00] =	vst v3  }
0x73: {  	s4 =	sor.u32 s4, s17;
	v51 =	vmin.u32 v1, $0x3E00;
	v1 =	vld.idx.msk [tilespmem:v44+s26+$0x0], $0xffff  }
0x74: {  	v58 =	vld [tilespmem:s4+$0x8000];
	v3 =	vadd.s32 v51, v2  }
0x75: {  	s18 =	simm.s32 $0x8020;
	s2 =	sor.u32 s2, s0;
	v9 =	vshll.u32 v9, $0x9  }
0x76: {  	v60 =	vld [tilespmem:s18+$0x0];
	v9 =	vsub.s32 v9, v0;
	[tilespmem:s2+$0x8E00] =	vst v42  }
0x77: {  	vm11 =	vgt.s32 v9, $0x0;
	v42 =	vld.idx.msk [tilespmem:v47+s26+$0x0], $0xffff  }
0x78: {  	v9 =	vnsel vm11, $0x0, v9;
	v61 =	vadd.s32 v51, v43;
	[tilespmem:s31+$0xC200] =	vst v1  }
0x79: {  	v53 =	vmin.u32 v9, $0x3E00;
	v1 =	vld.idx.msk [tilespmem:v3+s26+$0x0], $0xffff;
	v3 =	vadd.s32 v49, v58  }
0x7a: {  	v57 =	vld [tilespmem:s4+$0x8680];
	v9 =	vadd.s32 v53, v52  }
0x7b: {  	s19 =	simm.s32 $0x86A0;
	v41 =	vshll.u32 v41, $0x9  }
0x7c: {  	v59 =	vld [tilespmem:s19+$0x0];
	v41 =	vsub.s32 v41, v0;
	v62 =	vadd.s32 v49, v60;
	[tilespmem:s2+$0xC200] =	vst v42  }
0x7d: {  	vm12 =	vgt.s32 v41, $0x0;
	v44 =	vld.idx.msk [tilespmem:v61+s26+$0x0], $0xffff  }
0x7e: {  	v41 =	vnsel vm12, $0x0, v41;
	v63 =	vadd.s32 v53, v54;
	v3 =	vld.idx.msk [tilespmem:v3+s26+$0x0], $0xffff;
	[tilespmem:s31+$0x8E80] =	vst v1  }
0x7f: {  	v55 =	vmin.u32 v41, $0x3E00;
	v1 =	vld.idx.msk [tilespmem:v9+s26+$0x0], $0xffff;
	v9 =	vadd.s32 v50, v57  }
0x80: {  	s20 =	simm.s32 $0x100;
	v41 =	vadd.s32 v55, v2  }
0x81: {  	s23 =	simm.s32 $0x8040;
	s7 =	sand.u32 $0x3C00, s20;
	v4 =	vshll.u32 v4, $0x9;
	v42 =	vld.idx.msk [tilespmem:v62+s26+$0x0], $0xffff  }
0x82: {  	s0 =	sor.u32 s7, s17;
	s17 =	simm.s32 $0x40;
	v48 =	vadd.s32 v50, v59;
	v4 =	vsub.s32 v4, v0;
	v62 =	vld [tilespmem:s23+$0x0];
	[tilespmem:s2+$0x8E80] =	vst v44  }
0x83: {  	s4 =	sand.u32 $0x60, s17;
	vm13 =	vgt.s32 v4, $0x0;
	v44 =	vld.idx.msk [tilespmem:v63+s26+$0x0], $0xffff;
	[tilespmem:s0+$0x8E00] =	vst v3  }
0x84: {  	s22 =	sand.u32 $0x780, s17;
	s18 =	sor.u32 $0x10, s4;
	v3 =	vnsel vm13, $0x0, v4;
	v4 =	vld.idx.msk [tilespmem:v9+s26+$0x0], $0xffff;
	v9 =	vadd.s32 v55, v43;
	[tilespmem:s31+$0xC280] =	vst v1  }
0x85: {  	s1 =	sor.u32 s14, s7;
	s8 =	sor.u32 s22, s18;
	v56 =	vmin.u32 v3, $0x3E00;
	v3 =	vadd.s32 v51, v58;
	v1 =	vld.idx.msk [tilespmem:v41+s26+$0x0], $0xffff  }
0x86: {  	[tilespmem:s1+$0x8E00] =	vst v42;
	v63 =	vld [tilespmem:s8+$0x8000];
	v41 =	vadd.s32 v56, v52  }
0x87: {  	v61 =	vshll.u32 v45, $0x9;
	v45 =	vld.idx.msk [tilespmem:v48+s26+$0x0], $0xffff  }
0x88: {  	v42 =	vsub.s32 v61, v0;
	v48 =	vadd.s32 v51, v60;
	[tilespmem:s2+$0xC280] =	vst v44  }
0x89: {  	vm14 =	vgt.s32 v42, $0x0;
	v9 =	vld.idx.msk [tilespmem:v9+s26+$0x0], $0xffff;
	[tilespmem:s0+$0xC200] =	vst v4  }
0x8a: {  	v4 =	vld.idx.msk [tilespmem:v3+s26+$0x0], $0xffff;
	v3 =	vadd.s32 v56, v54;
	[tilespmem:s31+$0x8F00] =	vst v1;
	v1 =	vnsel vm14, $0x0, v42  }
0x8b: {  	v10 =	vadd.s32 v49, v63;
	v41 =	vld.idx.msk [tilespmem:v41+s26+$0x0], $0xffff;
	v61 =	vmin.u32 v1, $0x3E00  }
0x8c: {  	v11 =	vadd.s32 v49, v62;
	[tilespmem:s1+$0xC200] =	vst v45;
	v44 =	vld [tilespmem:s8+$0x8680];
	v45 =	vadd.s32 v61, v2;
	v2 =	vshll.u32 v46, $0x9  }
0x8d: {  	s6 =	simm.s32 $0x86C0;
	v48 =	vld.idx.msk [tilespmem:v48+s26+$0x0], $0xffff;
	v1 =	vadd.s32 v53, v57;
	v2 =	vsub.s32 v2, v0  }
0x8e: {  	v42 =	vld [tilespmem:s6+$0x0];
	[tilespmem:s2+$0x8F00] =	vst v9;
	vm15 =	vgt.s32 v2, $0x0  }
0x8f: {  	v46 =	vld.idx.msk [tilespmem:v3+s26+$0x0], $0xffff;
	v2 =	vnsel vm15, $0x0, v2  }
0x90: {  	v3 =	vld.idx.msk [tilespmem:v10+s26+$0x0], $0xffff;
	[tilespmem:s31+$0xC300] =	vst v41;
	v41 =	vmin.u32 v2, $0x3E00;
	v2 =	vadd.s32 v53, v59  }
0x91: {  	v43 =	vadd.s32 v61, v43;
	[tilespmem:s0+$0x8E80] =	vst v4;
	v4 =	vld.idx.msk [tilespmem:v11+s26+$0x0], $0xffff  }
0x92: {  	v9 =	vadd.s32 v50, v44;
	v47 =	vld.idx.msk [tilespmem:v1+s26+$0x0], $0xffff  }
0x93: {  	s19 =	simm.s32 $0x8060;
	s7 =	simm.s32 $0x4;
	s8 =	simm.s32 $0x200;
	v1 =	vadd.s32 v55, v58;
	v45 =	vld.idx.msk [tilespmem:v45+s26+$0x0], $0xffff  }
.LBB2_6:
0x94: {  	v10 =	vld [tilespmem:s19+$0x0];
	s9 =	sand.u32 $0x3C00, s8;
	[tilespmem:s1+$0x8E80] =	vst v48;
	v11 =	vadd.s32 v41, v52;
	v52 =	vmov v57;
	v57 =	vmov v44  }
0x95: {  	s20 =	sor.u32 s4, s9;
	s9 =	sor.u32 s9, s18;
	v2 =	vld.idx.msk [tilespmem:v2+s26+$0x0], $0xffff;
	[tilespmem:s2+$0xC300] =	vst v46  }
0x96: {  	v44 =	vadd.s32 v50, v42;
	s17 =	sadd.s32 $0x20, s17;
	[tilespmem:s9+$0x8E00] =	vst v3;
	v3 =	vld.idx.msk [tilespmem:v43+s26+$0x0], $0xffff  }
0x97: {  	s7 =	sadd.s32 $0x2, s7;
	s4 =	sand.u32 $0x60, s17;
	v43 =	vadd.s32 v55, v60;
	v9 =	vld.idx.msk [tilespmem:v9+s26+$0x0], $0xffff;
	[tilespmem:s0+$0xC280] =	vst v47  }
0x98: {  	s10 =	sand.u32 $0x780, s17;
	p4 =	slt.u32 s7, $0x62;
	v46 =	vadd.s32 v41, v54;
	v54 =	vmov v59;
	v59 =	vmov v42;
	s18 =	sor.u32 $0x10, s4;
	v1 =	vld.idx.msk [tilespmem:v1+s26+$0x0], $0xffff;
	[tilespmem:s31+$0x8F80] =	vst v45  }
0x99: {  	s10 =	sor.u32 s10, s18;
	[tilespmem:s20+$0x8E00] =	vst v4;
	v4 =	vadd.s32 v51, v63;
	v11 =	vld.idx.msk [tilespmem:v11+s26+$0x0], $0xffff  }
0x9a: {  	v42 =	vadd.s32 v56, v52;
	v45 =	vld [tilespmem:s10+$0x8000]  }
0x9b: {  	v47 =	vld.idx.msk [tilespmem:v44+s26+$0x0], $0xffff;
	[tilespmem:s1+$0xC280] =	vst v2  }
0x9c: {  	v2 =	vld.idx.msk [tilespmem:v43+s26+$0x0], $0xffff;
	[tilespmem:s2+$0x8F80] =	vst v3  }
0x9d: {  	v3 =	vadd.s32 v51, v62;
	[tilespmem:s9+$0xC200] =	vst v9;
	v9 =	vld.idx.msk [tilespmem:v46+s26+$0x0], $0xffff  }
0x9e: {  	v43 =	vadd.s32 v56, v54;
	v4 =	vld.idx.msk [tilespmem:v4+s26+$0x0], $0xffff;
	[tilespmem:s0+$0x8F00] =	vst v1  }
0x9f: {  	s6 =	sadd.s32 $0x20, s6;
	v1 =	vadd.s32 v49, v45;
	v12 =	vld.idx.msk [tilespmem:v42+s26+$0x0], $0xffff;
	[tilespmem:s31+$0xC380] =	vst v11;
	s31 =	smov.u32 s0;
	s0 =	smov.u32 s9  }
0xa0: {  	v11 =	vadd.s32 v53, v57;
	v42 =	vld [tilespmem:s6+$0x0]  }
0xa1: {  	v17 =	vadd.s32 v61, v58;
	v58 =	vmov v63;
	v63 =	vmov v45;
	v44 =	vld [tilespmem:s10+$0x8680];
	[tilespmem:s20+$0xC200] =	vst v47  }
0xa2: {  	v18 =	vadd.s32 v49, v10;
	v48 =	vld.idx.msk [tilespmem:v3+s26+$0x0], $0xffff;
	[tilespmem:s1+$0x8F00] =	vst v2  }
.Ltmp4:
0xa3: {  	v46 =	vld.idx.msk [tilespmem:v43+s26+$0x0], $0xffff;
	[tilespmem:s2+$0xC380] =	vst v9;
	s2 =	smov.u32 s1;
	s1 =	smov.u32 s20;
	(pc) =	sbr.rel @p4 .LBB2_6-.Ltmp4, $4  }
0xa4: {  	v2 =	vadd.s32 v53, v59;
	v3 =	vld.idx.msk [tilespmem:v1+s26+$0x0], $0xffff;
	[tilespmem:s0+$0x8E80] =	vst v4  }
0xa5: {  	v43 =	vadd.s32 v61, v60;
	v60 =	vmov v62;
	v62 =	vmov v10;
	v47 =	vld.idx.msk [tilespmem:v11+s26+$0x0], $0xffff;
	[tilespmem:s31+$0xC300] =	vst v12  }
0xa6: {  	v9 =	vadd.s32 v50, v44;
	v45 =	vld.idx.msk [tilespmem:v17+s26+$0x0], $0xffff  }
0xa7: {  	s19 =	sadd.s32 $0x20, s19;
	s8 =	sadd.s32 $0x100, s8;
	v1 =	vadd.s32 v55, v58;
	v4 =	vld.idx.msk [tilespmem:v18+s26+$0x0], $0xffff  }
0xa8: {  	v10 =	vadd.s32 v50, v42  }
0xa9: {  	s7 =	sand.u32 $0x3C00, s8  }
0xaa: {  	s6 =	sor.u32 s7, s18  }
0xab: {  	s4 =	sor.u32 s4, s7;
	[tilespmem:s6+$0x8E00] =	vst v3  }
0xac: {  	v3 =	vld.idx.msk [tilespmem:v9+s26+$0x0], $0xffff;
	[tilespmem:s4+$0x8E00] =	vst v4  }
0xad: {  	v4 =	vadd.s32 v51, v63;
	v9 =	vld.idx.msk [tilespmem:v10+s26+$0x0], $0xffff  }
0xae: {  	v10 =	vadd.s32 v51, v62;
	_ =	sdelay $0x2  }
0xaf: {  	[tilespmem:s6+$0xC200] =	vst v3  }
0xb0: {  	v3 =	vld.idx.msk [tilespmem:v4+s26+$0x0], $0xffff;
	[tilespmem:s4+$0xC200] =	vst v9  }
0xb1: {  	v4 =	vadd.s32 v53, v44;
	v9 =	vld.idx.msk [tilespmem:v10+s26+$0x0], $0xffff  }
0xb2: {  	v10 =	vadd.s32 v53, v42;
	_ =	sdelay $0x1  }
0xb3: {  	[tilespmem:s1+$0x8E80] =	vst v48  }
0xb4: {  	v2 =	vld.idx.msk [tilespmem:v2+s26+$0x0], $0xffff;
	[tilespmem:s6+$0x8E80] =	vst v3  }
0xb5: {  	v3 =	vadd.s32 v55, v60;
	v4 =	vld.idx.msk [tilespmem:v4+s26+$0x0], $0xffff;
	[tilespmem:s4+$0x8E80] =	vst v9  }
0xb6: {  	v9 =	vadd.s32 v55, v63;
	v10 =	vld.idx.msk [tilespmem:v10+s26+$0x0], $0xffff  }
0xb7: {  	v11 =	vadd.s32 v55, v62  }
0xb8: {  	[tilespmem:s0+$0xC280] =	vst v47  }
0xb9: {  	v1 =	vld.idx.msk [tilespmem:v1+s26+$0x0], $0xffff;
	[tilespmem:s1+$0xC280] =	vst v2  }
0xba: {  	v2 =	vadd.s32 v56, v57;
	v3 =	vld.idx.msk [tilespmem:v3+s26+$0x0], $0xffff;
	[tilespmem:s6+$0xC280] =	vst v4  }
0xbb: {  	v4 =	vadd.s32 v56, v59;
	v9 =	vld.idx.msk [tilespmem:v9+s26+$0x0], $0xffff;
	[tilespmem:s4+$0xC280] =	vst v10  }
0xbc: {  	v10 =	vadd.s32 v56, v44;
	v11 =	vld.idx.msk [tilespmem:v11+s26+$0x0], $0xffff  }
0xbd: {  	v12 =	vadd.s32 v56, v42  }
0xbe: {  	[tilespmem:s0+$0x8F00] =	vst v1  }
0xbf: {  	v1 =	vld.idx.msk [tilespmem:v2+s26+$0x0], $0xffff;
	[tilespmem:s1+$0x8F00] =	vst v3  }
0xc0: {  	v2 =	vadd.s32 v61, v58;
	v3 =	vld.idx.msk [tilespmem:v4+s26+$0x0], $0xffff;
	[tilespmem:s6+$0x8F00] =	vst v9  }
0xc1: {  	v4 =	vadd.s32 v61, v60;
	v9 =	vld.idx.msk [tilespmem:v10+s26+$0x0], $0xffff;
	[tilespmem:s4+$0x8F00] =	vst v11  }
0xc2: {  	v10 =	vadd.s32 v61, v63;
	v11 =	vld.idx.msk [tilespmem:v12+s26+$0x0], $0xffff  }
0xc3: {  	[tilespmem:s2+$0xC300] =	vst v46;
	v12 =	vadd.s32 v61, v62  }
0xc4: {  	v17 =	vadd.s32 v41, v52;
	v18 =	vld.idx.msk [tilespmem:v43+s26+$0x0], $0xffff;
	[tilespmem:s0+$0xC300] =	vst v1  }
0xc5: {  	v1 =	vadd.s32 v41, v54;
	v2 =	vld.idx.msk [tilespmem:v2+s26+$0x0], $0xffff;
	[tilespmem:s1+$0xC300] =	vst v3  }
0xc6: {  	v3 =	vadd.s32 v41, v57;
	v4 =	vld.idx.msk [tilespmem:v4+s26+$0x0], $0xffff;
	[tilespmem:s6+$0xC300] =	vst v9  }
0xc7: {  	v9 =	vadd.s32 v41, v59;
	v10 =	vld.idx.msk [tilespmem:v10+s26+$0x0], $0xffff;
	[tilespmem:s4+$0xC300] =	vst v11  }
0xc8: {  	[tilespmem:s31+$0x8F80] =	vst v45;
	v11 =	vadd.s32 v41, v44;
	v12 =	vld.idx.msk [tilespmem:v12+s26+$0x0], $0xffff  }
0xc9: {  	v17 =	vld.idx.msk [tilespmem:v17+s26+$0x0], $0xffff;
	[tilespmem:s2+$0x8F80] =	vst v18;
	v18 =	vadd.s32 v41, v42  }
0xca: {  	v1 =	vld.idx.msk [tilespmem:v1+s26+$0x0], $0xffff;
	[tilespmem:s0+$0x8F80] =	vst v2  }
0xcb: {  	v2 =	vld.idx.msk [tilespmem:v3+s26+$0x0], $0xffff;
	[tilespmem:s1+$0x8F80] =	vst v4  }
0xcc: {  	v3 =	vld.idx.msk [tilespmem:v9+s26+$0x0], $0xffff;
	[tilespmem:s6+$0x8F80] =	vst v10  }
0xcd: {  	v4 =	vld.idx.msk [tilespmem:v11+s26+$0x0], $0xffff;
	[tilespmem:s4+$0x8F80] =	vst v12  }
0xce: {  	[tilespmem:s31+$0xC380] =	vst v17;
	v9 =	vld.idx.msk [tilespmem:v18+s26+$0x0], $0xffff  }
0xcf: {  	[tilespmem:s2+$0xC380] =	vst v1  }
0xd0: {  	[tilespmem:s0+$0xC380] =	vst v2  }
0xd1: {  	[tilespmem:s1+$0xC380] =	vst v3  }
0xd2: {  	[tilespmem:s6+$0xC380] =	vst v4  }
0xd3: {  	[tilespmem:s4+$0xC380] =	vst v9  }
0xd4: {  	v1 =	vld [tilespmem:$0x8640]  }
0xd5: {  	v2 =	vld [tilespmem:$0x8CC0];
	_ =	sdelay $0x3  }
0xd6: {  	v3 =	vadd.s32 v49, v1  }
0xd7: {  	v4 =	vadd.s32 v50, v2;
	_ =	sdelay $0x3  }
0xd8: {  	v3 =	vld.idx.msk [tilespmem:v3+s26+$0x0], $0xffff  }
0xd9: {  	v4 =	vld.idx.msk [tilespmem:v4+s26+$0x0], $0xffff  }
0xda: {  	v9 =	vadd.s32 v51, v1  }
0xdb: {  	v10 =	vadd.s32 v53, v2;
	_ =	sdelay $0x1  }
0xdc: {  	[tilespmem:v5+s28+$0x0] =	vst.idx.msk $0x1fff, v3  }
0xdd: {  	[tilespmem:v5+s29+$0x0] =	vst.idx.msk $0x1fff, v4  }
0xde: {  	v3 =	vld.idx.msk [tilespmem:v9+s26+$0x0], $0xffff  }
0xdf: {  	v4 =	vld.idx.msk [tilespmem:v10+s26+$0x0], $0xffff  }
0xe0: {  	v9 =	vadd.s32 v55, v1  }
0xe1: {  	v10 =	vadd.s32 v56, v2;
	_ =	sdelay $0x1  }
0xe2: {  	[tilespmem:v6+s28+$0x0] =	vst.idx.msk $0x1fff, v3  }
0xe3: {  	[tilespmem:v6+s29+$0x0] =	vst.idx.msk $0x1fff, v4  }
0xe4: {  	v3 =	vld.idx.msk [tilespmem:v9+s26+$0x0], $0xffff  }
0xe5: {  	v4 =	vld.idx.msk [tilespmem:v10+s26+$0x0], $0xffff  }
0xe6: {  	v1 =	vadd.s32 v61, v1  }
0xe7: {  	v2 =	vadd.s32 v41, v2;
	_ =	sdelay $0x1  }
0xe8: {  	[tilespmem:v7+s28+$0x0] =	vst.idx.msk $0x1fff, v3  }
0xe9: {  	[tilespmem:v7+s29+$0x0] =	vst.idx.msk $0x1fff, v4  }
0xea: {  	v1 =	vld.idx.msk [tilespmem:v1+s26+$0x0], $0xffff  }
0xeb: {  	v2 =	vld.idx.msk [tilespmem:v2+s26+$0x0], $0xffff;
	_ =	sdelay $0x3  }
0xec: {  	[tilespmem:v8+s28+$0x0] =	vst.idx.msk $0x1fff, v1  }
0xed: {  	[tilespmem:v8+s29+$0x0] =	vst.idx.msk $0x1fff, v2;
	v2 =	vimm.s32 $0xC;
	_ =	sdelay $0x4  }
0xee: {  	v1 =	vld.idx.msk [tilespmem:v2+s24+$0x0], $0xffff  }
0xef: {  	s31 =	simm.s32 $0x0  }
0xf0: {  	s10 =	sand.u32 $0x60, s31  }
0xf1: {  	s12 =	sand.u32 $0x780, s31;
	s11 =	sor.u32 $0x10, s10  }
0xf2: {  	s2 =	sor.u32 s12, s11  }
0xf3: {  	v62 =	vld [tilespmem:s2+$0x8000];
	v1 =	vshll.u32 v1, $0x9  }
0xf4: {  	v2 =	vld.idx.msk [tilespmem:v2+s25+$0x0], $0xffff;
	v1 =	vsub.s32 v1, v0  }
0xf5: {  	v4 =	vimm.s32 $0xD;
	vm0 =	vgt.s32 v1, $0x0  }
0xf6: {  	s13 =	simm.s32 $0x8000;
	v11 =	vimm.s32 $0xE;
	v1 =	vnsel vm0, $0x0, v1  }
0xf7: {  	v44 =	vld [tilespmem:s13+$0x0];
	v49 =	vmin.u32 v1, $0x3E00  }
0xf8: {  	v3 =	vadd.s32 v49, v62  }
0xf9: {  	v53 =	vld [tilespmem:s2+$0x8680];
	v2 =	vshll.u32 v2, $0x9  }
0xfa: {  	v17 =	vimm.s32 $0xF;
	v2 =	vsub.s32 v2, v0;
	v1 =	vld.idx.msk [tilespmem:v4+s24+$0x0], $0xffff  }
0xfb: {  	s14 =	simm.s32 $0x8680;
	v9 =	vld.idx.msk [tilespmem:v11+s24+$0x0], $0xffff;
	vm9 =	vgt.s32 v2, $0x0  }
0xfc: {  	v54 =	vld [tilespmem:s14+$0x0];
	v2 =	vnsel vm9, $0x0, v2;
	v10 =	vadd.s32 v49, v44  }
0xfd: {  	v50 =	vmin.u32 v2, $0x3E00;
	v2 =	vld.idx.msk [tilespmem:v3+s26+$0x0], $0xffff  }
0xfe: {  	v3 =	vld.idx.msk [tilespmem:v11+s25+$0x0], $0xffff;
	v11 =	vadd.s32 v50, v53  }
0xff: {  	v12 =	vld.idx.msk [tilespmem:v17+s24+$0x0], $0xffff;
	v1 =	vshll.u32 v1, $0x9  }
0x100: {  	s18 =	simm.s32 $0x20;
	s17 =	sand.u32 $0x3C00, s31;
	v4 =	vld.idx.msk [tilespmem:v4+s25+$0x0], $0xffff;
	v1 =	vsub.s32 v1, v0  }
0x101: {  	s20 =	sand.u32 $0x60, s18;
	s19 =	sor.u32 s17, s11;
	v10 =	vld.idx.msk [tilespmem:v10+s26+$0x0], $0xffff;
	vm10 =	vgt.s32 v1, $0x0  }
0x102: {  	s22 =	sor.u32 $0x10, s20;
	s4 =	sand.u32 $0x780, s18;
	v17 =	vld.idx.msk [tilespmem:v17+s25+$0x0], $0xffff;
	v18 =	vadd.s32 v50, v54;
	v1 =	vnsel vm10, $0x0, v1;
	[tilespmem:s19+$0x9000] =	vst v2  }
0x103: {  	s4 =	sor.u32 s4, s22;
	v51 =	vmin.u32 v1, $0x3E00;
	v1 =	vld.idx.msk [tilespmem:v11+s26+$0x0], $0xffff  }
0x104: {  	v59 =	vld [tilespmem:s4+$0x8000];
	v2 =	vadd.s32 v51, v62  }
0x105: {  	s2 =	sor.u32 s10, s17;
	v4 =	vshll.u32 v4, $0x9  }
0x106: {  	v4 =	vsub.s32 v4, v0;
	[tilespmem:s2+$0x9000] =	vst v10  }
0x107: {  	s23 =	simm.s32 $0x8020;
	vm11 =	vgt.s32 v4, $0x0;
	v10 =	vld.idx.msk [tilespmem:v18+s26+$0x0], $0xffff  }
0x108: {  	v60 =	vld [tilespmem:s23+$0x0];
	v4 =	vnsel vm11, $0x0, v4;
	v11 =	vadd.s32 v51, v44;
	[tilespmem:s19+$0xC400] =	vst v1  }
0x109: {  	v52 =	vmin.u32 v4, $0x3E00;
	v1 =	vld.idx.msk [tilespmem:v2+s26+$0x0], $0xffff;
	v2 =	vadd.s32 v49, v59  }
0x10a: {  	v57 =	vld [tilespmem:s4+$0x8680];
	v4 =	vadd.s32 v52, v53  }
0x10b: {  	s4 =	simm.s32 $0x86A0  }
0x10c: {  	v58 =	vld [tilespmem:s4+$0x0];
	v9 =	vshll.u32 v9, $0x9;
	[tilespmem:s2+$0xC400] =	vst v10  }
0x10d: {  	v9 =	vsub.s32 v9, v0;
	v10 =	vadd.s32 v49, v60;
	v11 =	vld.idx.msk [tilespmem:v11+s26+$0x0], $0xffff  }
0x10e: {  	vm12 =	vgt.s32 v9, $0x0;
	v18 =	vadd.s32 v52, v54;
	v2 =	vld.idx.msk [tilespmem:v2+s26+$0x0], $0xffff;
	[tilespmem:s19+$0x9080] =	vst v1  }
0x10f: {  	v9 =	vnsel vm12, $0x0, v9;
	v1 =	vld.idx.msk [tilespmem:v4+s26+$0x0], $0xffff;
	v4 =	vadd.s32 v50, v57  }
0x110: {  	s0 =	simm.s32 $0x100;
	v55 =	vmin.u32 v9, $0x3E00  }
0x111: {  	s8 =	sand.u32 $0x3C00, s0;
	v9 =	vadd.s32 v55, v62;
	v3 =	vshll.u32 v3, $0x9  }
0x112: {  	s23 =	sor.u32 s8, s22;
	v3 =	vsub.s32 v3, v0;
	v10 =	vld.idx.msk [tilespmem:v10+s26+$0x0], $0xffff;
	[tilespmem:s2+$0x9080] =	vst v11  }
0x113: {  	s17 =	simm.s32 $0x40;
	vm13 =	vgt.s32 v3, $0x0;
	v11 =	vld.idx.msk [tilespmem:v18+s26+$0x0], $0xffff;
	v18 =	vadd.s32 v50, v58;
	[tilespmem:s23+$0x9000] =	vst v2  }
0x114: {  	s12 =	simm.s32 $0x8040;
	s18 =	sand.u32 $0x60, s17;
	v2 =	vnsel vm13, $0x0, v3;
	v3 =	vld.idx.msk [tilespmem:v4+s26+$0x0], $0xffff;
	v4 =	vadd.s32 v55, v44  }
0x115: {  	v41 =	vld [tilespmem:s12+$0x0];
	s9 =	sand.u32 $0x780, s17;
	[tilespmem:s19+$0xC480] =	vst v1;
	s19 =	sor.u32 $0x10, s18  }
0x116: {  	s22 =	sor.u32 s20, s8;
	v56 =	vmin.u32 v2, $0x3E00;
	v2 =	vadd.s32 v51, v59;
	v1 =	vld.idx.msk [tilespmem:v9+s26+$0x0], $0xffff;
	s10 =	sor.u32 s9, s19  }
0x117: {  	s11 =	sand.u32 $0x3, s31;
	[tilespmem:s22+$0x9000] =	vst v10;
	v63 =	vld [tilespmem:s10+$0x8000]  }
0x118: {  	s13 =	sshll.u32 s11, $0x5;
	v10 =	vshll.u32 v12, $0x9;
	v12 =	vld.idx.msk [tilespmem:v18+s26+$0x0], $0xffff;
	[tilespmem:s2+$0xC480] =	vst v11  }
0x119: {  	s1 =	sadd.s32 $0x0, s13;
	v9 =	vadd.s32 v56, v53;
	v4 =	vld.idx.msk [tilespmem:v4+s26+$0x0], $0xffff  }
0x11a: {  	v10 =	vsub.s32 v10, v0;
	s2 =	sadd.s32 $0x10, s1;
	v11 =	vadd.s32 v51, v60;
	[tilespmem:s23+$0xC400] =	vst v3  }
0x11b: {  	s6 =	simm.s32 $0x86C0;
	vm14 =	vgt.s32 v10, $0x0;
	s14 =	sor.u32 $0x300, s2;
	v3 =	vadd.s32 v56, v54;
	v2 =	vld.idx.msk [tilespmem:v2+s26+$0x0], $0xffff  }
0x11c: {  	v42 =	vld [tilespmem:s6+$0x0];
	[tilespmem:s14+$0x8E00] =	vst v1;
	v1 =	vnsel vm14, $0x0, v10;
	v10 =	vadd.s32 v49, v63  }
0x11d: {  	s20 =	sor.u32 $0x300, s1;
	v17 =	vshll.u32 v17, $0x9;
	v43 =	vld [tilespmem:s10+$0x8680];
	[tilespmem:s22+$0xC400] =	vst v12;
	v61 =	vmin.u32 v1, $0x3E00;
	v1 =	vadd.s32 v52, v57  }
0x11e: {  	v18 =	vadd.s32 v49, v41;
	v9 =	vld.idx.msk [tilespmem:v9+s26+$0x0], $0xffff;
	[tilespmem:s20+$0x8E00] =	vst v4;
	v4 =	vsub.s32 v17, v0  }
0x11f: {  	v48 =	vld.idx.msk [tilespmem:v11+s26+$0x0], $0xffff;
	v12 =	vadd.s32 v61, v62;
	vm15 =	vgt.s32 v4, $0x0  }
0x120: {  	v46 =	vld.idx.msk [tilespmem:v3+s26+$0x0], $0xffff;
	[tilespmem:s23+$0x9080] =	vst v2;
	v2 =	vnsel vm15, $0x0, v4  }
0x121: {  	v3 =	vld.idx.msk [tilespmem:v10+s26+$0x0], $0xffff;
	v62 =	vmin.u32 v2, $0x3E00;
	v2 =	vadd.s32 v52, v58  }
0x122: {  	v44 =	vadd.s32 v61, v44;
	v47 =	vld.idx.msk [tilespmem:v1+s26+$0x0], $0xffff  }
0x123: {  	s7 =	simm.s32 $0x4;
	[tilespmem:s14+$0xC200] =	vst v9;
	v9 =	vadd.s32 v50, v43;
	v4 =	vld.idx.msk [tilespmem:v18+s26+$0x0], $0xffff  }
0x124: {  	s8 =	simm.s32 $0x8060;
	s4 =	simm.s32 $0x200;
	s1 =	sor.u32 $0x380, s1;
	v1 =	vadd.s32 v55, v59;
	v45 =	vld.idx.msk [tilespmem:v12+s26+$0x0], $0xffff  }
.LBB2_8:
0x125: {  	v10 =	vld [tilespmem:s8+$0x0];
	s9 =	sand.u32 $0x3C00, s4;
	[tilespmem:s22+$0x9080] =	vst v48;
	v11 =	vadd.s32 v62, v53;
	v53 =	vmov v57;
	v57 =	vmov v43  }
0x126: {  	s10 =	sor.u32 s18, s9;
	s9 =	sor.u32 s9, s19;
	v2 =	vld.idx.msk [tilespmem:v2+s26+$0x0], $0xffff;
	[tilespmem:s20+$0xC200] =	vst v46  }
0x127: {  	v12 =	vadd.s32 v50, v42;
	s17 =	sadd.s32 $0x20, s17;
	s31 =	sadd.s32 $0x1, s31;
	[tilespmem:s9+$0x9000] =	vst v3;
	v3 =	vld.idx.msk [tilespmem:v44+s26+$0x0], $0xffff  }
0x128: {  	s7 =	sadd.s32 $0x2, s7;
	v17 =	vadd.s32 v55, v60;
	s11 =	sor.u32 $0x380, s2;
	s18 =	sand.u32 $0x60, s17;
	v9 =	vld.idx.msk [tilespmem:v9+s26+$0x0], $0xffff;
	[tilespmem:s23+$0xC480] =	vst v47  }
0x129: {  	v18 =	vadd.s32 v62, v54;
	v54 =	vmov v58;
	v58 =	vmov v42;
	s2 =	sand.u32 $0x780, s17;
	p4 =	slt.u32 s7, $0x62;
	s19 =	sor.u32 $0x10, s18;
	v1 =	vld.idx.msk [tilespmem:v1+s26+$0x0], $0xffff;
	[tilespmem:s11+$0x8E00] =	vst v45  }
0x12a: {  	s12 =	sor.u32 s2, s19;
	s2 =	sand.u32 $0x3, s31;
	s23 =	smov.u32 s9;
	[tilespmem:s10+$0x9000] =	vst v4;
	v4 =	vadd.s32 v51, v63;
	v11 =	vld.idx.msk [tilespmem:v11+s26+$0x0], $0xffff  }
0x12b: {  	v42 =	vadd.s32 v56, v53;
	s2 =	sshll.u32 s2, $0x5;
	v44 =	vld [tilespmem:s12+$0x8000]  }
0x12c: {  	s2 =	sadd.s32 s2, s0;
	s0 =	smov.u32 s4;
	v12 =	vld.idx.msk [tilespmem:v12+s26+$0x0], $0xffff;
	[tilespmem:s22+$0xC480] =	vst v2;
	s22 =	smov.u32 s10  }
0x12d: {  	s20 =	sor.u32 $0x300, s2;
	s9 =	sor.u32 $0x380, s2;
	s2 =	sadd.s32 $0x10, s2;
	v2 =	vld.idx.msk [tilespmem:v17+s26+$0x0], $0xffff;
	[tilespmem:s1+$0x8E00] =	vst v3  }
0x12e: {  	s10 =	sor.u32 $0x300, s2;
	v3 =	vadd.s32 v51, v41;
	[tilespmem:s23+$0xC400] =	vst v9;
	v9 =	vld.idx.msk [tilespmem:v18+s26+$0x0], $0xffff  }
0x12f: {  	v17 =	vadd.s32 v56, v54;
	v4 =	vld.idx.msk [tilespmem:v4+s26+$0x0], $0xffff;
	[tilespmem:s10+$0x8E00] =	vst v1  }
0x130: {  	s6 =	sadd.s32 $0x20, s6;
	v1 =	vadd.s32 v49, v44;
	v18 =	vld.idx.msk [tilespmem:v42+s26+$0x0], $0xffff;
	[tilespmem:s11+$0xC200] =	vst v11  }
0x131: {  	v11 =	vadd.s32 v52, v57;
	v42 =	vld [tilespmem:s6+$0x0]  }
0x132: {  	v43 =	vld [tilespmem:s12+$0x8680];
	[tilespmem:s22+$0xC400] =	vst v12;
	v12 =	vadd.s32 v61, v59;
	v59 =	vmov v63;
	v63 =	vmov v44  }
0x133: {  	v19 =	vadd.s32 v49, v10;
	v48 =	vld.idx.msk [tilespmem:v3+s26+$0x0], $0xffff;
	[tilespmem:s20+$0x8E00] =	vst v2  }
.Ltmp5:
0x134: {  	v46 =	vld.idx.msk [tilespmem:v17+s26+$0x0], $0xffff;
	[tilespmem:s1+$0xC200] =	vst v9;
	s1 =	smov.u32 s9;
	(pc) =	sbr.rel @p4 .LBB2_8-.Ltmp5, $4  }
0x135: {  	v2 =	vadd.s32 v52, v58;
	v3 =	vld.idx.msk [tilespmem:v1+s26+$0x0], $0xffff;
	[tilespmem:s23+$0x9080] =	vst v4  }
0x136: {  	v44 =	vadd.s32 v61, v60;
	v60 =	vmov v41;
	v41 =	vmov v10;
	v47 =	vld.idx.msk [tilespmem:v11+s26+$0x0], $0xffff;
	[tilespmem:s10+$0xC200] =	vst v18  }
0x137: {  	v9 =	vadd.s32 v50, v43;
	v45 =	vld.idx.msk [tilespmem:v12+s26+$0x0], $0xffff  }
0x138: {  	s8 =	sadd.s32 $0x20, s8;
	s4 =	sadd.s32 $0x100, s4;
	v1 =	vadd.s32 v55, v59;
	v4 =	vld.idx.msk [tilespmem:v19+s26+$0x0], $0xffff  }
0x139: {  	v10 =	vadd.s32 v50, v42  }
0x13a: {  	s6 =	sand.u32 $0x3C00, s4  }
0x13b: {  	s7 =	sor.u32 s6, s19  }
0x13c: {  	s6 =	sor.u32 s18, s6;
	[tilespmem:s7+$0x9000] =	vst v3  }
0x13d: {  	v3 =	vld.idx.msk [tilespmem:v9+s26+$0x0], $0xffff;
	[tilespmem:s6+$0x9000] =	vst v4  }
0x13e: {  	v4 =	vadd.s32 v51, v63;
	v9 =	vld.idx.msk [tilespmem:v10+s26+$0x0], $0xffff  }
0x13f: {  	v10 =	vadd.s32 v51, v41;
	_ =	sdelay $0x2  }
0x140: {  	[tilespmem:s7+$0xC400] =	vst v3  }
0x141: {  	v3 =	vld.idx.msk [tilespmem:v4+s26+$0x0], $0xffff;
	[tilespmem:s6+$0xC400] =	vst v9  }
0x142: {  	v4 =	vadd.s32 v52, v43;
	v9 =	vld.idx.msk [tilespmem:v10+s26+$0x0], $0xffff  }
0x143: {  	v10 =	vadd.s32 v52, v42;
	_ =	sdelay $0x1  }
0x144: {  	[tilespmem:s22+$0x9080] =	vst v48  }
0x145: {  	v2 =	vld.idx.msk [tilespmem:v2+s26+$0x0], $0xffff;
	[tilespmem:s7+$0x9080] =	vst v3  }
0x146: {  	v3 =	vadd.s32 v55, v60;
	v4 =	vld.idx.msk [tilespmem:v4+s26+$0x0], $0xffff;
	[tilespmem:s6+$0x9080] =	vst v9  }
0x147: {  	v9 =	vadd.s32 v55, v63;
	v10 =	vld.idx.msk [tilespmem:v10+s26+$0x0], $0xffff  }
0x148: {  	v11 =	vadd.s32 v55, v41  }
0x149: {  	s8 =	sadd.s32 $0x1, s31;
	[tilespmem:s23+$0xC480] =	vst v47  }
0x14a: {  	s9 =	sand.u32 $0x3, s8;
	v1 =	vld.idx.msk [tilespmem:v1+s26+$0x0], $0xffff;
	[tilespmem:s22+$0xC480] =	vst v2  }
0x14b: {  	s8 =	sadd.s32 $0x1, s8;
	s9 =	sshll.u32 s9, $0x5;
	v2 =	vadd.s32 v56, v57;
	v3 =	vld.idx.msk [tilespmem:v3+s26+$0x0], $0xffff;
	[tilespmem:s7+$0xC480] =	vst v4  }
0x14c: {  	s11 =	sand.u32 $0x3, s8;
	s0 =	sadd.s32 s9, s0;
	v4 =	vadd.s32 v56, v58;
	v9 =	vld.idx.msk [tilespmem:v9+s26+$0x0], $0xffff;
	[tilespmem:s6+$0xC480] =	vst v10  }
0x14d: {  	s12 =	sadd.s32 $0x10, s0;
	s7 =	sshll.u32 s11, $0x5;
	v10 =	vadd.s32 v56, v43;
	v11 =	vld.idx.msk [tilespmem:v11+s26+$0x0], $0xffff  }
0x14e: {  	v12 =	vadd.s32 v56, v42;
	s13 =	sor.u32 $0x300, s12;
	s14 =	sadd.s32 s7, s4  }
0x14f: {  	s17 =	sor.u32 $0x300, s0;
	[tilespmem:s13+$0x8E00] =	vst v1;
	s18 =	sadd.s32 $0x10, s14  }
0x150: {  	v1 =	vld.idx.msk [tilespmem:v2+s26+$0x0], $0xffff;
	s10 =	sor.u32 $0x300, s18;
	[tilespmem:s17+$0x8E00] =	vst v3  }
0x151: {  	v2 =	vadd.s32 v61, v59;
	s11 =	sor.u32 $0x300, s14;
	v3 =	vld.idx.msk [tilespmem:v4+s26+$0x0], $0xffff;
	[tilespmem:s10+$0x8E00] =	vst v9  }
0x152: {  	v4 =	vadd.s32 v61, v60;
	v9 =	vld.idx.msk [tilespmem:v10+s26+$0x0], $0xffff;
	[tilespmem:s11+$0x8E00] =	vst v11  }
0x153: {  	v10 =	vadd.s32 v61, v63;
	v11 =	vld.idx.msk [tilespmem:v12+s26+$0x0], $0xffff  }
0x154: {  	[tilespmem:s20+$0xC200] =	vst v46;
	v12 =	vadd.s32 v61, v41  }
0x155: {  	v17 =	vadd.s32 v62, v53;
	v18 =	vld.idx.msk [tilespmem:v44+s26+$0x0], $0xffff;
	[tilespmem:s13+$0xC200] =	vst v1  }
0x156: {  	v1 =	vadd.s32 v62, v54;
	v2 =	vld.idx.msk [tilespmem:v2+s26+$0x0], $0xffff;
	[tilespmem:s17+$0xC200] =	vst v3  }
0x157: {  	v3 =	vadd.s32 v62, v57;
	v4 =	vld.idx.msk [tilespmem:v4+s26+$0x0], $0xffff;
	[tilespmem:s10+$0xC200] =	vst v9  }
0x158: {  	s2 =	sor.u32 $0x380, s2;
	v9 =	vadd.s32 v62, v58;
	v10 =	vld.idx.msk [tilespmem:v10+s26+$0x0], $0xffff;
	[tilespmem:s11+$0xC200] =	vst v11  }
0x159: {  	[tilespmem:s2+$0x8E00] =	vst v45;
	v11 =	vadd.s32 v62, v43;
	v12 =	vld.idx.msk [tilespmem:v12+s26+$0x0], $0xffff  }
0x15a: {  	v17 =	vld.idx.msk [tilespmem:v17+s26+$0x0], $0xffff;
	[tilespmem:s1+$0x8E00] =	vst v18;
	v18 =	vadd.s32 v62, v42;
	s6 =	sor.u32 $0x380, s12  }
0x15b: {  	s0 =	sor.u32 $0x380, s0;
	v1 =	vld.idx.msk [tilespmem:v1+s26+$0x0], $0xffff;
	[tilespmem:s6+$0x8E00] =	vst v2  }
0x15c: {  	s19 =	sor.u32 $0x380, s18;
	v2 =	vld.idx.msk [tilespmem:v3+s26+$0x0], $0xffff;
	[tilespmem:s0+$0x8E00] =	vst v4  }
0x15d: {  	s4 =	sor.u32 $0x380, s14;
	v3 =	vld.idx.msk [tilespmem:v9+s26+$0x0], $0xffff;
	[tilespmem:s19+$0x8E00] =	vst v10  }
0x15e: {  	v4 =	vld.idx.msk [tilespmem:v11+s26+$0x0], $0xffff;
	[tilespmem:s4+$0x8E00] =	vst v12  }
0x15f: {  	[tilespmem:s2+$0xC200] =	vst v17;
	v9 =	vld.idx.msk [tilespmem:v18+s26+$0x0], $0xffff  }
0x160: {  	[tilespmem:s1+$0xC200] =	vst v1  }
0x161: {  	[tilespmem:s6+$0xC200] =	vst v2  }
0x162: {  	[tilespmem:s0+$0xC200] =	vst v3  }
0x163: {  	[tilespmem:s19+$0xC200] =	vst v4  }
0x164: {  	[tilespmem:s4+$0xC200] =	vst v9  }
0x165: {  	v1 =	vld [tilespmem:$0x8640]  }
0x166: {  	v2 =	vld [tilespmem:$0x8CC0];
	_ =	sdelay $0x3  }
0x167: {  	v3 =	vadd.s32 v49, v1  }
0x168: {  	v4 =	vadd.s32 v50, v2;
	_ =	sdelay $0x3  }
0x169: {  	v3 =	vld.idx.msk [tilespmem:v3+s26+$0x0], $0xffff  }
0x16a: {  	v4 =	vld.idx.msk [tilespmem:v4+s26+$0x0], $0xffff  }
0x16b: {  	v9 =	vadd.s32 v51, v1  }
0x16c: {  	v10 =	vadd.s32 v52, v2;
	_ =	sdelay $0x1  }
0x16d: {  	[tilespmem:v13+s28+$0x0] =	vst.idx.msk $0x1fff, v3  }
0x16e: {  	[tilespmem:v13+s29+$0x0] =	vst.idx.msk $0x1fff, v4  }
0x16f: {  	v3 =	vld.idx.msk [tilespmem:v9+s26+$0x0], $0xffff  }
0x170: {  	v4 =	vld.idx.msk [tilespmem:v10+s26+$0x0], $0xffff  }
0x171: {  	v9 =	vadd.s32 v55, v1  }
0x172: {  	v10 =	vadd.s32 v56, v2;
	_ =	sdelay $0x1  }
0x173: {  	[tilespmem:v14+s28+$0x0] =	vst.idx.msk $0x1fff, v3  }
0x174: {  	[tilespmem:v14+s29+$0x0] =	vst.idx.msk $0x1fff, v4  }
0x175: {  	v3 =	vld.idx.msk [tilespmem:v9+s26+$0x0], $0xffff  }
0x176: {  	v4 =	vld.idx.msk [tilespmem:v10+s26+$0x0], $0xffff  }
0x177: {  	v1 =	vadd.s32 v61, v1  }
0x178: {  	v2 =	vadd.s32 v62, v2;
	_ =	sdelay $0x1  }
0x179: {  	[tilespmem:v15+s28+$0x0] =	vst.idx.msk $0x1fff, v3  }
0x17a: {  	[tilespmem:v15+s29+$0x0] =	vst.idx.msk $0x1fff, v4  }
0x17b: {  	v1 =	vld.idx.msk [tilespmem:v1+s26+$0x0], $0xffff  }
0x17c: {  	v2 =	vld.idx.msk [tilespmem:v2+s26+$0x0], $0xffff;
	_ =	sdelay $0x3  }
0x17d: {  	[tilespmem:v16+s28+$0x0] =	vst.idx.msk $0x1fff, v1  }
0x17e: {  	s20 =	simm.s32 $0x0;
	s1 =	rddreg [dreg:$0x8];
	[tilespmem:v16+s29+$0x0] =	vst.idx.msk $0x1fff, v2  }
0x17f: {  	[hbm4b:s1+s20] =	stream.linear.scatter [tilespmem:s28], [sflag:$0x1], $0x3400, $0x38;
	[tilespmem:$0xF600] =	vst v63  }
0x180: {  	_ =	swait.ge [sflag:s5], $0x3400  }
0x181: {  	[sflag:s5] =	ssyncset.done $0x0  }
0x182: {  	v3 =	vimm.s32 $0x10;
	s22 =	rddreg [dreg:$0x9];
	[sflag:s5] =	ssyncadd.s32 $0xFFFFCC00  }
0x183: {  	[hbm4b:s22+s20] =	stream.linear.scatter [tilespmem:s29], [sflag:$0x1], $0x3400, $0x38;
	[tilespmem:$0xF600] =	vst v63  }
0x184: {  	_ =	swait.ge [sflag:s5], $0x3400  }
0x185: {  	[sflag:s5] =	ssyncset.done $0x0  }
0x186: {  	[sflag:s5] =	ssyncadd.s32 $0xFFFFCC00  }
0x187: {  	v1 =	vld.idx.msk [tilespmem:v3+s24+$0x0], $0xffff;
	_ =	sdelay $0x1  }
0x188: {  	s23 =	sand.u32 $0x60, s20  }
0x189: {  	s8 =	sand.u32 $0x780, s20;
	s7 =	sor.u32 $0x10, s23  }
0x18a: {  	s4 =	sor.u32 s8, s7  }
0x18b: {  	v2 =	vld [tilespmem:s4+$0x8000];
	v1 =	vshll.u32 v1, $0x9  }
0x18c: {  	v3 =	vld.idx.msk [tilespmem:v3+s25+$0x0], $0xffff;
	v1 =	vsub.s32 v1, v0  }
0x18d: {  	s9 =	simm.s32 $0x8000;
	v9 =	vimm.s32 $0x11;
	vm0 =	vgt.s32 v1, $0x0  }
0x18e: {  	v12 =	vimm.s32 $0x12;
	v43 =	vld [tilespmem:s9+$0x0];
	v1 =	vnsel vm0, $0x0, v1  }
0x18f: {  	v49 =	vmin.u32 v1, $0x3E00  }
0x190: {  	v4 =	vadd.s32 v49, v2  }
0x191: {  	v52 =	vld [tilespmem:s4+$0x8680];
	v3 =	vshll.u32 v3, $0x9  }
0x192: {  	v3 =	vsub.s32 v3, v0;
	v1 =	vld.idx.msk [tilespmem:v9+s24+$0x0], $0xffff  }
0x193: {  	s10 =	simm.s32 $0x8680;
	v10 =	vld.idx.msk [tilespmem:v12+s24+$0x0], $0xffff;
	vm9 =	vgt.s32 v3, $0x0;
	v11 =	vadd.s32 v49, v43  }
0x194: {  	v54 =	vld [tilespmem:s10+$0x0];
	v3 =	vnsel vm9, $0x0, v3  }
0x195: {  	v50 =	vmin.u32 v3, $0x3E00;
	v3 =	vld.idx.msk [tilespmem:v4+s26+$0x0], $0xffff  }
0x196: {  	v4 =	vld.idx.msk [tilespmem:v12+s25+$0x0], $0xffff;
	v12 =	vadd.s32 v50, v52  }
0x197: {  	v9 =	vld.idx.msk [tilespmem:v9+s25+$0x0], $0xffff;
	v1 =	vshll.u32 v1, $0x9  }
0x198: {  	s11 =	simm.s32 $0x20;
	s0 =	sand.u32 $0x3C00, s20;
	v1 =	vsub.s32 v1, v0;
	v11 =	vld.idx.msk [tilespmem:v11+s26+$0x0], $0xffff  }
0x199: {  	s12 =	sand.u32 $0x60, s11;
	s31 =	sor.u32 s0, s7;
	v17 =	vld.idx.msk [tilespmem:v20+s24+$0x0], $0xffff;
	v19 =	vadd.s32 v50, v54;
	vm10 =	vgt.s32 v1, $0x0  }
0x19a: {  	s13 =	sor.u32 $0x10, s12;
	v18 =	vld.idx.msk [tilespmem:v20+s25+$0x0], $0xffff;
	s4 =	sand.u32 $0x780, s11;
	v1 =	vnsel vm10, $0x0, v1;
	[tilespmem:s31+$0x8E00] =	vst v3  }
0x19b: {  	s4 =	sor.u32 s4, s13;
	v51 =	vmin.u32 v1, $0x3E00;
	v1 =	vld.idx.msk [tilespmem:v12+s26+$0x0], $0xffff  }
0x19c: {  	s2 =	sor.u32 s23, s0;
	v58 =	vld [tilespmem:s4+$0x8000];
	v3 =	vadd.s32 v51, v2  }
0x19d: {  	v9 =	vshll.u32 v9, $0x9;
	[tilespmem:s2+$0x8E00] =	vst v11  }
0x19e: {  	s14 =	simm.s32 $0x8020;
	v9 =	vsub.s32 v9, v0;
	v11 =	vld.idx.msk [tilespmem:v19+s26+$0x0], $0xffff  }
0x19f: {  	v60 =	vld [tilespmem:s14+$0x0];
	vm11 =	vgt.s32 v9, $0x0;
	v12 =	vadd.s32 v51, v43  }
0x1a0: {  	v9 =	vnsel vm11, $0x0, v9;
	[tilespmem:s31+$0xC200] =	vst v1  }
0x1a1: {  	v53 =	vmin.u32 v9, $0x3E00;
	v1 =	vld.idx.msk [tilespmem:v3+s26+$0x0], $0xffff;
	v3 =	vadd.s32 v49, v58  }
0x1a2: {  	v57 =	vld [tilespmem:s4+$0x8680];
	v9 =	vadd.s32 v53, v52  }
0x1a3: {  	v10 =	vshll.u32 v10, $0x9;
	[tilespmem:s2+$0xC200] =	vst v11  }
0x1a4: {  	s17 =	simm.s32 $0x86A0;
	v10 =	vsub.s32 v10, v0;
	v11 =	vadd.s32 v49, v60;
	v12 =	vld.idx.msk [tilespmem:v12+s26+$0x0], $0xffff  }
0x1a5: {  	v59 =	vld [tilespmem:s17+$0x0];
	vm12 =	vgt.s32 v10, $0x0;
	v19 =	vadd.s32 v53, v54  }
0x1a6: {  	v10 =	vnsel vm12, $0x0, v10;
	v3 =	vld.idx.msk [tilespmem:v3+s26+$0x0], $0xffff;
	[tilespmem:s31+$0x8E80] =	vst v1  }
0x1a7: {  	v55 =	vmin.u32 v10, $0x3E00;
	v1 =	vld.idx.msk [tilespmem:v9+s26+$0x0], $0xffff;
	v9 =	vadd.s32 v50, v57  }
0x1a8: {  	s18 =	simm.s32 $0x100;
	v10 =	vadd.s32 v55, v2  }
0x1a9: {  	s19 =	sand.u32 $0x3C00, s18;
	v4 =	vshll.u32 v4, $0x9;
	v11 =	vld.idx.msk [tilespmem:v11+s26+$0x0], $0xffff;
	[tilespmem:s2+$0x8E80] =	vst v12  }
0x1aa: {  	s0 =	sor.u32 s19, s13;
	s17 =	simm.s32 $0x40;
	v4 =	vsub.s32 v4, v0;
	v12 =	vld.idx.msk [tilespmem:v19+s26+$0x0], $0xffff;
	v19 =	vadd.s32 v50, v59  }
0x1ab: {  	s4 =	sand.u32 $0x60, s17;
	vm13 =	vgt.s32 v4, $0x0;
	[tilespmem:s0+$0x8E00] =	vst v3  }
0x1ac: {  	s20 =	sand.u32 $0x780, s17;
	s18 =	sor.u32 $0x10, s4;
	v3 =	vnsel vm13, $0x0, v4;
	v4 =	vld.idx.msk [tilespmem:v9+s26+$0x0], $0xffff;
	v9 =	vadd.s32 v55, v43;
	[tilespmem:s31+$0xC280] =	vst v1  }
0x1ad: {  	s1 =	sor.u32 s12, s19;
	s22 =	sor.u32 s20, s18;
	v56 =	vmin.u32 v3, $0x3E00;
	v3 =	vadd.s32 v51, v58;
	v1 =	vld.idx.msk [tilespmem:v10+s26+$0x0], $0xffff  }
0x1ae: {  	v63 =	vld [tilespmem:s22+$0x8000];
	[tilespmem:s1+$0x8E00] =	vst v11  }
0x1af: {  	s23 =	simm.s32 $0x8040;
	v11 =	vshll.u32 v17, $0x9;
	v17 =	vld.idx.msk [tilespmem:v19+s26+$0x0], $0xffff;
	v10 =	vadd.s32 v56, v52  }
0x1b0: {  	v62 =	vld [tilespmem:s23+$0x0];
	v11 =	vsub.s32 v11, v0;
	[tilespmem:s2+$0xC280] =	vst v12  }
0x1b1: {  	v12 =	vadd.s32 v51, v60;
	vm14 =	vgt.s32 v11, $0x0;
	v9 =	vld.idx.msk [tilespmem:v9+s26+$0x0], $0xffff;
	[tilespmem:s0+$0xC200] =	vst v4  }
0x1b2: {  	s6 =	simm.s32 $0x86C0;
	v4 =	vld.idx.msk [tilespmem:v3+s26+$0x0], $0xffff;
	v3 =	vadd.s32 v56, v54;
	[tilespmem:s31+$0x8F00] =	vst v1;
	v1 =	vnsel vm14, $0x0, v11  }
0x1b3: {  	v42 =	vld [tilespmem:s6+$0x0];
	v11 =	vadd.s32 v49, v63;
	v61 =	vmin.u32 v1, $0x3E00  }
0x1b4: {  	[tilespmem:s1+$0xC200] =	vst v17;
	v10 =	vld.idx.msk [tilespmem:v10+s26+$0x0], $0xffff;
	v1 =	vadd.s32 v53, v57;
	v17 =	vadd.s32 v61, v2;
	v2 =	vshll.u32 v18, $0x9  }
0x1b5: {  	v44 =	vld [tilespmem:s22+$0x8680];
	v2 =	vsub.s32 v2, v0  }
0x1b6: {  	v48 =	vld.idx.msk [tilespmem:v12+s26+$0x0], $0xffff;
	v18 =	vadd.s32 v49, v62;
	[tilespmem:s2+$0x8F00] =	vst v9;
	vm15 =	vgt.s32 v2, $0x0  }
0x1b7: {  	v46 =	vld.idx.msk [tilespmem:v3+s26+$0x0], $0xffff;
	v2 =	vnsel vm15, $0x0, v2  }
0x1b8: {  	v3 =	vld.idx.msk [tilespmem:v11+s26+$0x0], $0xffff;
	[tilespmem:s0+$0x8E80] =	vst v4;
	v41 =	vmin.u32 v2, $0x3E00;
	v2 =	vadd.s32 v53, v59  }
0x1b9: {  	v43 =	vadd.s32 v61, v43;
	v47 =	vld.idx.msk [tilespmem:v1+s26+$0x0], $0xffff;
	[tilespmem:s31+$0xC300] =	vst v10  }
0x1ba: {  	v9 =	vadd.s32 v50, v44;
	v45 =	vld.idx.msk [tilespmem:v17+s26+$0x0], $0xffff  }
0x1bb: {  	s7 =	simm.s32 $0x4;
	s8 =	simm.s32 $0x200;
	s19 =	simm.s32 $0x8060;
	v1 =	vadd.s32 v55, v58;
	v4 =	vld.idx.msk [tilespmem:v18+s26+$0x0], $0xffff  }
.LBB2_10:
0x1bc: {  	v10 =	vld [tilespmem:s19+$0x0];
	s9 =	sand.u32 $0x3C00, s8;
	[tilespmem:s1+$0x8E80] =	vst v48;
	v11 =	vadd.s32 v41, v52;
	v52 =	vmov v57;
	v57 =	vmov v44  }
0x1bd: {  	s20 =	sor.u32 s4, s9;
	s9 =	sor.u32 s9, s18;
	v2 =	vld.idx.msk [tilespmem:v2+s26+$0x0], $0xffff;
	[tilespmem:s2+$0xC300] =	vst v46  }
0x1be: {  	v12 =	vadd.s32 v50, v42;
	s17 =	sadd.s32 $0x20, s17;
	[tilespmem:s9+$0x8E00] =	vst v3;
	v3 =	vld.idx.msk [tilespmem:v43+s26+$0x0], $0xffff  }
0x1bf: {  	s7 =	sadd.s32 $0x2, s7;
	v17 =	vadd.s32 v55, v60;
	s4 =	sand.u32 $0x60, s17;
	v9 =	vld.idx.msk [tilespmem:v9+s26+$0x0], $0xffff;
	[tilespmem:s0+$0xC280] =	vst v47  }
0x1c0: {  	v18 =	vadd.s32 v41, v54;
	v54 =	vmov v59;
	v59 =	vmov v42;
	s10 =	sand.u32 $0x780, s17;
	p4 =	slt.u32 s7, $0x62;
	s18 =	sor.u32 $0x10, s4;
	v1 =	vld.idx.msk [tilespmem:v1+s26+$0x0], $0xffff;
	[tilespmem:s31+$0x8F80] =	vst v45  }
0x1c1: {  	s10 =	sor.u32 s10, s18;
	[tilespmem:s20+$0x8E00] =	vst v4;
	v4 =	vadd.s32 v51, v63;
	v11 =	vld.idx.msk [tilespmem:v11+s26+$0x0], $0xffff  }
0x1c2: {  	v42 =	vadd.s32 v56, v52;
	v19 =	vld [tilespmem:s10+$0x8000]  }
0x1c3: {  	v12 =	vld.idx.msk [tilespmem:v12+s26+$0x0], $0xffff;
	[tilespmem:s1+$0xC280] =	vst v2  }
0x1c4: {  	v2 =	vld.idx.msk [tilespmem:v17+s26+$0x0], $0xffff;
	[tilespmem:s2+$0x8F80] =	vst v3  }
0x1c5: {  	v3 =	vadd.s32 v51, v62;
	[tilespmem:s9+$0xC200] =	vst v9;
	v9 =	vld.idx.msk [tilespmem:v18+s26+$0x0], $0xffff  }
0x1c6: {  	v17 =	vadd.s32 v56, v54;
	v4 =	vld.idx.msk [tilespmem:v4+s26+$0x0], $0xffff;
	[tilespmem:s0+$0x8F00] =	vst v1  }
0x1c7: {  	s6 =	sadd.s32 $0x20, s6;
	v1 =	vadd.s32 v49, v19;
	v18 =	vld.idx.msk [tilespmem:v42+s26+$0x0], $0xffff;
	[tilespmem:s31+$0xC380] =	vst v11;
	s31 =	smov.u32 s0;
	s0 =	smov.u32 s9  }
0x1c8: {  	v11 =	vadd.s32 v53, v57;
	v42 =	vld [tilespmem:s6+$0x0]  }
0x1c9: {  	v44 =	vld [tilespmem:s10+$0x8680];
	[tilespmem:s20+$0xC200] =	vst v12;
	v12 =	vadd.s32 v61, v58;
	v58 =	vmov v63;
	v63 =	vmov v19  }
0x1ca: {  	v19 =	vadd.s32 v49, v10;
	v48 =	vld.idx.msk [tilespmem:v3+s26+$0x0], $0xffff;
	[tilespmem:s1+$0x8F00] =	vst v2  }
.Ltmp6:
0x1cb: {  	v46 =	vld.idx.msk [tilespmem:v17+s26+$0x0], $0xffff;
	[tilespmem:s2+$0xC380] =	vst v9;
	s2 =	smov.u32 s1;
	s1 =	smov.u32 s20;
	(pc) =	sbr.rel @p4 .LBB2_10-.Ltmp6, $4  }
0x1cc: {  	v2 =	vadd.s32 v53, v59;
	v3 =	vld.idx.msk [tilespmem:v1+s26+$0x0], $0xffff;
	[tilespmem:s0+$0x8E80] =	vst v4  }
0x1cd: {  	v43 =	vadd.s32 v61, v60;
	v60 =	vmov v62;
	v62 =	vmov v10;
	v47 =	vld.idx.msk [tilespmem:v11+s26+$0x0], $0xffff;
	[tilespmem:s31+$0xC300] =	vst v18  }
0x1ce: {  	v9 =	vadd.s32 v50, v44;
	v45 =	vld.idx.msk [tilespmem:v12+s26+$0x0], $0xffff  }
0x1cf: {  	s19 =	sadd.s32 $0x20, s19;
	s8 =	sadd.s32 $0x100, s8;
	v1 =	vadd.s32 v55, v58;
	v4 =	vld.idx.msk [tilespmem:v19+s26+$0x0], $0xffff  }
0x1d0: {  	v10 =	vadd.s32 v50, v42  }
0x1d1: {  	s7 =	sand.u32 $0x3C00, s8  }
0x1d2: {  	s6 =	sor.u32 s7, s18  }
0x1d3: {  	s4 =	sor.u32 s4, s7;
	[tilespmem:s6+$0x8E00] =	vst v3  }
0x1d4: {  	v3 =	vld.idx.msk [tilespmem:v9+s26+$0x0], $0xffff;
	[tilespmem:s4+$0x8E00] =	vst v4  }
0x1d5: {  	v4 =	vadd.s32 v51, v63;
	v9 =	vld.idx.msk [tilespmem:v10+s26+$0x0], $0xffff  }
0x1d6: {  	v10 =	vadd.s32 v51, v62;
	_ =	sdelay $0x2  }
0x1d7: {  	[tilespmem:s6+$0xC200] =	vst v3  }
0x1d8: {  	v3 =	vld.idx.msk [tilespmem:v4+s26+$0x0], $0xffff;
	[tilespmem:s4+$0xC200] =	vst v9  }
0x1d9: {  	v4 =	vadd.s32 v53, v44;
	v9 =	vld.idx.msk [tilespmem:v10+s26+$0x0], $0xffff  }
0x1da: {  	v10 =	vadd.s32 v53, v42;
	_ =	sdelay $0x1  }
0x1db: {  	[tilespmem:s1+$0x8E80] =	vst v48  }
0x1dc: {  	v2 =	vld.idx.msk [tilespmem:v2+s26+$0x0], $0xffff;
	[tilespmem:s6+$0x8E80] =	vst v3  }
0x1dd: {  	v3 =	vadd.s32 v55, v60;
	v4 =	vld.idx.msk [tilespmem:v4+s26+$0x0], $0xffff;
	[tilespmem:s4+$0x8E80] =	vst v9  }
0x1de: {  	v9 =	vadd.s32 v55, v63;
	v10 =	vld.idx.msk [tilespmem:v10+s26+$0x0], $0xffff  }
0x1df: {  	v11 =	vadd.s32 v55, v62  }
0x1e0: {  	[tilespmem:s0+$0xC280] =	vst v47  }
0x1e1: {  	v1 =	vld.idx.msk [tilespmem:v1+s26+$0x0], $0xffff;
	[tilespmem:s1+$0xC280] =	vst v2  }
0x1e2: {  	v2 =	vadd.s32 v56, v57;
	v3 =	vld.idx.msk [tilespmem:v3+s26+$0x0], $0xffff;
	[tilespmem:s6+$0xC280] =	vst v4  }
0x1e3: {  	v4 =	vadd.s32 v56, v59;
	v9 =	vld.idx.msk [tilespmem:v9+s26+$0x0], $0xffff;
	[tilespmem:s4+$0xC280] =	vst v10  }
0x1e4: {  	v10 =	vadd.s32 v56, v44;
	v11 =	vld.idx.msk [tilespmem:v11+s26+$0x0], $0xffff  }
0x1e5: {  	v12 =	vadd.s32 v56, v42  }
0x1e6: {  	[tilespmem:s0+$0x8F00] =	vst v1  }
0x1e7: {  	v1 =	vld.idx.msk [tilespmem:v2+s26+$0x0], $0xffff;
	[tilespmem:s1+$0x8F00] =	vst v3  }
0x1e8: {  	v2 =	vadd.s32 v61, v58;
	v3 =	vld.idx.msk [tilespmem:v4+s26+$0x0], $0xffff;
	[tilespmem:s6+$0x8F00] =	vst v9  }
0x1e9: {  	v4 =	vadd.s32 v61, v60;
	v9 =	vld.idx.msk [tilespmem:v10+s26+$0x0], $0xffff;
	[tilespmem:s4+$0x8F00] =	vst v11  }
0x1ea: {  	v10 =	vadd.s32 v61, v63;
	v11 =	vld.idx.msk [tilespmem:v12+s26+$0x0], $0xffff  }
0x1eb: {  	[tilespmem:s2+$0xC300] =	vst v46;
	v12 =	vadd.s32 v61, v62  }
0x1ec: {  	v17 =	vadd.s32 v41, v52;
	v18 =	vld.idx.msk [tilespmem:v43+s26+$0x0], $0xffff;
	[tilespmem:s0+$0xC300] =	vst v1  }
0x1ed: {  	v1 =	vadd.s32 v41, v54;
	v2 =	vld.idx.msk [tilespmem:v2+s26+$0x0], $0xffff;
	[tilespmem:s1+$0xC300] =	vst v3  }
0x1ee: {  	v3 =	vadd.s32 v41, v57;
	v4 =	vld.idx.msk [tilespmem:v4+s26+$0x0], $0xffff;
	[tilespmem:s6+$0xC300] =	vst v9  }
0x1ef: {  	v9 =	vadd.s32 v41, v59;
	v10 =	vld.idx.msk [tilespmem:v10+s26+$0x0], $0xffff;
	[tilespmem:s4+$0xC300] =	vst v11  }
0x1f0: {  	[tilespmem:s31+$0x8F80] =	vst v45;
	v11 =	vadd.s32 v41, v44;
	v12 =	vld.idx.msk [tilespmem:v12+s26+$0x0], $0xffff  }
0x1f1: {  	v17 =	vld.idx.msk [tilespmem:v17+s26+$0x0], $0xffff;
	[tilespmem:s2+$0x8F80] =	vst v18;
	v18 =	vadd.s32 v41, v42  }
0x1f2: {  	v1 =	vld.idx.msk [tilespmem:v1+s26+$0x0], $0xffff;
	[tilespmem:s0+$0x8F80] =	vst v2  }
0x1f3: {  	v2 =	vld.idx.msk [tilespmem:v3+s26+$0x0], $0xffff;
	[tilespmem:s1+$0x8F80] =	vst v4  }
0x1f4: {  	v3 =	vld.idx.msk [tilespmem:v9+s26+$0x0], $0xffff;
	[tilespmem:s6+$0x8F80] =	vst v10  }
0x1f5: {  	v4 =	vld.idx.msk [tilespmem:v11+s26+$0x0], $0xffff;
	[tilespmem:s4+$0x8F80] =	vst v12  }
0x1f6: {  	[tilespmem:s31+$0xC380] =	vst v17;
	v9 =	vld.idx.msk [tilespmem:v18+s26+$0x0], $0xffff  }
0x1f7: {  	[tilespmem:s2+$0xC380] =	vst v1  }
0x1f8: {  	[tilespmem:s0+$0xC380] =	vst v2  }
0x1f9: {  	[tilespmem:s1+$0xC380] =	vst v3  }
0x1fa: {  	[tilespmem:s6+$0xC380] =	vst v4  }
0x1fb: {  	[tilespmem:s4+$0xC380] =	vst v9  }
0x1fc: {  	v1 =	vld [tilespmem:$0x8640]  }
0x1fd: {  	v2 =	vld [tilespmem:$0x8CC0];
	_ =	sdelay $0x3  }
0x1fe: {  	v3 =	vadd.s32 v49, v1  }
0x1ff: {  	v4 =	vadd.s32 v50, v2;
	_ =	sdelay $0x3  }
0x200: {  	v3 =	vld.idx.msk [tilespmem:v3+s26+$0x0], $0xffff  }
0x201: {  	v4 =	vld.idx.msk [tilespmem:v4+s26+$0x0], $0xffff  }
0x202: {  	v9 =	vadd.s32 v51, v1  }
0x203: {  	v10 =	vadd.s32 v53, v2;
	_ =	sdelay $0x1  }
0x204: {  	[tilespmem:v5+s28+$0x0] =	vst.idx.msk $0x1fff, v3  }
0x205: {  	[tilespmem:v5+s29+$0x0] =	vst.idx.msk $0x1fff, v4  }
0x206: {  	v3 =	vld.idx.msk [tilespmem:v9+s26+$0x0], $0xffff  }
0x207: {  	v4 =	vld.idx.msk [tilespmem:v10+s26+$0x0], $0xffff  }
0x208: {  	v9 =	vadd.s32 v55, v1  }
0x209: {  	v10 =	vadd.s32 v56, v2;
	_ =	sdelay $0x1  }
0x20a: {  	[tilespmem:v6+s28+$0x0] =	vst.idx.msk $0x1fff, v3  }
0x20b: {  	[tilespmem:v6+s29+$0x0] =	vst.idx.msk $0x1fff, v4  }
0x20c: {  	v3 =	vld.idx.msk [tilespmem:v9+s26+$0x0], $0xffff  }
0x20d: {  	v4 =	vld.idx.msk [tilespmem:v10+s26+$0x0], $0xffff  }
0x20e: {  	v1 =	vadd.s32 v61, v1  }
0x20f: {  	v2 =	vadd.s32 v41, v2;
	_ =	sdelay $0x1  }
0x210: {  	[tilespmem:v7+s28+$0x0] =	vst.idx.msk $0x1fff, v3  }
0x211: {  	[tilespmem:v7+s29+$0x0] =	vst.idx.msk $0x1fff, v4  }
0x212: {  	v1 =	vld.idx.msk [tilespmem:v1+s26+$0x0], $0xffff  }
0x213: {  	v2 =	vld.idx.msk [tilespmem:v2+s26+$0x0], $0xffff;
	_ =	sdelay $0x3  }
0x214: {  	[tilespmem:v8+s28+$0x0] =	vst.idx.msk $0x1fff, v1  }
0x215: {  	[tilespmem:v8+s29+$0x0] =	vst.idx.msk $0x1fff, v2  }
0x216: {  	v1 =	vld.idx.msk [tilespmem:v21+s24+$0x0], $0xffff  }
0x217: {  	s31 =	simm.s32 $0x0  }
0x218: {  	s10 =	sand.u32 $0x60, s31  }
0x219: {  	s12 =	sand.u32 $0x780, s31;
	s11 =	sor.u32 $0x10, s10  }
0x21a: {  	s2 =	sor.u32 s12, s11  }
0x21b: {  	v62 =	vld [tilespmem:s2+$0x8000];
	v1 =	vshll.u32 v1, $0x9  }
0x21c: {  	v2 =	vld.idx.msk [tilespmem:v21+s25+$0x0], $0xffff;
	v1 =	vsub.s32 v1, v0  }
0x21d: {  	vm0 =	vgt.s32 v1, $0x0  }
0x21e: {  	s13 =	simm.s32 $0x8000;
	v1 =	vnsel vm0, $0x0, v1  }
0x21f: {  	v44 =	vld [tilespmem:s13+$0x0];
	v49 =	vmin.u32 v1, $0x3E00  }
0x220: {  	v3 =	vadd.s32 v49, v62  }
0x221: {  	v53 =	vld [tilespmem:s2+$0x8680];
	v2 =	vshll.u32 v2, $0x9  }
0x222: {  	v2 =	vsub.s32 v2, v0;
	v1 =	vld.idx.msk [tilespmem:v22+s24+$0x0], $0xffff  }
0x223: {  	s14 =	simm.s32 $0x8680;
	v4 =	vld.idx.msk [tilespmem:v22+s25+$0x0], $0xffff;
	vm9 =	vgt.s32 v2, $0x0  }
0x224: {  	v54 =	vld [tilespmem:s14+$0x0];
	v2 =	vnsel vm9, $0x0, v2;
	v10 =	vadd.s32 v49, v44  }
0x225: {  	v50 =	vmin.u32 v2, $0x3E00;
	v2 =	vld.idx.msk [tilespmem:v3+s26+$0x0], $0xffff  }
0x226: {  	v9 =	vld.idx.msk [tilespmem:v23+s24+$0x0], $0xffff;
	v11 =	vadd.s32 v50, v53  }
0x227: {  	v12 =	vld.idx.msk [tilespmem:v24+s24+$0x0], $0xffff;
	v1 =	vshll.u32 v1, $0x9  }
0x228: {  	s18 =	simm.s32 $0x20;
	s17 =	sand.u32 $0x3C00, s31;
	v17 =	vld.idx.msk [tilespmem:v24+s25+$0x0], $0xffff;
	v1 =	vsub.s32 v1, v0  }
0x229: {  	s20 =	sand.u32 $0x60, s18;
	s19 =	sor.u32 s17, s11;
	v10 =	vld.idx.msk [tilespmem:v10+s26+$0x0], $0xffff;
	vm10 =	vgt.s32 v1, $0x0  }
0x22a: {  	s22 =	sor.u32 $0x10, s20;
	s4 =	sand.u32 $0x780, s18;
	v18 =	vadd.s32 v50, v54;
	v3 =	vld.idx.msk [tilespmem:v23+s25+$0x0], $0xffff;
	v1 =	vnsel vm10, $0x0, v1;
	[tilespmem:s19+$0x9000] =	vst v2  }
0x22b: {  	s4 =	sor.u32 s4, s22;
	v51 =	vmin.u32 v1, $0x3E00;
	v1 =	vld.idx.msk [tilespmem:v11+s26+$0x0], $0xffff  }
0x22c: {  	v59 =	vld [tilespmem:s4+$0x8000];
	v2 =	vadd.s32 v51, v62  }
0x22d: {  	s2 =	sor.u32 s10, s17;
	v4 =	vshll.u32 v4, $0x9  }
0x22e: {  	v4 =	vsub.s32 v4, v0;
	[tilespmem:s2+$0x9000] =	vst v10  }
0x22f: {  	s23 =	simm.s32 $0x8020;
	vm11 =	vgt.s32 v4, $0x0;
	v10 =	vld.idx.msk [tilespmem:v18+s26+$0x0], $0xffff  }
0x230: {  	v60 =	vld [tilespmem:s23+$0x0];
	v4 =	vnsel vm11, $0x0, v4;
	v11 =	vadd.s32 v51, v44;
	[tilespmem:s19+$0xC400] =	vst v1  }
0x231: {  	v52 =	vmin.u32 v4, $0x3E00;
	v1 =	vld.idx.msk [tilespmem:v2+s26+$0x0], $0xffff;
	v2 =	vadd.s32 v49, v59  }
0x232: {  	v57 =	vld [tilespmem:s4+$0x8680];
	v4 =	vadd.s32 v52, v53  }
0x233: {  	s4 =	simm.s32 $0x86A0  }
0x234: {  	v58 =	vld [tilespmem:s4+$0x0];
	v9 =	vshll.u32 v9, $0x9;
	[tilespmem:s2+$0xC400] =	vst v10  }
0x235: {  	v9 =	vsub.s32 v9, v0;
	v10 =	vadd.s32 v49, v60;
	v11 =	vld.idx.msk [tilespmem:v11+s26+$0x0], $0xffff  }
0x236: {  	vm12 =	vgt.s32 v9, $0x0;
	v18 =	vadd.s32 v52, v54;
	v2 =	vld.idx.msk [tilespmem:v2+s26+$0x0], $0xffff;
	[tilespmem:s19+$0x9080] =	vst v1  }
0x237: {  	v9 =	vnsel vm12, $0x0, v9;
	v1 =	vld.idx.msk [tilespmem:v4+s26+$0x0], $0xffff;
	v4 =	vadd.s32 v50, v57  }
0x238: {  	s0 =	simm.s32 $0x100;
	v55 =	vmin.u32 v9, $0x3E00  }
0x239: {  	s8 =	sand.u32 $0x3C00, s0;
	v9 =	vadd.s32 v55, v62;
	v3 =	vshll.u32 v3, $0x9  }
0x23a: {  	s23 =	sor.u32 s8, s22;
	v3 =	vsub.s32 v3, v0;
	v10 =	vld.idx.msk [tilespmem:v10+s26+$0x0], $0xffff;
	[tilespmem:s2+$0x9080] =	vst v11  }
0x23b: {  	s17 =	simm.s32 $0x40;
	vm13 =	vgt.s32 v3, $0x0;
	v11 =	vld.idx.msk [tilespmem:v18+s26+$0x0], $0xffff;
	v18 =	vadd.s32 v50, v58;
	[tilespmem:s23+$0x9000] =	vst v2  }
0x23c: {  	s12 =	simm.s32 $0x8040;
	s18 =	sand.u32 $0x60, s17;
	v2 =	vnsel vm13, $0x0, v3;
	v3 =	vld.idx.msk [tilespmem:v4+s26+$0x0], $0xffff;
	v4 =	vadd.s32 v55, v44  }
0x23d: {  	v63 =	vld [tilespmem:s12+$0x0];
	s9 =	sand.u32 $0x780, s17;
	[tilespmem:s19+$0xC480] =	vst v1;
	s19 =	sor.u32 $0x10, s18  }
0x23e: {  	s22 =	sor.u32 s20, s8;
	v56 =	vmin.u32 v2, $0x3E00;
	v2 =	vadd.s32 v51, v59;
	v1 =	vld.idx.msk [tilespmem:v9+s26+$0x0], $0xffff;
	s10 =	sor.u32 s9, s19  }
0x23f: {  	s11 =	sand.u32 $0x3, s31;
	[tilespmem:s22+$0x9000] =	vst v10;
	v41 =	vld [tilespmem:s10+$0x8000]  }
0x240: {  	s13 =	sshll.u32 s11, $0x5;
	v10 =	vshll.u32 v12, $0x9;
	v12 =	vld.idx.msk [tilespmem:v18+s26+$0x0], $0xffff;
	[tilespmem:s2+$0xC480] =	vst v11  }
0x241: {  	s1 =	sadd.s32 $0x0, s13;
	v9 =	vadd.s32 v56, v53;
	v4 =	vld.idx.msk [tilespmem:v4+s26+$0x0], $0xffff  }
0x242: {  	v10 =	vsub.s32 v10, v0;
	s2 =	sadd.s32 $0x10, s1;
	v11 =	vadd.s32 v51, v60;
	[tilespmem:s23+$0xC400] =	vst v3  }
0x243: {  	s6 =	simm.s32 $0x86C0;
	vm14 =	vgt.s32 v10, $0x0;
	s14 =	sor.u32 $0x300, s2;
	v3 =	vadd.s32 v56, v54;
	v2 =	vld.idx.msk [tilespmem:v2+s26+$0x0], $0xffff  }
0x244: {  	v42 =	vld [tilespmem:s6+$0x0];
	[tilespmem:s14+$0x8E00] =	vst v1;
	v1 =	vnsel vm14, $0x0, v10;
	v10 =	vadd.s32 v49, v41  }
0x245: {  	s20 =	sor.u32 $0x300, s1;
	v17 =	vshll.u32 v17, $0x9;
	v43 =	vld [tilespmem:s10+$0x8680];
	[tilespmem:s22+$0xC400] =	vst v12;
	v61 =	vmin.u32 v1, $0x3E00;
	v1 =	vadd.s32 v52, v57  }
0x246: {  	v18 =	vadd.s32 v49, v63;
	v9 =	vld.idx.msk [tilespmem:v9+s26+$0x0], $0xffff;
	[tilespmem:s20+$0x8E00] =	vst v4;
	v4 =	vsub.s32 v17, v0  }
0x247: {  	v48 =	vld.idx.msk [tilespmem:v11+s26+$0x0], $0xffff;
	v12 =	vadd.s32 v61, v62;
	vm15 =	vgt.s32 v4, $0x0  }
0x248: {  	v46 =	vld.idx.msk [tilespmem:v3+s26+$0x0], $0xffff;
	[tilespmem:s23+$0x9080] =	vst v2;
	v2 =	vnsel vm15, $0x0, v4  }
0x249: {  	v3 =	vld.idx.msk [tilespmem:v10+s26+$0x0], $0xffff;
	v62 =	vmin.u32 v2, $0x3E00;
	v2 =	vadd.s32 v52, v58  }
0x24a: {  	v44 =	vadd.s32 v61, v44;
	v47 =	vld.idx.msk [tilespmem:v1+s26+$0x0], $0xffff  }
0x24b: {  	s7 =	simm.s32 $0x4;
	[tilespmem:s14+$0xC200] =	vst v9;
	v9 =	vadd.s32 v50, v43;
	v4 =	vld.idx.msk [tilespmem:v18+s26+$0x0], $0xffff  }
0x24c: {  	s8 =	simm.s32 $0x8060;
	s4 =	simm.s32 $0x200;
	s1 =	sor.u32 $0x380, s1;
	v1 =	vadd.s32 v55, v59;
	v45 =	vld.idx.msk [tilespmem:v12+s26+$0x0], $0xffff  }
.LBB2_12:
0x24d: {  	v10 =	vld [tilespmem:s8+$0x0];
	s9 =	sand.u32 $0x3C00, s4;
	[tilespmem:s22+$0x9080] =	vst v48;
	v11 =	vadd.s32 v62, v53;
	v53 =	vmov v57;
	v57 =	vmov v43  }
0x24e: {  	s10 =	sor.u32 s18, s9;
	s9 =	sor.u32 s9, s19;
	v2 =	vld.idx.msk [tilespmem:v2+s26+$0x0], $0xffff;
	[tilespmem:s20+$0xC200] =	vst v46  }
0x24f: {  	v12 =	vadd.s32 v50, v42;
	s17 =	sadd.s32 $0x20, s17;
	s31 =	sadd.s32 $0x1, s31;
	[tilespmem:s9+$0x9000] =	vst v3;
	v3 =	vld.idx.msk [tilespmem:v44+s26+$0x0], $0xffff  }
0x250: {  	s7 =	sadd.s32 $0x2, s7;
	v17 =	vadd.s32 v55, v60;
	s11 =	sor.u32 $0x380, s2;
	s18 =	sand.u32 $0x60, s17;
	v9 =	vld.idx.msk [tilespmem:v9+s26+$0x0], $0xffff;
	[tilespmem:s23+$0xC480] =	vst v47  }
0x251: {  	v18 =	vadd.s32 v62, v54;
	v54 =	vmov v58;
	v58 =	vmov v42;
	s2 =	sand.u32 $0x780, s17;
	p4 =	slt.u32 s7, $0x62;
	s19 =	sor.u32 $0x10, s18;
	v1 =	vld.idx.msk [tilespmem:v1+s26+$0x0], $0xffff;
	[tilespmem:s11+$0x8E00] =	vst v45  }
0x252: {  	s12 =	sor.u32 s2, s19;
	s2 =	sand.u32 $0x3, s31;
	s23 =	smov.u32 s9;
	[tilespmem:s10+$0x9000] =	vst v4;
	v4 =	vadd.s32 v51, v41;
	v11 =	vld.idx.msk [tilespmem:v11+s26+$0x0], $0xffff  }
0x253: {  	v42 =	vadd.s32 v56, v53;
	s2 =	sshll.u32 s2, $0x5;
	v19 =	vld [tilespmem:s12+$0x8000]  }
0x254: {  	s2 =	sadd.s32 s2, s0;
	s0 =	smov.u32 s4;
	v12 =	vld.idx.msk [tilespmem:v12+s26+$0x0], $0xffff;
	[tilespmem:s22+$0xC480] =	vst v2;
	s22 =	smov.u32 s10  }
0x255: {  	s20 =	sor.u32 $0x300, s2;
	s9 =	sor.u32 $0x380, s2;
	s2 =	sadd.s32 $0x10, s2;
	v2 =	vld.idx.msk [tilespmem:v17+s26+$0x0], $0xffff;
	[tilespmem:s1+$0x8E00] =	vst v3  }
0x256: {  	s10 =	sor.u32 $0x300, s2;
	v3 =	vadd.s32 v51, v63;
	[tilespmem:s23+$0xC400] =	vst v9;
	v9 =	vld.idx.msk [tilespmem:v18+s26+$0x0], $0xffff  }
0x257: {  	v17 =	vadd.s32 v56, v54;
	v4 =	vld.idx.msk [tilespmem:v4+s26+$0x0], $0xffff;
	[tilespmem:s10+$0x8E00] =	vst v1  }
0x258: {  	s6 =	sadd.s32 $0x20, s6;
	v1 =	vadd.s32 v49, v19;
	v18 =	vld.idx.msk [tilespmem:v42+s26+$0x0], $0xffff;
	[tilespmem:s11+$0xC200] =	vst v11  }
0x259: {  	v11 =	vadd.s32 v52, v57;
	v42 =	vld [tilespmem:s6+$0x0]  }
0x25a: {  	v43 =	vld [tilespmem:s12+$0x8680];
	[tilespmem:s22+$0xC400] =	vst v12;
	v12 =	vadd.s32 v61, v59;
	v59 =	vmov v41;
	v41 =	vmov v19  }
0x25b: {  	v19 =	vadd.s32 v49, v10;
	v48 =	vld.idx.msk [tilespmem:v3+s26+$0x0], $0xffff;
	[tilespmem:s20+$0x8E00] =	vst v2  }
.Ltmp7:
0x25c: {  	v46 =	vld.idx.msk [tilespmem:v17+s26+$0x0], $0xffff;
	[tilespmem:s1+$0xC200] =	vst v9;
	s1 =	smov.u32 s9;
	(pc) =	sbr.rel @p4 .LBB2_12-.Ltmp7, $4  }
0x25d: {  	v2 =	vadd.s32 v52, v58;
	v3 =	vld.idx.msk [tilespmem:v1+s26+$0x0], $0xffff;
	[tilespmem:s23+$0x9080] =	vst v4  }
0x25e: {  	v44 =	vadd.s32 v61, v60;
	v60 =	vmov v63;
	v63 =	vmov v10;
	v47 =	vld.idx.msk [tilespmem:v11+s26+$0x0], $0xffff;
	[tilespmem:s10+$0xC200] =	vst v18  }
0x25f: {  	v9 =	vadd.s32 v50, v43;
	v45 =	vld.idx.msk [tilespmem:v12+s26+$0x0], $0xffff  }
0x260: {  	s8 =	sadd.s32 $0x20, s8;
	s4 =	sadd.s32 $0x100, s4;
	v1 =	vadd.s32 v55, v59;
	v4 =	vld.idx.msk [tilespmem:v19+s26+$0x0], $0xffff  }
0x261: {  	v10 =	vadd.s32 v50, v42  }
0x262: {  	s6 =	sand.u32 $0x3C00, s4  }
0x263: {  	s7 =	sor.u32 s6, s19  }
0x264: {  	s6 =	sor.u32 s18, s6;
	[tilespmem:s7+$0x9000] =	vst v3  }
0x265: {  	v3 =	vld.idx.msk [tilespmem:v9+s26+$0x0], $0xffff;
	[tilespmem:s6+$0x9000] =	vst v4  }
0x266: {  	v4 =	vadd.s32 v51, v41;
	v9 =	vld.idx.msk [tilespmem:v10+s26+$0x0], $0xffff  }
0x267: {  	v10 =	vadd.s32 v51, v63;
	_ =	sdelay $0x2  }
0x268: {  	[tilespmem:s7+$0xC400] =	vst v3  }
0x269: {  	v3 =	vld.idx.msk [tilespmem:v4+s26+$0x0], $0xffff;
	[tilespmem:s6+$0xC400] =	vst v9  }
0x26a: {  	v4 =	vadd.s32 v52, v43;
	v9 =	vld.idx.msk [tilespmem:v10+s26+$0x0], $0xffff  }
0x26b: {  	v10 =	vadd.s32 v52, v42;
	_ =	sdelay $0x1  }
0x26c: {  	[tilespmem:s22+$0x9080] =	vst v48  }
0x26d: {  	v2 =	vld.idx.msk [tilespmem:v2+s26+$0x0], $0xffff;
	[tilespmem:s7+$0x9080] =	vst v3  }
0x26e: {  	v3 =	vadd.s32 v55, v60;
	v4 =	vld.idx.msk [tilespmem:v4+s26+$0x0], $0xffff;
	[tilespmem:s6+$0x9080] =	vst v9  }
0x26f: {  	v9 =	vadd.s32 v55, v41;
	v10 =	vld.idx.msk [tilespmem:v10+s26+$0x0], $0xffff  }
0x270: {  	v11 =	vadd.s32 v55, v63  }
0x271: {  	s8 =	sadd.s32 $0x1, s31;
	[tilespmem:s23+$0xC480] =	vst v47  }
0x272: {  	s9 =	sand.u32 $0x3, s8;
	v1 =	vld.idx.msk [tilespmem:v1+s26+$0x0], $0xffff;
	[tilespmem:s22+$0xC480] =	vst v2  }
0x273: {  	s8 =	sadd.s32 $0x1, s8;
	s9 =	sshll.u32 s9, $0x5;
	v2 =	vadd.s32 v56, v57;
	v3 =	vld.idx.msk [tilespmem:v3+s26+$0x0], $0xffff;
	[tilespmem:s7+$0xC480] =	vst v4  }
0x274: {  	s11 =	sand.u32 $0x3, s8;
	s0 =	sadd.s32 s9, s0;
	v4 =	vadd.s32 v56, v58;
	v9 =	vld.idx.msk [tilespmem:v9+s26+$0x0], $0xffff;
	[tilespmem:s6+$0xC480] =	vst v10  }
0x275: {  	s12 =	sadd.s32 $0x10, s0;
	s7 =	sshll.u32 s11, $0x5;
	v10 =	vadd.s32 v56, v43;
	v11 =	vld.idx.msk [tilespmem:v11+s26+$0x0], $0xffff  }
0x276: {  	v12 =	vadd.s32 v56, v42;
	s13 =	sor.u32 $0x300, s12;
	s14 =	sadd.s32 s7, s4  }
0x277: {  	s17 =	sor.u32 $0x300, s0;
	[tilespmem:s13+$0x8E00] =	vst v1;
	s18 =	sadd.s32 $0x10, s14  }
0x278: {  	v1 =	vld.idx.msk [tilespmem:v2+s26+$0x0], $0xffff;
	s10 =	sor.u32 $0x300, s18;
	[tilespmem:s17+$0x8E00] =	vst v3  }
0x279: {  	v2 =	vadd.s32 v61, v59;
	s11 =	sor.u32 $0x300, s14;
	v3 =	vld.idx.msk [tilespmem:v4+s26+$0x0], $0xffff;
	[tilespmem:s10+$0x8E00] =	vst v9  }
0x27a: {  	v4 =	vadd.s32 v61, v60;
	v9 =	vld.idx.msk [tilespmem:v10+s26+$0x0], $0xffff;
	[tilespmem:s11+$0x8E00] =	vst v11  }
0x27b: {  	v10 =	vadd.s32 v61, v41;
	v11 =	vld.idx.msk [tilespmem:v12+s26+$0x0], $0xffff  }
0x27c: {  	[tilespmem:s20+$0xC200] =	vst v46;
	v12 =	vadd.s32 v61, v63  }
0x27d: {  	v17 =	vadd.s32 v62, v53;
	v18 =	vld.idx.msk [tilespmem:v44+s26+$0x0], $0xffff;
	[tilespmem:s13+$0xC200] =	vst v1  }
0x27e: {  	v1 =	vadd.s32 v62, v54;
	v2 =	vld.idx.msk [tilespmem:v2+s26+$0x0], $0xffff;
	[tilespmem:s17+$0xC200] =	vst v3  }
0x27f: {  	v3 =	vadd.s32 v62, v57;
	v4 =	vld.idx.msk [tilespmem:v4+s26+$0x0], $0xffff;
	[tilespmem:s10+$0xC200] =	vst v9  }
0x280: {  	s2 =	sor.u32 $0x380, s2;
	v9 =	vadd.s32 v62, v58;
	v10 =	vld.idx.msk [tilespmem:v10+s26+$0x0], $0xffff;
	[tilespmem:s11+$0xC200] =	vst v11  }
0x281: {  	[tilespmem:s2+$0x8E00] =	vst v45;
	v11 =	vadd.s32 v62, v43;
	v12 =	vld.idx.msk [tilespmem:v12+s26+$0x0], $0xffff  }
0x282: {  	v17 =	vld.idx.msk [tilespmem:v17+s26+$0x0], $0xffff;
	[tilespmem:s1+$0x8E00] =	vst v18;
	v18 =	vadd.s32 v62, v42;
	s6 =	sor.u32 $0x380, s12  }
0x283: {  	s0 =	sor.u32 $0x380, s0;
	v1 =	vld.idx.msk [tilespmem:v1+s26+$0x0], $0xffff;
	[tilespmem:s6+$0x8E00] =	vst v2  }
0x284: {  	s19 =	sor.u32 $0x380, s18;
	v2 =	vld.idx.msk [tilespmem:v3+s26+$0x0], $0xffff;
	[tilespmem:s0+$0x8E00] =	vst v4  }
0x285: {  	s4 =	sor.u32 $0x380, s14;
	v3 =	vld.idx.msk [tilespmem:v9+s26+$0x0], $0xffff;
	[tilespmem:s19+$0x8E00] =	vst v10  }
0x286: {  	v4 =	vld.idx.msk [tilespmem:v11+s26+$0x0], $0xffff;
	[tilespmem:s4+$0x8E00] =	vst v12  }
0x287: {  	[tilespmem:s2+$0xC200] =	vst v17;
	v9 =	vld.idx.msk [tilespmem:v18+s26+$0x0], $0xffff  }
0x288: {  	[tilespmem:s1+$0xC200] =	vst v1  }
0x289: {  	[tilespmem:s6+$0xC200] =	vst v2  }
0x28a: {  	[tilespmem:s0+$0xC200] =	vst v3  }
0x28b: {  	[tilespmem:s19+$0xC200] =	vst v4  }
0x28c: {  	[tilespmem:s4+$0xC200] =	vst v9  }
0x28d: {  	v1 =	vld [tilespmem:$0x8640]  }
0x28e: {  	v2 =	vld [tilespmem:$0x8CC0];
	_ =	sdelay $0x3  }
0x28f: {  	v3 =	vadd.s32 v49, v1  }
0x290: {  	v4 =	vadd.s32 v50, v2;
	_ =	sdelay $0x3  }
0x291: {  	v3 =	vld.idx.msk [tilespmem:v3+s26+$0x0], $0xffff  }
0x292: {  	v4 =	vld.idx.msk [tilespmem:v4+s26+$0x0], $0xffff  }
0x293: {  	v9 =	vadd.s32 v51, v1  }
0x294: {  	v10 =	vadd.s32 v52, v2;
	_ =	sdelay $0x1  }
0x295: {  	[tilespmem:v13+s28+$0x0] =	vst.idx.msk $0x1fff, v3  }
0x296: {  	[tilespmem:v13+s29+$0x0] =	vst.idx.msk $0x1fff, v4  }
0x297: {  	v3 =	vld.idx.msk [tilespmem:v9+s26+$0x0], $0xffff  }
0x298: {  	v4 =	vld.idx.msk [tilespmem:v10+s26+$0x0], $0xffff  }
0x299: {  	v9 =	vadd.s32 v55, v1  }
0x29a: {  	v10 =	vadd.s32 v56, v2;
	_ =	sdelay $0x1  }
0x29b: {  	[tilespmem:v14+s28+$0x0] =	vst.idx.msk $0x1fff, v3  }
0x29c: {  	[tilespmem:v14+s29+$0x0] =	vst.idx.msk $0x1fff, v4  }
0x29d: {  	v3 =	vld.idx.msk [tilespmem:v9+s26+$0x0], $0xffff  }
0x29e: {  	v4 =	vld.idx.msk [tilespmem:v10+s26+$0x0], $0xffff  }
0x29f: {  	v1 =	vadd.s32 v61, v1  }
0x2a0: {  	v2 =	vadd.s32 v62, v2;
	_ =	sdelay $0x1  }
0x2a1: {  	[tilespmem:v15+s28+$0x0] =	vst.idx.msk $0x1fff, v3  }
0x2a2: {  	[tilespmem:v15+s29+$0x0] =	vst.idx.msk $0x1fff, v4  }
0x2a3: {  	v1 =	vld.idx.msk [tilespmem:v1+s26+$0x0], $0xffff  }
0x2a4: {  	v2 =	vld.idx.msk [tilespmem:v2+s26+$0x0], $0xffff;
	_ =	sdelay $0x3  }
0x2a5: {  	[tilespmem:v16+s28+$0x0] =	vst.idx.msk $0x1fff, v1  }
0x2a6: {  	s20 =	simm.s32 $0x0;
	s1 =	rddreg [dreg:$0xa];
	[tilespmem:v16+s29+$0x0] =	vst.idx.msk $0x1fff, v2  }
0x2a7: {  	[hbm4b:s1+s20] =	stream.linear.scatter [tilespmem:s28], [sflag:$0x1], $0x3400, $0x38;
	[tilespmem:$0xF600] =	vst v63  }
0x2a8: {  	_ =	swait.ge [sflag:s5], $0x3400  }
0x2a9: {  	[sflag:s5] =	ssyncset.done $0x0  }
0x2aa: {  	s22 =	rddreg [dreg:$0xb];
	[sflag:s5] =	ssyncadd.s32 $0xFFFFCC00  }
0x2ab: {  	[hbm4b:s22+s20] =	stream.linear.scatter [tilespmem:s29], [sflag:$0x1], $0x3400, $0x38;
	[tilespmem:$0xF600] =	vst v63  }
0x2ac: {  	_ =	swait.ge [sflag:s5], $0x3400  }
0x2ad: {  	[sflag:s5] =	ssyncset.done $0x0  }
0x2ae: {  	[sflag:s5] =	ssyncadd.s32 $0xFFFFCC00  }
0x2af: {  	v1 =	vld.idx.msk [tilespmem:v25+s24+$0x0], $0xffff;
	_ =	sdelay $0x1  }
0x2b0: {  	s23 =	sand.u32 $0x60, s20  }
0x2b1: {  	s8 =	sand.u32 $0x780, s20;
	s7 =	sor.u32 $0x10, s23  }
0x2b2: {  	s4 =	sor.u32 s8, s7  }
0x2b3: {  	v2 =	vld [tilespmem:s4+$0x8000];
	v1 =	vshll.u32 v1, $0x9  }
0x2b4: {  	v3 =	vld.idx.msk [tilespmem:v25+s25+$0x0], $0xffff;
	v1 =	vsub.s32 v1, v0  }
0x2b5: {  	s9 =	simm.s32 $0x8000;
	vm0 =	vgt.s32 v1, $0x0  }
0x2b6: {  	v43 =	vld [tilespmem:s9+$0x0];
	v1 =	vnsel vm0, $0x0, v1  }
0x2b7: {  	v49 =	vmin.u32 v1, $0x3E00  }
0x2b8: {  	v4 =	vadd.s32 v49, v2  }
0x2b9: {  	v52 =	vld [tilespmem:s4+$0x8680];
	v3 =	vshll.u32 v3, $0x9  }
0x2ba: {  	v3 =	vsub.s32 v3, v0;
	v1 =	vld.idx.msk [tilespmem:v26+s24+$0x0], $0xffff  }
0x2bb: {  	s10 =	simm.s32 $0x8680;
	v9 =	vld.idx.msk [tilespmem:v26+s25+$0x0], $0xffff;
	vm9 =	vgt.s32 v3, $0x0;
	v11 =	vadd.s32 v49, v43  }
0x2bc: {  	v54 =	vld [tilespmem:s10+$0x0];
	v3 =	vnsel vm9, $0x0, v3  }
0x2bd: {  	v50 =	vmin.u32 v3, $0x3E00;
	v3 =	vld.idx.msk [tilespmem:v4+s26+$0x0], $0xffff  }
0x2be: {  	v10 =	vld.idx.msk [tilespmem:v27+s24+$0x0], $0xffff;
	v12 =	vadd.s32 v50, v52  }
0x2bf: {  	v17 =	vld.idx.msk [tilespmem:v28+s24+$0x0], $0xffff;
	v1 =	vshll.u32 v1, $0x9  }
0x2c0: {  	s11 =	simm.s32 $0x20;
	s0 =	sand.u32 $0x3C00, s20;
	v1 =	vsub.s32 v1, v0;
	v11 =	vld.idx.msk [tilespmem:v11+s26+$0x0], $0xffff  }
0x2c1: {  	s12 =	sand.u32 $0x60, s11;
	s31 =	sor.u32 s0, s7;
	v18 =	vld.idx.msk [tilespmem:v28+s25+$0x0], $0xffff;
	v19 =	vadd.s32 v50, v54;
	vm10 =	vgt.s32 v1, $0x0  }
0x2c2: {  	s13 =	sor.u32 $0x10, s12;
	s4 =	sand.u32 $0x780, s11;
	v4 =	vld.idx.msk [tilespmem:v27+s25+$0x0], $0xffff;
	v1 =	vnsel vm10, $0x0, v1;
	[tilespmem:s31+$0x8E00] =	vst v3  }
0x2c3: {  	s4 =	sor.u32 s4, s13;
	v51 =	vmin.u32 v1, $0x3E00;
	v1 =	vld.idx.msk [tilespmem:v12+s26+$0x0], $0xffff  }
0x2c4: {  	s2 =	sor.u32 s23, s0;
	v58 =	vld [tilespmem:s4+$0x8000];
	v3 =	vadd.s32 v51, v2  }
0x2c5: {  	v9 =	vshll.u32 v9, $0x9;
	[tilespmem:s2+$0x8E00] =	vst v11  }
0x2c6: {  	s14 =	simm.s32 $0x8020;
	v9 =	vsub.s32 v9, v0;
	v11 =	vld.idx.msk [tilespmem:v19+s26+$0x0], $0xffff  }
0x2c7: {  	v60 =	vld [tilespmem:s14+$0x0];
	vm11 =	vgt.s32 v9, $0x0;
	v12 =	vadd.s32 v51, v43  }
0x2c8: {  	v9 =	vnsel vm11, $0x0, v9;
	[tilespmem:s31+$0xC200] =	vst v1  }
0x2c9: {  	v53 =	vmin.u32 v9, $0x3E00;
	v1 =	vld.idx.msk [tilespmem:v3+s26+$0x0], $0xffff;
	v3 =	vadd.s32 v49, v58  }
0x2ca: {  	v57 =	vld [tilespmem:s4+$0x8680];
	v9 =	vadd.s32 v53, v52  }
0x2cb: {  	v10 =	vshll.u32 v10, $0x9;
	[tilespmem:s2+$0xC200] =	vst v11  }
0x2cc: {  	s17 =	simm.s32 $0x86A0;
	v10 =	vsub.s32 v10, v0;
	v11 =	vadd.s32 v49, v60;
	v12 =	vld.idx.msk [tilespmem:v12+s26+$0x0], $0xffff  }
0x2cd: {  	v59 =	vld [tilespmem:s17+$0x0];
	vm12 =	vgt.s32 v10, $0x0;
	v19 =	vadd.s32 v53, v54  }
0x2ce: {  	v10 =	vnsel vm12, $0x0, v10;
	v3 =	vld.idx.msk [tilespmem:v3+s26+$0x0], $0xffff;
	[tilespmem:s31+$0x8E80] =	vst v1  }
0x2cf: {  	v55 =	vmin.u32 v10, $0x3E00;
	v1 =	vld.idx.msk [tilespmem:v9+s26+$0x0], $0xffff;
	v9 =	vadd.s32 v50, v57  }
0x2d0: {  	s18 =	simm.s32 $0x100;
	v10 =	vadd.s32 v55, v2  }
0x2d1: {  	s19 =	sand.u32 $0x3C00, s18;
	v4 =	vshll.u32 v4, $0x9;
	v11 =	vld.idx.msk [tilespmem:v11+s26+$0x0], $0xffff;
	[tilespmem:s2+$0x8E80] =	vst v12  }
0x2d2: {  	s0 =	sor.u32 s19, s13;
	s17 =	simm.s32 $0x40;
	v4 =	vsub.s32 v4, v0;
	v12 =	vld.idx.msk [tilespmem:v19+s26+$0x0], $0xffff;
	v19 =	vadd.s32 v50, v59  }
0x2d3: {  	s4 =	sand.u32 $0x60, s17;
	vm13 =	vgt.s32 v4, $0x0;
	[tilespmem:s0+$0x8E00] =	vst v3  }
0x2d4: {  	s20 =	sand.u32 $0x780, s17;
	s18 =	sor.u32 $0x10, s4;
	v3 =	vnsel vm13, $0x0, v4;
	v4 =	vld.idx.msk [tilespmem:v9+s26+$0x0], $0xffff;
	v9 =	vadd.s32 v55, v43;
	[tilespmem:s31+$0xC280] =	vst v1  }
0x2d5: {  	s1 =	sor.u32 s12, s19;
	s22 =	sor.u32 s20, s18;
	v56 =	vmin.u32 v3, $0x3E00;
	v3 =	vadd.s32 v51, v58;
	v1 =	vld.idx.msk [tilespmem:v10+s26+$0x0], $0xffff  }
0x2d6: {  	v63 =	vld [tilespmem:s22+$0x8000];
	[tilespmem:s1+$0x8E00] =	vst v11  }
0x2d7: {  	s23 =	simm.s32 $0x8040;
	v11 =	vshll.u32 v17, $0x9;
	v17 =	vld.idx.msk [tilespmem:v19+s26+$0x0], $0xffff;
	v10 =	vadd.s32 v56, v52  }
0x2d8: {  	v62 =	vld [tilespmem:s23+$0x0];
	v11 =	vsub.s32 v11, v0;
	[tilespmem:s2+$0xC280] =	vst v12  }
0x2d9: {  	v12 =	vadd.s32 v51, v60;
	vm14 =	vgt.s32 v11, $0x0;
	v9 =	vld.idx.msk [tilespmem:v9+s26+$0x0], $0xffff;
	[tilespmem:s0+$0xC200] =	vst v4  }
0x2da: {  	s6 =	simm.s32 $0x86C0;
	v4 =	vld.idx.msk [tilespmem:v3+s26+$0x0], $0xffff;
	v3 =	vadd.s32 v56, v54;
	[tilespmem:s31+$0x8F00] =	vst v1;
	v1 =	vnsel vm14, $0x0, v11  }
0x2db: {  	v42 =	vld [tilespmem:s6+$0x0];
	v11 =	vadd.s32 v49, v63;
	v61 =	vmin.u32 v1, $0x3E00  }
0x2dc: {  	[tilespmem:s1+$0xC200] =	vst v17;
	v10 =	vld.idx.msk [tilespmem:v10+s26+$0x0], $0xffff;
	v1 =	vadd.s32 v53, v57;
	v17 =	vadd.s32 v61, v2;
	v2 =	vshll.u32 v18, $0x9  }
0x2dd: {  	v44 =	vld [tilespmem:s22+$0x8680];
	v2 =	vsub.s32 v2, v0  }
0x2de: {  	v48 =	vld.idx.msk [tilespmem:v12+s26+$0x0], $0xffff;
	v18 =	vadd.s32 v49, v62;
	[tilespmem:s2+$0x8F00] =	vst v9;
	vm15 =	vgt.s32 v2, $0x0  }
0x2df: {  	v46 =	vld.idx.msk [tilespmem:v3+s26+$0x0], $0xffff;
	v2 =	vnsel vm15, $0x0, v2  }
0x2e0: {  	v3 =	vld.idx.msk [tilespmem:v11+s26+$0x0], $0xffff;
	[tilespmem:s0+$0x8E80] =	vst v4;
	v41 =	vmin.u32 v2, $0x3E00;
	v2 =	vadd.s32 v53, v59  }
0x2e1: {  	v43 =	vadd.s32 v61, v43;
	v47 =	vld.idx.msk [tilespmem:v1+s26+$0x0], $0xffff;
	[tilespmem:s31+$0xC300] =	vst v10  }
0x2e2: {  	v9 =	vadd.s32 v50, v44;
	v45 =	vld.idx.msk [tilespmem:v17+s26+$0x0], $0xffff  }
0x2e3: {  	s7 =	simm.s32 $0x4;
	s8 =	simm.s32 $0x200;
	s19 =	simm.s32 $0x8060;
	v1 =	vadd.s32 v55, v58;
	v4 =	vld.idx.msk [tilespmem:v18+s26+$0x0], $0xffff  }
.LBB2_14:
0x2e4: {  	v10 =	vld [tilespmem:s19+$0x0];
	s9 =	sand.u32 $0x3C00, s8;
	[tilespmem:s1+$0x8E80] =	vst v48;
	v11 =	vadd.s32 v41, v52;
	v52 =	vmov v57;
	v57 =	vmov v44  }
0x2e5: {  	s20 =	sor.u32 s4, s9;
	s9 =	sor.u32 s9, s18;
	v2 =	vld.idx.msk [tilespmem:v2+s26+$0x0], $0xffff;
	[tilespmem:s2+$0xC300] =	vst v46  }
0x2e6: {  	v12 =	vadd.s32 v50, v42;
	s17 =	sadd.s32 $0x20, s17;
	[tilespmem:s9+$0x8E00] =	vst v3;
	v3 =	vld.idx.msk [tilespmem:v43+s26+$0x0], $0xffff  }
0x2e7: {  	s7 =	sadd.s32 $0x2, s7;
	v17 =	vadd.s32 v55, v60;
	s4 =	sand.u32 $0x60, s17;
	v9 =	vld.idx.msk [tilespmem:v9+s26+$0x0], $0xffff;
	[tilespmem:s0+$0xC280] =	vst v47  }
0x2e8: {  	v18 =	vadd.s32 v41, v54;
	v54 =	vmov v59;
	v59 =	vmov v42;
	s10 =	sand.u32 $0x780, s17;
	p4 =	slt.u32 s7, $0x62;
	s18 =	sor.u32 $0x10, s4;
	v1 =	vld.idx.msk [tilespmem:v1+s26+$0x0], $0xffff;
	[tilespmem:s31+$0x8F80] =	vst v45  }
0x2e9: {  	s10 =	sor.u32 s10, s18;
	[tilespmem:s20+$0x8E00] =	vst v4;
	v4 =	vadd.s32 v51, v63;
	v11 =	vld.idx.msk [tilespmem:v11+s26+$0x0], $0xffff  }
0x2ea: {  	v42 =	vadd.s32 v56, v52;
	v19 =	vld [tilespmem:s10+$0x8000]  }
0x2eb: {  	v12 =	vld.idx.msk [tilespmem:v12+s26+$0x0], $0xffff;
	[tilespmem:s1+$0xC280] =	vst v2  }
0x2ec: {  	v2 =	vld.idx.msk [tilespmem:v17+s26+$0x0], $0xffff;
	[tilespmem:s2+$0x8F80] =	vst v3  }
0x2ed: {  	v3 =	vadd.s32 v51, v62;
	[tilespmem:s9+$0xC200] =	vst v9;
	v9 =	vld.idx.msk [tilespmem:v18+s26+$0x0], $0xffff  }
0x2ee: {  	v17 =	vadd.s32 v56, v54;
	v4 =	vld.idx.msk [tilespmem:v4+s26+$0x0], $0xffff;
	[tilespmem:s0+$0x8F00] =	vst v1  }
0x2ef: {  	s6 =	sadd.s32 $0x20, s6;
	v1 =	vadd.s32 v49, v19;
	v18 =	vld.idx.msk [tilespmem:v42+s26+$0x0], $0xffff;
	[tilespmem:s31+$0xC380] =	vst v11;
	s31 =	smov.u32 s0;
	s0 =	smov.u32 s9  }
0x2f0: {  	v11 =	vadd.s32 v53, v57;
	v42 =	vld [tilespmem:s6+$0x0]  }
0x2f1: {  	v44 =	vld [tilespmem:s10+$0x8680];
	[tilespmem:s20+$0xC200] =	vst v12;
	v12 =	vadd.s32 v61, v58;
	v58 =	vmov v63;
	v63 =	vmov v19  }
0x2f2: {  	v19 =	vadd.s32 v49, v10;
	v48 =	vld.idx.msk [tilespmem:v3+s26+$0x0], $0xffff;
	[tilespmem:s1+$0x8F00] =	vst v2  }
.Ltmp8:
0x2f3: {  	v46 =	vld.idx.msk [tilespmem:v17+s26+$0x0], $0xffff;
	[tilespmem:s2+$0xC380] =	vst v9;
	s2 =	smov.u32 s1;
	s1 =	smov.u32 s20;
	(pc) =	sbr.rel @p4 .LBB2_14-.Ltmp8, $4  }
0x2f4: {  	v2 =	vadd.s32 v53, v59;
	v3 =	vld.idx.msk [tilespmem:v1+s26+$0x0], $0xffff;
	[tilespmem:s0+$0x8E80] =	vst v4  }
0x2f5: {  	v43 =	vadd.s32 v61, v60;
	v60 =	vmov v62;
	v62 =	vmov v10;
	v47 =	vld.idx.msk [tilespmem:v11+s26+$0x0], $0xffff;
	[tilespmem:s31+$0xC300] =	vst v18  }
0x2f6: {  	v9 =	vadd.s32 v50, v44;
	v45 =	vld.idx.msk [tilespmem:v12+s26+$0x0], $0xffff  }
0x2f7: {  	s19 =	sadd.s32 $0x20, s19;
	s8 =	sadd.s32 $0x100, s8;
	v1 =	vadd.s32 v55, v58;
	v4 =	vld.idx.msk [tilespmem:v19+s26+$0x0], $0xffff  }
0x2f8: {  	v10 =	vadd.s32 v50, v42  }
0x2f9: {  	s7 =	sand.u32 $0x3C00, s8  }
0x2fa: {  	s6 =	sor.u32 s7, s18  }
0x2fb: {  	s4 =	sor.u32 s4, s7;
	[tilespmem:s6+$0x8E00] =	vst v3  }
0x2fc: {  	v3 =	vld.idx.msk [tilespmem:v9+s26+$0x0], $0xffff;
	[tilespmem:s4+$0x8E00] =	vst v4  }
0x2fd: {  	v4 =	vadd.s32 v51, v63;
	v9 =	vld.idx.msk [tilespmem:v10+s26+$0x0], $0xffff  }
0x2fe: {  	v10 =	vadd.s32 v51, v62;
	_ =	sdelay $0x2  }
0x2ff: {  	[tilespmem:s6+$0xC200] =	vst v3  }
0x300: {  	v3 =	vld.idx.msk [tilespmem:v4+s26+$0x0], $0xffff;
	[tilespmem:s4+$0xC200] =	vst v9  }
0x301: {  	v4 =	vadd.s32 v53, v44;
	v9 =	vld.idx.msk [tilespmem:v10+s26+$0x0], $0xffff  }
0x302: {  	v10 =	vadd.s32 v53, v42;
	_ =	sdelay $0x1  }
0x303: {  	[tilespmem:s1+$0x8E80] =	vst v48  }
0x304: {  	v2 =	vld.idx.msk [tilespmem:v2+s26+$0x0], $0xffff;
	[tilespmem:s6+$0x8E80] =	vst v3  }
0x305: {  	v3 =	vadd.s32 v55, v60;
	v4 =	vld.idx.msk [tilespmem:v4+s26+$0x0], $0xffff;
	[tilespmem:s4+$0x8E80] =	vst v9  }
0x306: {  	v9 =	vadd.s32 v55, v63;
	v10 =	vld.idx.msk [tilespmem:v10+s26+$0x0], $0xffff  }
0x307: {  	v11 =	vadd.s32 v55, v62  }
0x308: {  	[tilespmem:s0+$0xC280] =	vst v47  }
0x309: {  	v1 =	vld.idx.msk [tilespmem:v1+s26+$0x0], $0xffff;
	[tilespmem:s1+$0xC280] =	vst v2  }
0x30a: {  	v2 =	vadd.s32 v56, v57;
	v3 =	vld.idx.msk [tilespmem:v3+s26+$0x0], $0xffff;
	[tilespmem:s6+$0xC280] =	vst v4  }
0x30b: {  	v4 =	vadd.s32 v56, v59;
	v9 =	vld.idx.msk [tilespmem:v9+s26+$0x0], $0xffff;
	[tilespmem:s4+$0xC280] =	vst v10  }
0x30c: {  	v10 =	vadd.s32 v56, v44;
	v11 =	vld.idx.msk [tilespmem:v11+s26+$0x0], $0xffff  }
0x30d: {  	v12 =	vadd.s32 v56, v42  }
0x30e: {  	[tilespmem:s0+$0x8F00] =	vst v1  }
0x30f: {  	v1 =	vld.idx.msk [tilespmem:v2+s26+$0x0], $0xffff;
	[tilespmem:s1+$0x8F00] =	vst v3  }
0x310: {  	v2 =	vadd.s32 v61, v58;
	v3 =	vld.idx.msk [tilespmem:v4+s26+$0x0], $0xffff;
	[tilespmem:s6+$0x8F00] =	vst v9  }
0x311: {  	v4 =	vadd.s32 v61, v60;
	v9 =	vld.idx.msk [tilespmem:v10+s26+$0x0], $0xffff;
	[tilespmem:s4+$0x8F00] =	vst v11  }
0x312: {  	v10 =	vadd.s32 v61, v63;
	v11 =	vld.idx.msk [tilespmem:v12+s26+$0x0], $0xffff  }
0x313: {  	[tilespmem:s2+$0xC300] =	vst v46;
	v12 =	vadd.s32 v61, v62  }
0x314: {  	v17 =	vadd.s32 v41, v52;
	v18 =	vld.idx.msk [tilespmem:v43+s26+$0x0], $0xffff;
	[tilespmem:s0+$0xC300] =	vst v1  }
0x315: {  	v1 =	vadd.s32 v41, v54;
	v2 =	vld.idx.msk [tilespmem:v2+s26+$0x0], $0xffff;
	[tilespmem:s1+$0xC300] =	vst v3  }
0x316: {  	v3 =	vadd.s32 v41, v57;
	v4 =	vld.idx.msk [tilespmem:v4+s26+$0x0], $0xffff;
	[tilespmem:s6+$0xC300] =	vst v9  }
0x317: {  	v9 =	vadd.s32 v41, v59;
	v10 =	vld.idx.msk [tilespmem:v10+s26+$0x0], $0xffff;
	[tilespmem:s4+$0xC300] =	vst v11  }
0x318: {  	[tilespmem:s31+$0x8F80] =	vst v45;
	v11 =	vadd.s32 v41, v44;
	v12 =	vld.idx.msk [tilespmem:v12+s26+$0x0], $0xffff  }
0x319: {  	v17 =	vld.idx.msk [tilespmem:v17+s26+$0x0], $0xffff;
	[tilespmem:s2+$0x8F80] =	vst v18;
	v18 =	vadd.s32 v41, v42  }
0x31a: {  	v1 =	vld.idx.msk [tilespmem:v1+s26+$0x0], $0xffff;
	[tilespmem:s0+$0x8F80] =	vst v2  }
0x31b: {  	v2 =	vld.idx.msk [tilespmem:v3+s26+$0x0], $0xffff;
	[tilespmem:s1+$0x8F80] =	vst v4  }
0x31c: {  	v3 =	vld.idx.msk [tilespmem:v9+s26+$0x0], $0xffff;
	[tilespmem:s6+$0x8F80] =	vst v10  }
0x31d: {  	v4 =	vld.idx.msk [tilespmem:v11+s26+$0x0], $0xffff;
	[tilespmem:s4+$0x8F80] =	vst v12  }
0x31e: {  	[tilespmem:s31+$0xC380] =	vst v17;
	v9 =	vld.idx.msk [tilespmem:v18+s26+$0x0], $0xffff  }
0x31f: {  	[tilespmem:s2+$0xC380] =	vst v1  }
0x320: {  	[tilespmem:s0+$0xC380] =	vst v2  }
0x321: {  	[tilespmem:s1+$0xC380] =	vst v3  }
0x322: {  	[tilespmem:s6+$0xC380] =	vst v4  }
0x323: {  	[tilespmem:s4+$0xC380] =	vst v9  }
0x324: {  	v1 =	vld [tilespmem:$0x8640]  }
0x325: {  	v2 =	vld [tilespmem:$0x8CC0];
	_ =	sdelay $0x3  }
0x326: {  	v3 =	vadd.s32 v49, v1  }
0x327: {  	v4 =	vadd.s32 v50, v2;
	_ =	sdelay $0x3  }
0x328: {  	v3 =	vld.idx.msk [tilespmem:v3+s26+$0x0], $0xffff  }
0x329: {  	v4 =	vld.idx.msk [tilespmem:v4+s26+$0x0], $0xffff  }
0x32a: {  	v9 =	vadd.s32 v51, v1  }
0x32b: {  	v10 =	vadd.s32 v53, v2;
	_ =	sdelay $0x1  }
0x32c: {  	[tilespmem:v5+s28+$0x0] =	vst.idx.msk $0x1fff, v3  }
0x32d: {  	[tilespmem:v5+s29+$0x0] =	vst.idx.msk $0x1fff, v4  }
0x32e: {  	v3 =	vld.idx.msk [tilespmem:v9+s26+$0x0], $0xffff  }
0x32f: {  	v4 =	vld.idx.msk [tilespmem:v10+s26+$0x0], $0xffff  }
0x330: {  	v9 =	vadd.s32 v55, v1  }
0x331: {  	v10 =	vadd.s32 v56, v2;
	_ =	sdelay $0x1  }
0x332: {  	[tilespmem:v6+s28+$0x0] =	vst.idx.msk $0x1fff, v3  }
0x333: {  	[tilespmem:v6+s29+$0x0] =	vst.idx.msk $0x1fff, v4  }
0x334: {  	v3 =	vld.idx.msk [tilespmem:v9+s26+$0x0], $0xffff  }
0x335: {  	v4 =	vld.idx.msk [tilespmem:v10+s26+$0x0], $0xffff  }
0x336: {  	v1 =	vadd.s32 v61, v1  }
0x337: {  	v2 =	vadd.s32 v41, v2;
	_ =	sdelay $0x1  }
0x338: {  	[tilespmem:v7+s28+$0x0] =	vst.idx.msk $0x1fff, v3  }
0x339: {  	[tilespmem:v7+s29+$0x0] =	vst.idx.msk $0x1fff, v4  }
0x33a: {  	v1 =	vld.idx.msk [tilespmem:v1+s26+$0x0], $0xffff  }
0x33b: {  	v2 =	vld.idx.msk [tilespmem:v2+s26+$0x0], $0xffff;
	_ =	sdelay $0x3  }
0x33c: {  	[tilespmem:v8+s28+$0x0] =	vst.idx.msk $0x1fff, v1  }
0x33d: {  	[tilespmem:v8+s29+$0x0] =	vst.idx.msk $0x1fff, v2  }
0x33e: {  	v1 =	vld.idx.msk [tilespmem:v29+s24+$0x0], $0xffff  }
0x33f: {  	s31 =	simm.s32 $0x0  }
0x340: {  	s10 =	sand.u32 $0x60, s31  }
0x341: {  	s12 =	sand.u32 $0x780, s31;
	s11 =	sor.u32 $0x10, s10  }
0x342: {  	s2 =	sor.u32 s12, s11  }
0x343: {  	v62 =	vld [tilespmem:s2+$0x8000];
	v1 =	vshll.u32 v1, $0x9  }
0x344: {  	v2 =	vld.idx.msk [tilespmem:v29+s25+$0x0], $0xffff;
	v1 =	vsub.s32 v1, v0  }
0x345: {  	vm0 =	vgt.s32 v1, $0x0  }
0x346: {  	s13 =	simm.s32 $0x8000;
	v1 =	vnsel vm0, $0x0, v1  }
0x347: {  	v44 =	vld [tilespmem:s13+$0x0];
	v49 =	vmin.u32 v1, $0x3E00  }
0x348: {  	v3 =	vadd.s32 v49, v62  }
0x349: {  	v53 =	vld [tilespmem:s2+$0x8680];
	v2 =	vshll.u32 v2, $0x9  }
0x34a: {  	v2 =	vsub.s32 v2, v0;
	v1 =	vld.idx.msk [tilespmem:v30+s24+$0x0], $0xffff  }
0x34b: {  	s14 =	simm.s32 $0x8680;
	v4 =	vld.idx.msk [tilespmem:v30+s25+$0x0], $0xffff;
	vm9 =	vgt.s32 v2, $0x0  }
0x34c: {  	v54 =	vld [tilespmem:s14+$0x0];
	v2 =	vnsel vm9, $0x0, v2;
	v10 =	vadd.s32 v49, v44  }
0x34d: {  	v50 =	vmin.u32 v2, $0x3E00;
	v2 =	vld.idx.msk [tilespmem:v3+s26+$0x0], $0xffff  }
0x34e: {  	v9 =	vld.idx.msk [tilespmem:v31+s24+$0x0], $0xffff;
	v11 =	vadd.s32 v50, v53  }
0x34f: {  	v12 =	vld.idx.msk [tilespmem:v32+s24+$0x0], $0xffff;
	v1 =	vshll.u32 v1, $0x9  }
0x350: {  	s18 =	simm.s32 $0x20;
	s17 =	sand.u32 $0x3C00, s31;
	v17 =	vld.idx.msk [tilespmem:v32+s25+$0x0], $0xffff;
	v1 =	vsub.s32 v1, v0  }
0x351: {  	s20 =	sand.u32 $0x60, s18;
	s19 =	sor.u32 s17, s11;
	v10 =	vld.idx.msk [tilespmem:v10+s26+$0x0], $0xffff;
	vm10 =	vgt.s32 v1, $0x0  }
0x352: {  	s22 =	sor.u32 $0x10, s20;
	s4 =	sand.u32 $0x780, s18;
	v18 =	vadd.s32 v50, v54;
	v3 =	vld.idx.msk [tilespmem:v31+s25+$0x0], $0xffff;
	v1 =	vnsel vm10, $0x0, v1;
	[tilespmem:s19+$0x9000] =	vst v2  }
0x353: {  	s4 =	sor.u32 s4, s22;
	v51 =	vmin.u32 v1, $0x3E00;
	v1 =	vld.idx.msk [tilespmem:v11+s26+$0x0], $0xffff  }
0x354: {  	v59 =	vld [tilespmem:s4+$0x8000];
	v2 =	vadd.s32 v51, v62  }
0x355: {  	s2 =	sor.u32 s10, s17;
	v4 =	vshll.u32 v4, $0x9  }
0x356: {  	v4 =	vsub.s32 v4, v0;
	[tilespmem:s2+$0x9000] =	vst v10  }
0x357: {  	s23 =	simm.s32 $0x8020;
	vm11 =	vgt.s32 v4, $0x0;
	v10 =	vld.idx.msk [tilespmem:v18+s26+$0x0], $0xffff  }
0x358: {  	v60 =	vld [tilespmem:s23+$0x0];
	v4 =	vnsel vm11, $0x0, v4;
	v11 =	vadd.s32 v51, v44;
	[tilespmem:s19+$0xC400] =	vst v1  }
0x359: {  	v52 =	vmin.u32 v4, $0x3E00;
	v1 =	vld.idx.msk [tilespmem:v2+s26+$0x0], $0xffff;
	v2 =	vadd.s32 v49, v59  }
0x35a: {  	v57 =	vld [tilespmem:s4+$0x8680];
	v4 =	vadd.s32 v52, v53  }
0x35b: {  	s4 =	simm.s32 $0x86A0  }
0x35c: {  	v58 =	vld [tilespmem:s4+$0x0];
	v9 =	vshll.u32 v9, $0x9;
	[tilespmem:s2+$0xC400] =	vst v10  }
0x35d: {  	v9 =	vsub.s32 v9, v0;
	v10 =	vadd.s32 v49, v60;
	v11 =	vld.idx.msk [tilespmem:v11+s26+$0x0], $0xffff  }
0x35e: {  	vm12 =	vgt.s32 v9, $0x0;
	v18 =	vadd.s32 v52, v54;
	v2 =	vld.idx.msk [tilespmem:v2+s26+$0x0], $0xffff;
	[tilespmem:s19+$0x9080] =	vst v1  }
0x35f: {  	v9 =	vnsel vm12, $0x0, v9;
	v1 =	vld.idx.msk [tilespmem:v4+s26+$0x0], $0xffff;
	v4 =	vadd.s32 v50, v57  }
0x360: {  	s0 =	simm.s32 $0x100;
	v55 =	vmin.u32 v9, $0x3E00  }
0x361: {  	s8 =	sand.u32 $0x3C00, s0;
	v9 =	vadd.s32 v55, v62;
	v3 =	vshll.u32 v3, $0x9  }
0x362: {  	s23 =	sor.u32 s8, s22;
	v3 =	vsub.s32 v3, v0;
	v10 =	vld.idx.msk [tilespmem:v10+s26+$0x0], $0xffff;
	[tilespmem:s2+$0x9080] =	vst v11  }
0x363: {  	s17 =	simm.s32 $0x40;
	vm13 =	vgt.s32 v3, $0x0;
	v11 =	vld.idx.msk [tilespmem:v18+s26+$0x0], $0xffff;
	v18 =	vadd.s32 v50, v58;
	[tilespmem:s23+$0x9000] =	vst v2  }
0x364: {  	s12 =	simm.s32 $0x8040;
	s18 =	sand.u32 $0x60, s17;
	v2 =	vnsel vm13, $0x0, v3;
	v3 =	vld.idx.msk [tilespmem:v4+s26+$0x0], $0xffff;
	v4 =	vadd.s32 v55, v44  }
0x365: {  	v63 =	vld [tilespmem:s12+$0x0];
	s9 =	sand.u32 $0x780, s17;
	[tilespmem:s19+$0xC480] =	vst v1;
	s19 =	sor.u32 $0x10, s18  }
0x366: {  	s22 =	sor.u32 s20, s8;
	v56 =	vmin.u32 v2, $0x3E00;
	v2 =	vadd.s32 v51, v59;
	v1 =	vld.idx.msk [tilespmem:v9+s26+$0x0], $0xffff;
	s10 =	sor.u32 s9, s19  }
0x367: {  	s11 =	sand.u32 $0x3, s31;
	[tilespmem:s22+$0x9000] =	vst v10;
	v41 =	vld [tilespmem:s10+$0x8000]  }
0x368: {  	s13 =	sshll.u32 s11, $0x5;
	v10 =	vshll.u32 v12, $0x9;
	v12 =	vld.idx.msk [tilespmem:v18+s26+$0x0], $0xffff;
	[tilespmem:s2+$0xC480] =	vst v11  }
0x369: {  	s1 =	sadd.s32 $0x0, s13;
	v9 =	vadd.s32 v56, v53;
	v4 =	vld.idx.msk [tilespmem:v4+s26+$0x0], $0xffff  }
0x36a: {  	v10 =	vsub.s32 v10, v0;
	s2 =	sadd.s32 $0x10, s1;
	v11 =	vadd.s32 v51, v60;
	[tilespmem:s23+$0xC400] =	vst v3  }
0x36b: {  	s6 =	simm.s32 $0x86C0;
	vm14 =	vgt.s32 v10, $0x0;
	s14 =	sor.u32 $0x300, s2;
	v3 =	vadd.s32 v56, v54;
	v2 =	vld.idx.msk [tilespmem:v2+s26+$0x0], $0xffff  }
0x36c: {  	v42 =	vld [tilespmem:s6+$0x0];
	[tilespmem:s14+$0x8E00] =	vst v1;
	v1 =	vnsel vm14, $0x0, v10;
	v10 =	vadd.s32 v49, v41  }
0x36d: {  	s20 =	sor.u32 $0x300, s1;
	v17 =	vshll.u32 v17, $0x9;
	v43 =	vld [tilespmem:s10+$0x8680];
	[tilespmem:s22+$0xC400] =	vst v12;
	v61 =	vmin.u32 v1, $0x3E00;
	v1 =	vadd.s32 v52, v57  }
0x36e: {  	v18 =	vadd.s32 v49, v63;
	v9 =	vld.idx.msk [tilespmem:v9+s26+$0x0], $0xffff;
	[tilespmem:s20+$0x8E00] =	vst v4;
	v4 =	vsub.s32 v17, v0  }
0x36f: {  	v48 =	vld.idx.msk [tilespmem:v11+s26+$0x0], $0xffff;
	v12 =	vadd.s32 v61, v62;
	vm15 =	vgt.s32 v4, $0x0  }
0x370: {  	v46 =	vld.idx.msk [tilespmem:v3+s26+$0x0], $0xffff;
	[tilespmem:s23+$0x9080] =	vst v2;
	v2 =	vnsel vm15, $0x0, v4  }
0x371: {  	v3 =	vld.idx.msk [tilespmem:v10+s26+$0x0], $0xffff;
	v62 =	vmin.u32 v2, $0x3E00;
	v2 =	vadd.s32 v52, v58  }
0x372: {  	v44 =	vadd.s32 v61, v44;
	v47 =	vld.idx.msk [tilespmem:v1+s26+$0x0], $0xffff  }
0x373: {  	s7 =	simm.s32 $0x4;
	[tilespmem:s14+$0xC200] =	vst v9;
	v9 =	vadd.s32 v50, v43;
	v4 =	vld.idx.msk [tilespmem:v18+s26+$0x0], $0xffff  }
0x374: {  	s8 =	simm.s32 $0x8060;
	s4 =	simm.s32 $0x200;
	s1 =	sor.u32 $0x380, s1;
	v1 =	vadd.s32 v55, v59;
	v45 =	vld.idx.msk [tilespmem:v12+s26+$0x0], $0xffff  }
.LBB2_16:
0x375: {  	v10 =	vld [tilespmem:s8+$0x0];
	s9 =	sand.u32 $0x3C00, s4;
	[tilespmem:s22+$0x9080] =	vst v48;
	v11 =	vadd.s32 v62, v53;
	v53 =	vmov v57;
	v57 =	vmov v43  }
0x376: {  	s10 =	sor.u32 s18, s9;
	s9 =	sor.u32 s9, s19;
	v2 =	vld.idx.msk [tilespmem:v2+s26+$0x0], $0xffff;
	[tilespmem:s20+$0xC200] =	vst v46  }
0x377: {  	v12 =	vadd.s32 v50, v42;
	s17 =	sadd.s32 $0x20, s17;
	s31 =	sadd.s32 $0x1, s31;
	[tilespmem:s9+$0x9000] =	vst v3;
	v3 =	vld.idx.msk [tilespmem:v44+s26+$0x0], $0xffff  }
0x378: {  	s7 =	sadd.s32 $0x2, s7;
	v17 =	vadd.s32 v55, v60;
	s11 =	sor.u32 $0x380, s2;
	s18 =	sand.u32 $0x60, s17;
	v9 =	vld.idx.msk [tilespmem:v9+s26+$0x0], $0xffff;
	[tilespmem:s23+$0xC480] =	vst v47  }
0x379: {  	v18 =	vadd.s32 v62, v54;
	v54 =	vmov v58;
	v58 =	vmov v42;
	s2 =	sand.u32 $0x780, s17;
	p4 =	slt.u32 s7, $0x62;
	s19 =	sor.u32 $0x10, s18;
	v1 =	vld.idx.msk [tilespmem:v1+s26+$0x0], $0xffff;
	[tilespmem:s11+$0x8E00] =	vst v45  }
0x37a: {  	s12 =	sor.u32 s2, s19;
	s2 =	sand.u32 $0x3, s31;
	s23 =	smov.u32 s9;
	[tilespmem:s10+$0x9000] =	vst v4;
	v4 =	vadd.s32 v51, v41;
	v11 =	vld.idx.msk [tilespmem:v11+s26+$0x0], $0xffff  }
0x37b: {  	v42 =	vadd.s32 v56, v53;
	s2 =	sshll.u32 s2, $0x5;
	v19 =	vld [tilespmem:s12+$0x8000]  }
0x37c: {  	s2 =	sadd.s32 s2, s0;
	s0 =	smov.u32 s4;
	v12 =	vld.idx.msk [tilespmem:v12+s26+$0x0], $0xffff;
	[tilespmem:s22+$0xC480] =	vst v2;
	s22 =	smov.u32 s10  }
0x37d: {  	s20 =	sor.u32 $0x300, s2;
	s9 =	sor.u32 $0x380, s2;
	s2 =	sadd.s32 $0x10, s2;
	v2 =	vld.idx.msk [tilespmem:v17+s26+$0x0], $0xffff;
	[tilespmem:s1+$0x8E00] =	vst v3  }
0x37e: {  	s10 =	sor.u32 $0x300, s2;
	v3 =	vadd.s32 v51, v63;
	[tilespmem:s23+$0xC400] =	vst v9;
	v9 =	vld.idx.msk [tilespmem:v18+s26+$0x0], $0xffff  }
0x37f: {  	v17 =	vadd.s32 v56, v54;
	v4 =	vld.idx.msk [tilespmem:v4+s26+$0x0], $0xffff;
	[tilespmem:s10+$0x8E00] =	vst v1  }
0x380: {  	s6 =	sadd.s32 $0x20, s6;
	v1 =	vadd.s32 v49, v19;
	v18 =	vld.idx.msk [tilespmem:v42+s26+$0x0], $0xffff;
	[tilespmem:s11+$0xC200] =	vst v11  }
0x381: {  	v11 =	vadd.s32 v52, v57;
	v42 =	vld [tilespmem:s6+$0x0]  }
0x382: {  	v43 =	vld [tilespmem:s12+$0x8680];
	[tilespmem:s22+$0xC400] =	vst v12;
	v12 =	vadd.s32 v61, v59;
	v59 =	vmov v41;
	v41 =	vmov v19  }
0x383: {  	v19 =	vadd.s32 v49, v10;
	v48 =	vld.idx.msk [tilespmem:v3+s26+$0x0], $0xffff;
	[tilespmem:s20+$0x8E00] =	vst v2  }
.Ltmp9:
0x384: {  	v46 =	vld.idx.msk [tilespmem:v17+s26+$0x0], $0xffff;
	[tilespmem:s1+$0xC200] =	vst v9;
	s1 =	smov.u32 s9;
	(pc) =	sbr.rel @p4 .LBB2_16-.Ltmp9, $4  }
0x385: {  	v2 =	vadd.s32 v52, v58;
	v3 =	vld.idx.msk [tilespmem:v1+s26+$0x0], $0xffff;
	[tilespmem:s23+$0x9080] =	vst v4  }
0x386: {  	v44 =	vadd.s32 v61, v60;
	v60 =	vmov v63;
	v63 =	vmov v10;
	v47 =	vld.idx.msk [tilespmem:v11+s26+$0x0], $0xffff;
	[tilespmem:s10+$0xC200] =	vst v18  }
0x387: {  	v9 =	vadd.s32 v50, v43;
	v45 =	vld.idx.msk [tilespmem:v12+s26+$0x0], $0xffff  }
0x388: {  	s8 =	sadd.s32 $0x20, s8;
	s4 =	sadd.s32 $0x100, s4;
	v1 =	vadd.s32 v55, v59;
	v4 =	vld.idx.msk [tilespmem:v19+s26+$0x0], $0xffff  }
0x389: {  	v10 =	vadd.s32 v50, v42  }
0x38a: {  	s6 =	sand.u32 $0x3C00, s4  }
0x38b: {  	s7 =	sor.u32 s6, s19  }
0x38c: {  	s6 =	sor.u32 s18, s6;
	[tilespmem:s7+$0x9000] =	vst v3  }
0x38d: {  	v3 =	vld.idx.msk [tilespmem:v9+s26+$0x0], $0xffff;
	[tilespmem:s6+$0x9000] =	vst v4  }
0x38e: {  	v4 =	vadd.s32 v51, v41;
	v9 =	vld.idx.msk [tilespmem:v10+s26+$0x0], $0xffff  }
0x38f: {  	v10 =	vadd.s32 v51, v63;
	_ =	sdelay $0x2  }
0x390: {  	[tilespmem:s7+$0xC400] =	vst v3  }
0x391: {  	v3 =	vld.idx.msk [tilespmem:v4+s26+$0x0], $0xffff;
	[tilespmem:s6+$0xC400] =	vst v9  }
0x392: {  	v4 =	vadd.s32 v52, v43;
	v9 =	vld.idx.msk [tilespmem:v10+s26+$0x0], $0xffff  }
0x393: {  	v10 =	vadd.s32 v52, v42;
	_ =	sdelay $0x1  }
0x394: {  	[tilespmem:s22+$0x9080] =	vst v48  }
0x395: {  	v2 =	vld.idx.msk [tilespmem:v2+s26+$0x0], $0xffff;
	[tilespmem:s7+$0x9080] =	vst v3  }
0x396: {  	v3 =	vadd.s32 v55, v60;
	v4 =	vld.idx.msk [tilespmem:v4+s26+$0x0], $0xffff;
	[tilespmem:s6+$0x9080] =	vst v9  }
0x397: {  	v9 =	vadd.s32 v55, v41;
	v10 =	vld.idx.msk [tilespmem:v10+s26+$0x0], $0xffff  }
0x398: {  	v11 =	vadd.s32 v55, v63  }
0x399: {  	s8 =	sadd.s32 $0x1, s31;
	[tilespmem:s23+$0xC480] =	vst v47  }
0x39a: {  	s9 =	sand.u32 $0x3, s8;
	v1 =	vld.idx.msk [tilespmem:v1+s26+$0x0], $0xffff;
	[tilespmem:s22+$0xC480] =	vst v2  }
0x39b: {  	s8 =	sadd.s32 $0x1, s8;
	s9 =	sshll.u32 s9, $0x5;
	v2 =	vadd.s32 v56, v57;
	v3 =	vld.idx.msk [tilespmem:v3+s26+$0x0], $0xffff;
	[tilespmem:s7+$0xC480] =	vst v4  }
0x39c: {  	s11 =	sand.u32 $0x3, s8;
	s0 =	sadd.s32 s9, s0;
	v4 =	vadd.s32 v56, v58;
	v9 =	vld.idx.msk [tilespmem:v9+s26+$0x0], $0xffff;
	[tilespmem:s6+$0xC480] =	vst v10  }
0x39d: {  	s12 =	sadd.s32 $0x10, s0;
	s7 =	sshll.u32 s11, $0x5;
	v10 =	vadd.s32 v56, v43;
	v11 =	vld.idx.msk [tilespmem:v11+s26+$0x0], $0xffff  }
0x39e: {  	v12 =	vadd.s32 v56, v42;
	s13 =	sor.u32 $0x300, s12;
	s14 =	sadd.s32 s7, s4  }
0x39f: {  	s17 =	sor.u32 $0x300, s0;
	[tilespmem:s13+$0x8E00] =	vst v1;
	s18 =	sadd.s32 $0x10, s14  }
0x3a0: {  	v1 =	vld.idx.msk [tilespmem:v2+s26+$0x0], $0xffff;
	s10 =	sor.u32 $0x300, s18;
	[tilespmem:s17+$0x8E00] =	vst v3  }
0x3a1: {  	v2 =	vadd.s32 v61, v59;
	s11 =	sor.u32 $0x300, s14;
	v3 =	vld.idx.msk [tilespmem:v4+s26+$0x0], $0xffff;
	[tilespmem:s10+$0x8E00] =	vst v9  }
0x3a2: {  	v4 =	vadd.s32 v61, v60;
	v9 =	vld.idx.msk [tilespmem:v10+s26+$0x0], $0xffff;
	[tilespmem:s11+$0x8E00] =	vst v11  }
0x3a3: {  	v10 =	vadd.s32 v61, v41;
	v11 =	vld.idx.msk [tilespmem:v12+s26+$0x0], $0xffff  }
0x3a4: {  	[tilespmem:s20+$0xC200] =	vst v46;
	v12 =	vadd.s32 v61, v63  }
0x3a5: {  	v17 =	vadd.s32 v62, v53;
	v18 =	vld.idx.msk [tilespmem:v44+s26+$0x0], $0xffff;
	[tilespmem:s13+$0xC200] =	vst v1  }
0x3a6: {  	v1 =	vadd.s32 v62, v54;
	v2 =	vld.idx.msk [tilespmem:v2+s26+$0x0], $0xffff;
	[tilespmem:s17+$0xC200] =	vst v3  }
0x3a7: {  	v3 =	vadd.s32 v62, v57;
	v4 =	vld.idx.msk [tilespmem:v4+s26+$0x0], $0xffff;
	[tilespmem:s10+$0xC200] =	vst v9  }
0x3a8: {  	s2 =	sor.u32 $0x380, s2;
	v9 =	vadd.s32 v62, v58;
	v10 =	vld.idx.msk [tilespmem:v10+s26+$0x0], $0xffff;
	[tilespmem:s11+$0xC200] =	vst v11  }
0x3a9: {  	[tilespmem:s2+$0x8E00] =	vst v45;
	v11 =	vadd.s32 v62, v43;
	v12 =	vld.idx.msk [tilespmem:v12+s26+$0x0], $0xffff  }
0x3aa: {  	v17 =	vld.idx.msk [tilespmem:v17+s26+$0x0], $0xffff;
	[tilespmem:s1+$0x8E00] =	vst v18;
	v18 =	vadd.s32 v62, v42;
	s6 =	sor.u32 $0x380, s12  }
0x3ab: {  	s0 =	sor.u32 $0x380, s0;
	v1 =	vld.idx.msk [tilespmem:v1+s26+$0x0], $0xffff;
	[tilespmem:s6+$0x8E00] =	vst v2  }
0x3ac: {  	s19 =	sor.u32 $0x380, s18;
	v2 =	vld.idx.msk [tilespmem:v3+s26+$0x0], $0xffff;
	[tilespmem:s0+$0x8E00] =	vst v4  }
0x3ad: {  	s4 =	sor.u32 $0x380, s14;
	v3 =	vld.idx.msk [tilespmem:v9+s26+$0x0], $0xffff;
	[tilespmem:s19+$0x8E00] =	vst v10  }
0x3ae: {  	v4 =	vld.idx.msk [tilespmem:v11+s26+$0x0], $0xffff;
	[tilespmem:s4+$0x8E00] =	vst v12  }
0x3af: {  	[tilespmem:s2+$0xC200] =	vst v17;
	v9 =	vld.idx.msk [tilespmem:v18+s26+$0x0], $0xffff  }
0x3b0: {  	[tilespmem:s1+$0xC200] =	vst v1  }
0x3b1: {  	[tilespmem:s6+$0xC200] =	vst v2  }
0x3b2: {  	[tilespmem:s0+$0xC200] =	vst v3  }
0x3b3: {  	[tilespmem:s19+$0xC200] =	vst v4  }
0x3b4: {  	[tilespmem:s4+$0xC200] =	vst v9  }
0x3b5: {  	v1 =	vld [tilespmem:$0x8640]  }
0x3b6: {  	v2 =	vld [tilespmem:$0x8CC0];
	_ =	sdelay $0x3  }
0x3b7: {  	v3 =	vadd.s32 v49, v1  }
0x3b8: {  	v4 =	vadd.s32 v50, v2;
	_ =	sdelay $0x3  }
0x3b9: {  	v3 =	vld.idx.msk [tilespmem:v3+s26+$0x0], $0xffff  }
0x3ba: {  	v4 =	vld.idx.msk [tilespmem:v4+s26+$0x0], $0xffff  }
0x3bb: {  	v9 =	vadd.s32 v51, v1  }
0x3bc: {  	v10 =	vadd.s32 v52, v2;
	_ =	sdelay $0x1  }
0x3bd: {  	[tilespmem:v13+s28+$0x0] =	vst.idx.msk $0x1fff, v3  }
0x3be: {  	[tilespmem:v13+s29+$0x0] =	vst.idx.msk $0x1fff, v4  }
0x3bf: {  	v3 =	vld.idx.msk [tilespmem:v9+s26+$0x0], $0xffff  }
0x3c0: {  	v4 =	vld.idx.msk [tilespmem:v10+s26+$0x0], $0xffff  }
0x3c1: {  	v9 =	vadd.s32 v55, v1  }
0x3c2: {  	v10 =	vadd.s32 v56, v2;
	_ =	sdelay $0x1  }
0x3c3: {  	[tilespmem:v14+s28+$0x0] =	vst.idx.msk $0x1fff, v3  }
0x3c4: {  	[tilespmem:v14+s29+$0x0] =	vst.idx.msk $0x1fff, v4  }
0x3c5: {  	v3 =	vld.idx.msk [tilespmem:v9+s26+$0x0], $0xffff  }
0x3c6: {  	v4 =	vld.idx.msk [tilespmem:v10+s26+$0x0], $0xffff  }
0x3c7: {  	v1 =	vadd.s32 v61, v1  }
0x3c8: {  	v2 =	vadd.s32 v62, v2;
	_ =	sdelay $0x1  }
0x3c9: {  	[tilespmem:v15+s28+$0x0] =	vst.idx.msk $0x1fff, v3  }
0x3ca: {  	[tilespmem:v15+s29+$0x0] =	vst.idx.msk $0x1fff, v4  }
0x3cb: {  	v1 =	vld.idx.msk [tilespmem:v1+s26+$0x0], $0xffff  }
0x3cc: {  	v2 =	vld.idx.msk [tilespmem:v2+s26+$0x0], $0xffff;
	_ =	sdelay $0x3  }
0x3cd: {  	[tilespmem:v16+s28+$0x0] =	vst.idx.msk $0x1fff, v1  }
0x3ce: {  	s20 =	simm.s32 $0x0;
	s1 =	rddreg [dreg:$0xc];
	[tilespmem:v16+s29+$0x0] =	vst.idx.msk $0x1fff, v2  }
0x3cf: {  	[hbm4b:s1+s20] =	stream.linear.scatter [tilespmem:s28], [sflag:$0x1], $0x3400, $0x38;
	[tilespmem:$0xF600] =	vst v63  }
0x3d0: {  	_ =	swait.ge [sflag:s5], $0x3400  }
0x3d1: {  	[sflag:s5] =	ssyncset.done $0x0  }
0x3d2: {  	s22 =	rddreg [dreg:$0xd];
	[sflag:s5] =	ssyncadd.s32 $0xFFFFCC00  }
0x3d3: {  	[hbm4b:s22+s20] =	stream.linear.scatter [tilespmem:s29], [sflag:$0x1], $0x3400, $0x38;
	[tilespmem:$0xF600] =	vst v63  }
0x3d4: {  	_ =	swait.ge [sflag:s5], $0x3400  }
0x3d5: {  	[sflag:s5] =	ssyncset.done $0x0  }
0x3d6: {  	[sflag:s5] =	ssyncadd.s32 $0xFFFFCC00  }
0x3d7: {  	v1 =	vld.idx.msk [tilespmem:v33+s24+$0x0], $0xffff;
	_ =	sdelay $0x1  }
0x3d8: {  	s23 =	sand.u32 $0x60, s20  }
0x3d9: {  	s8 =	sand.u32 $0x780, s20;
	s7 =	sor.u32 $0x10, s23  }
0x3da: {  	s4 =	sor.u32 s8, s7  }
0x3db: {  	v2 =	vld [tilespmem:s4+$0x8000];
	v1 =	vshll.u32 v1, $0x9  }
0x3dc: {  	v3 =	vld.idx.msk [tilespmem:v33+s25+$0x0], $0xffff;
	v1 =	vsub.s32 v1, v0  }
0x3dd: {  	s9 =	simm.s32 $0x8000;
	vm0 =	vgt.s32 v1, $0x0  }
0x3de: {  	v43 =	vld [tilespmem:s9+$0x0];
	v1 =	vnsel vm0, $0x0, v1  }
0x3df: {  	v49 =	vmin.u32 v1, $0x3E00  }
0x3e0: {  	v4 =	vadd.s32 v49, v2  }
0x3e1: {  	v52 =	vld [tilespmem:s4+$0x8680];
	v3 =	vshll.u32 v3, $0x9  }
0x3e2: {  	v3 =	vsub.s32 v3, v0;
	v1 =	vld.idx.msk [tilespmem:v34+s24+$0x0], $0xffff  }
0x3e3: {  	s10 =	simm.s32 $0x8680;
	v9 =	vld.idx.msk [tilespmem:v34+s25+$0x0], $0xffff;
	vm9 =	vgt.s32 v3, $0x0;
	v11 =	vadd.s32 v49, v43  }
0x3e4: {  	v54 =	vld [tilespmem:s10+$0x0];
	v3 =	vnsel vm9, $0x0, v3  }
0x3e5: {  	v50 =	vmin.u32 v3, $0x3E00;
	v3 =	vld.idx.msk [tilespmem:v4+s26+$0x0], $0xffff  }
0x3e6: {  	v10 =	vld.idx.msk [tilespmem:v35+s24+$0x0], $0xffff;
	v12 =	vadd.s32 v50, v52  }
0x3e7: {  	v17 =	vld.idx.msk [tilespmem:v36+s24+$0x0], $0xffff;
	v1 =	vshll.u32 v1, $0x9  }
0x3e8: {  	s11 =	simm.s32 $0x20;
	s0 =	sand.u32 $0x3C00, s20;
	v1 =	vsub.s32 v1, v0;
	v11 =	vld.idx.msk [tilespmem:v11+s26+$0x0], $0xffff  }
0x3e9: {  	s12 =	sand.u32 $0x60, s11;
	s31 =	sor.u32 s0, s7;
	v18 =	vld.idx.msk [tilespmem:v36+s25+$0x0], $0xffff;
	v19 =	vadd.s32 v50, v54;
	vm10 =	vgt.s32 v1, $0x0  }
0x3ea: {  	s13 =	sor.u32 $0x10, s12;
	s4 =	sand.u32 $0x780, s11;
	v4 =	vld.idx.msk [tilespmem:v35+s25+$0x0], $0xffff;
	v1 =	vnsel vm10, $0x0, v1;
	[tilespmem:s31+$0x8E00] =	vst v3  }
0x3eb: {  	s4 =	sor.u32 s4, s13;
	v51 =	vmin.u32 v1, $0x3E00;
	v1 =	vld.idx.msk [tilespmem:v12+s26+$0x0], $0xffff  }
0x3ec: {  	s2 =	sor.u32 s23, s0;
	v58 =	vld [tilespmem:s4+$0x8000];
	v3 =	vadd.s32 v51, v2  }
0x3ed: {  	v9 =	vshll.u32 v9, $0x9;
	[tilespmem:s2+$0x8E00] =	vst v11  }
0x3ee: {  	s14 =	simm.s32 $0x8020;
	v9 =	vsub.s32 v9, v0;
	v11 =	vld.idx.msk [tilespmem:v19+s26+$0x0], $0xffff  }
0x3ef: {  	v60 =	vld [tilespmem:s14+$0x0];
	vm11 =	vgt.s32 v9, $0x0;
	v12 =	vadd.s32 v51, v43  }
0x3f0: {  	v9 =	vnsel vm11, $0x0, v9;
	[tilespmem:s31+$0xC200] =	vst v1  }
0x3f1: {  	v53 =	vmin.u32 v9, $0x3E00;
	v1 =	vld.idx.msk [tilespmem:v3+s26+$0x0], $0xffff;
	v3 =	vadd.s32 v49, v58  }
0x3f2: {  	v57 =	vld [tilespmem:s4+$0x8680];
	v9 =	vadd.s32 v53, v52  }
0x3f3: {  	v10 =	vshll.u32 v10, $0x9;
	[tilespmem:s2+$0xC200] =	vst v11  }
0x3f4: {  	s17 =	simm.s32 $0x86A0;
	v10 =	vsub.s32 v10, v0;
	v11 =	vadd.s32 v49, v60;
	v12 =	vld.idx.msk [tilespmem:v12+s26+$0x0], $0xffff  }
0x3f5: {  	v59 =	vld [tilespmem:s17+$0x0];
	vm12 =	vgt.s32 v10, $0x0;
	v19 =	vadd.s32 v53, v54  }
0x3f6: {  	v10 =	vnsel vm12, $0x0, v10;
	v3 =	vld.idx.msk [tilespmem:v3+s26+$0x0], $0xffff;
	[tilespmem:s31+$0x8E80] =	vst v1  }
0x3f7: {  	v55 =	vmin.u32 v10, $0x3E00;
	v1 =	vld.idx.msk [tilespmem:v9+s26+$0x0], $0xffff;
	v9 =	vadd.s32 v50, v57  }
0x3f8: {  	s18 =	simm.s32 $0x100;
	v10 =	vadd.s32 v55, v2  }
0x3f9: {  	s19 =	sand.u32 $0x3C00, s18;
	v4 =	vshll.u32 v4, $0x9;
	v11 =	vld.idx.msk [tilespmem:v11+s26+$0x0], $0xffff;
	[tilespmem:s2+$0x8E80] =	vst v12  }
0x3fa: {  	s0 =	sor.u32 s19, s13;
	s17 =	simm.s32 $0x40;
	v4 =	vsub.s32 v4, v0;
	v12 =	vld.idx.msk [tilespmem:v19+s26+$0x0], $0xffff;
	v19 =	vadd.s32 v50, v59  }
0x3fb: {  	s4 =	sand.u32 $0x60, s17;
	vm13 =	vgt.s32 v4, $0x0;
	[tilespmem:s0+$0x8E00] =	vst v3  }
0x3fc: {  	s20 =	sand.u32 $0x780, s17;
	s18 =	sor.u32 $0x10, s4;
	v3 =	vnsel vm13, $0x0, v4;
	v4 =	vld.idx.msk [tilespmem:v9+s26+$0x0], $0xffff;
	v9 =	vadd.s32 v55, v43;
	[tilespmem:s31+$0xC280] =	vst v1  }
0x3fd: {  	s1 =	sor.u32 s12, s19;
	s22 =	sor.u32 s20, s18;
	v56 =	vmin.u32 v3, $0x3E00;
	v3 =	vadd.s32 v51, v58;
	v1 =	vld.idx.msk [tilespmem:v10+s26+$0x0], $0xffff  }
0x3fe: {  	v63 =	vld [tilespmem:s22+$0x8000];
	[tilespmem:s1+$0x8E00] =	vst v11  }
0x3ff: {  	s23 =	simm.s32 $0x8040;
	v11 =	vshll.u32 v17, $0x9;
	v17 =	vld.idx.msk [tilespmem:v19+s26+$0x0], $0xffff;
	v10 =	vadd.s32 v56, v52  }
0x400: {  	v62 =	vld [tilespmem:s23+$0x0];
	v11 =	vsub.s32 v11, v0;
	[tilespmem:s2+$0xC280] =	vst v12  }
0x401: {  	v12 =	vadd.s32 v51, v60;
	vm14 =	vgt.s32 v11, $0x0;
	v9 =	vld.idx.msk [tilespmem:v9+s26+$0x0], $0xffff;
	[tilespmem:s0+$0xC200] =	vst v4  }
0x402: {  	s6 =	simm.s32 $0x86C0;
	v4 =	vld.idx.msk [tilespmem:v3+s26+$0x0], $0xffff;
	v3 =	vadd.s32 v56, v54;
	[tilespmem:s31+$0x8F00] =	vst v1;
	v1 =	vnsel vm14, $0x0, v11  }
0x403: {  	v42 =	vld [tilespmem:s6+$0x0];
	v11 =	vadd.s32 v49, v63;
	v61 =	vmin.u32 v1, $0x3E00  }
0x404: {  	[tilespmem:s1+$0xC200] =	vst v17;
	v10 =	vld.idx.msk [tilespmem:v10+s26+$0x0], $0xffff;
	v1 =	vadd.s32 v53, v57;
	v17 =	vadd.s32 v61, v2;
	v2 =	vshll.u32 v18, $0x9  }
0x405: {  	v44 =	vld [tilespmem:s22+$0x8680];
	v2 =	vsub.s32 v2, v0  }
0x406: {  	v48 =	vld.idx.msk [tilespmem:v12+s26+$0x0], $0xffff;
	v18 =	vadd.s32 v49, v62;
	[tilespmem:s2+$0x8F00] =	vst v9;
	vm15 =	vgt.s32 v2, $0x0  }
0x407: {  	v46 =	vld.idx.msk [tilespmem:v3+s26+$0x0], $0xffff;
	v2 =	vnsel vm15, $0x0, v2  }
0x408: {  	v3 =	vld.idx.msk [tilespmem:v11+s26+$0x0], $0xffff;
	[tilespmem:s0+$0x8E80] =	vst v4;
	v41 =	vmin.u32 v2, $0x3E00;
	v2 =	vadd.s32 v53, v59  }
0x409: {  	v43 =	vadd.s32 v61, v43;
	v47 =	vld.idx.msk [tilespmem:v1+s26+$0x0], $0xffff;
	[tilespmem:s31+$0xC300] =	vst v10  }
0x40a: {  	v9 =	vadd.s32 v50, v44;
	v45 =	vld.idx.msk [tilespmem:v17+s26+$0x0], $0xffff  }
0x40b: {  	s7 =	simm.s32 $0x4;
	s8 =	simm.s32 $0x200;
	s19 =	simm.s32 $0x8060;
	v1 =	vadd.s32 v55, v58;
	v4 =	vld.idx.msk [tilespmem:v18+s26+$0x0], $0xffff  }
.LBB2_18:
0x40c: {  	v10 =	vld [tilespmem:s19+$0x0];
	s9 =	sand.u32 $0x3C00, s8;
	[tilespmem:s1+$0x8E80] =	vst v48;
	v11 =	vadd.s32 v41, v52;
	v52 =	vmov v57;
	v57 =	vmov v44  }
0x40d: {  	s20 =	sor.u32 s4, s9;
	s9 =	sor.u32 s9, s18;
	v2 =	vld.idx.msk [tilespmem:v2+s26+$0x0], $0xffff;
	[tilespmem:s2+$0xC300] =	vst v46  }
0x40e: {  	v12 =	vadd.s32 v50, v42;
	s17 =	sadd.s32 $0x20, s17;
	[tilespmem:s9+$0x8E00] =	vst v3;
	v3 =	vld.idx.msk [tilespmem:v43+s26+$0x0], $0xffff  }
0x40f: {  	s7 =	sadd.s32 $0x2, s7;
	v17 =	vadd.s32 v55, v60;
	s4 =	sand.u32 $0x60, s17;
	v9 =	vld.idx.msk [tilespmem:v9+s26+$0x0], $0xffff;
	[tilespmem:s0+$0xC280] =	vst v47  }
0x410: {  	v18 =	vadd.s32 v41, v54;
	v54 =	vmov v59;
	v59 =	vmov v42;
	s10 =	sand.u32 $0x780, s17;
	p4 =	slt.u32 s7, $0x62;
	s18 =	sor.u32 $0x10, s4;
	v1 =	vld.idx.msk [tilespmem:v1+s26+$0x0], $0xffff;
	[tilespmem:s31+$0x8F80] =	vst v45  }
0x411: {  	s10 =	sor.u32 s10, s18;
	[tilespmem:s20+$0x8E00] =	vst v4;
	v4 =	vadd.s32 v51, v63;
	v11 =	vld.idx.msk [tilespmem:v11+s26+$0x0], $0xffff  }
0x412: {  	v42 =	vadd.s32 v56, v52;
	v19 =	vld [tilespmem:s10+$0x8000]  }
0x413: {  	v12 =	vld.idx.msk [tilespmem:v12+s26+$0x0], $0xffff;
	[tilespmem:s1+$0xC280] =	vst v2  }
0x414: {  	v2 =	vld.idx.msk [tilespmem:v17+s26+$0x0], $0xffff;
	[tilespmem:s2+$0x8F80] =	vst v3  }
0x415: {  	v3 =	vadd.s32 v51, v62;
	[tilespmem:s9+$0xC200] =	vst v9;
	v9 =	vld.idx.msk [tilespmem:v18+s26+$0x0], $0xffff  }
0x416: {  	v17 =	vadd.s32 v56, v54;
	v4 =	vld.idx.msk [tilespmem:v4+s26+$0x0], $0xffff;
	[tilespmem:s0+$0x8F00] =	vst v1  }
0x417: {  	s6 =	sadd.s32 $0x20, s6;
	v1 =	vadd.s32 v49, v19;
	v18 =	vld.idx.msk [tilespmem:v42+s26+$0x0], $0xffff;
	[tilespmem:s31+$0xC380] =	vst v11;
	s31 =	smov.u32 s0;
	s0 =	smov.u32 s9  }
0x418: {  	v11 =	vadd.s32 v53, v57;
	v42 =	vld [tilespmem:s6+$0x0]  }
0x419: {  	v44 =	vld [tilespmem:s10+$0x8680];
	[tilespmem:s20+$0xC200] =	vst v12;
	v12 =	vadd.s32 v61, v58;
	v58 =	vmov v63;
	v63 =	vmov v19  }
0x41a: {  	v19 =	vadd.s32 v49, v10;
	v48 =	vld.idx.msk [tilespmem:v3+s26+$0x0], $0xffff;
	[tilespmem:s1+$0x8F00] =	vst v2  }
.Ltmp10:
0x41b: {  	v46 =	vld.idx.msk [tilespmem:v17+s26+$0x0], $0xffff;
	[tilespmem:s2+$0xC380] =	vst v9;
	s2 =	smov.u32 s1;
	s1 =	smov.u32 s20;
	(pc) =	sbr.rel @p4 .LBB2_18-.Ltmp10, $4  }
0x41c: {  	v2 =	vadd.s32 v53, v59;
	v3 =	vld.idx.msk [tilespmem:v1+s26+$0x0], $0xffff;
	[tilespmem:s0+$0x8E80] =	vst v4  }
0x41d: {  	v43 =	vadd.s32 v61, v60;
	v60 =	vmov v62;
	v62 =	vmov v10;
	v47 =	vld.idx.msk [tilespmem:v11+s26+$0x0], $0xffff;
	[tilespmem:s31+$0xC300] =	vst v18  }
0x41e: {  	v9 =	vadd.s32 v50, v44;
	v45 =	vld.idx.msk [tilespmem:v12+s26+$0x0], $0xffff  }
0x41f: {  	s19 =	sadd.s32 $0x20, s19;
	s8 =	sadd.s32 $0x100, s8;
	v1 =	vadd.s32 v55, v58;
	v4 =	vld.idx.msk [tilespmem:v19+s26+$0x0], $0xffff  }
0x420: {  	v10 =	vadd.s32 v50, v42  }
0x421: {  	s7 =	sand.u32 $0x3C00, s8  }
0x422: {  	s6 =	sor.u32 s7, s18  }
0x423: {  	s4 =	sor.u32 s4, s7;
	[tilespmem:s6+$0x8E00] =	vst v3  }
0x424: {  	v3 =	vld.idx.msk [tilespmem:v9+s26+$0x0], $0xffff;
	[tilespmem:s4+$0x8E00] =	vst v4  }
0x425: {  	v4 =	vadd.s32 v51, v63;
	v9 =	vld.idx.msk [tilespmem:v10+s26+$0x0], $0xffff  }
0x426: {  	v10 =	vadd.s32 v51, v62;
	_ =	sdelay $0x2  }
0x427: {  	[tilespmem:s6+$0xC200] =	vst v3  }
0x428: {  	v3 =	vld.idx.msk [tilespmem:v4+s26+$0x0], $0xffff;
	[tilespmem:s4+$0xC200] =	vst v9  }
0x429: {  	v4 =	vadd.s32 v53, v44;
	v9 =	vld.idx.msk [tilespmem:v10+s26+$0x0], $0xffff  }
0x42a: {  	v10 =	vadd.s32 v53, v42;
	_ =	sdelay $0x1  }
0x42b: {  	[tilespmem:s1+$0x8E80] =	vst v48  }
0x42c: {  	v2 =	vld.idx.msk [tilespmem:v2+s26+$0x0], $0xffff;
	[tilespmem:s6+$0x8E80] =	vst v3  }
0x42d: {  	v3 =	vadd.s32 v55, v60;
	v4 =	vld.idx.msk [tilespmem:v4+s26+$0x0], $0xffff;
	[tilespmem:s4+$0x8E80] =	vst v9  }
0x42e: {  	v9 =	vadd.s32 v55, v63;
	v10 =	vld.idx.msk [tilespmem:v10+s26+$0x0], $0xffff  }
0x42f: {  	v11 =	vadd.s32 v55, v62  }
0x430: {  	[tilespmem:s0+$0xC280] =	vst v47  }
0x431: {  	v1 =	vld.idx.msk [tilespmem:v1+s26+$0x0], $0xffff;
	[tilespmem:s1+$0xC280] =	vst v2  }
0x432: {  	v2 =	vadd.s32 v56, v57;
	v3 =	vld.idx.msk [tilespmem:v3+s26+$0x0], $0xffff;
	[tilespmem:s6+$0xC280] =	vst v4  }
0x433: {  	v4 =	vadd.s32 v56, v59;
	v9 =	vld.idx.msk [tilespmem:v9+s26+$0x0], $0xffff;
	[tilespmem:s4+$0xC280] =	vst v10  }
0x434: {  	v10 =	vadd.s32 v56, v44;
	v11 =	vld.idx.msk [tilespmem:v11+s26+$0x0], $0xffff  }
0x435: {  	v12 =	vadd.s32 v56, v42  }
0x436: {  	[tilespmem:s0+$0x8F00] =	vst v1  }
0x437: {  	v1 =	vld.idx.msk [tilespmem:v2+s26+$0x0], $0xffff;
	[tilespmem:s1+$0x8F00] =	vst v3  }
0x438: {  	v2 =	vadd.s32 v61, v58;
	v3 =	vld.idx.msk [tilespmem:v4+s26+$0x0], $0xffff;
	[tilespmem:s6+$0x8F00] =	vst v9  }
0x439: {  	v4 =	vadd.s32 v61, v60;
	v9 =	vld.idx.msk [tilespmem:v10+s26+$0x0], $0xffff;
	[tilespmem:s4+$0x8F00] =	vst v11  }
0x43a: {  	v10 =	vadd.s32 v61, v63;
	v11 =	vld.idx.msk [tilespmem:v12+s26+$0x0], $0xffff  }
0x43b: {  	[tilespmem:s2+$0xC300] =	vst v46;
	v12 =	vadd.s32 v61, v62  }
0x43c: {  	v17 =	vadd.s32 v41, v52;
	v18 =	vld.idx.msk [tilespmem:v43+s26+$0x0], $0xffff;
	[tilespmem:s0+$0xC300] =	vst v1  }
0x43d: {  	v1 =	vadd.s32 v41, v54;
	v2 =	vld.idx.msk [tilespmem:v2+s26+$0x0], $0xffff;
	[tilespmem:s1+$0xC300] =	vst v3  }
0x43e: {  	v3 =	vadd.s32 v41, v57;
	v4 =	vld.idx.msk [tilespmem:v4+s26+$0x0], $0xffff;
	[tilespmem:s6+$0xC300] =	vst v9  }
0x43f: {  	v9 =	vadd.s32 v41, v59;
	v10 =	vld.idx.msk [tilespmem:v10+s26+$0x0], $0xffff;
	[tilespmem:s4+$0xC300] =	vst v11  }
0x440: {  	[tilespmem:s31+$0x8F80] =	vst v45;
	v11 =	vadd.s32 v41, v44;
	v12 =	vld.idx.msk [tilespmem:v12+s26+$0x0], $0xffff  }
0x441: {  	v17 =	vld.idx.msk [tilespmem:v17+s26+$0x0], $0xffff;
	[tilespmem:s2+$0x8F80] =	vst v18;
	v18 =	vadd.s32 v41, v42  }
0x442: {  	v1 =	vld.idx.msk [tilespmem:v1+s26+$0x0], $0xffff;
	[tilespmem:s0+$0x8F80] =	vst v2  }
0x443: {  	v2 =	vld.idx.msk [tilespmem:v3+s26+$0x0], $0xffff;
	[tilespmem:s1+$0x8F80] =	vst v4  }
0x444: {  	v3 =	vld.idx.msk [tilespmem:v9+s26+$0x0], $0xffff;
	[tilespmem:s6+$0x8F80] =	vst v10  }
0x445: {  	v4 =	vld.idx.msk [tilespmem:v11+s26+$0x0], $0xffff;
	[tilespmem:s4+$0x8F80] =	vst v12  }
0x446: {  	[tilespmem:s31+$0xC380] =	vst v17;
	v9 =	vld.idx.msk [tilespmem:v18+s26+$0x0], $0xffff  }
0x447: {  	[tilespmem:s2+$0xC380] =	vst v1  }
0x448: {  	[tilespmem:s0+$0xC380] =	vst v2  }
0x449: {  	[tilespmem:s1+$0xC380] =	vst v3  }
0x44a: {  	[tilespmem:s6+$0xC380] =	vst v4  }
0x44b: {  	[tilespmem:s4+$0xC380] =	vst v9  }
0x44c: {  	v1 =	vld [tilespmem:$0x8640]  }
0x44d: {  	v2 =	vld [tilespmem:$0x8CC0];
	_ =	sdelay $0x3  }
0x44e: {  	v3 =	vadd.s32 v49, v1  }
0x44f: {  	v4 =	vadd.s32 v50, v2;
	_ =	sdelay $0x3  }
0x450: {  	v3 =	vld.idx.msk [tilespmem:v3+s26+$0x0], $0xffff  }
0x451: {  	v4 =	vld.idx.msk [tilespmem:v4+s26+$0x0], $0xffff  }
0x452: {  	v9 =	vadd.s32 v51, v1  }
0x453: {  	v10 =	vadd.s32 v53, v2;
	_ =	sdelay $0x1  }
0x454: {  	[tilespmem:v5+s28+$0x0] =	vst.idx.msk $0x1fff, v3  }
0x455: {  	[tilespmem:v5+s29+$0x0] =	vst.idx.msk $0x1fff, v4  }
0x456: {  	v3 =	vld.idx.msk [tilespmem:v9+s26+$0x0], $0xffff  }
0x457: {  	v4 =	vld.idx.msk [tilespmem:v10+s26+$0x0], $0xffff  }
0x458: {  	v9 =	vadd.s32 v55, v1  }
0x459: {  	v10 =	vadd.s32 v56, v2;
	_ =	sdelay $0x1  }
0x45a: {  	[tilespmem:v6+s28+$0x0] =	vst.idx.msk $0x1fff, v3  }
0x45b: {  	[tilespmem:v6+s29+$0x0] =	vst.idx.msk $0x1fff, v4  }
0x45c: {  	v3 =	vld.idx.msk [tilespmem:v9+s26+$0x0], $0xffff  }
0x45d: {  	v4 =	vld.idx.msk [tilespmem:v10+s26+$0x0], $0xffff  }
0x45e: {  	v1 =	vadd.s32 v61, v1  }
0x45f: {  	v2 =	vadd.s32 v41, v2;
	_ =	sdelay $0x1  }
0x460: {  	[tilespmem:v7+s28+$0x0] =	vst.idx.msk $0x1fff, v3  }
0x461: {  	[tilespmem:v7+s29+$0x0] =	vst.idx.msk $0x1fff, v4  }
0x462: {  	v1 =	vld.idx.msk [tilespmem:v1+s26+$0x0], $0xffff  }
0x463: {  	v2 =	vld.idx.msk [tilespmem:v2+s26+$0x0], $0xffff;
	_ =	sdelay $0x3  }
0x464: {  	[tilespmem:v8+s28+$0x0] =	vst.idx.msk $0x1fff, v1  }
0x465: {  	[tilespmem:v8+s29+$0x0] =	vst.idx.msk $0x1fff, v2  }
0x466: {  	v1 =	vld.idx.msk [tilespmem:v37+s24+$0x0], $0xffff  }
0x467: {  	s31 =	simm.s32 $0x0  }
0x468: {  	s10 =	sand.u32 $0x60, s31  }
0x469: {  	s12 =	sand.u32 $0x780, s31;
	s11 =	sor.u32 $0x10, s10  }
0x46a: {  	s2 =	sor.u32 s12, s11  }
0x46b: {  	v62 =	vld [tilespmem:s2+$0x8000];
	v1 =	vshll.u32 v1, $0x9  }
0x46c: {  	v2 =	vld.idx.msk [tilespmem:v37+s25+$0x0], $0xffff;
	v1 =	vsub.s32 v1, v0  }
0x46d: {  	vm0 =	vgt.s32 v1, $0x0  }
0x46e: {  	s13 =	simm.s32 $0x8000;
	v1 =	vnsel vm0, $0x0, v1  }
0x46f: {  	v44 =	vld [tilespmem:s13+$0x0];
	v49 =	vmin.u32 v1, $0x3E00  }
0x470: {  	v3 =	vadd.s32 v49, v62  }
0x471: {  	v53 =	vld [tilespmem:s2+$0x8680];
	v2 =	vshll.u32 v2, $0x9  }
0x472: {  	v2 =	vsub.s32 v2, v0;
	v1 =	vld.idx.msk [tilespmem:v38+s24+$0x0], $0xffff  }
0x473: {  	s14 =	simm.s32 $0x8680;
	v4 =	vld.idx.msk [tilespmem:v38+s25+$0x0], $0xffff;
	vm9 =	vgt.s32 v2, $0x0  }
0x474: {  	v54 =	vld [tilespmem:s14+$0x0];
	v2 =	vnsel vm9, $0x0, v2;
	v10 =	vadd.s32 v49, v44  }
0x475: {  	v50 =	vmin.u32 v2, $0x3E00;
	v2 =	vld.idx.msk [tilespmem:v3+s26+$0x0], $0xffff  }
0x476: {  	v9 =	vld.idx.msk [tilespmem:v39+s24+$0x0], $0xffff;
	v11 =	vadd.s32 v50, v53  }
0x477: {  	v12 =	vld.idx.msk [tilespmem:v40+s24+$0x0], $0xffff;
	v1 =	vshll.u32 v1, $0x9  }
0x478: {  	s18 =	simm.s32 $0x20;
	s17 =	sand.u32 $0x3C00, s31;
	v17 =	vld.idx.msk [tilespmem:v40+s25+$0x0], $0xffff;
	v1 =	vsub.s32 v1, v0  }
0x479: {  	s20 =	sand.u32 $0x60, s18;
	s19 =	sor.u32 s17, s11;
	v10 =	vld.idx.msk [tilespmem:v10+s26+$0x0], $0xffff;
	vm10 =	vgt.s32 v1, $0x0  }
0x47a: {  	s22 =	sor.u32 $0x10, s20;
	s4 =	sand.u32 $0x780, s18;
	v18 =	vadd.s32 v50, v54;
	v3 =	vld.idx.msk [tilespmem:v39+s25+$0x0], $0xffff;
	v1 =	vnsel vm10, $0x0, v1;
	[tilespmem:s19+$0x9000] =	vst v2  }
0x47b: {  	s4 =	sor.u32 s4, s22;
	v51 =	vmin.u32 v1, $0x3E00;
	v1 =	vld.idx.msk [tilespmem:v11+s26+$0x0], $0xffff  }
0x47c: {  	v59 =	vld [tilespmem:s4+$0x8000];
	v2 =	vadd.s32 v51, v62  }
0x47d: {  	s2 =	sor.u32 s10, s17;
	v4 =	vshll.u32 v4, $0x9  }
0x47e: {  	v4 =	vsub.s32 v4, v0;
	[tilespmem:s2+$0x9000] =	vst v10  }
0x47f: {  	s23 =	simm.s32 $0x8020;
	vm11 =	vgt.s32 v4, $0x0;
	v10 =	vld.idx.msk [tilespmem:v18+s26+$0x0], $0xffff  }
0x480: {  	v60 =	vld [tilespmem:s23+$0x0];
	v4 =	vnsel vm11, $0x0, v4;
	v11 =	vadd.s32 v51, v44;
	[tilespmem:s19+$0xC400] =	vst v1  }
0x481: {  	v52 =	vmin.u32 v4, $0x3E00;
	v1 =	vld.idx.msk [tilespmem:v2+s26+$0x0], $0xffff;
	v2 =	vadd.s32 v49, v59  }
0x482: {  	v57 =	vld [tilespmem:s4+$0x8680];
	v4 =	vadd.s32 v52, v53  }
0x483: {  	s4 =	simm.s32 $0x86A0  }
0x484: {  	v58 =	vld [tilespmem:s4+$0x0];
	v9 =	vshll.u32 v9, $0x9;
	[tilespmem:s2+$0xC400] =	vst v10  }
0x485: {  	v9 =	vsub.s32 v9, v0;
	v10 =	vadd.s32 v49, v60;
	v11 =	vld.idx.msk [tilespmem:v11+s26+$0x0], $0xffff  }
0x486: {  	vm12 =	vgt.s32 v9, $0x0;
	v18 =	vadd.s32 v52, v54;
	v2 =	vld.idx.msk [tilespmem:v2+s26+$0x0], $0xffff;
	[tilespmem:s19+$0x9080] =	vst v1  }
0x487: {  	v9 =	vnsel vm12, $0x0, v9;
	v1 =	vld.idx.msk [tilespmem:v4+s26+$0x0], $0xffff;
	v4 =	vadd.s32 v50, v57  }
0x488: {  	s0 =	simm.s32 $0x100;
	v55 =	vmin.u32 v9, $0x3E00  }
0x489: {  	s8 =	sand.u32 $0x3C00, s0;
	v9 =	vadd.s32 v55, v62;
	v3 =	vshll.u32 v3, $0x9  }
0x48a: {  	s23 =	sor.u32 s8, s22;
	v3 =	vsub.s32 v3, v0;
	v10 =	vld.idx.msk [tilespmem:v10+s26+$0x0], $0xffff;
	[tilespmem:s2+$0x9080] =	vst v11  }
0x48b: {  	s17 =	simm.s32 $0x40;
	vm13 =	vgt.s32 v3, $0x0;
	v11 =	vld.idx.msk [tilespmem:v18+s26+$0x0], $0xffff;
	v18 =	vadd.s32 v50, v58;
	[tilespmem:s23+$0x9000] =	vst v2  }
0x48c: {  	s12 =	simm.s32 $0x8040;
	s18 =	sand.u32 $0x60, s17;
	v2 =	vnsel vm13, $0x0, v3;
	v3 =	vld.idx.msk [tilespmem:v4+s26+$0x0], $0xffff;
	v4 =	vadd.s32 v55, v44  }
0x48d: {  	v63 =	vld [tilespmem:s12+$0x0];
	s9 =	sand.u32 $0x780, s17;
	[tilespmem:s19+$0xC480] =	vst v1;
	s19 =	sor.u32 $0x10, s18  }
0x48e: {  	s22 =	sor.u32 s20, s8;
	v56 =	vmin.u32 v2, $0x3E00;
	v2 =	vadd.s32 v51, v59;
	v1 =	vld.idx.msk [tilespmem:v9+s26+$0x0], $0xffff;
	s10 =	sor.u32 s9, s19  }
0x48f: {  	s11 =	sand.u32 $0x3, s31;
	[tilespmem:s22+$0x9000] =	vst v10;
	v41 =	vld [tilespmem:s10+$0x8000]  }
0x490: {  	s13 =	sshll.u32 s11, $0x5;
	v10 =	vshll.u32 v12, $0x9;
	v12 =	vld.idx.msk [tilespmem:v18+s26+$0x0], $0xffff;
	[tilespmem:s2+$0xC480] =	vst v11  }
0x491: {  	s1 =	sadd.s32 $0x0, s13;
	v9 =	vadd.s32 v56, v53;
	v4 =	vld.idx.msk [tilespmem:v4+s26+$0x0], $0xffff  }
0x492: {  	v10 =	vsub.s32 v10, v0;
	s2 =	sadd.s32 $0x10, s1;
	v11 =	vadd.s32 v51, v60;
	[tilespmem:s23+$0xC400] =	vst v3  }
0x493: {  	s6 =	simm.s32 $0x86C0;
	vm14 =	vgt.s32 v10, $0x0;
	s14 =	sor.u32 $0x300, s2;
	v3 =	vadd.s32 v56, v54;
	v2 =	vld.idx.msk [tilespmem:v2+s26+$0x0], $0xffff  }
0x494: {  	v42 =	vld [tilespmem:s6+$0x0];
	[tilespmem:s14+$0x8E00] =	vst v1;
	v1 =	vnsel vm14, $0x0, v10;
	v10 =	vadd.s32 v49, v41  }
0x495: {  	s20 =	sor.u32 $0x300, s1;
	v17 =	vshll.u32 v17, $0x9;
	v43 =	vld [tilespmem:s10+$0x8680];
	[tilespmem:s22+$0xC400] =	vst v12;
	v61 =	vmin.u32 v1, $0x3E00;
	v1 =	vadd.s32 v52, v57  }
0x496: {  	v18 =	vadd.s32 v49, v63;
	v9 =	vld.idx.msk [tilespmem:v9+s26+$0x0], $0xffff;
	[tilespmem:s20+$0x8E00] =	vst v4;
	v4 =	vsub.s32 v17, v0  }
0x497: {  	v48 =	vld.idx.msk [tilespmem:v11+s26+$0x0], $0xffff;
	v12 =	vadd.s32 v61, v62;
	vm15 =	vgt.s32 v4, $0x0  }
0x498: {  	v46 =	vld.idx.msk [tilespmem:v3+s26+$0x0], $0xffff;
	[tilespmem:s23+$0x9080] =	vst v2;
	v2 =	vnsel vm15, $0x0, v4  }
0x499: {  	v3 =	vld.idx.msk [tilespmem:v10+s26+$0x0], $0xffff;
	v62 =	vmin.u32 v2, $0x3E00;
	v2 =	vadd.s32 v52, v58  }
0x49a: {  	v44 =	vadd.s32 v61, v44;
	v47 =	vld.idx.msk [tilespmem:v1+s26+$0x0], $0xffff  }
0x49b: {  	s7 =	simm.s32 $0x4;
	[tilespmem:s14+$0xC200] =	vst v9;
	v9 =	vadd.s32 v50, v43;
	v4 =	vld.idx.msk [tilespmem:v18+s26+$0x0], $0xffff  }
0x49c: {  	s8 =	simm.s32 $0x8060;
	s4 =	simm.s32 $0x200;
	s1 =	sor.u32 $0x380, s1;
	v1 =	vadd.s32 v55, v59;
	v45 =	vld.idx.msk [tilespmem:v12+s26+$0x0], $0xffff  }
.LBB2_20:
0x49d: {  	v10 =	vld [tilespmem:s8+$0x0];
	s9 =	sand.u32 $0x3C00, s4;
	[tilespmem:s22+$0x9080] =	vst v48;
	v11 =	vadd.s32 v62, v53;
	v53 =	vmov v57;
	v57 =	vmov v43  }
0x49e: {  	s10 =	sor.u32 s18, s9;
	s9 =	sor.u32 s9, s19;
	v2 =	vld.idx.msk [tilespmem:v2+s26+$0x0], $0xffff;
	[tilespmem:s20+$0xC200] =	vst v46  }
0x49f: {  	v12 =	vadd.s32 v50, v42;
	s17 =	sadd.s32 $0x20, s17;
	s31 =	sadd.s32 $0x1, s31;
	[tilespmem:s9+$0x9000] =	vst v3;
	v3 =	vld.idx.msk [tilespmem:v44+s26+$0x0], $0xffff  }
0x4a0: {  	s7 =	sadd.s32 $0x2, s7;
	v17 =	vadd.s32 v55, v60;
	s11 =	sor.u32 $0x380, s2;
	s18 =	sand.u32 $0x60, s17;
	v9 =	vld.idx.msk [tilespmem:v9+s26+$0x0], $0xffff;
	[tilespmem:s23+$0xC480] =	vst v47  }
0x4a1: {  	v18 =	vadd.s32 v62, v54;
	v54 =	vmov v58;
	v58 =	vmov v42;
	s2 =	sand.u32 $0x780, s17;
	p4 =	slt.u32 s7, $0x62;
	s19 =	sor.u32 $0x10, s18;
	v1 =	vld.idx.msk [tilespmem:v1+s26+$0x0], $0xffff;
	[tilespmem:s11+$0x8E00] =	vst v45  }
0x4a2: {  	s12 =	sor.u32 s2, s19;
	s2 =	sand.u32 $0x3, s31;
	s23 =	smov.u32 s9;
	[tilespmem:s10+$0x9000] =	vst v4;
	v4 =	vadd.s32 v51, v41;
	v11 =	vld.idx.msk [tilespmem:v11+s26+$0x0], $0xffff  }
0x4a3: {  	v42 =	vadd.s32 v56, v53;
	s2 =	sshll.u32 s2, $0x5;
	v19 =	vld [tilespmem:s12+$0x8000]  }
0x4a4: {  	s2 =	sadd.s32 s2, s0;
	s0 =	smov.u32 s4;
	v12 =	vld.idx.msk [tilespmem:v12+s26+$0x0], $0xffff;
	[tilespmem:s22+$0xC480] =	vst v2;
	s22 =	smov.u32 s10  }
0x4a5: {  	s20 =	sor.u32 $0x300, s2;
	s9 =	sor.u32 $0x380, s2;
	s2 =	sadd.s32 $0x10, s2;
	v2 =	vld.idx.msk [tilespmem:v17+s26+$0x0], $0xffff;
	[tilespmem:s1+$0x8E00] =	vst v3  }
0x4a6: {  	s10 =	sor.u32 $0x300, s2;
	v3 =	vadd.s32 v51, v63;
	[tilespmem:s23+$0xC400] =	vst v9;
	v9 =	vld.idx.msk [tilespmem:v18+s26+$0x0], $0xffff  }
0x4a7: {  	v17 =	vadd.s32 v56, v54;
	v4 =	vld.idx.msk [tilespmem:v4+s26+$0x0], $0xffff;
	[tilespmem:s10+$0x8E00] =	vst v1  }
0x4a8: {  	s6 =	sadd.s32 $0x20, s6;
	v1 =	vadd.s32 v49, v19;
	v18 =	vld.idx.msk [tilespmem:v42+s26+$0x0], $0xffff;
	[tilespmem:s11+$0xC200] =	vst v11  }
0x4a9: {  	v11 =	vadd.s32 v52, v57;
	v42 =	vld [tilespmem:s6+$0x0]  }
0x4aa: {  	v43 =	vld [tilespmem:s12+$0x8680];
	[tilespmem:s22+$0xC400] =	vst v12;
	v12 =	vadd.s32 v61, v59;
	v59 =	vmov v41;
	v41 =	vmov v19  }
0x4ab: {  	v19 =	vadd.s32 v49, v10;
	v48 =	vld.idx.msk [tilespmem:v3+s26+$0x0], $0xffff;
	[tilespmem:s20+$0x8E00] =	vst v2  }
.Ltmp11:
0x4ac: {  	v46 =	vld.idx.msk [tilespmem:v17+s26+$0x0], $0xffff;
	[tilespmem:s1+$0xC200] =	vst v9;
	s1 =	smov.u32 s9;
	(pc) =	sbr.rel @p4 .LBB2_20-.Ltmp11, $4  }
0x4ad: {  	v2 =	vadd.s32 v52, v58;
	v3 =	vld.idx.msk [tilespmem:v1+s26+$0x0], $0xffff;
	[tilespmem:s23+$0x9080] =	vst v4  }
0x4ae: {  	v44 =	vadd.s32 v61, v60;
	v60 =	vmov v63;
	v63 =	vmov v10;
	v47 =	vld.idx.msk [tilespmem:v11+s26+$0x0], $0xffff;
	[tilespmem:s10+$0xC200] =	vst v18  }
0x4af: {  	v9 =	vadd.s32 v50, v43;
	v45 =	vld.idx.msk [tilespmem:v12+s26+$0x0], $0xffff  }
0x4b0: {  	s8 =	sadd.s32 $0x20, s8;
	s4 =	sadd.s32 $0x100, s4;
	v1 =	vadd.s32 v55, v59;
	v4 =	vld.idx.msk [tilespmem:v19+s26+$0x0], $0xffff  }
0x4b1: {  	v10 =	vadd.s32 v50, v42  }
0x4b2: {  	s6 =	sand.u32 $0x3C00, s4  }
0x4b3: {  	s7 =	sor.u32 s6, s19  }
0x4b4: {  	s6 =	sor.u32 s18, s6;
	[tilespmem:s7+$0x9000] =	vst v3  }
0x4b5: {  	v3 =	vld.idx.msk [tilespmem:v9+s26+$0x0], $0xffff;
	[tilespmem:s6+$0x9000] =	vst v4  }
0x4b6: {  	v4 =	vadd.s32 v51, v41;
	v9 =	vld.idx.msk [tilespmem:v10+s26+$0x0], $0xffff  }
0x4b7: {  	v10 =	vadd.s32 v51, v63;
	_ =	sdelay $0x2  }
0x4b8: {  	[tilespmem:s7+$0xC400] =	vst v3  }
0x4b9: {  	v3 =	vld.idx.msk [tilespmem:v4+s26+$0x0], $0xffff;
	[tilespmem:s6+$0xC400] =	vst v9  }
0x4ba: {  	v4 =	vadd.s32 v52, v43;
	v9 =	vld.idx.msk [tilespmem:v10+s26+$0x0], $0xffff  }
0x4bb: {  	v10 =	vadd.s32 v52, v42;
	_ =	sdelay $0x1  }
0x4bc: {  	[tilespmem:s22+$0x9080] =	vst v48  }
0x4bd: {  	v2 =	vld.idx.msk [tilespmem:v2+s26+$0x0], $0xffff;
	[tilespmem:s7+$0x9080] =	vst v3  }
0x4be: {  	v3 =	vadd.s32 v55, v60;
	v4 =	vld.idx.msk [tilespmem:v4+s26+$0x0], $0xffff;
	[tilespmem:s6+$0x9080] =	vst v9  }
0x4bf: {  	v9 =	vadd.s32 v55, v41;
	v10 =	vld.idx.msk [tilespmem:v10+s26+$0x0], $0xffff  }
0x4c0: {  	v11 =	vadd.s32 v55, v63  }
0x4c1: {  	s8 =	sadd.s32 $0x1, s31;
	[tilespmem:s23+$0xC480] =	vst v47  }
0x4c2: {  	s9 =	sand.u32 $0x3, s8;
	v1 =	vld.idx.msk [tilespmem:v1+s26+$0x0], $0xffff;
	[tilespmem:s22+$0xC480] =	vst v2  }
0x4c3: {  	s8 =	sadd.s32 $0x1, s8;
	s9 =	sshll.u32 s9, $0x5;
	v2 =	vadd.s32 v56, v57;
	v3 =	vld.idx.msk [tilespmem:v3+s26+$0x0], $0xffff;
	[tilespmem:s7+$0xC480] =	vst v4  }
0x4c4: {  	s14 =	sand.u32 $0x3, s8;
	s0 =	sadd.s32 s9, s0;
	v4 =	vadd.s32 v56, v58;
	v9 =	vld.idx.msk [tilespmem:v9+s26+$0x0], $0xffff;
	[tilespmem:s6+$0xC480] =	vst v10  }
0x4c5: {  	s17 =	sadd.s32 $0x10, s0;
	s7 =	sshll.u32 s14, $0x5;
	v10 =	vadd.s32 v56, v43;
	v11 =	vld.idx.msk [tilespmem:v11+s26+$0x0], $0xffff  }
0x4c6: {  	v12 =	vadd.s32 v56, v42;
	s18 =	sor.u32 $0x300, s17;
	s19 =	sadd.s32 s7, s4  }
0x4c7: {  	s22 =	sor.u32 $0x300, s0;
	[tilespmem:s18+$0x8E00] =	vst v1;
	s23 =	sadd.s32 $0x10, s19  }
0x4c8: {  	v1 =	vld.idx.msk [tilespmem:v2+s26+$0x0], $0xffff;
	s10 =	sor.u32 $0x300, s23;
	[tilespmem:s22+$0x8E00] =	vst v3  }
0x4c9: {  	v2 =	vadd.s32 v61, v59;
	s11 =	sor.u32 $0x300, s19;
	v3 =	vld.idx.msk [tilespmem:v4+s26+$0x0], $0xffff;
	[tilespmem:s10+$0x8E00] =	vst v9  }
0x4ca: {  	v4 =	vadd.s32 v61, v60;
	v9 =	vld.idx.msk [tilespmem:v10+s26+$0x0], $0xffff;
	[tilespmem:s11+$0x8E00] =	vst v11  }
0x4cb: {  	v10 =	vadd.s32 v61, v41;
	v11 =	vld.idx.msk [tilespmem:v12+s26+$0x0], $0xffff  }
0x4cc: {  	[tilespmem:s20+$0xC200] =	vst v46;
	v12 =	vadd.s32 v61, v63  }
0x4cd: {  	v17 =	vadd.s32 v62, v53;
	v18 =	vld.idx.msk [tilespmem:v44+s26+$0x0], $0xffff;
	[tilespmem:s18+$0xC200] =	vst v1  }
0x4ce: {  	v1 =	vadd.s32 v62, v54;
	v2 =	vld.idx.msk [tilespmem:v2+s26+$0x0], $0xffff;
	[tilespmem:s22+$0xC200] =	vst v3  }
0x4cf: {  	v3 =	vadd.s32 v62, v57;
	v4 =	vld.idx.msk [tilespmem:v4+s26+$0x0], $0xffff;
	[tilespmem:s10+$0xC200] =	vst v9  }
0x4d0: {  	s2 =	sor.u32 $0x380, s2;
	v9 =	vadd.s32 v62, v58;
	v10 =	vld.idx.msk [tilespmem:v10+s26+$0x0], $0xffff;
	[tilespmem:s11+$0xC200] =	vst v11  }
0x4d1: {  	[tilespmem:s2+$0x8E00] =	vst v45;
	v11 =	vadd.s32 v62, v43;
	v12 =	vld.idx.msk [tilespmem:v12+s26+$0x0], $0xffff  }
0x4d2: {  	v17 =	vld.idx.msk [tilespmem:v17+s26+$0x0], $0xffff;
	[tilespmem:s1+$0x8E00] =	vst v18;
	v18 =	vadd.s32 v62, v42;
	s6 =	sor.u32 $0x380, s17  }
0x4d3: {  	s0 =	sor.u32 $0x380, s0;
	v1 =	vld.idx.msk [tilespmem:v1+s26+$0x0], $0xffff;
	[tilespmem:s6+$0x8E00] =	vst v2  }
0x4d4: {  	s31 =	sor.u32 $0x380, s23;
	v2 =	vld.idx.msk [tilespmem:v3+s26+$0x0], $0xffff;
	[tilespmem:s0+$0x8E00] =	vst v4  }
0x4d5: {  	s4 =	sor.u32 $0x380, s19;
	v3 =	vld.idx.msk [tilespmem:v9+s26+$0x0], $0xffff;
	[tilespmem:s31+$0x8E00] =	vst v10  }
0x4d6: {  	v4 =	vld.idx.msk [tilespmem:v11+s26+$0x0], $0xffff;
	[tilespmem:s4+$0x8E00] =	vst v12  }
0x4d7: {  	[tilespmem:s2+$0xC200] =	vst v17;
	v9 =	vld.idx.msk [tilespmem:v18+s26+$0x0], $0xffff  }
0x4d8: {  	[tilespmem:s1+$0xC200] =	vst v1  }
0x4d9: {  	[tilespmem:s6+$0xC200] =	vst v2  }
0x4da: {  	[tilespmem:s0+$0xC200] =	vst v3  }
0x4db: {  	[tilespmem:s31+$0xC200] =	vst v4  }
0x4dc: {  	[tilespmem:s4+$0xC200] =	vst v9  }
0x4dd: {  	v1 =	vld [tilespmem:$0x8640]  }
0x4de: {  	v2 =	vld [tilespmem:$0x8CC0];
	_ =	sdelay $0x3  }
0x4df: {  	v3 =	vadd.s32 v49, v1  }
0x4e0: {  	v4 =	vadd.s32 v50, v2;
	_ =	sdelay $0x3  }
0x4e1: {  	v3 =	vld.idx.msk [tilespmem:v3+s26+$0x0], $0xffff  }
0x4e2: {  	v4 =	vld.idx.msk [tilespmem:v4+s26+$0x0], $0xffff  }
0x4e3: {  	v9 =	vadd.s32 v51, v1  }
0x4e4: {  	v10 =	vadd.s32 v52, v2;
	_ =	sdelay $0x1  }
0x4e5: {  	[tilespmem:v13+s28+$0x0] =	vst.idx.msk $0x1fff, v3  }
0x4e6: {  	[tilespmem:v13+s29+$0x0] =	vst.idx.msk $0x1fff, v4  }
0x4e7: {  	v3 =	vld.idx.msk [tilespmem:v9+s26+$0x0], $0xffff  }
0x4e8: {  	v4 =	vld.idx.msk [tilespmem:v10+s26+$0x0], $0xffff  }
0x4e9: {  	v9 =	vadd.s32 v55, v1  }
0x4ea: {  	v10 =	vadd.s32 v56, v2;
	_ =	sdelay $0x1  }
0x4eb: {  	[tilespmem:v14+s28+$0x0] =	vst.idx.msk $0x1fff, v3  }
0x4ec: {  	[tilespmem:v14+s29+$0x0] =	vst.idx.msk $0x1fff, v4  }
0x4ed: {  	v3 =	vld.idx.msk [tilespmem:v9+s26+$0x0], $0xffff  }
0x4ee: {  	v4 =	vld.idx.msk [tilespmem:v10+s26+$0x0], $0xffff  }
0x4ef: {  	v1 =	vadd.s32 v61, v1  }
0x4f0: {  	v2 =	vadd.s32 v62, v2;
	_ =	sdelay $0x1  }
0x4f1: {  	[tilespmem:v15+s28+$0x0] =	vst.idx.msk $0x1fff, v3  }
0x4f2: {  	[tilespmem:v15+s29+$0x0] =	vst.idx.msk $0x1fff, v4  }
0x4f3: {  	v1 =	vld.idx.msk [tilespmem:v1+s26+$0x0], $0xffff  }
0x4f4: {  	v2 =	vld.idx.msk [tilespmem:v2+s26+$0x0], $0xffff  }
.Ltmp12:
0x4f5: {  	_ = 	snop;
	(pc) =	sbr.rel @p0 .LBB2_23-.Ltmp12, $3  }
0x4f6: {  	_ =	sdelay $0x1  }
0x4f7: {  	[tilespmem:v16+s28+$0x0] =	vst.idx.msk $0x1fff, v1  }
0x4f8: {  	[tilespmem:v16+s29+$0x0] =	vst.idx.msk $0x1fff, v2  }
0x4f9: {  	s0 =	rddreg [dreg:$0xe]  }
0x4fa: {  	[hbm4b:s0+s3] =	stream.linear.scatter [tilespmem:s28], [sflag:$0x1], $0x3400, $0x38;
	[tilespmem:$0xF600] =	vst v63  }
0x4fb: {  	_ =	swait.ge [sflag:s5], $0x3400  }
0x4fc: {  	[sflag:s5] =	ssyncset.done $0x0  }
.Ltmp13:
0x4fd: {  	s31 =	rddreg [dreg:$0xf];
	[sflag:s5] =	ssyncadd.s32 $0xFFFFCC00;
	(pc) =	sbr.rel .LBB2_25-.Ltmp13, $4  }
0x4fe: {  	[hbm4b:s31+s3] =	stream.linear.scatter [tilespmem:s29], [sflag:$0x1], $0x3400, $0x38;
	[tilespmem:$0xF600] =	vst v63  }
0x4ff: {  	_ =	swait.ge [sflag:s5], $0x3400  }
0x500: {  	[sflag:s5] =	ssyncset.done $0x0  }
0x501: {  	[sflag:s5] =	ssyncadd.s32 $0xFFFFCC00  }
.LBB2_23:
.Ltmp14:
0x502: {  	(pc) =	sbr.rel @p2 .LBB2_25-.Ltmp14, $1  }
0x503: {  	_ =	sdelay $0x3  }
0x504: {  	[hbm4b:s15+s3] =	stream.linear.scatter [tilespmem:s28], [sflag:$0x1], $0x100, $0x38;
	[tilespmem:$0xF600] =	vst v63  }
0x505: {  	s0 =	sadd.s32 $0x80, s15;
	s1 =	simm.s32 $0x9200  }
0x506: {  	[hbm4b:s0+s3] =	stream.linear.scatter [tilespmem:s1], [sflag:$0x1], $0x100, $0x38;
	[tilespmem:$0xF600] =	vst v63  }
0x507: {  	s12 =	sadd.s32 $0x100, s15;
	s13 =	simm.s32 $0x9600  }
0x508: {  	[hbm4b:s12+s3] =	stream.linear.scatter [tilespmem:s13], [sflag:$0x1], $0x100, $0x38;
	[tilespmem:$0xF600] =	vst v63  }
0x509: {  	s14 =	sadd.s32 $0x180, s15;
	s17 =	simm.s32 $0x9A00  }
0x50a: {  	[hbm4b:s14+s3] =	stream.linear.scatter [tilespmem:s17], [sflag:$0x1], $0x100, $0x38;
	[tilespmem:$0xF600] =	vst v63  }
0x50b: {  	s18 =	sadd.s32 $0x200, s15;
	s19 =	simm.s32 $0x9E00  }
0x50c: {  	[hbm4b:s18+s3] =	stream.linear.scatter [tilespmem:s19], [sflag:$0x1], $0x100, $0x38;
	[tilespmem:$0xF600] =	vst v63  }
0x50d: {  	s20 =	sadd.s32 $0x280, s15;
	s22 =	simm.s32 $0xA200  }
0x50e: {  	[hbm4b:s20+s3] =	stream.linear.scatter [tilespmem:s22], [sflag:$0x1], $0x100, $0x38;
	[tilespmem:$0xF600] =	vst v63  }
0x50f: {  	s23 =	sadd.s32 $0x300, s15;
	s31 =	simm.s32 $0xA600  }
0x510: {  	[hbm4b:s23+s3] =	stream.linear.scatter [tilespmem:s31], [sflag:$0x1], $0x100, $0x38;
	[tilespmem:$0xF600] =	vst v63  }
0x511: {  	s2 =	sadd.s32 $0x380, s15;
	s4 =	simm.s32 $0xAA00  }
0x512: {  	[hbm4b:s2+s3] =	stream.linear.scatter [tilespmem:s4], [sflag:$0x1], $0x100, $0x38;
	[tilespmem:$0xF600] =	vst v63  }
0x513: {  	s6 =	sadd.s32 $0x400, s15;
	s7 =	simm.s32 $0xAE00  }
0x514: {  	[hbm4b:s6+s3] =	stream.linear.scatter [tilespmem:s7], [sflag:$0x1], $0x100, $0x38;
	[tilespmem:$0xF600] =	vst v63  }
0x515: {  	s8 =	sadd.s32 $0x480, s15;
	s9 =	simm.s32 $0xB200  }
0x516: {  	[hbm4b:s8+s3] =	stream.linear.scatter [tilespmem:s9], [sflag:$0x1], $0x100, $0x38;
	[tilespmem:$0xF600] =	vst v63  }
0x517: {  	s10 =	sadd.s32 $0x500, s15;
	s11 =	simm.s32 $0xB600  }
0x518: {  	[hbm4b:s10+s3] =	stream.linear.scatter [tilespmem:s11], [sflag:$0x1], $0x100, $0x38;
	[tilespmem:$0xF600] =	vst v63  }
0x519: {  	s12 =	sadd.s32 $0x580, s15;
	s13 =	simm.s32 $0xBA00  }
0x51a: {  	[hbm4b:s12+s3] =	stream.linear.scatter [tilespmem:s13], [sflag:$0x1], $0x100, $0x38;
	[tilespmem:$0xF600] =	vst v63  }
0x51b: {  	s14 =	sadd.s32 $0x600, s15;
	s17 =	simm.s32 $0xBE00  }
0x51c: {  	[hbm4b:s14+s3] =	stream.linear.scatter [tilespmem:s17], [sflag:$0x1], $0x100, $0x38;
	[tilespmem:$0xF600] =	vst v63  }
0x51d: {  	_ =	swait.ge [sflag:s5], $0xD00  }
0x51e: {  	[sflag:s5] =	ssyncset.done $0x0  }
0x51f: {  	[sflag:s5] =	ssyncadd.s32 $0xFFFFF300  }
0x520: {  	[hbm4b:s16+s3] =	stream.linear.scatter [tilespmem:s29], [sflag:$0x1], $0x100, $0x38;
	[tilespmem:$0xF600] =	vst v63  }
0x521: {  	s18 =	sadd.s32 $0x80, s16;
	s19 =	simm.s32 $0xC600  }
0x522: {  	[hbm4b:s18+s3] =	stream.linear.scatter [tilespmem:s19], [sflag:$0x1], $0x100, $0x38;
	[tilespmem:$0xF600] =	vst v63  }
0x523: {  	s20 =	sadd.s32 $0x100, s16;
	s22 =	simm.s32 $0xCA00  }
0x524: {  	[hbm4b:s20+s3] =	stream.linear.scatter [tilespmem:s22], [sflag:$0x1], $0x100, $0x38;
	[tilespmem:$0xF600] =	vst v63  }
0x525: {  	s23 =	sadd.s32 $0x180, s16;
	s31 =	simm.s32 $0xCE00  }
0x526: {  	[hbm4b:s23+s3] =	stream.linear.scatter [tilespmem:s31], [sflag:$0x1], $0x100, $0x38;
	[tilespmem:$0xF600] =	vst v63  }
0x527: {  	s2 =	sadd.s32 $0x200, s16;
	s4 =	simm.s32 $0xD200  }
0x528: {  	[hbm4b:s2+s3] =	stream.linear.scatter [tilespmem:s4], [sflag:$0x1], $0x100, $0x38;
	[tilespmem:$0xF600] =	vst v63  }
0x529: {  	s6 =	sadd.s32 $0x280, s16;
	s7 =	simm.s32 $0xD600  }
0x52a: {  	[hbm4b:s6+s3] =	stream.linear.scatter [tilespmem:s7], [sflag:$0x1], $0x100, $0x38;
	[tilespmem:$0xF600] =	vst v63  }
0x52b: {  	s8 =	sadd.s32 $0x300, s16;
	s9 =	simm.s32 $0xDA00  }
0x52c: {  	[hbm4b:s8+s3] =	stream.linear.scatter [tilespmem:s9], [sflag:$0x1], $0x100, $0x38;
	[tilespmem:$0xF600] =	vst v63  }
0x52d: {  	s10 =	sadd.s32 $0x380, s16;
	s11 =	simm.s32 $0xDE00  }
0x52e: {  	[hbm4b:s10+s3] =	stream.linear.scatter [tilespmem:s11], [sflag:$0x1], $0x100, $0x38;
	[tilespmem:$0xF600] =	vst v63  }
0x52f: {  	s12 =	sadd.s32 $0x400, s16;
	s13 =	simm.s32 $0xE200  }
0x530: {  	[hbm4b:s12+s3] =	stream.linear.scatter [tilespmem:s13], [sflag:$0x1], $0x100, $0x38;
	[tilespmem:$0xF600] =	vst v63  }
0x531: {  	s14 =	sadd.s32 $0x480, s16;
	s17 =	simm.s32 $0xE600  }
0x532: {  	[hbm4b:s14+s3] =	stream.linear.scatter [tilespmem:s17], [sflag:$0x1], $0x100, $0x38;
	[tilespmem:$0xF600] =	vst v63  }
0x533: {  	s18 =	sadd.s32 $0x500, s16;
	s19 =	simm.s32 $0xEA00  }
0x534: {  	[hbm4b:s18+s3] =	stream.linear.scatter [tilespmem:s19], [sflag:$0x1], $0x100, $0x38;
	[tilespmem:$0xF600] =	vst v63  }
0x535: {  	s20 =	sadd.s32 $0x580, s16;
	s22 =	simm.s32 $0xEE00  }
0x536: {  	[hbm4b:s20+s3] =	stream.linear.scatter [tilespmem:s22], [sflag:$0x1], $0x100, $0x38;
	[tilespmem:$0xF600] =	vst v63  }
0x537: {  	s23 =	sadd.s32 $0x600, s16;
	s31 =	simm.s32 $0xF200  }
0x538: {  	[hbm4b:s23+s3] =	stream.linear.scatter [tilespmem:s31], [sflag:$0x1], $0x100, $0x38;
	[tilespmem:$0xF600] =	vst v63  }
0x539: {  	_ =	swait.ge [sflag:s5], $0xD00  }
0x53a: {  	[sflag:s5] =	ssyncset.done $0x0  }
0x53b: {  	[sflag:s5] =	ssyncadd.s32 $0xFFFFF300  }
.LBB2_25:
.Ltmp15:
0x53c: {  	(pc) =	sbr.rel @p3 .LBB2_31-.Ltmp15, $1  }
0x53d: {  	_ =	sdelay $0x3  }
0x53e: {  	v3 =	vimm.s32 $0x28;
	_ =	sdelay $0x4  }
0x53f: {  	v1 =	vld.idx.msk [tilespmem:v3+s24+$0x0], $0xffff  }
0x540: {  	s0 =	simm.s32 $0x0  }
0x541: {  	s2 =	sand.u32 $0x60, s0  }
0x542: {  	s4 =	sand.u32 $0x780, s0;
	s1 =	sor.u32 $0x10, s2  }
0x543: {  	s4 =	sor.u32 s4, s1  }
0x544: {  	v2 =	vld [tilespmem:s4+$0x8000];
	v1 =	vshll.u32 v1, $0x9  }
0x545: {  	v3 =	vld.idx.msk [tilespmem:v3+s25+$0x0], $0xffff;
	v1 =	vsub.s32 v1, v0  }
0x546: {  	s6 =	simm.s32 $0x8000;
	v9 =	vimm.s32 $0x29;
	vm0 =	vgt.s32 v1, $0x0  }
0x547: {  	v43 =	vld [tilespmem:s6+$0x0];
	v1 =	vnsel vm0, $0x0, v1  }
0x548: {  	v12 =	vimm.s32 $0x2A;
	v49 =	vmin.u32 v1, $0x3E00  }
0x549: {  	v4 =	vadd.s32 v49, v2  }
0x54a: {  	v52 =	vld [tilespmem:s4+$0x8680];
	v3 =	vshll.u32 v3, $0x9  }
0x54b: {  	s12 =	simm.s32 $0x8680;
	v3 =	vsub.s32 v3, v0;
	v1 =	vld.idx.msk [tilespmem:v9+s24+$0x0], $0xffff  }
0x54c: {  	v54 =	vld [tilespmem:s12+$0x0];
	vm9 =	vgt.s32 v3, $0x0;
	v11 =	vadd.s32 v49, v43  }
0x54d: {  	v18 =	vimm.s32 $0x2B;
	v10 =	vld.idx.msk [tilespmem:v12+s24+$0x0], $0xffff;
	v3 =	vnsel vm9, $0x0, v3  }
0x54e: {  	v50 =	vmin.u32 v3, $0x3E00;
	v3 =	vld.idx.msk [tilespmem:v4+s26+$0x0], $0xffff  }
0x54f: {  	v4 =	vld.idx.msk [tilespmem:v12+s25+$0x0], $0xffff;
	v12 =	vadd.s32 v50, v52  }
0x550: {  	v9 =	vld.idx.msk [tilespmem:v9+s25+$0x0], $0xffff;
	v1 =	vshll.u32 v1, $0x9  }
0x551: {  	s13 =	simm.s32 $0x20;
	s0 =	sand.u32 $0x3C00, s0;
	v1 =	vsub.s32 v1, v0;
	v11 =	vld.idx.msk [tilespmem:v11+s26+$0x0], $0xffff  }
0x552: {  	s14 =	sand.u32 $0x60, s13;
	s31 =	sor.u32 s0, s1;
	v17 =	vld.idx.msk [tilespmem:v18+s24+$0x0], $0xffff;
	v19 =	vadd.s32 v50, v54;
	vm10 =	vgt.s32 v1, $0x0  }
0x553: {  	s17 =	sor.u32 $0x10, s14;
	s4 =	sand.u32 $0x780, s13;
	v18 =	vld.idx.msk [tilespmem:v18+s25+$0x0], $0xffff;
	v1 =	vnsel vm10, $0x0, v1;
	[tilespmem:s31+$0x8E00] =	vst v3  }
0x554: {  	s4 =	sor.u32 s4, s17;
	v51 =	vmin.u32 v1, $0x3E00;
	v1 =	vld.idx.msk [tilespmem:v12+s26+$0x0], $0xffff  }
0x555: {  	s2 =	sor.u32 s2, s0;
	v58 =	vld [tilespmem:s4+$0x8000];
	v3 =	vadd.s32 v51, v2  }
0x556: {  	v9 =	vshll.u32 v9, $0x9;
	[tilespmem:s2+$0x8E00] =	vst v11  }
0x557: {  	s18 =	simm.s32 $0x8020;
	v9 =	vsub.s32 v9, v0;
	v11 =	vld.idx.msk [tilespmem:v19+s26+$0x0], $0xffff  }
0x558: {  	v60 =	vld [tilespmem:s18+$0x0];
	vm11 =	vgt.s32 v9, $0x0;
	v12 =	vadd.s32 v51, v43  }
0x559: {  	v9 =	vnsel vm11, $0x0, v9;
	[tilespmem:s31+$0xC200] =	vst v1  }
0x55a: {  	v53 =	vmin.u32 v9, $0x3E00;
	v1 =	vld.idx.msk [tilespmem:v3+s26+$0x0], $0xffff;
	v3 =	vadd.s32 v49, v58  }
0x55b: {  	v57 =	vld [tilespmem:s4+$0x8680];
	v9 =	vadd.s32 v53, v52  }
0x55c: {  	v10 =	vshll.u32 v10, $0x9;
	[tilespmem:s2+$0xC200] =	vst v11  }
0x55d: {  	s19 =	simm.s32 $0x86A0;
	v10 =	vsub.s32 v10, v0;
	v11 =	vadd.s32 v49, v60;
	v12 =	vld.idx.msk [tilespmem:v12+s26+$0x0], $0xffff  }
0x55e: {  	v59 =	vld [tilespmem:s19+$0x0];
	vm12 =	vgt.s32 v10, $0x0;
	v19 =	vadd.s32 v53, v54  }
0x55f: {  	v10 =	vnsel vm12, $0x0, v10;
	v3 =	vld.idx.msk [tilespmem:v3+s26+$0x0], $0xffff;
	[tilespmem:s31+$0x8E80] =	vst v1  }
0x560: {  	v55 =	vmin.u32 v10, $0x3E00;
	v1 =	vld.idx.msk [tilespmem:v9+s26+$0x0], $0xffff;
	v9 =	vadd.s32 v50, v57  }
0x561: {  	s20 =	simm.s32 $0x100;
	v10 =	vadd.s32 v55, v2  }
0x562: {  	s7 =	sand.u32 $0x3C00, s20;
	v4 =	vshll.u32 v4, $0x9;
	v11 =	vld.idx.msk [tilespmem:v11+s26+$0x0], $0xffff;
	[tilespmem:s2+$0x8E80] =	vst v12  }
0x563: {  	s0 =	sor.u32 s7, s17;
	s17 =	simm.s32 $0x40;
	v4 =	vsub.s32 v4, v0;
	v12 =	vld.idx.msk [tilespmem:v19+s26+$0x0], $0xffff;
	v19 =	vadd.s32 v50, v59  }
0x564: {  	s4 =	sand.u32 $0x60, s17;
	vm13 =	vgt.s32 v4, $0x0;
	[tilespmem:s0+$0x8E00] =	vst v3  }
0x565: {  	s22 =	sand.u32 $0x780, s17;
	s18 =	sor.u32 $0x10, s4;
	v3 =	vnsel vm13, $0x0, v4;
	v4 =	vld.idx.msk [tilespmem:v9+s26+$0x0], $0xffff;
	v9 =	vadd.s32 v55, v43;
	[tilespmem:s31+$0xC280] =	vst v1  }
0x566: {  	s1 =	sor.u32 s14, s7;
	s8 =	sor.u32 s22, s18;
	v56 =	vmin.u32 v3, $0x3E00;
	v3 =	vadd.s32 v51, v58;
	v1 =	vld.idx.msk [tilespmem:v10+s26+$0x0], $0xffff  }
0x567: {  	v63 =	vld [tilespmem:s8+$0x8000];
	[tilespmem:s1+$0x8E00] =	vst v11  }
0x568: {  	s23 =	simm.s32 $0x8040;
	v11 =	vshll.u32 v17, $0x9;
	v17 =	vld.idx.msk [tilespmem:v19+s26+$0x0], $0xffff;
	v10 =	vadd.s32 v56, v52  }
0x569: {  	v62 =	vld [tilespmem:s23+$0x0];
	v11 =	vsub.s32 v11, v0;
	[tilespmem:s2+$0xC280] =	vst v12  }
0x56a: {  	v12 =	vadd.s32 v51, v60;
	vm14 =	vgt.s32 v11, $0x0;
	v9 =	vld.idx.msk [tilespmem:v9+s26+$0x0], $0xffff;
	[tilespmem:s0+$0xC200] =	vst v4  }
0x56b: {  	s6 =	simm.s32 $0x86C0;
	v4 =	vld.idx.msk [tilespmem:v3+s26+$0x0], $0xffff;
	v3 =	vadd.s32 v56, v54;
	[tilespmem:s31+$0x8F00] =	vst v1;
	v1 =	vnsel vm14, $0x0, v11  }
0x56c: {  	v42 =	vld [tilespmem:s6+$0x0];
	v11 =	vadd.s32 v49, v63;
	v61 =	vmin.u32 v1, $0x3E00  }
0x56d: {  	[tilespmem:s1+$0xC200] =	vst v17;
	v10 =	vld.idx.msk [tilespmem:v10+s26+$0x0], $0xffff;
	v1 =	vadd.s32 v53, v57;
	v17 =	vadd.s32 v61, v2;
	v2 =	vshll.u32 v18, $0x9  }
0x56e: {  	v44 =	vld [tilespmem:s8+$0x8680];
	v2 =	vsub.s32 v2, v0  }
0x56f: {  	v48 =	vld.idx.msk [tilespmem:v12+s26+$0x0], $0xffff;
	v18 =	vadd.s32 v49, v62;
	[tilespmem:s2+$0x8F00] =	vst v9;
	vm15 =	vgt.s32 v2, $0x0  }
0x570: {  	v46 =	vld.idx.msk [tilespmem:v3+s26+$0x0], $0xffff;
	v2 =	vnsel vm15, $0x0, v2  }
0x571: {  	v3 =	vld.idx.msk [tilespmem:v11+s26+$0x0], $0xffff;
	[tilespmem:s0+$0x8E80] =	vst v4;
	v41 =	vmin.u32 v2, $0x3E00;
	v2 =	vadd.s32 v53, v59  }
0x572: {  	v43 =	vadd.s32 v61, v43;
	v47 =	vld.idx.msk [tilespmem:v1+s26+$0x0], $0xffff;
	[tilespmem:s31+$0xC300] =	vst v10  }
0x573: {  	v9 =	vadd.s32 v50, v44;
	v45 =	vld.idx.msk [tilespmem:v17+s26+$0x0], $0xffff  }
0x574: {  	s19 =	simm.s32 $0x8060;
	s7 =	simm.s32 $0x4;
	s8 =	simm.s32 $0x200;
	v1 =	vadd.s32 v55, v58;
	v4 =	vld.idx.msk [tilespmem:v18+s26+$0x0], $0xffff  }
.LBB2_27:
0x575: {  	v10 =	vld [tilespmem:s19+$0x0];
	s9 =	sand.u32 $0x3C00, s8;
	[tilespmem:s1+$0x8E80] =	vst v48;
	v11 =	vadd.s32 v41, v52;
	v52 =	vmov v57;
	v57 =	vmov v44  }
0x576: {  	s20 =	sor.u32 s4, s9;
	s9 =	sor.u32 s9, s18;
	v2 =	vld.idx.msk [tilespmem:v2+s26+$0x0], $0xffff;
	[tilespmem:s2+$0xC300] =	vst v46  }
0x577: {  	v12 =	vadd.s32 v50, v42;
	s17 =	sadd.s32 $0x20, s17;
	[tilespmem:s9+$0x8E00] =	vst v3;
	v3 =	vld.idx.msk [tilespmem:v43+s26+$0x0], $0xffff  }
0x578: {  	s7 =	sadd.s32 $0x2, s7;
	v17 =	vadd.s32 v55, v60;
	s4 =	sand.u32 $0x60, s17;
	v9 =	vld.idx.msk [tilespmem:v9+s26+$0x0], $0xffff;
	[tilespmem:s0+$0xC280] =	vst v47  }
0x579: {  	v18 =	vadd.s32 v41, v54;
	v54 =	vmov v59;
	v59 =	vmov v42;
	s10 =	sand.u32 $0x780, s17;
	p4 =	slt.u32 s7, $0x62;
	s18 =	sor.u32 $0x10, s4;
	v1 =	vld.idx.msk [tilespmem:v1+s26+$0x0], $0xffff;
	[tilespmem:s31+$0x8F80] =	vst v45  }
0x57a: {  	s10 =	sor.u32 s10, s18;
	[tilespmem:s20+$0x8E00] =	vst v4;
	v4 =	vadd.s32 v51, v63;
	v11 =	vld.idx.msk [tilespmem:v11+s26+$0x0], $0xffff  }
0x57b: {  	v42 =	vadd.s32 v56, v52;
	v19 =	vld [tilespmem:s10+$0x8000]  }
0x57c: {  	v12 =	vld.idx.msk [tilespmem:v12+s26+$0x0], $0xffff;
	[tilespmem:s1+$0xC280] =	vst v2  }
0x57d: {  	v2 =	vld.idx.msk [tilespmem:v17+s26+$0x0], $0xffff;
	[tilespmem:s2+$0x8F80] =	vst v3  }
0x57e: {  	v3 =	vadd.s32 v51, v62;
	[tilespmem:s9+$0xC200] =	vst v9;
	v9 =	vld.idx.msk [tilespmem:v18+s26+$0x0], $0xffff  }
0x57f: {  	v17 =	vadd.s32 v56, v54;
	v4 =	vld.idx.msk [tilespmem:v4+s26+$0x0], $0xffff;
	[tilespmem:s0+$0x8F00] =	vst v1  }
0x580: {  	s6 =	sadd.s32 $0x20, s6;
	v1 =	vadd.s32 v49, v19;
	v18 =	vld.idx.msk [tilespmem:v42+s26+$0x0], $0xffff;
	[tilespmem:s31+$0xC380] =	vst v11;
	s31 =	smov.u32 s0;
	s0 =	smov.u32 s9  }
0x581: {  	v11 =	vadd.s32 v53, v57;
	v42 =	vld [tilespmem:s6+$0x0]  }
0x582: {  	v44 =	vld [tilespmem:s10+$0x8680];
	[tilespmem:s20+$0xC200] =	vst v12;
	v12 =	vadd.s32 v61, v58;
	v58 =	vmov v63;
	v63 =	vmov v19  }
0x583: {  	v19 =	vadd.s32 v49, v10;
	v48 =	vld.idx.msk [tilespmem:v3+s26+$0x0], $0xffff;
	[tilespmem:s1+$0x8F00] =	vst v2  }
.Ltmp16:
0x584: {  	v46 =	vld.idx.msk [tilespmem:v17+s26+$0x0], $0xffff;
	[tilespmem:s2+$0xC380] =	vst v9;
	s2 =	smov.u32 s1;
	s1 =	smov.u32 s20;
	(pc) =	sbr.rel @p4 .LBB2_27-.Ltmp16, $4  }
0x585: {  	v2 =	vadd.s32 v53, v59;
	v3 =	vld.idx.msk [tilespmem:v1+s26+$0x0], $0xffff;
	[tilespmem:s0+$0x8E80] =	vst v4  }
0x586: {  	v43 =	vadd.s32 v61, v60;
	v60 =	vmov v62;
	v62 =	vmov v10;
	v47 =	vld.idx.msk [tilespmem:v11+s26+$0x0], $0xffff;
	[tilespmem:s31+$0xC300] =	vst v18  }
0x587: {  	v9 =	vadd.s32 v50, v44;
	v45 =	vld.idx.msk [tilespmem:v12+s26+$0x0], $0xffff  }
0x588: {  	s19 =	sadd.s32 $0x20, s19;
	s8 =	sadd.s32 $0x100, s8;
	v1 =	vadd.s32 v55, v58;
	v4 =	vld.idx.msk [tilespmem:v19+s26+$0x0], $0xffff  }
0x589: {  	v10 =	vadd.s32 v50, v42  }
0x58a: {  	s7 =	sand.u32 $0x3C00, s8  }
0x58b: {  	s6 =	sor.u32 s7, s18  }
0x58c: {  	s4 =	sor.u32 s4, s7;
	[tilespmem:s6+$0x8E00] =	vst v3  }
0x58d: {  	v3 =	vld.idx.msk [tilespmem:v9+s26+$0x0], $0xffff;
	[tilespmem:s4+$0x8E00] =	vst v4  }
0x58e: {  	v4 =	vadd.s32 v51, v63;
	v9 =	vld.idx.msk [tilespmem:v10+s26+$0x0], $0xffff  }
0x58f: {  	v10 =	vadd.s32 v51, v62;
	_ =	sdelay $0x2  }
0x590: {  	[tilespmem:s6+$0xC200] =	vst v3  }
0x591: {  	v3 =	vld.idx.msk [tilespmem:v4+s26+$0x0], $0xffff;
	[tilespmem:s4+$0xC200] =	vst v9  }
0x592: {  	v4 =	vadd.s32 v53, v44;
	v9 =	vld.idx.msk [tilespmem:v10+s26+$0x0], $0xffff  }
0x593: {  	v10 =	vadd.s32 v53, v42;
	_ =	sdelay $0x1  }
0x594: {  	[tilespmem:s1+$0x8E80] =	vst v48  }
0x595: {  	v2 =	vld.idx.msk [tilespmem:v2+s26+$0x0], $0xffff;
	[tilespmem:s6+$0x8E80] =	vst v3  }
0x596: {  	v3 =	vadd.s32 v55, v60;
	v4 =	vld.idx.msk [tilespmem:v4+s26+$0x0], $0xffff;
	[tilespmem:s4+$0x8E80] =	vst v9  }
0x597: {  	v9 =	vadd.s32 v55, v63;
	v10 =	vld.idx.msk [tilespmem:v10+s26+$0x0], $0xffff  }
0x598: {  	v11 =	vadd.s32 v55, v62  }
0x599: {  	[tilespmem:s0+$0xC280] =	vst v47  }
0x59a: {  	v1 =	vld.idx.msk [tilespmem:v1+s26+$0x0], $0xffff;
	[tilespmem:s1+$0xC280] =	vst v2  }
0x59b: {  	v2 =	vadd.s32 v56, v57;
	v3 =	vld.idx.msk [tilespmem:v3+s26+$0x0], $0xffff;
	[tilespmem:s6+$0xC280] =	vst v4  }
0x59c: {  	v4 =	vadd.s32 v56, v59;
	v9 =	vld.idx.msk [tilespmem:v9+s26+$0x0], $0xffff;
	[tilespmem:s4+$0xC280] =	vst v10  }
0x59d: {  	v10 =	vadd.s32 v56, v44;
	v11 =	vld.idx.msk [tilespmem:v11+s26+$0x0], $0xffff  }
0x59e: {  	v12 =	vadd.s32 v56, v42  }
0x59f: {  	[tilespmem:s0+$0x8F00] =	vst v1  }
0x5a0: {  	v1 =	vld.idx.msk [tilespmem:v2+s26+$0x0], $0xffff;
	[tilespmem:s1+$0x8F00] =	vst v3  }
0x5a1: {  	v2 =	vadd.s32 v61, v58;
	v3 =	vld.idx.msk [tilespmem:v4+s26+$0x0], $0xffff;
	[tilespmem:s6+$0x8F00] =	vst v9  }
0x5a2: {  	v4 =	vadd.s32 v61, v60;
	v9 =	vld.idx.msk [tilespmem:v10+s26+$0x0], $0xffff;
	[tilespmem:s4+$0x8F00] =	vst v11  }
0x5a3: {  	v10 =	vadd.s32 v61, v63;
	v11 =	vld.idx.msk [tilespmem:v12+s26+$0x0], $0xffff  }
0x5a4: {  	[tilespmem:s2+$0xC300] =	vst v46;
	v12 =	vadd.s32 v61, v62  }
0x5a5: {  	v17 =	vadd.s32 v41, v52;
	v18 =	vld.idx.msk [tilespmem:v43+s26+$0x0], $0xffff;
	[tilespmem:s0+$0xC300] =	vst v1  }
0x5a6: {  	v1 =	vadd.s32 v41, v54;
	v2 =	vld.idx.msk [tilespmem:v2+s26+$0x0], $0xffff;
	[tilespmem:s1+$0xC300] =	vst v3  }
0x5a7: {  	v3 =	vadd.s32 v41, v57;
	v4 =	vld.idx.msk [tilespmem:v4+s26+$0x0], $0xffff;
	[tilespmem:s6+$0xC300] =	vst v9  }
0x5a8: {  	v9 =	vadd.s32 v41, v59;
	v10 =	vld.idx.msk [tilespmem:v10+s26+$0x0], $0xffff;
	[tilespmem:s4+$0xC300] =	vst v11  }
0x5a9: {  	[tilespmem:s31+$0x8F80] =	vst v45;
	v11 =	vadd.s32 v41, v44;
	v12 =	vld.idx.msk [tilespmem:v12+s26+$0x0], $0xffff  }
0x5aa: {  	v17 =	vld.idx.msk [tilespmem:v17+s26+$0x0], $0xffff;
	[tilespmem:s2+$0x8F80] =	vst v18;
	v18 =	vadd.s32 v41, v42  }
0x5ab: {  	v1 =	vld.idx.msk [tilespmem:v1+s26+$0x0], $0xffff;
	[tilespmem:s0+$0x8F80] =	vst v2  }
0x5ac: {  	v2 =	vld.idx.msk [tilespmem:v3+s26+$0x0], $0xffff;
	[tilespmem:s1+$0x8F80] =	vst v4  }
0x5ad: {  	v3 =	vld.idx.msk [tilespmem:v9+s26+$0x0], $0xffff;
	[tilespmem:s6+$0x8F80] =	vst v10  }
0x5ae: {  	v4 =	vld.idx.msk [tilespmem:v11+s26+$0x0], $0xffff;
	[tilespmem:s4+$0x8F80] =	vst v12  }
0x5af: {  	[tilespmem:s31+$0xC380] =	vst v17;
	v9 =	vld.idx.msk [tilespmem:v18+s26+$0x0], $0xffff  }
0x5b0: {  	[tilespmem:s2+$0xC380] =	vst v1  }
0x5b1: {  	[tilespmem:s0+$0xC380] =	vst v2  }
0x5b2: {  	[tilespmem:s1+$0xC380] =	vst v3  }
0x5b3: {  	[tilespmem:s6+$0xC380] =	vst v4  }
0x5b4: {  	[tilespmem:s4+$0xC380] =	vst v9  }
0x5b5: {  	v1 =	vld [tilespmem:$0x8640]  }
0x5b6: {  	v2 =	vld [tilespmem:$0x8CC0];
	_ =	sdelay $0x3  }
0x5b7: {  	v3 =	vadd.s32 v49, v1  }
0x5b8: {  	v4 =	vadd.s32 v50, v2;
	_ =	sdelay $0x3  }
0x5b9: {  	v3 =	vld.idx.msk [tilespmem:v3+s26+$0x0], $0xffff  }
0x5ba: {  	v4 =	vld.idx.msk [tilespmem:v4+s26+$0x0], $0xffff  }
0x5bb: {  	v9 =	vadd.s32 v51, v1  }
0x5bc: {  	v10 =	vadd.s32 v53, v2;
	_ =	sdelay $0x1  }
0x5bd: {  	[tilespmem:v5+s28+$0x0] =	vst.idx.msk $0x1fff, v3  }
0x5be: {  	[tilespmem:v5+s29+$0x0] =	vst.idx.msk $0x1fff, v4  }
0x5bf: {  	v3 =	vld.idx.msk [tilespmem:v9+s26+$0x0], $0xffff  }
0x5c0: {  	v4 =	vld.idx.msk [tilespmem:v10+s26+$0x0], $0xffff  }
0x5c1: {  	v9 =	vadd.s32 v55, v1  }
0x5c2: {  	v10 =	vadd.s32 v56, v2;
	_ =	sdelay $0x1  }
0x5c3: {  	[tilespmem:v6+s28+$0x0] =	vst.idx.msk $0x1fff, v3  }
0x5c4: {  	[tilespmem:v6+s29+$0x0] =	vst.idx.msk $0x1fff, v4  }
0x5c5: {  	v3 =	vld.idx.msk [tilespmem:v9+s26+$0x0], $0xffff  }
0x5c6: {  	v4 =	vld.idx.msk [tilespmem:v10+s26+$0x0], $0xffff  }
0x5c7: {  	v1 =	vadd.s32 v61, v1  }
0x5c8: {  	v2 =	vadd.s32 v41, v2;
	_ =	sdelay $0x1  }
0x5c9: {  	[tilespmem:v7+s28+$0x0] =	vst.idx.msk $0x1fff, v3  }
0x5ca: {  	[tilespmem:v7+s29+$0x0] =	vst.idx.msk $0x1fff, v4  }
0x5cb: {  	v1 =	vld.idx.msk [tilespmem:v1+s26+$0x0], $0xffff  }
0x5cc: {  	v2 =	vld.idx.msk [tilespmem:v2+s26+$0x0], $0xffff;
	_ =	sdelay $0x3  }
0x5cd: {  	[tilespmem:v8+s28+$0x0] =	vst.idx.msk $0x1fff, v1  }
0x5ce: {  	[tilespmem:v8+s29+$0x0] =	vst.idx.msk $0x1fff, v2;
	v2 =	vimm.s32 $0x2C;
	_ =	sdelay $0x4  }
0x5cf: {  	v1 =	vld.idx.msk [tilespmem:v2+s24+$0x0], $0xffff  }
0x5d0: {  	s31 =	simm.s32 $0x0  }
0x5d1: {  	s10 =	sand.u32 $0x60, s31  }
0x5d2: {  	s12 =	sand.u32 $0x780, s31;
	s11 =	sor.u32 $0x10, s10  }
0x5d3: {  	s2 =	sor.u32 s12, s11  }
0x5d4: {  	v62 =	vld [tilespmem:s2+$0x8000];
	v1 =	vshll.u32 v1, $0x9  }
0x5d5: {  	v2 =	vld.idx.msk [tilespmem:v2+s25+$0x0], $0xffff;
	v1 =	vsub.s32 v1, v0  }
0x5d6: {  	v4 =	vimm.s32 $0x2D;
	vm0 =	vgt.s32 v1, $0x0  }
0x5d7: {  	s13 =	simm.s32 $0x8000;
	v11 =	vimm.s32 $0x2E;
	v1 =	vnsel vm0, $0x0, v1  }
0x5d8: {  	v44 =	vld [tilespmem:s13+$0x0];
	v49 =	vmin.u32 v1, $0x3E00  }
0x5d9: {  	v3 =	vadd.s32 v49, v62  }
0x5da: {  	v53 =	vld [tilespmem:s2+$0x8680];
	v2 =	vshll.u32 v2, $0x9  }
0x5db: {  	v17 =	vimm.s32 $0x2F;
	v2 =	vsub.s32 v2, v0;
	v1 =	vld.idx.msk [tilespmem:v4+s24+$0x0], $0xffff  }
0x5dc: {  	s14 =	simm.s32 $0x8680;
	v9 =	vld.idx.msk [tilespmem:v11+s24+$0x0], $0xffff;
	vm9 =	vgt.s32 v2, $0x0  }
0x5dd: {  	v54 =	vld [tilespmem:s14+$0x0];
	v2 =	vnsel vm9, $0x0, v2;
	v10 =	vadd.s32 v49, v44  }
0x5de: {  	v50 =	vmin.u32 v2, $0x3E00;
	v2 =	vld.idx.msk [tilespmem:v3+s26+$0x0], $0xffff  }
0x5df: {  	v3 =	vld.idx.msk [tilespmem:v11+s25+$0x0], $0xffff;
	v11 =	vadd.s32 v50, v53  }
0x5e0: {  	v12 =	vld.idx.msk [tilespmem:v17+s24+$0x0], $0xffff;
	v1 =	vshll.u32 v1, $0x9  }
0x5e1: {  	s18 =	simm.s32 $0x20;
	s17 =	sand.u32 $0x3C00, s31;
	v4 =	vld.idx.msk [tilespmem:v4+s25+$0x0], $0xffff;
	v1 =	vsub.s32 v1, v0  }
0x5e2: {  	s20 =	sand.u32 $0x60, s18;
	s19 =	sor.u32 s17, s11;
	v10 =	vld.idx.msk [tilespmem:v10+s26+$0x0], $0xffff;
	vm10 =	vgt.s32 v1, $0x0  }
0x5e3: {  	s22 =	sor.u32 $0x10, s20;
	s4 =	sand.u32 $0x780, s18;
	v17 =	vld.idx.msk [tilespmem:v17+s25+$0x0], $0xffff;
	v18 =	vadd.s32 v50, v54;
	v1 =	vnsel vm10, $0x0, v1;
	[tilespmem:s19+$0x9000] =	vst v2  }
0x5e4: {  	s4 =	sor.u32 s4, s22;
	v51 =	vmin.u32 v1, $0x3E00;
	v1 =	vld.idx.msk [tilespmem:v11+s26+$0x0], $0xffff  }
0x5e5: {  	v59 =	vld [tilespmem:s4+$0x8000];
	v2 =	vadd.s32 v51, v62  }
0x5e6: {  	s2 =	sor.u32 s10, s17;
	v4 =	vshll.u32 v4, $0x9  }
0x5e7: {  	v4 =	vsub.s32 v4, v0;
	[tilespmem:s2+$0x9000] =	vst v10  }
0x5e8: {  	s23 =	simm.s32 $0x8020;
	vm11 =	vgt.s32 v4, $0x0;
	v10 =	vld.idx.msk [tilespmem:v18+s26+$0x0], $0xffff  }
0x5e9: {  	v60 =	vld [tilespmem:s23+$0x0];
	v4 =	vnsel vm11, $0x0, v4;
	v11 =	vadd.s32 v51, v44;
	[tilespmem:s19+$0xC400] =	vst v1  }
0x5ea: {  	v52 =	vmin.u32 v4, $0x3E00;
	v1 =	vld.idx.msk [tilespmem:v2+s26+$0x0], $0xffff;
	v2 =	vadd.s32 v49, v59  }
0x5eb: {  	v57 =	vld [tilespmem:s4+$0x8680];
	v4 =	vadd.s32 v52, v53  }
0x5ec: {  	s4 =	simm.s32 $0x86A0  }
0x5ed: {  	v58 =	vld [tilespmem:s4+$0x0];
	v9 =	vshll.u32 v9, $0x9;
	[tilespmem:s2+$0xC400] =	vst v10  }
0x5ee: {  	v9 =	vsub.s32 v9, v0;
	v10 =	vadd.s32 v49, v60;
	v11 =	vld.idx.msk [tilespmem:v11+s26+$0x0], $0xffff  }
0x5ef: {  	vm12 =	vgt.s32 v9, $0x0;
	v18 =	vadd.s32 v52, v54;
	v2 =	vld.idx.msk [tilespmem:v2+s26+$0x0], $0xffff;
	[tilespmem:s19+$0x9080] =	vst v1  }
0x5f0: {  	v9 =	vnsel vm12, $0x0, v9;
	v1 =	vld.idx.msk [tilespmem:v4+s26+$0x0], $0xffff;
	v4 =	vadd.s32 v50, v57  }
0x5f1: {  	s0 =	simm.s32 $0x100;
	v55 =	vmin.u32 v9, $0x3E00  }
0x5f2: {  	s8 =	sand.u32 $0x3C00, s0;
	v9 =	vadd.s32 v55, v62;
	v3 =	vshll.u32 v3, $0x9  }
0x5f3: {  	s23 =	sor.u32 s8, s22;
	v3 =	vsub.s32 v3, v0;
	v10 =	vld.idx.msk [tilespmem:v10+s26+$0x0], $0xffff;
	[tilespmem:s2+$0x9080] =	vst v11  }
0x5f4: {  	s17 =	simm.s32 $0x40;
	vm13 =	vgt.s32 v3, $0x0;
	v11 =	vld.idx.msk [tilespmem:v18+s26+$0x0], $0xffff;
	v18 =	vadd.s32 v50, v58;
	[tilespmem:s23+$0x9000] =	vst v2  }
0x5f5: {  	s12 =	simm.s32 $0x8040;
	s18 =	sand.u32 $0x60, s17;
	v2 =	vnsel vm13, $0x0, v3;
	v3 =	vld.idx.msk [tilespmem:v4+s26+$0x0], $0xffff;
	v4 =	vadd.s32 v55, v44  }
0x5f6: {  	v63 =	vld [tilespmem:s12+$0x0];
	s9 =	sand.u32 $0x780, s17;
	[tilespmem:s19+$0xC480] =	vst v1;
	s19 =	sor.u32 $0x10, s18  }
0x5f7: {  	s22 =	sor.u32 s20, s8;
	v56 =	vmin.u32 v2, $0x3E00;
	v2 =	vadd.s32 v51, v59;
	v1 =	vld.idx.msk [tilespmem:v9+s26+$0x0], $0xffff;
	s10 =	sor.u32 s9, s19  }
0x5f8: {  	s11 =	sand.u32 $0x3, s31;
	[tilespmem:s22+$0x9000] =	vst v10;
	v41 =	vld [tilespmem:s10+$0x8000]  }
0x5f9: {  	s13 =	sshll.u32 s11, $0x5;
	v10 =	vshll.u32 v12, $0x9;
	v12 =	vld.idx.msk [tilespmem:v18+s26+$0x0], $0xffff;
	[tilespmem:s2+$0xC480] =	vst v11  }
0x5fa: {  	s1 =	sadd.s32 $0x0, s13;
	v9 =	vadd.s32 v56, v53;
	v4 =	vld.idx.msk [tilespmem:v4+s26+$0x0], $0xffff  }
0x5fb: {  	v10 =	vsub.s32 v10, v0;
	s2 =	sadd.s32 $0x10, s1;
	v11 =	vadd.s32 v51, v60;
	[tilespmem:s23+$0xC400] =	vst v3  }
0x5fc: {  	s6 =	simm.s32 $0x86C0;
	vm14 =	vgt.s32 v10, $0x0;
	s14 =	sor.u32 $0x300, s2;
	v3 =	vadd.s32 v56, v54;
	v2 =	vld.idx.msk [tilespmem:v2+s26+$0x0], $0xffff  }
0x5fd: {  	v42 =	vld [tilespmem:s6+$0x0];
	[tilespmem:s14+$0x8E00] =	vst v1;
	v1 =	vnsel vm14, $0x0, v10;
	v10 =	vadd.s32 v49, v41  }
0x5fe: {  	s20 =	sor.u32 $0x300, s1;
	v17 =	vshll.u32 v17, $0x9;
	v43 =	vld [tilespmem:s10+$0x8680];
	[tilespmem:s22+$0xC400] =	vst v12;
	v61 =	vmin.u32 v1, $0x3E00;
	v1 =	vadd.s32 v52, v57  }
0x5ff: {  	v18 =	vadd.s32 v49, v63;
	v9 =	vld.idx.msk [tilespmem:v9+s26+$0x0], $0xffff;
	[tilespmem:s20+$0x8E00] =	vst v4;
	v4 =	vsub.s32 v17, v0  }
0x600: {  	v48 =	vld.idx.msk [tilespmem:v11+s26+$0x0], $0xffff;
	v12 =	vadd.s32 v61, v62;
	vm15 =	vgt.s32 v4, $0x0  }
0x601: {  	v46 =	vld.idx.msk [tilespmem:v3+s26+$0x0], $0xffff;
	[tilespmem:s23+$0x9080] =	vst v2;
	v2 =	vnsel vm15, $0x0, v4  }
0x602: {  	v3 =	vld.idx.msk [tilespmem:v10+s26+$0x0], $0xffff;
	v62 =	vmin.u32 v2, $0x3E00;
	v2 =	vadd.s32 v52, v58  }
0x603: {  	v44 =	vadd.s32 v61, v44;
	v47 =	vld.idx.msk [tilespmem:v1+s26+$0x0], $0xffff  }
0x604: {  	s7 =	simm.s32 $0x4;
	[tilespmem:s14+$0xC200] =	vst v9;
	v9 =	vadd.s32 v50, v43;
	v4 =	vld.idx.msk [tilespmem:v18+s26+$0x0], $0xffff  }
0x605: {  	s8 =	simm.s32 $0x8060;
	s4 =	simm.s32 $0x200;
	s1 =	sor.u32 $0x380, s1;
	v1 =	vadd.s32 v55, v59;
	v45 =	vld.idx.msk [tilespmem:v12+s26+$0x0], $0xffff  }
.LBB2_29:
0x606: {  	v10 =	vld [tilespmem:s8+$0x0];
	s9 =	sand.u32 $0x3C00, s4;
	[tilespmem:s22+$0x9080] =	vst v48;
	v11 =	vadd.s32 v62, v53;
	v53 =	vmov v57;
	v57 =	vmov v43  }
0x607: {  	s10 =	sor.u32 s18, s9;
	s9 =	sor.u32 s9, s19;
	v2 =	vld.idx.msk [tilespmem:v2+s26+$0x0], $0xffff;
	[tilespmem:s20+$0xC200] =	vst v46  }
0x608: {  	v12 =	vadd.s32 v50, v42;
	s17 =	sadd.s32 $0x20, s17;
	s31 =	sadd.s32 $0x1, s31;
	[tilespmem:s9+$0x9000] =	vst v3;
	v3 =	vld.idx.msk [tilespmem:v44+s26+$0x0], $0xffff  }
0x609: {  	s7 =	sadd.s32 $0x2, s7;
	v17 =	vadd.s32 v55, v60;
	s11 =	sor.u32 $0x380, s2;
	s18 =	sand.u32 $0x60, s17;
	v9 =	vld.idx.msk [tilespmem:v9+s26+$0x0], $0xffff;
	[tilespmem:s23+$0xC480] =	vst v47  }
0x60a: {  	v18 =	vadd.s32 v62, v54;
	v54 =	vmov v58;
	v58 =	vmov v42;
	s2 =	sand.u32 $0x780, s17;
	p4 =	slt.u32 s7, $0x62;
	s19 =	sor.u32 $0x10, s18;
	v1 =	vld.idx.msk [tilespmem:v1+s26+$0x0], $0xffff;
	[tilespmem:s11+$0x8E00] =	vst v45  }
0x60b: {  	s12 =	sor.u32 s2, s19;
	s2 =	sand.u32 $0x3, s31;
	s23 =	smov.u32 s9;
	[tilespmem:s10+$0x9000] =	vst v4;
	v4 =	vadd.s32 v51, v41;
	v11 =	vld.idx.msk [tilespmem:v11+s26+$0x0], $0xffff  }
0x60c: {  	v42 =	vadd.s32 v56, v53;
	s2 =	sshll.u32 s2, $0x5;
	v19 =	vld [tilespmem:s12+$0x8000]  }
0x60d: {  	s2 =	sadd.s32 s2, s0;
	s0 =	smov.u32 s4;
	v12 =	vld.idx.msk [tilespmem:v12+s26+$0x0], $0xffff;
	[tilespmem:s22+$0xC480] =	vst v2;
	s22 =	smov.u32 s10  }
0x60e: {  	s20 =	sor.u32 $0x300, s2;
	s9 =	sor.u32 $0x380, s2;
	s2 =	sadd.s32 $0x10, s2;
	v2 =	vld.idx.msk [tilespmem:v17+s26+$0x0], $0xffff;
	[tilespmem:s1+$0x8E00] =	vst v3  }
0x60f: {  	s10 =	sor.u32 $0x300, s2;
	v3 =	vadd.s32 v51, v63;
	[tilespmem:s23+$0xC400] =	vst v9;
	v9 =	vld.idx.msk [tilespmem:v18+s26+$0x0], $0xffff  }
0x610: {  	v17 =	vadd.s32 v56, v54;
	v4 =	vld.idx.msk [tilespmem:v4+s26+$0x0], $0xffff;
	[tilespmem:s10+$0x8E00] =	vst v1  }
0x611: {  	s6 =	sadd.s32 $0x20, s6;
	v1 =	vadd.s32 v49, v19;
	v18 =	vld.idx.msk [tilespmem:v42+s26+$0x0], $0xffff;
	[tilespmem:s11+$0xC200] =	vst v11  }
0x612: {  	v11 =	vadd.s32 v52, v57;
	v42 =	vld [tilespmem:s6+$0x0]  }
0x613: {  	v43 =	vld [tilespmem:s12+$0x8680];
	[tilespmem:s22+$0xC400] =	vst v12;
	v12 =	vadd.s32 v61, v59;
	v59 =	vmov v41;
	v41 =	vmov v19  }
0x614: {  	v19 =	vadd.s32 v49, v10;
	v48 =	vld.idx.msk [tilespmem:v3+s26+$0x0], $0xffff;
	[tilespmem:s20+$0x8E00] =	vst v2  }
.Ltmp17:
0x615: {  	v46 =	vld.idx.msk [tilespmem:v17+s26+$0x0], $0xffff;
	[tilespmem:s1+$0xC200] =	vst v9;
	s1 =	smov.u32 s9;
	(pc) =	sbr.rel @p4 .LBB2_29-.Ltmp17, $4  }
0x616: {  	v2 =	vadd.s32 v52, v58;
	v3 =	vld.idx.msk [tilespmem:v1+s26+$0x0], $0xffff;
	[tilespmem:s23+$0x9080] =	vst v4  }
0x617: {  	v44 =	vadd.s32 v61, v60;
	v60 =	vmov v63;
	v63 =	vmov v10;
	v47 =	vld.idx.msk [tilespmem:v11+s26+$0x0], $0xffff;
	[tilespmem:s10+$0xC200] =	vst v18  }
0x618: {  	v9 =	vadd.s32 v50, v43;
	v45 =	vld.idx.msk [tilespmem:v12+s26+$0x0], $0xffff  }
0x619: {  	s8 =	sadd.s32 $0x20, s8;
	s4 =	sadd.s32 $0x100, s4;
	v1 =	vadd.s32 v55, v59;
	v4 =	vld.idx.msk [tilespmem:v19+s26+$0x0], $0xffff  }
0x61a: {  	v10 =	vadd.s32 v50, v42  }
0x61b: {  	s6 =	sand.u32 $0x3C00, s4  }
0x61c: {  	s7 =	sor.u32 s6, s19  }
0x61d: {  	s6 =	sor.u32 s18, s6;
	[tilespmem:s7+$0x9000] =	vst v3  }
0x61e: {  	v3 =	vld.idx.msk [tilespmem:v9+s26+$0x0], $0xffff;
	[tilespmem:s6+$0x9000] =	vst v4  }
0x61f: {  	v4 =	vadd.s32 v51, v41;
	v9 =	vld.idx.msk [tilespmem:v10+s26+$0x0], $0xffff  }
0x620: {  	v10 =	vadd.s32 v51, v63;
	_ =	sdelay $0x2  }
0x621: {  	[tilespmem:s7+$0xC400] =	vst v3  }
0x622: {  	v3 =	vld.idx.msk [tilespmem:v4+s26+$0x0], $0xffff;
	[tilespmem:s6+$0xC400] =	vst v9  }
0x623: {  	v4 =	vadd.s32 v52, v43;
	v9 =	vld.idx.msk [tilespmem:v10+s26+$0x0], $0xffff  }
0x624: {  	v10 =	vadd.s32 v52, v42;
	_ =	sdelay $0x1  }
0x625: {  	[tilespmem:s22+$0x9080] =	vst v48  }
0x626: {  	v2 =	vld.idx.msk [tilespmem:v2+s26+$0x0], $0xffff;
	[tilespmem:s7+$0x9080] =	vst v3  }
0x627: {  	v3 =	vadd.s32 v55, v60;
	v4 =	vld.idx.msk [tilespmem:v4+s26+$0x0], $0xffff;
	[tilespmem:s6+$0x9080] =	vst v9  }
0x628: {  	v9 =	vadd.s32 v55, v41;
	v10 =	vld.idx.msk [tilespmem:v10+s26+$0x0], $0xffff  }
0x629: {  	v11 =	vadd.s32 v55, v63  }
0x62a: {  	s8 =	sadd.s32 $0x1, s31;
	[tilespmem:s23+$0xC480] =	vst v47  }
0x62b: {  	s9 =	sand.u32 $0x3, s8;
	v1 =	vld.idx.msk [tilespmem:v1+s26+$0x0], $0xffff;
	[tilespmem:s22+$0xC480] =	vst v2  }
0x62c: {  	s8 =	sadd.s32 $0x1, s8;
	s9 =	sshll.u32 s9, $0x5;
	v2 =	vadd.s32 v56, v57;
	v3 =	vld.idx.msk [tilespmem:v3+s26+$0x0], $0xffff;
	[tilespmem:s7+$0xC480] =	vst v4  }
0x62d: {  	s14 =	sand.u32 $0x3, s8;
	s0 =	sadd.s32 s9, s0;
	v4 =	vadd.s32 v56, v58;
	v9 =	vld.idx.msk [tilespmem:v9+s26+$0x0], $0xffff;
	[tilespmem:s6+$0xC480] =	vst v10  }
0x62e: {  	s17 =	sadd.s32 $0x10, s0;
	s7 =	sshll.u32 s14, $0x5;
	v10 =	vadd.s32 v56, v43;
	v11 =	vld.idx.msk [tilespmem:v11+s26+$0x0], $0xffff  }
0x62f: {  	v12 =	vadd.s32 v56, v42;
	s18 =	sor.u32 $0x300, s17;
	s19 =	sadd.s32 s7, s4  }
0x630: {  	s22 =	sor.u32 $0x300, s0;
	[tilespmem:s18+$0x8E00] =	vst v1;
	s23 =	sadd.s32 $0x10, s19  }
0x631: {  	v1 =	vld.idx.msk [tilespmem:v2+s26+$0x0], $0xffff;
	s10 =	sor.u32 $0x300, s23;
	[tilespmem:s22+$0x8E00] =	vst v3  }
0x632: {  	v2 =	vadd.s32 v61, v59;
	s11 =	sor.u32 $0x300, s19;
	v3 =	vld.idx.msk [tilespmem:v4+s26+$0x0], $0xffff;
	[tilespmem:s10+$0x8E00] =	vst v9  }
0x633: {  	v4 =	vadd.s32 v61, v60;
	v9 =	vld.idx.msk [tilespmem:v10+s26+$0x0], $0xffff;
	[tilespmem:s11+$0x8E00] =	vst v11  }
0x634: {  	v10 =	vadd.s32 v61, v41;
	v11 =	vld.idx.msk [tilespmem:v12+s26+$0x0], $0xffff  }
0x635: {  	[tilespmem:s20+$0xC200] =	vst v46;
	v12 =	vadd.s32 v61, v63  }
0x636: {  	v17 =	vadd.s32 v62, v53;
	v18 =	vld.idx.msk [tilespmem:v44+s26+$0x0], $0xffff;
	[tilespmem:s18+$0xC200] =	vst v1  }
0x637: {  	v1 =	vadd.s32 v62, v54;
	v2 =	vld.idx.msk [tilespmem:v2+s26+$0x0], $0xffff;
	[tilespmem:s22+$0xC200] =	vst v3  }
0x638: {  	v3 =	vadd.s32 v62, v57;
	v4 =	vld.idx.msk [tilespmem:v4+s26+$0x0], $0xffff;
	[tilespmem:s10+$0xC200] =	vst v9  }
0x639: {  	s2 =	sor.u32 $0x380, s2;
	v9 =	vadd.s32 v62, v58;
	v10 =	vld.idx.msk [tilespmem:v10+s26+$0x0], $0xffff;
	[tilespmem:s11+$0xC200] =	vst v11  }
0x63a: {  	[tilespmem:s2+$0x8E00] =	vst v45;
	v11 =	vadd.s32 v62, v43;
	v12 =	vld.idx.msk [tilespmem:v12+s26+$0x0], $0xffff  }
0x63b: {  	v17 =	vld.idx.msk [tilespmem:v17+s26+$0x0], $0xffff;
	[tilespmem:s1+$0x8E00] =	vst v18;
	v18 =	vadd.s32 v62, v42;
	s6 =	sor.u32 $0x380, s17  }
0x63c: {  	s0 =	sor.u32 $0x380, s0;
	v1 =	vld.idx.msk [tilespmem:v1+s26+$0x0], $0xffff;
	[tilespmem:s6+$0x8E00] =	vst v2  }
0x63d: {  	s31 =	sor.u32 $0x380, s23;
	v2 =	vld.idx.msk [tilespmem:v3+s26+$0x0], $0xffff;
	[tilespmem:s0+$0x8E00] =	vst v4  }
0x63e: {  	s4 =	sor.u32 $0x380, s19;
	v3 =	vld.idx.msk [tilespmem:v9+s26+$0x0], $0xffff;
	[tilespmem:s31+$0x8E00] =	vst v10  }
0x63f: {  	v4 =	vld.idx.msk [tilespmem:v11+s26+$0x0], $0xffff;
	[tilespmem:s4+$0x8E00] =	vst v12  }
0x640: {  	[tilespmem:s2+$0xC200] =	vst v17;
	v9 =	vld.idx.msk [tilespmem:v18+s26+$0x0], $0xffff  }
0x641: {  	[tilespmem:s1+$0xC200] =	vst v1  }
0x642: {  	[tilespmem:s6+$0xC200] =	vst v2  }
0x643: {  	[tilespmem:s0+$0xC200] =	vst v3  }
0x644: {  	[tilespmem:s31+$0xC200] =	vst v4  }
0x645: {  	[tilespmem:s4+$0xC200] =	vst v9  }
0x646: {  	v1 =	vld [tilespmem:$0x8640]  }
0x647: {  	v2 =	vld [tilespmem:$0x8CC0];
	_ =	sdelay $0x3  }
0x648: {  	v3 =	vadd.s32 v49, v1  }
0x649: {  	v4 =	vadd.s32 v50, v2;
	_ =	sdelay $0x3  }
0x64a: {  	v3 =	vld.idx.msk [tilespmem:v3+s26+$0x0], $0xffff  }
0x64b: {  	v4 =	vld.idx.msk [tilespmem:v4+s26+$0x0], $0xffff  }
0x64c: {  	v9 =	vadd.s32 v51, v1  }
0x64d: {  	v10 =	vadd.s32 v52, v2;
	_ =	sdelay $0x1  }
0x64e: {  	[tilespmem:v13+s28+$0x0] =	vst.idx.msk $0x1fff, v3  }
0x64f: {  	[tilespmem:v13+s29+$0x0] =	vst.idx.msk $0x1fff, v4  }
0x650: {  	v3 =	vld.idx.msk [tilespmem:v9+s26+$0x0], $0xffff  }
0x651: {  	v4 =	vld.idx.msk [tilespmem:v10+s26+$0x0], $0xffff  }
0x652: {  	v9 =	vadd.s32 v55, v1  }
0x653: {  	v10 =	vadd.s32 v56, v2;
	_ =	sdelay $0x1  }
0x654: {  	[tilespmem:v14+s28+$0x0] =	vst.idx.msk $0x1fff, v3  }
0x655: {  	[tilespmem:v14+s29+$0x0] =	vst.idx.msk $0x1fff, v4  }
0x656: {  	v3 =	vld.idx.msk [tilespmem:v9+s26+$0x0], $0xffff  }
0x657: {  	v4 =	vld.idx.msk [tilespmem:v10+s26+$0x0], $0xffff  }
0x658: {  	v1 =	vadd.s32 v61, v1  }
0x659: {  	v2 =	vadd.s32 v62, v2;
	_ =	sdelay $0x1  }
0x65a: {  	[tilespmem:v15+s28+$0x0] =	vst.idx.msk $0x1fff, v3  }
0x65b: {  	[tilespmem:v15+s29+$0x0] =	vst.idx.msk $0x1fff, v4  }
0x65c: {  	v1 =	vld.idx.msk [tilespmem:v1+s26+$0x0], $0xffff  }
0x65d: {  	v2 =	vld.idx.msk [tilespmem:v2+s26+$0x0], $0xffff;
	_ =	sdelay $0x3  }
0x65e: {  	[tilespmem:v16+s28+$0x0] =	vst.idx.msk $0x1fff, v1  }
0x65f: {  	s1 =	simm.s32 @!p1 $0x8E00;
	s0 =	simm.s32 @!p1 $0x0;
	s2 =	rddreg [dreg:$0x10];
	[tilespmem:v16+s29+$0x0] =	vst.idx.msk $0x1fff, v2  }
0x660: {  	[hbm4b:s2+s0] =	stream.linear.scatter @!p1 [tilespmem:s1], [sflag:$0x1], $0x3400, $0x38;
	[tilespmem:$0xF600] =	vst v63  }
0x661: {  	s1 =	simm.s32 @!p1 $0x1  }
0x662: {  	_ =	swait.ge @!p1 [sflag:s1], $0x3400  }
0x663: {  	s2 =	simm.s32 @!p1 $0xC200;
	[sflag:s1] =	ssyncset.done @!p1 $0x0  }
.Ltmp18:
0x664: {  	s4 =	rddreg [dreg:$0x11];
	[sflag:s1] =	ssyncadd.s32 @!p1 $0xFFFFCC00;
	(pc) =	sbr.rel .LBB2_31-.Ltmp18, $4  }
0x665: {  	[hbm4b:s4+s0] =	stream.linear.scatter @!p1 [tilespmem:s2], [sflag:$0x1], $0x3400, $0x38;
	[tilespmem:$0xF600] =	vst v63  }
0x666: {  	_ =	swait.ge @!p1 [sflag:s1], $0x3400  }
0x667: {  	[sflag:s1] =	ssyncset.done @!p1 $0x0  }
0x668: {  	[sflag:s1] =	ssyncadd.s32 @!p1 $0xFFFFCC00  }
.LBB2_32:
0x669: {  	_ =	sfence.sel $0x180000  }
0x66a: {  	[bflag:$0x0] =	sbarrier.arrive $0xFFFF  }
0x66b: {  	_ =	strace $0x90000047  }
0x66c: {  	s0 =	stileid.u32;
	[bflag:$0x2] =	sbarrier.arrive $0xFFFF  }
0x66d: {  	p0 =	sne.s32 s0, $0x0;
	s0 =	rddreg [dreg:$0x3]  }
0x66e: {  	s0 =	sadd.s32 @!p0 $0x100000, s0  }
0x66f: {  	[sflag:s0] =	ssyncadd.tile.s32 @!p0 $0x1;
	_ =	shalt  }
.Lfunc_end2:
_tile_overlayer_lowered:
.L_overlay_start_2:
0x670: {  	(tag) =	ssettag $0x2  }
0x671: {  	s0 =	rddreg [dreg:$0x0];
	s2 =	stileid.u32  }
0x672: {  	s1 =	rddreg [dreg:$0x1];
	p0 =	sne.s32 s2, $0x0  }
0x673: {  	s3 =	rddreg [dreg:$0x2];
	[bflag:$0x3] =	sbarrier.arrive $0xFFFF;
	s2 =	simm.s32 @!p0 $0x1C01  }
0x674: {  	[timem:s3], [sflag:s2] =	dma.local @!p0 [hbm:s0], s1  }
0x675: {  	s0 =	simm.s32 @!p0 $0x1  }
0x676: {  	_ =	swait.ge @!p0 [sflag:s0], s1  }
0x677: {  	s1 =	ssub.s32 @!p0 $0x0, s1;
	[sflag:s0] =	ssyncset.done @!p0 $0x0  }
0x678: {  	[sflag:s0] =	ssyncadd.s32 @!p0 s1  }
0x679: {  	[bflag:$0x3] =	sbarrier.arrive $0xFFFF  }
0x67a: {  	_ =	shalt  }

</sc_bundles>
